<compile_context>
chip_gen: v7x
topology: tpu7x:2x2x1
jax: 0.10.2.dev20260603
libtpu: 0.0.44.dev20260713+nightly
codegen_flags: <defaults>
</compile_context>

<pallas_src>
import functools
import math

import jax
import jax.numpy as jnp
from jax import lax
from jax.experimental import pallas as pl
from jax.experimental.pallas import tpu as pltpu
from jax.experimental.pallas import tpu_sc as plsc

DIM = 64
SCALE = math.sqrt(DIM)
NUM_CORES = 2
NUM_SUBCORES = 16
NUM_WORKERS = NUM_CORES * NUM_SUBCORES
LANES = 16

SEQ = 200
GATHER_SUBS = (128, 72)


def _emb_kernel(num_seqs):
    s_per_w = num_seqs // NUM_WORKERS
    t_per_w = s_per_w * SEQ
    mesh = plsc.VectorSubcoreMesh(core_axis_name="c", subcore_axis_name="s")

    @functools.partial(
        pl.kernel,
        mesh=mesh,
        out_type=jax.ShapeDtypeStruct((num_seqs * SEQ, DIM), jnp.float32),
        scratch_types=[
            pltpu.VMEM((t_per_w,), jnp.int32),
            pltpu.VMEM((SEQ,), jnp.int32),
            pltpu.VMEM((SEQ,), jnp.int32),
            pltpu.VMEM((SEQ, 2 * DIM), jnp.float32),
            pltpu.VMEM((SEQ, 2 * DIM), jnp.float32),
            pltpu.VMEM((SEQ, DIM), jnp.float32),
            pltpu.VMEM((SEQ, DIM), jnp.float32),
            pltpu.SemaphoreType.DMA,
            pltpu.SemaphoreType.DMA,
            pltpu.SemaphoreType.DMA,
            pltpu.SemaphoreType.DMA,
        ],
        compiler_params=pltpu.CompilerParams(use_tc_tiling_on_sc=True),
    )
    def body(idxp_hbm, cb_hbm, pairs_hbm, out_hbm,
             idxp_v, cb_a, cb_b, rows_a, rows_b, out_a, out_b,
             gsem_a, gsem_b, ssem_a, ssem_b):
        wid = lax.axis_index("s") * NUM_CORES + lax.axis_index("c")
        sbase = wid * s_per_w
        cbufs = (cb_a, cb_b)
        rbufs = (rows_a, rows_b)
        obufs = (out_a, out_b)
        gsems = (gsem_a, gsem_b)
        ssems = (ssem_a, ssem_b)

        tbase = pl.multiple_of(sbase * SEQ, 8)
        pltpu.sync_copy(idxp_hbm.at[pl.ds(tbase, t_per_w)], idxp_v)

        def fire_gather(c, b):
            off = 0
            for n in GATHER_SUBS:
                pltpu.async_copy(
                    pairs_hbm.at[idxp_v.at[pl.ds(c * SEQ + off, n)]],
                    rbufs[b].at[pl.ds(off, n)],
                    gsems[b],
                )
                off += n

        def drain_gather(b):
            off = 0
            for n in GATHER_SUBS:
                pltpu.make_async_copy(
                    pairs_hbm.at[idxp_v.at[pl.ds(off, n)]],
                    rbufs[b].at[pl.ds(off, n)],
                    gsems[b],
                ).wait()
                off += n

        def load_cb(c, b):
            off = pl.multiple_of((sbase + c) * SEQ, 8)
            pltpu.sync_copy(cb_hbm.at[pl.ds(off, SEQ)], cbufs[b])

        def wait_store(b):
            pltpu.make_async_copy(
                obufs[b], out_hbm.at[pl.ds(0, SEQ)], ssems[b]
            ).wait()

        load_cb(0, 0)
        fire_gather(0, 0)

        def step(c, b):
            rows, outb = rbufs[b], obufs[b]

            @pl.when(c >= 2)
            def _():
                wait_store(b)

            @pl.when(c + 1 < s_per_w)
            def _():
                fire_gather(c + 1, 1 - b)
                load_cb(c + 1, 1 - b)

            drain_gather(b)

            def extract_16(tbase16):
                cb16 = cbufs[b][pl.ds(tbase16, LANES)]
                for j in range(LANES):
                    t = tbase16 + j
                    cb = cb16[j]
                    for g in range(DIM // LANES):
                        outb[t, pl.ds(g * LANES, LANES)] = (
                            rows[t, pl.ds(cb + g * LANES, LANES)] * SCALE
                        )

            def extract_group(q, carry):
                extract_16(q * LANES)
                return carry

            lax.fori_loop(0, SEQ // LANES, extract_group, 0)
            extract_16(SEQ - LANES)

            ooff = pl.multiple_of((sbase + c) * SEQ, 8)
            pltpu.async_copy(outb, out_hbm.at[pl.ds(ooff, SEQ)], ssems[b])

        def pair_steps(p, carry):
            step(2 * p, 0)
            step(2 * p + 1, 1)
            return carry

        lax.fori_loop(0, s_per_w // 2, pair_steps, 0)
        wait_store((s_per_w - 1) % 2)

    return body


def kernel(x, table):
    num_seqs = x.shape[0]
    idx = jnp.reshape(x, (x.size,)).astype(jnp.int32)
    idxp = idx >> 1
    cb = (idx & 1) << 6
    pairs = jnp.reshape(table, (table.shape[0] // 2, 2 * DIM))
    out = _emb_kernel(num_seqs)(idxp, cb, pairs)
    return jnp.reshape(out, x.shape + (DIM,))

# --- scband reference (transcript-rebuilt; emitter-appended) ---
"""Pipeline reference for scband-input-embeddings-3779571221043 (READ-ONLY COPY).

The authoritative reference and input builder live on the scoring server;
editing this copy changes nothing except your own understanding.
"""

import jax, jax.numpy as jnp
import numpy as np
import math

DIM_MODEL = 64
VOCAB_SIZE = 1000000

def setup_inputs(seed: int = 0) -> dict:
    key = jax.random.key(seed)
    k1, k2 = jax.random.split(key)
    x = jax.random.randint(k1, (4096, 200), 0, VOCAB_SIZE, dtype=jnp.int64 if jax.config.jax_enable_x64 else jnp.int32)
    table = jax.random.normal(k2, (VOCAB_SIZE, DIM_MODEL), dtype=jnp.float32)
    return {"x": x, "table": table}

def reference(x, table):
    # nn.Embedding lookup followed by scaling by sqrt(dim_model)
    emb = jnp.take(table, x, axis=0)
    return emb * math.sqrt(DIM_MODEL)

if __name__ == "__main__":
    import jax
    _d = setup_inputs()
    print(jax.jit(kernel)(*tuple(_d.values())))

</pallas_src>

<mosaic_0001>
#map = affine_map<(d0, d1) -> (0)>
#map1 = affine_map<(d0, d1) -> (0, 0)>
module attributes {stable_mosaic.version = 14 : i64} {
  func.func @body(%arg0: i32, %arg1: i32, %arg2: memref<819200xi32, #tpu.memory_space<hbm>>, %arg3: memref<819200xi32, #tpu.memory_space<hbm>>, %arg4: memref<500000x128xf32, #tpu.memory_space<hbm>>, %arg5: memref<819200x64xf32, #tpu.memory_space<hbm>>, %arg6: memref<25600xi32, #tpu.memory_space<vmem>>, %arg7: memref<200xi32, #tpu.memory_space<vmem>>, %arg8: memref<200xi32, #tpu.memory_space<vmem>>, %arg9: memref<200x128xf32, #tpu.memory_space<vmem>>, %arg10: memref<200x128xf32, #tpu.memory_space<vmem>>, %arg11: memref<200x64xf32, #tpu.memory_space<vmem>>, %arg12: memref<200x64xf32, #tpu.memory_space<vmem>>, %arg13: memref<!tpu.dma_semaphore, #tpu.memory_space<semaphore_mem>>, %arg14: memref<!tpu.dma_semaphore, #tpu.memory_space<semaphore_mem>>, %arg15: memref<!tpu.dma_semaphore, #tpu.memory_space<semaphore_mem>>, %arg16: memref<!tpu.dma_semaphore, #tpu.memory_space<semaphore_mem>>) attributes {dimension_semantics = [#tpu.dimension_semantics<core_parallel>, #tpu.dimension_semantics<subcore_parallel>], iteration_bounds = array<i64: 2, 16>, scalar_prefetch = 0 : i64, scratch_operands = 11 : i64, tpu.core_type = #tpu.core_type<sc_vector_subcore>, window_params = [{transform_indices = #map}, {transform_indices = #map}, {transform_indices = #map1}, {transform_indices = #map1}]} {
    %mul3A = arith.constant 2 : i32
    %mul3A_0 = arith.muli %arg1, %mul3A : i32
    %add3A = arith.addi %mul3A_0, %arg0 : i32
    %mul3A_1 = arith.constant 128 : i32
    %mul3A_2 = arith.muli %add3A, %mul3A_1 : i32
    %mul3A_3 = arith.constant 200 : i32
    %mul3A_4 = arith.muli %mul3A_2, %mul3A_3 : i32
    %multiple_of3A = tpu.assume_multiple %mul3A_4, 8 : i32
    "tpu.region"() ({
      %run_scoped3A = tpu.sem_alloc : memref<!tpu.dma_semaphore, #tpu.memory_space<semaphore_mem>>
      %dma_start3A_35 = tpu.memref_slice %arg2[%multiple_of3A] : memref<819200xi32, #tpu.memory_space<hbm>> -> memref<25600xi32, #tpu.memory_space<hbm>>
      %dma_start3A_36 = tpu.memref_slice %arg2[%multiple_of3A] : memref<819200xi32, #tpu.memory_space<hbm>> -> memref<25600xi32, #tpu.memory_space<hbm>>
      tpu.enqueue_dma source(%dma_start3A_36 : memref<25600xi32, #tpu.memory_space<hbm>>) target(%arg6 : memref<25600xi32, #tpu.memory_space<vmem>>) target_semaphore(%run_scoped3A : memref<!tpu.dma_semaphore, #tpu.memory_space<semaphore_mem>>)
      %dma_wait3A_37 = tpu.memref_slice %arg2[%multiple_of3A] : memref<819200xi32, #tpu.memory_space<hbm>> -> memref<25600xi32, #tpu.memory_space<hbm>>
      %dma_wait3A_38 = tpu.memref_slice %arg2[%multiple_of3A] : memref<819200xi32, #tpu.memory_space<hbm>> -> memref<25600xi32, #tpu.memory_space<hbm>>
      tpu.wait_dma2 semaphore(%run_scoped3A : memref<!tpu.dma_semaphore, #tpu.memory_space<semaphore_mem>>) src(%dma_wait3A_38 : memref<25600xi32, #tpu.memory_space<hbm>>) dst(%arg6 : memref<25600xi32, #tpu.memory_space<vmem>>)
      tpu.yield
    }) : () -> ()
    %add3A_5 = arith.constant 0 : i32
    %add3A_6 = arith.addi %mul3A_2, %add3A_5 : i32
    %mul3A_7 = arith.constant 200 : i32
    %mul3A_8 = arith.muli %add3A_6, %mul3A_7 : i32
    %multiple_of3A_9 = tpu.assume_multiple %mul3A_8, 8 : i32
    "tpu.region"() ({
      %run_scoped3A = tpu.sem_alloc : memref<!tpu.dma_semaphore, #tpu.memory_space<semaphore_mem>>
      %dma_start3A_35 = tpu.memref_slice %arg3[%multiple_of3A_9] : memref<819200xi32, #tpu.memory_space<hbm>> -> memref<200xi32, #tpu.memory_space<hbm>>
      %dma_start3A_36 = tpu.memref_slice %arg3[%multiple_of3A_9] : memref<819200xi32, #tpu.memory_space<hbm>> -> memref<200xi32, #tpu.memory_space<hbm>>
      tpu.enqueue_dma source(%dma_start3A_36 : memref<200xi32, #tpu.memory_space<hbm>>) target(%arg7 : memref<200xi32, #tpu.memory_space<vmem>>) target_semaphore(%run_scoped3A : memref<!tpu.dma_semaphore, #tpu.memory_space<semaphore_mem>>)
      %dma_wait3A_37 = tpu.memref_slice %arg3[%multiple_of3A_9] : memref<819200xi32, #tpu.memory_space<hbm>> -> memref<200xi32, #tpu.memory_space<hbm>>
      %dma_wait3A_38 = tpu.memref_slice %arg3[%multiple_of3A_9] : memref<819200xi32, #tpu.memory_space<hbm>> -> memref<200xi32, #tpu.memory_space<hbm>>
      tpu.wait_dma2 semaphore(%run_scoped3A : memref<!tpu.dma_semaphore, #tpu.memory_space<semaphore_mem>>) src(%dma_wait3A_38 : memref<200xi32, #tpu.memory_space<hbm>>) dst(%arg7 : memref<200xi32, #tpu.memory_space<vmem>>)
      tpu.yield
    }) : () -> ()
    %dma_start3A = arith.constant 0 : i32
    %dma_start3A_10 = arith.constant 0 : i32
    %dma_start3A_11 = tpu.memref_slice %arg9[%dma_start3A, %dma_start3A_10] : memref<200x128xf32, #tpu.memory_space<vmem>> -> memref<128x128xf32, #tpu.memory_space<vmem>>
    %dma_start3A_12 = arith.constant 0 : i32
    %dma_start3A_13 = tpu.memref_slice %arg6[%dma_start3A_12] : memref<25600xi32, #tpu.memory_space<vmem>> -> memref<128xi32, #tpu.memory_space<vmem>>
    %dma_start3A_14 = arith.constant 0 : i32
    %dma_start3A_15 = arith.constant 0 : i32
    %dma_start3A_16 = tpu.memref_slice %arg4[%dma_start3A_14, %dma_start3A_15] : memref<500000x128xf32, #tpu.memory_space<hbm>> -> memref<500000x128xf32, #tpu.memory_space<hbm>>
    tpu.enqueue_indirect_dma source(%dma_start3A_16 : memref<500000x128xf32, #tpu.memory_space<hbm>>) target(%dma_start3A_11 : memref<128x128xf32, #tpu.memory_space<vmem>>) offsets(%dma_start3A_13 : memref<128xi32, #tpu.memory_space<vmem>>) semaphore(%arg13 : memref<!tpu.dma_semaphore, #tpu.memory_space<semaphore_mem>>)
    %dma_start3A_17 = arith.constant 128 : i32
    %dma_start3A_18 = arith.constant 0 : i32
    %dma_start3A_19 = tpu.memref_slice %arg9[%dma_start3A_17, %dma_start3A_18] : memref<200x128xf32, #tpu.memory_space<vmem>> -> memref<72x128xf32, #tpu.memory_space<vmem>>
    %dma_start3A_20 = arith.constant 128 : i32
    %dma_start3A_21 = tpu.memref_slice %arg6[%dma_start3A_20] : memref<25600xi32, #tpu.memory_space<vmem>> -> memref<72xi32, #tpu.memory_space<vmem>>
    %dma_start3A_22 = arith.constant 0 : i32
    %dma_start3A_23 = arith.constant 0 : i32
    %dma_start3A_24 = tpu.memref_slice %arg4[%dma_start3A_22, %dma_start3A_23] : memref<500000x128xf32, #tpu.memory_space<hbm>> -> memref<500000x128xf32, #tpu.memory_space<hbm>>
    tpu.enqueue_indirect_dma source(%dma_start3A_24 : memref<500000x128xf32, #tpu.memory_space<hbm>>) target(%dma_start3A_19 : memref<72x128xf32, #tpu.memory_space<vmem>>) offsets(%dma_start3A_21 : memref<72xi32, #tpu.memory_space<vmem>>) semaphore(%arg13 : memref<!tpu.dma_semaphore, #tpu.memory_space<semaphore_mem>>)
    %scan3A = arith.constant 0 : i32
    %scan3A_25 = arith.constant 0 : i32
    %scan3A_26 = arith.constant 64 : i32
    %scan3A_27 = arith.addi %scan3A_25, %scan3A_26 : i32
    %scan3A_28 = arith.constant 1 : i32
    scf.for %scan3A_35 = %scan3A_25 to %scan3A_27 step %scan3A_28  : i32 {
      %mul3A_36 = arith.constant 2 : i32
      %mul3A_37 = arith.muli %mul3A_36, %scan3A_35 : i32
      %ge3A = arith.constant 2 : i32
      %ge3A_38 = arith.cmpi sge, %mul3A_37, %ge3A : i32
      %convert_element_type3A = arith.extui %ge3A_38 : i1 to i32
      %cond3A = arith.constant 0 : i32
      %cond3A_39 = arith.cmpi ne, %convert_element_type3A, %cond3A : i32
      scf.if %cond3A_39 {
        %dma_wait3A_2236 = arith.constant 0 : i32
        %dma_wait3A_2237 = arith.constant 0 : i32
        %dma_wait3A_2238 = tpu.memref_slice %arg5[%dma_wait3A_2236, %dma_wait3A_2237] : memref<819200x64xf32, #tpu.memory_space<hbm>> -> memref<200x64xf32, #tpu.memory_space<hbm>>
        %dma_wait3A_2239 = arith.constant 0 : i32
        %dma_wait3A_2240 = arith.constant 0 : i32
        %dma_wait3A_2241 = tpu.memref_slice %arg5[%dma_wait3A_2239, %dma_wait3A_2240] : memref<819200x64xf32, #tpu.memory_space<hbm>> -> memref<200x64xf32, #tpu.memory_space<hbm>>
        tpu.wait_dma2 semaphore(%arg15 : memref<!tpu.dma_semaphore, #tpu.memory_space<semaphore_mem>>) src(%arg11 : memref<200x64xf32, #tpu.memory_space<vmem>>) dst(%dma_wait3A_2241 : memref<200x64xf32, #tpu.memory_space<hbm>>)
      } else {
      }
      %add3A_40 = arith.constant 1 : i32
      %add3A_41 = arith.addi %mul3A_37, %add3A_40 : i32
      %lt3A = arith.constant 128 : i32
      %lt3A_42 = arith.cmpi slt, %add3A_41, %lt3A : i32
      %convert_element_type3A_43 = arith.extui %lt3A_42 : i1 to i32
      %cond3A_44 = arith.constant 0 : i32
      %cond3A_45 = arith.cmpi ne, %convert_element_type3A_43, %cond3A_44 : i32
      scf.if %cond3A_45 {
        %add3A_2236 = arith.constant 1 : i32
        %add3A_2237 = arith.addi %mul3A_37, %add3A_2236 : i32
        %mul3A_2238 = arith.constant 200 : i32
        %mul3A_2239 = arith.muli %add3A_2237, %mul3A_2238 : i32
        %add3A_2240 = arith.constant 0 : i32
        %add3A_2241 = arith.addi %mul3A_2239, %add3A_2240 : i32
        %dma_start3A_2242 = arith.constant 0 : i32
        %dma_start3A_2243 = arith.constant 0 : i32
        %dma_start3A_2244 = tpu.memref_slice %arg10[%dma_start3A_2242, %dma_start3A_2243] : memref<200x128xf32, #tpu.memory_space<vmem>> -> memref<128x128xf32, #tpu.memory_space<vmem>>
        %dma_start3A_2245 = tpu.memref_slice %arg6[%add3A_2241] : memref<25600xi32, #tpu.memory_space<vmem>> -> memref<128xi32, #tpu.memory_space<vmem>>
        %dma_start3A_2246 = arith.constant 0 : i32
        %dma_start3A_2247 = arith.constant 0 : i32
        %dma_start3A_2248 = tpu.memref_slice %arg4[%dma_start3A_2246, %dma_start3A_2247] : memref<500000x128xf32, #tpu.memory_space<hbm>> -> memref<500000x128xf32, #tpu.memory_space<hbm>>
        tpu.enqueue_indirect_dma source(%dma_start3A_2248 : memref<500000x128xf32, #tpu.memory_space<hbm>>) target(%dma_start3A_2244 : memref<128x128xf32, #tpu.memory_space<vmem>>) offsets(%dma_start3A_2245 : memref<128xi32, #tpu.memory_space<vmem>>) semaphore(%arg14 : memref<!tpu.dma_semaphore, #tpu.memory_space<semaphore_mem>>)
        %mul3A_2249 = arith.constant 200 : i32
        %mul3A_2250 = arith.muli %add3A_2237, %mul3A_2249 : i32
        %add3A_2251 = arith.constant 128 : i32
        %add3A_2252 = arith.addi %mul3A_2250, %add3A_2251 : i32
        %dma_start3A_2253 = arith.constant 128 : i32
        %dma_start3A_2254 = arith.constant 0 : i32
        %dma_start3A_2255 = tpu.memref_slice %arg10[%dma_start3A_2253, %dma_start3A_2254] : memref<200x128xf32, #tpu.memory_space<vmem>> -> memref<72x128xf32, #tpu.memory_space<vmem>>
        %dma_start3A_2256 = tpu.memref_slice %arg6[%add3A_2252] : memref<25600xi32, #tpu.memory_space<vmem>> -> memref<72xi32, #tpu.memory_space<vmem>>
        %dma_start3A_2257 = arith.constant 0 : i32
        %dma_start3A_2258 = arith.constant 0 : i32
        %dma_start3A_2259 = tpu.memref_slice %arg4[%dma_start3A_2257, %dma_start3A_2258] : memref<500000x128xf32, #tpu.memory_space<hbm>> -> memref<500000x128xf32, #tpu.memory_space<hbm>>
        tpu.enqueue_indirect_dma source(%dma_start3A_2259 : memref<500000x128xf32, #tpu.memory_space<hbm>>) target(%dma_start3A_2255 : memref<72x128xf32, #tpu.memory_space<vmem>>) offsets(%dma_start3A_2256 : memref<72xi32, #tpu.memory_space<vmem>>) semaphore(%arg14 : memref<!tpu.dma_semaphore, #tpu.memory_space<semaphore_mem>>)
        %add3A_2260 = arith.constant 1 : i32
        %add3A_2261 = arith.addi %mul3A_37, %add3A_2260 : i32
        %add3A_2262 = arith.addi %mul3A_2, %add3A_2261 : i32
        %mul3A_2263 = arith.constant 200 : i32
        %mul3A_2264 = arith.muli %add3A_2262, %mul3A_2263 : i32
        %multiple_of3A_2265 = tpu.assume_multiple %mul3A_2264, 8 : i32
        "tpu.region"() ({
          %run_scoped3A = tpu.sem_alloc : memref<!tpu.dma_semaphore, #tpu.memory_space<semaphore_mem>>
          %dma_start3A_2266 = tpu.memref_slice %arg3[%multiple_of3A_2265] : memref<819200xi32, #tpu.memory_space<hbm>> -> memref<200xi32, #tpu.memory_space<hbm>>
          %dma_start3A_2267 = tpu.memref_slice %arg3[%multiple_of3A_2265] : memref<819200xi32, #tpu.memory_space<hbm>> -> memref<200xi32, #tpu.memory_space<hbm>>
          tpu.enqueue_dma source(%dma_start3A_2267 : memref<200xi32, #tpu.memory_space<hbm>>) target(%arg8 : memref<200xi32, #tpu.memory_space<vmem>>) target_semaphore(%run_scoped3A : memref<!tpu.dma_semaphore, #tpu.memory_space<semaphore_mem>>)
          %dma_wait3A_2268 = tpu.memref_slice %arg3[%multiple_of3A_2265] : memref<819200xi32, #tpu.memory_space<hbm>> -> memref<200xi32, #tpu.memory_space<hbm>>
          %dma_wait3A_2269 = tpu.memref_slice %arg3[%multiple_of3A_2265] : memref<819200xi32, #tpu.memory_space<hbm>> -> memref<200xi32, #tpu.memory_space<hbm>>
          tpu.wait_dma2 semaphore(%run_scoped3A : memref<!tpu.dma_semaphore, #tpu.memory_space<semaphore_mem>>) src(%dma_wait3A_2269 : memref<200xi32, #tpu.memory_space<hbm>>) dst(%arg8 : memref<200xi32, #tpu.memory_space<vmem>>)
          tpu.yield
        }) : () -> ()
      } else {
      }
      %dma_wait3A_46 = arith.constant 0 : i32
      %dma_wait3A_47 = arith.constant 0 : i32
      %dma_wait3A_48 = tpu.memref_slice %arg9[%dma_wait3A_46, %dma_wait3A_47] : memref<200x128xf32, #tpu.memory_space<vmem>> -> memref<128x128xf32, #tpu.memory_space<vmem>>
      %dma_wait3A_49 = arith.constant 0 : i32
      %dma_wait3A_50 = tpu.memref_slice %arg6[%dma_wait3A_49] : memref<25600xi32, #tpu.memory_space<vmem>> -> memref<128xi32, #tpu.memory_space<vmem>>
      %dma_wait3A_51 = arith.constant 0 : i32
      %dma_wait3A_52 = arith.constant 0 : i32
      %dma_wait3A_53 = tpu.memref_slice %arg4[%dma_wait3A_51, %dma_wait3A_52] : memref<500000x128xf32, #tpu.memory_space<hbm>> -> memref<500000x128xf32, #tpu.memory_space<hbm>>
      tpu.wait_indirect_dma semaphore(%arg13 : memref<!tpu.dma_semaphore, #tpu.memory_space<semaphore_mem>>) src(%dma_wait3A_53 : memref<500000x128xf32, #tpu.memory_space<hbm>>) dst(%dma_wait3A_48 : memref<128x128xf32, #tpu.memory_space<vmem>>)
      %dma_wait3A_54 = arith.constant 128 : i32
      %dma_wait3A_55 = arith.constant 0 : i32
      %dma_wait3A_56 = tpu.memref_slice %arg9[%dma_wait3A_54, %dma_wait3A_55] : memref<200x128xf32, #tpu.memory_space<vmem>> -> memref<72x128xf32, #tpu.memory_space<vmem>>
      %dma_wait3A_57 = arith.constant 128 : i32
      %dma_wait3A_58 = tpu.memref_slice %arg6[%dma_wait3A_57] : memref<25600xi32, #tpu.memory_space<vmem>> -> memref<72xi32, #tpu.memory_space<vmem>>
      %dma_wait3A_59 = arith.constant 0 : i32
      %dma_wait3A_60 = arith.constant 0 : i32
      %dma_wait3A_61 = tpu.memref_slice %arg4[%dma_wait3A_59, %dma_wait3A_60] : memref<500000x128xf32, #tpu.memory_space<hbm>> -> memref<500000x128xf32, #tpu.memory_space<hbm>>
      tpu.wait_indirect_dma semaphore(%arg13 : memref<!tpu.dma_semaphore, #tpu.memory_space<semaphore_mem>>) src(%dma_wait3A_61 : memref<500000x128xf32, #tpu.memory_space<hbm>>) dst(%dma_wait3A_56 : memref<72x128xf32, #tpu.memory_space<vmem>>)
      %scan3A_62 = arith.constant 0 : i32
      %scan3A_63 = arith.constant 0 : i32
      %scan3A_64 = arith.constant 12 : i32
      %scan3A_65 = arith.addi %scan3A_63, %scan3A_64 : i32
      %scan3A_66 = arith.constant 1 : i32
      scf.for %scan3A_2236 = %scan3A_63 to %scan3A_65 step %scan3A_66  : i32 {
        %mul3A_2237 = arith.constant 16 : i32
        %mul3A_2238 = arith.muli %scan3A_2236, %mul3A_2237 : i32
        %get3A_2239 = arith.index_cast %mul3A_2238 : i32 to index
        %get3A_2240 = tpu.vector_load %arg7[%get3A_2239] {strides = array<i32>} : memref<200xi32, #tpu.memory_space<vmem>>, vector<16xi32>,
        %get3A_2241 = vector.shape_cast %get3A_2240 : vector<16xi32> to vector<16xi32>
        %add3A_2242 = arith.constant 0 : i32
        %add3A_2243 = arith.addi %mul3A_2238, %add3A_2242 : i32
        %slice3A_2244 = vector.extract_strided_slice %get3A_2241 {offsets = [0], sizes = [1], strides = [1]} : vector<16xi32> to vector<1xi32>
        %squeeze3A_2245 = vector.extract %slice3A_2244[0] : i32 from vector<1xi32>
        %add3A_2246 = arith.constant 0 : i32
        %add3A_2247 = arith.addi %squeeze3A_2245, %add3A_2246 : i32
        %get3A_2248 = arith.index_cast %add3A_2243 : i32 to index
        %get3A_2249 = arith.index_cast %add3A_2247 : i32 to index
        %get3A_2250 = tpu.vector_load %arg9[%get3A_2248, %get3A_2249] {strides = array<i32>} : memref<200x128xf32, #tpu.memory_space<vmem>>, vector<1x16xf32>,
        %get3A_2251 = vector.shape_cast %get3A_2250 : vector<1x16xf32> to vector<16xf32>
        %mul3A_2252 = arith.constant 8.000000e+00 : f32
        %mul3A_2253 = vector.broadcast %mul3A_2252 : f32 to vector<16xf32>
        %mul3A_2254 = arith.mulf %get3A_2251, %mul3A_2253 : vector<16xf32>
        %swap3A_2255 = arith.index_cast %add3A_2243 : i32 to index
        %swap3A_2256 = arith.constant 0 : index
        %swap3A_2257 = tpu.vector_load %arg11[%swap3A_2255, %swap3A_2256] {strides = array<i32>} : memref<200x64xf32, #tpu.memory_space<vmem>>, vector<1x16xf32>,
        %swap3A_2258 = vector.shape_cast %swap3A_2257 : vector<1x16xf32> to vector<16xf32>
        %swap3A_2259 = vector.shape_cast %mul3A_2254 : vector<16xf32> to vector<1x16xf32>
        tpu.vector_store %arg11[%swap3A_2255, %swap3A_2256], %swap3A_2259 {strides = array<i32>} : memref<200x64xf32, #tpu.memory_space<vmem>>, vector<1x16xf32>,
        %add3A_2260 = arith.constant 16 : i32
        %add3A_2261 = arith.addi %squeeze3A_2245, %add3A_2260 : i32
        %get3A_2262 = arith.index_cast %add3A_2243 : i32 to index
        %get3A_2263 = arith.index_cast %add3A_2261 : i32 to index
        %get3A_2264 = tpu.vector_load %arg9[%get3A_2262, %get3A_2263] {strides = array<i32>} : memref<200x128xf32, #tpu.memory_space<vmem>>, vector<1x16xf32>,
        %get3A_2265 = vector.shape_cast %get3A_2264 : vector<1x16xf32> to vector<16xf32>
        %mul3A_2266 = arith.constant 8.000000e+00 : f32
        %mul3A_2267 = vector.broadcast %mul3A_2266 : f32 to vector<16xf32>
        %mul3A_2268 = arith.mulf %get3A_2265, %mul3A_2267 : vector<16xf32>
        %swap3A_2269 = arith.index_cast %add3A_2243 : i32 to index
        %swap3A_2270 = arith.constant 16 : index
        %swap3A_2271 = tpu.vector_load %arg11[%swap3A_2269, %swap3A_2270] {strides = array<i32>} : memref<200x64xf32, #tpu.memory_space<vmem>>, vector<1x16xf32>,
        %swap3A_2272 = vector.shape_cast %swap3A_2271 : vector<1x16xf32> to vector<16xf32>
        %swap3A_2273 = vector.shape_cast %mul3A_2268 : vector<16xf32> to vector<1x16xf32>
        tpu.vector_store %arg11[%swap3A_2269, %swap3A_2270], %swap3A_2273 {strides = array<i32>} : memref<200x64xf32, #tpu.memory_space<vmem>>, vector<1x16xf32>,
        %add3A_2274 = arith.constant 32 : i32
        %add3A_2275 = arith.addi %squeeze3A_2245, %add3A_2274 : i32
        %get3A_2276 = arith.index_cast %add3A_2243 : i32 to index
        %get3A_2277 = arith.index_cast %add3A_2275 : i32 to index
        %get3A_2278 = tpu.vector_load %arg9[%get3A_2276, %get3A_2277] {strides = array<i32>} : memref<200x128xf32, #tpu.memory_space<vmem>>, vector<1x16xf32>,
        %get3A_2279 = vector.shape_cast %get3A_2278 : vector<1x16xf32> to vector<16xf32>
        %mul3A_2280 = arith.constant 8.000000e+00 : f32
        %mul3A_2281 = vector.broadcast %mul3A_2280 : f32 to vector<16xf32>
        %mul3A_2282 = arith.mulf %get3A_2279, %mul3A_2281 : vector<16xf32>
        %swap3A_2283 = arith.index_cast %add3A_2243 : i32 to index
        %swap3A_2284 = arith.constant 32 : index
        %swap3A_2285 = tpu.vector_load %arg11[%swap3A_2283, %swap3A_2284] {strides = array<i32>} : memref<200x64xf32, #tpu.memory_space<vmem>>, vector<1x16xf32>,
        %swap3A_2286 = vector.shape_cast %swap3A_2285 : vector<1x16xf32> to vector<16xf32>
        %swap3A_2287 = vector.shape_cast %mul3A_2282 : vector<16xf32> to vector<1x16xf32>
        tpu.vector_store %arg11[%swap3A_2283, %swap3A_2284], %swap3A_2287 {strides = array<i32>} : memref<200x64xf32, #tpu.memory_space<vmem>>, vector<1x16xf32>,
        %add3A_2288 = arith.constant 48 : i32
        %add3A_2289 = arith.addi %squeeze3A_2245, %add3A_2288 : i32
        %get3A_2290 = arith.index_cast %add3A_2243 : i32 to index
        %get3A_2291 = arith.index_cast %add3A_2289 : i32 to index
        %get3A_2292 = tpu.vector_load %arg9[%get3A_2290, %get3A_2291] {strides = array<i32>} : memref<200x128xf32, #tpu.memory_space<vmem>>, vector<1x16xf32>,
        %get3A_2293 = vector.shape_cast %get3A_2292 : vector<1x16xf32> to vector<16xf32>
        %mul3A_2294 = arith.constant 8.000000e+00 : f32
        %mul3A_2295 = vector.broadcast %mul3A_2294 : f32 to vector<16xf32>
        %mul3A_2296 = arith.mulf %get3A_2293, %mul3A_2295 : vector<16xf32>
        %swap3A_2297 = arith.index_cast %add3A_2243 : i32 to index
        %swap3A_2298 = arith.constant 48 : index
        %swap3A_2299 = tpu.vector_load %arg11[%swap3A_2297, %swap3A_2298] {strides = array<i32>} : memref<200x64xf32, #tpu.memory_space<vmem>>, vector<1x16xf32>,
        %swap3A_2300 = vector.shape_cast %swap3A_2299 : vector<1x16xf32> to vector<16xf32>
        %swap3A_2301 = vector.shape_cast %mul3A_2296 : vector<16xf32> to vector<1x16xf32>
        tpu.vector_store %arg11[%swap3A_2297, %swap3A_2298], %swap3A_2301 {strides = array<i32>} : memref<200x64xf32, #tpu.memory_space<vmem>>, vector<1x16xf32>,
        %add3A_2302 = arith.constant 1 : i32
        %add3A_2303 = arith.addi %mul3A_2238, %add3A_2302 : i32
        %slice3A_2304 = vector.extract_strided_slice %get3A_2241 {offsets = [1], sizes = [1], strides = [1]} : vector<16xi32> to vector<1xi32>
        %squeeze3A_2305 = vector.extract %slice3A_2304[0] : i32 from vector<1xi32>
        %add3A_2306 = arith.constant 0 : i32
        %add3A_2307 = arith.addi %squeeze3A_2305, %add3A_2306 : i32
        %get3A_2308 = arith.index_cast %add3A_2303 : i32 to index
        %get3A_2309 = arith.index_cast %add3A_2307 : i32 to index
        %get3A_2310 = tpu.vector_load %arg9[%get3A_2308, %get3A_2309] {strides = array<i32>} : memref<200x128xf32, #tpu.memory_space<vmem>>, vector<1x16xf32>,
        %get3A_2311 = vector.shape_cast %get3A_2310 : vector<1x16xf32> to vector<16xf32>
        %mul3A_2312 = arith.constant 8.000000e+00 : f32
        %mul3A_2313 = vector.broadcast %mul3A_2312 : f32 to vector<16xf32>
        %mul3A_2314 = arith.mulf %get3A_2311, %mul3A_2313 : vector<16xf32>
        %swap3A_2315 = arith.index_cast %add3A_2303 : i32 to index
        %swap3A_2316 = arith.constant 0 : index
        %swap3A_2317 = tpu.vector_load %arg11[%swap3A_2315, %swap3A_2316] {strides = array<i32>} : memref<200x64xf32, #tpu.memory_space<vmem>>, vector<1x16xf32>,
        %swap3A_2318 = vector.shape_cast %swap3A_2317 : vector<1x16xf32> to vector<16xf32>
        %swap3A_2319 = vector.shape_cast %mul3A_2314 : vector<16xf32> to vector<1x16xf32>
        tpu.vector_store %arg11[%swap3A_2315, %swap3A_2316], %swap3A_2319 {strides = array<i32>} : memref<200x64xf32, #tpu.memory_space<vmem>>, vector<1x16xf32>,
        %add3A_2320 = arith.constant 16 : i32
        %add3A_2321 = arith.addi %squeeze3A_2305, %add3A_2320 : i32
        %get3A_2322 = arith.index_cast %add3A_2303 : i32 to index
        %get3A_2323 = arith.index_cast %add3A_2321 : i32 to index
        %get3A_2324 = tpu.vector_load %arg9[%get3A_2322, %get3A_2323] {strides = array<i32>} : memref<200x128xf32, #tpu.memory_space<vmem>>, vector<1x16xf32>,
        %get3A_2325 = vector.shape_cast %get3A_2324 : vector<1x16xf32> to vector<16xf32>
        %mul3A_2326 = arith.constant 8.000000e+00 : f32
        %mul3A_2327 = vector.broadcast %mul3A_2326 : f32 to vector<16xf32>
        %mul3A_2328 = arith.mulf %get3A_2325, %mul3A_2327 : vector<16xf32>
        %swap3A_2329 = arith.index_cast %add3A_2303 : i32 to index
        %swap3A_2330 = arith.constant 16 : index
        %swap3A_2331 = tpu.vector_load %arg11[%swap3A_2329, %swap3A_2330] {strides = array<i32>} : memref<200x64xf32, #tpu.memory_space<vmem>>, vector<1x16xf32>,
        %swap3A_2332 = vector.shape_cast %swap3A_2331 : vector<1x16xf32> to vector<16xf32>
        %swap3A_2333 = vector.shape_cast %mul3A_2328 : vector<16xf32> to vector<1x16xf32>
        tpu.vector_store %arg11[%swap3A_2329, %swap3A_2330], %swap3A_2333 {strides = array<i32>} : memref<200x64xf32, #tpu.memory_space<vmem>>, vector<1x16xf32>,
        %add3A_2334 = arith.constant 32 : i32
        %add3A_2335 = arith.addi %squeeze3A_2305, %add3A_2334 : i32
        %get3A_2336 = arith.index_cast %add3A_2303 : i32 to index
        %get3A_2337 = arith.index_cast %add3A_2335 : i32 to index
        %get3A_2338 = tpu.vector_load %arg9[%get3A_2336, %get3A_2337] {strides = array<i32>} : memref<200x128xf32, #tpu.memory_space<vmem>>, vector<1x16xf32>,
        %get3A_2339 = vector.shape_cast %get3A_2338 : vector<1x16xf32> to vector<16xf32>
        %mul3A_2340 = arith.constant 8.000000e+00 : f32
        %mul3A_2341 = vector.broadcast %mul3A_2340 : f32 to vector<16xf32>
        %mul3A_2342 = arith.mulf %get3A_2339, %mul3A_2341 : vector<16xf32>
        %swap3A_2343 = arith.index_cast %add3A_2303 : i32 to index
        %swap3A_2344 = arith.constant 32 : index
        %swap3A_2345 = tpu.vector_load %arg11[%swap3A_2343, %swap3A_2344] {strides = array<i32>} : memref<200x64xf32, #tpu.memory_space<vmem>>, vector<1x16xf32>,
        %swap3A_2346 = vector.shape_cast %swap3A_2345 : vector<1x16xf32> to vector<16xf32>
        %swap3A_2347 = vector.shape_cast %mul3A_2342 : vector<16xf32> to vector<1x16xf32>
        tpu.vector_store %arg11[%swap3A_2343, %swap3A_2344], %swap3A_2347 {strides = array<i32>} : memref<200x64xf32, #tpu.memory_space<vmem>>, vector<1x16xf32>,
        %add3A_2348 = arith.constant 48 : i32
        %add3A_2349 = arith.addi %squeeze3A_2305, %add3A_2348 : i32
        %get3A_2350 = arith.index_cast %add3A_2303 : i32 to index
        %get3A_2351 = arith.index_cast %add3A_2349 : i32 to index
        %get3A_2352 = tpu.vector_load %arg9[%get3A_2350, %get3A_2351] {strides = array<i32>} : memref<200x128xf32, #tpu.memory_space<vmem>>, vector<1x16xf32>,
        %get3A_2353 = vector.shape_cast %get3A_2352 : vector<1x16xf32> to vector<16xf32>
        %mul3A_2354 = arith.constant 8.000000e+00 : f32
        %mul3A_2355 = vector.broadcast %mul3A_2354 : f32 to vector<16xf32>
        %mul3A_2356 = arith.mulf %get3A_2353, %mul3A_2355 : vector<16xf32>
        %swap3A_2357 = arith.index_cast %add3A_2303 : i32 to index
        %swap3A_2358 = arith.constant 48 : index
        %swap3A_2359 = tpu.vector_load %arg11[%swap3A_2357, %swap3A_2358] {strides = array<i32>} : memref<200x64xf32, #tpu.memory_space<vmem>>, vector<1x16xf32>,
        %swap3A_2360 = vector.shape_cast %swap3A_2359 : vector<1x16xf32> to vector<16xf32>
        %swap3A_2361 = vector.shape_cast %mul3A_2356 : vector<16xf32> to vector<1x16xf32>
        tpu.vector_store %arg11[%swap3A_2357, %swap3A_2358], %swap3A_2361 {strides = array<i32>} : memref<200x64xf32, #tpu.memory_space<vmem>>, vector<1x16xf32>,
        %add3A_2362 = arith.constant 2 : i32
        %add3A_2363 = arith.addi %mul3A_2238, %add3A_2362 : i32
        %slice3A_2364 = vector.extract_strided_slice %get3A_2241 {offsets = [2], sizes = [1], strides = [1]} : vector<16xi32> to vector<1xi32>
        %squeeze3A_2365 = vector.extract %slice3A_2364[0] : i32 from vector<1xi32>
        %add3A_2366 = arith.constant 0 : i32
        %add3A_2367 = arith.addi %squeeze3A_2365, %add3A_2366 : i32
        %get3A_2368 = arith.index_cast %add3A_2363 : i32 to index
        %get3A_2369 = arith.index_cast %add3A_2367 : i32 to index
        %get3A_2370 = tpu.vector_load %arg9[%get3A_2368, %get3A_2369] {strides = array<i32>} : memref<200x128xf32, #tpu.memory_space<vmem>>, vector<1x16xf32>,
        %get3A_2371 = vector.shape_cast %get3A_2370 : vector<1x16xf32> to vector<16xf32>
        %mul3A_2372 = arith.constant 8.000000e+00 : f32
        %mul3A_2373 = vector.broadcast %mul3A_2372 : f32 to vector<16xf32>
        %mul3A_2374 = arith.mulf %get3A_2371, %mul3A_2373 : vector<16xf32>
        %swap3A_2375 = arith.index_cast %add3A_2363 : i32 to index
        %swap3A_2376 = arith.constant 0 : index
        %swap3A_2377 = tpu.vector_load %arg11[%swap3A_2375, %swap3A_2376] {strides = array<i32>} : memref<200x64xf32, #tpu.memory_space<vmem>>, vector<1x16xf32>,
        %swap3A_2378 = vector.shape_cast %swap3A_2377 : vector<1x16xf32> to vector<16xf32>
        %swap3A_2379 = vector.shape_cast %mul3A_2374 : vector<16xf32> to vector<1x16xf32>
        tpu.vector_store %arg11[%swap3A_2375, %swap3A_2376], %swap3A_2379 {strides = array<i32>} : memref<200x64xf32, #tpu.memory_space<vmem>>, vector<1x16xf32>,
        %add3A_2380 = arith.constant 16 : i32
        %add3A_2381 = arith.addi %squeeze3A_2365, %add3A_2380 : i32
        %get3A_2382 = arith.index_cast %add3A_2363 : i32 to index
        %get3A_2383 = arith.index_cast %add3A_2381 : i32 to index
        %get3A_2384 = tpu.vector_load %arg9[%get3A_2382, %get3A_2383] {strides = array<i32>} : memref<200x128xf32, #tpu.memory_space<vmem>>, vector<1x16xf32>,
        %get3A_2385 = vector.shape_cast %get3A_2384 : vector<1x16xf32> to vector<16xf32>
        %mul3A_2386 = arith.constant 8.000000e+00 : f32
        %mul3A_2387 = vector.broadcast %mul3A_2386 : f32 to vector<16xf32>
        %mul3A_2388 = arith.mulf %get3A_2385, %mul3A_2387 : vector<16xf32>
        %swap3A_2389 = arith.index_cast %add3A_2363 : i32 to index
        %swap3A_2390 = arith.constant 16 : index
        %swap3A_2391 = tpu.vector_load %arg11[%swap3A_2389, %swap3A_2390] {strides = array<i32>} : memref<200x64xf32, #tpu.memory_space<vmem>>, vector<1x16xf32>,
        %swap3A_2392 = vector.shape_cast %swap3A_2391 : vector<1x16xf32> to vector<16xf32>
        %swap3A_2393 = vector.shape_cast %mul3A_2388 : vector<16xf32> to vector<1x16xf32>
        tpu.vector_store %arg11[%swap3A_2389, %swap3A_2390], %swap3A_2393 {strides = array<i32>} : memref<200x64xf32, #tpu.memory_space<vmem>>, vector<1x16xf32>,
        %add3A_2394 = arith.constant 32 : i32
        %add3A_2395 = arith.addi %squeeze3A_2365, %add3A_2394 : i32
        %get3A_2396 = arith.index_cast %add3A_2363 : i32 to index
        %get3A_2397 = arith.index_cast %add3A_2395 : i32 to index
        %get3A_2398 = tpu.vector_load %arg9[%get3A_2396, %get3A_2397] {strides = array<i32>} : memref<200x128xf32, #tpu.memory_space<vmem>>, vector<1x16xf32>,
        %get3A_2399 = vector.shape_cast %get3A_2398 : vector<1x16xf32> to vector<16xf32>
        %mul3A_2400 = arith.constant 8.000000e+00 : f32
        %mul3A_2401 = vector.broadcast %mul3A_2400 : f32 to vector<16xf32>
        %mul3A_2402 = arith.mulf %get3A_2399, %mul3A_2401 : vector<16xf32>
        %swap3A_2403 = arith.index_cast %add3A_2363 : i32 to index
        %swap3A_2404 = arith.constant 32 : index
        %swap3A_2405 = tpu.vector_load %arg11[%swap3A_2403, %swap3A_2404] {strides = array<i32>} : memref<200x64xf32, #tpu.memory_space<vmem>>, vector<1x16xf32>,
        %swap3A_2406 = vector.shape_cast %swap3A_2405 : vector<1x16xf32> to vector<16xf32>
        %swap3A_2407 = vector.shape_cast %mul3A_2402 : vector<16xf32> to vector<1x16xf32>
        tpu.vector_store %arg11[%swap3A_2403, %swap3A_2404], %swap3A_2407 {strides = array<i32>} : memref<200x64xf32, #tpu.memory_space<vmem>>, vector<1x16xf32>,
        %add3A_2408 = arith.constant 48 : i32
        %add3A_2409 = arith.addi %squeeze3A_2365, %add3A_2408 : i32
        %get3A_2410 = arith.index_cast %add3A_2363 : i32 to index
        %get3A_2411 = arith.index_cast %add3A_2409 : i32 to index
        %get3A_2412 = tpu.vector_load %arg9[%get3A_2410, %get3A_2411] {strides = array<i32>} : memref<200x128xf32, #tpu.memory_space<vmem>>, vector<1x16xf32>,
        %get3A_2413 = vector.shape_cast %get3A_2412 : vector<1x16xf32> to vector<16xf32>
        %mul3A_2414 = arith.constant 8.000000e+00 : f32
        %mul3A_2415 = vector.broadcast %mul3A_2414 : f32 to vector<16xf32>
        %mul3A_2416 = arith.mulf %get3A_2413, %mul3A_2415 : vector<16xf32>
        %swap3A_2417 = arith.index_cast %add3A_2363 : i32 to index
        %swap3A_2418 = arith.constant 48 : index
        %swap3A_2419 = tpu.vector_load %arg11[%swap3A_2417, %swap3A_2418] {strides = array<i32>} : memref<200x64xf32, #tpu.memory_space<vmem>>, vector<1x16xf32>,
        %swap3A_2420 = vector.shape_cast %swap3A_2419 : vector<1x16xf32> to vector<16xf32>
        %swap3A_2421 = vector.shape_cast %mul3A_2416 : vector<16xf32> to vector<1x16xf32>
        tpu.vector_store %arg11[%swap3A_2417, %swap3A_2418], %swap3A_2421 {strides = array<i32>} : memref<200x64xf32, #tpu.memory_space<vmem>>, vector<1x16xf32>,
        %add3A_2422 = arith.constant 3 : i32
        %add3A_2423 = arith.addi %mul3A_2238, %add3A_2422 : i32
        %slice3A_2424 = vector.extract_strided_slice %get3A_2241 {offsets = [3], sizes = [1], strides = [1]} : vector<16xi32> to vector<1xi32>
        %squeeze3A_2425 = vector.extract %slice3A_2424[0] : i32 from vector<1xi32>
        %add3A_2426 = arith.constant 0 : i32
        %add3A_2427 = arith.addi %squeeze3A_2425, %add3A_2426 : i32
        %get3A_2428 = arith.index_cast %add3A_2423 : i32 to index
        %get3A_2429 = arith.index_cast %add3A_2427 : i32 to index
        %get3A_2430 = tpu.vector_load %arg9[%get3A_2428, %get3A_2429] {strides = array<i32>} : memref<200x128xf32, #tpu.memory_space<vmem>>, vector<1x16xf32>,
        %get3A_2431 = vector.shape_cast %get3A_2430 : vector<1x16xf32> to vector<16xf32>
        %mul3A_2432 = arith.constant 8.000000e+00 : f32
        %mul3A_2433 = vector.broadcast %mul3A_2432 : f32 to vector<16xf32>
        %mul3A_2434 = arith.mulf %get3A_2431, %mul3A_2433 : vector<16xf32>
        %swap3A_2435 = arith.index_cast %add3A_2423 : i32 to index
        %swap3A_2436 = arith.constant 0 : index
        %swap3A_2437 = tpu.vector_load %arg11[%swap3A_2435, %swap3A_2436] {strides = array<i32>} : memref<200x64xf32, #tpu.memory_space<vmem>>, vector<1x16xf32>,
        %swap3A_2438 = vector.shape_cast %swap3A_2437 : vector<1x16xf32> to vector<16xf32>
        %swap3A_2439 = vector.shape_cast %mul3A_2434 : vector<16xf32> to vector<1x16xf32>
        tpu.vector_store %arg11[%swap3A_2435, %swap3A_2436], %swap3A_2439 {strides = array<i32>} : memref<200x64xf32, #tpu.memory_space<vmem>>, vector<1x16xf32>,
        %add3A_2440 = arith.constant 16 : i32
        %add3A_2441 = arith.addi %squeeze3A_2425, %add3A_2440 : i32
        %get3A_2442 = arith.index_cast %add3A_2423 : i32 to index
        %get3A_2443 = arith.index_cast %add3A_2441 : i32 to index
        %get3A_2444 = tpu.vector_load %arg9[%get3A_2442, %get3A_2443] {strides = array<i32>} : memref<200x128xf32, #tpu.memory_space<vmem>>, vector<1x16xf32>,
        %get3A_2445 = vector.shape_cast %get3A_2444 : vector<1x16xf32> to vector<16xf32>
        %mul3A_2446 = arith.constant 8.000000e+00 : f32
        %mul3A_2447 = vector.broadcast %mul3A_2446 : f32 to vector<16xf32>
        %mul3A_2448 = arith.mulf %get3A_2445, %mul3A_2447 : vector<16xf32>
        %swap3A_2449 = arith.index_cast %add3A_2423 : i32 to index
        %swap3A_2450 = arith.constant 16 : index
        %swap3A_2451 = tpu.vector_load %arg11[%swap3A_2449, %swap3A_2450] {strides = array<i32>} : memref<200x64xf32, #tpu.memory_space<vmem>>, vector<1x16xf32>,
        %swap3A_2452 = vector.shape_cast %swap3A_2451 : vector<1x16xf32> to vector<16xf32>
        %swap3A_2453 = vector.shape_cast %mul3A_2448 : vector<16xf32> to vector<1x16xf32>
        tpu.vector_store %arg11[%swap3A_2449, %swap3A_2450], %swap3A_2453 {strides = array<i32>} : memref<200x64xf32, #tpu.memory_space<vmem>>, vector<1x16xf32>,
        %add3A_2454 = arith.constant 32 : i32
        %add3A_2455 = arith.addi %squeeze3A_2425, %add3A_2454 : i32
        %get3A_2456 = arith.index_cast %add3A_2423 : i32 to index
        %get3A_2457 = arith.index_cast %add3A_2455 : i32 to index
        %get3A_2458 = tpu.vector_load %arg9[%get3A_2456, %get3A_2457] {strides = array<i32>} : memref<200x128xf32, #tpu.memory_space<vmem>>, vector<1x16xf32>,
        %get3A_2459 = vector.shape_cast %get3A_2458 : vector<1x16xf32> to vector<16xf32>
        %mul3A_2460 = arith.constant 8.000000e+00 : f32
        %mul3A_2461 = vector.broadcast %mul3A_2460 : f32 to vector<16xf32>
        %mul3A_2462 = arith.mulf %get3A_2459, %mul3A_2461 : vector<16xf32>
        %swap3A_2463 = arith.index_cast %add3A_2423 : i32 to index
        %swap3A_2464 = arith.constant 32 : index
        %swap3A_2465 = tpu.vector_load %arg11[%swap3A_2463, %swap3A_2464] {strides = array<i32>} : memref<200x64xf32, #tpu.memory_space<vmem>>, vector<1x16xf32>,
        %swap3A_2466 = vector.shape_cast %swap3A_2465 : vector<1x16xf32> to vector<16xf32>
        %swap3A_2467 = vector.shape_cast %mul3A_2462 : vector<16xf32> to vector<1x16xf32>
        tpu.vector_store %arg11[%swap3A_2463, %swap3A_2464], %swap3A_2467 {strides = array<i32>} : memref<200x64xf32, #tpu.memory_space<vmem>>, vector<1x16xf32>,
        %add3A_2468 = arith.constant 48 : i32
        %add3A_2469 = arith.addi %squeeze3A_2425, %add3A_2468 : i32
        %get3A_2470 = arith.index_cast %add3A_2423 : i32 to index
        %get3A_2471 = arith.index_cast %add3A_2469 : i32 to index
        %get3A_2472 = tpu.vector_load %arg9[%get3A_2470, %get3A_2471] {strides = array<i32>} : memref<200x128xf32, #tpu.memory_space<vmem>>, vector<1x16xf32>,
        %get3A_2473 = vector.shape_cast %get3A_2472 : vector<1x16xf32> to vector<16xf32>
        %mul3A_2474 = arith.constant 8.000000e+00 : f32
        %mul3A_2475 = vector.broadcast %mul3A_2474 : f32 to vector<16xf32>
        %mul3A_2476 = arith.mulf %get3A_2473, %mul3A_2475 : vector<16xf32>
        %swap3A_2477 = arith.index_cast %add3A_2423 : i32 to index
        %swap3A_2478 = arith.constant 48 : index
        %swap3A_2479 = tpu.vector_load %arg11[%swap3A_2477, %swap3A_2478] {strides = array<i32>} : memref<200x64xf32, #tpu.memory_space<vmem>>, vector<1x16xf32>,
        %swap3A_2480 = vector.shape_cast %swap3A_2479 : vector<1x16xf32> to vector<16xf32>
        %swap3A_2481 = vector.shape_cast %mul3A_2476 : vector<16xf32> to vector<1x16xf32>
        tpu.vector_store %arg11[%swap3A_2477, %swap3A_2478], %swap3A_2481 {strides = array<i32>} : memref<200x64xf32, #tpu.memory_space<vmem>>, vector<1x16xf32>,
        %add3A_2482 = arith.constant 4 : i32
        %add3A_2483 = arith.addi %mul3A_2238, %add3A_2482 : i32
        %slice3A_2484 = vector.extract_strided_slice %get3A_2241 {offsets = [4], sizes = [1], strides = [1]} : vector<16xi32> to vector<1xi32>
        %squeeze3A_2485 = vector.extract %slice3A_2484[0] : i32 from vector<1xi32>
        %add3A_2486 = arith.constant 0 : i32
        %add3A_2487 = arith.addi %squeeze3A_2485, %add3A_2486 : i32
        %get3A_2488 = arith.index_cast %add3A_2483 : i32 to index
        %get3A_2489 = arith.index_cast %add3A_2487 : i32 to index
        %get3A_2490 = tpu.vector_load %arg9[%get3A_2488, %get3A_2489] {strides = array<i32>} : memref<200x128xf32, #tpu.memory_space<vmem>>, vector<1x16xf32>,
        %get3A_2491 = vector.shape_cast %get3A_2490 : vector<1x16xf32> to vector<16xf32>
        %mul3A_2492 = arith.constant 8.000000e+00 : f32
        %mul3A_2493 = vector.broadcast %mul3A_2492 : f32 to vector<16xf32>
        %mul3A_2494 = arith.mulf %get3A_2491, %mul3A_2493 : vector<16xf32>
        %swap3A_2495 = arith.index_cast %add3A_2483 : i32 to index
        %swap3A_2496 = arith.constant 0 : index
        %swap3A_2497 = tpu.vector_load %arg11[%swap3A_2495, %swap3A_2496] {strides = array<i32>} : memref<200x64xf32, #tpu.memory_space<vmem>>, vector<1x16xf32>,
        %swap3A_2498 = vector.shape_cast %swap3A_2497 : vector<1x16xf32> to vector<16xf32>
        %swap3A_2499 = vector.shape_cast %mul3A_2494 : vector<16xf32> to vector<1x16xf32>
        tpu.vector_store %arg11[%swap3A_2495, %swap3A_2496], %swap3A_2499 {strides = array<i32>} : memref<200x64xf32, #tpu.memory_space<vmem>>, vector<1x16xf32>,
        %add3A_2500 = arith.constant 16 : i32
        %add3A_2501 = arith.addi %squeeze3A_2485, %add3A_2500 : i32
        %get3A_2502 = arith.index_cast %add3A_2483 : i32 to index
        %get3A_2503 = arith.index_cast %add3A_2501 : i32 to index
        %get3A_2504 = tpu.vector_load %arg9[%get3A_2502, %get3A_2503] {strides = array<i32>} : memref<200x128xf32, #tpu.memory_space<vmem>>, vector<1x16xf32>,
        %get3A_2505 = vector.shape_cast %get3A_2504 : vector<1x16xf32> to vector<16xf32>
        %mul3A_2506 = arith.constant 8.000000e+00 : f32
        %mul3A_2507 = vector.broadcast %mul3A_2506 : f32 to vector<16xf32>
        %mul3A_2508 = arith.mulf %get3A_2505, %mul3A_2507 : vector<16xf32>
        %swap3A_2509 = arith.index_cast %add3A_2483 : i32 to index
        %swap3A_2510 = arith.constant 16 : index
        %swap3A_2511 = tpu.vector_load %arg11[%swap3A_2509, %swap3A_2510] {strides = array<i32>} : memref<200x64xf32, #tpu.memory_space<vmem>>, vector<1x16xf32>,
        %swap3A_2512 = vector.shape_cast %swap3A_2511 : vector<1x16xf32> to vector<16xf32>
        %swap3A_2513 = vector.shape_cast %mul3A_2508 : vector<16xf32> to vector<1x16xf32>
        tpu.vector_store %arg11[%swap3A_2509, %swap3A_2510], %swap3A_2513 {strides = array<i32>} : memref<200x64xf32, #tpu.memory_space<vmem>>, vector<1x16xf32>,
        %add3A_2514 = arith.constant 32 : i32
        %add3A_2515 = arith.addi %squeeze3A_2485, %add3A_2514 : i32
        %get3A_2516 = arith.index_cast %add3A_2483 : i32 to index
        %get3A_2517 = arith.index_cast %add3A_2515 : i32 to index
        %get3A_2518 = tpu.vector_load %arg9[%get3A_2516, %get3A_2517] {strides = array<i32>} : memref<200x128xf32, #tpu.memory_space<vmem>>, vector<1x16xf32>,
        %get3A_2519 = vector.shape_cast %get3A_2518 : vector<1x16xf32> to vector<16xf32>
        %mul3A_2520 = arith.constant 8.000000e+00 : f32
        %mul3A_2521 = vector.broadcast %mul3A_2520 : f32 to vector<16xf32>
        %mul3A_2522 = arith.mulf %get3A_2519, %mul3A_2521 : vector<16xf32>
        %swap3A_2523 = arith.index_cast %add3A_2483 : i32 to index
        %swap3A_2524 = arith.constant 32 : index
        %swap3A_2525 = tpu.vector_load %arg11[%swap3A_2523, %swap3A_2524] {strides = array<i32>} : memref<200x64xf32, #tpu.memory_space<vmem>>, vector<1x16xf32>,
        %swap3A_2526 = vector.shape_cast %swap3A_2525 : vector<1x16xf32> to vector<16xf32>
        %swap3A_2527 = vector.shape_cast %mul3A_2522 : vector<16xf32> to vector<1x16xf32>
        tpu.vector_store %arg11[%swap3A_2523, %swap3A_2524], %swap3A_2527 {strides = array<i32>} : memref<200x64xf32, #tpu.memory_space<vmem>>, vector<1x16xf32>,
        %add3A_2528 = arith.constant 48 : i32
        %add3A_2529 = arith.addi %squeeze3A_2485, %add3A_2528 : i32
        %get3A_2530 = arith.index_cast %add3A_2483 : i32 to index
        %get3A_2531 = arith.index_cast %add3A_2529 : i32 to index
        %get3A_2532 = tpu.vector_load %arg9[%get3A_2530, %get3A_2531] {strides = array<i32>} : memref<200x128xf32, #tpu.memory_space<vmem>>, vector<1x16xf32>,
        %get3A_2533 = vector.shape_cast %get3A_2532 : vector<1x16xf32> to vector<16xf32>
        %mul3A_2534 = arith.constant 8.000000e+00 : f32
        %mul3A_2535 = vector.broadcast %mul3A_2534 : f32 to vector<16xf32>
        %mul3A_2536 = arith.mulf %get3A_2533, %mul3A_2535 : vector<16xf32>
        %swap3A_2537 = arith.index_cast %add3A_2483 : i32 to index
        %swap3A_2538 = arith.constant 48 : index
        %swap3A_2539 = tpu.vector_load %arg11[%swap3A_2537, %swap3A_2538] {strides = array<i32>} : memref<200x64xf32, #tpu.memory_space<vmem>>, vector<1x16xf32>,
        %swap3A_2540 = vector.shape_cast %swap3A_2539 : vector<1x16xf32> to vector<16xf32>
        %swap3A_2541 = vector.shape_cast %mul3A_2536 : vector<16xf32> to vector<1x16xf32>
        tpu.vector_store %arg11[%swap3A_2537, %swap3A_2538], %swap3A_2541 {strides = array<i32>} : memref<200x64xf32, #tpu.memory_space<vmem>>, vector<1x16xf32>,
        %add3A_2542 = arith.constant 5 : i32
        %add3A_2543 = arith.addi %mul3A_2238, %add3A_2542 : i32
        %slice3A_2544 = vector.extract_strided_slice %get3A_2241 {offsets = [5], sizes = [1], strides = [1]} : vector<16xi32> to vector<1xi32>
        %squeeze3A_2545 = vector.extract %slice3A_2544[0] : i32 from vector<1xi32>
        %add3A_2546 = arith.constant 0 : i32
        %add3A_2547 = arith.addi %squeeze3A_2545, %add3A_2546 : i32
        %get3A_2548 = arith.index_cast %add3A_2543 : i32 to index
        %get3A_2549 = arith.index_cast %add3A_2547 : i32 to index
        %get3A_2550 = tpu.vector_load %arg9[%get3A_2548, %get3A_2549] {strides = array<i32>} : memref<200x128xf32, #tpu.memory_space<vmem>>, vector<1x16xf32>,
        %get3A_2551 = vector.shape_cast %get3A_2550 : vector<1x16xf32> to vector<16xf32>
        %mul3A_2552 = arith.constant 8.000000e+00 : f32
        %mul3A_2553 = vector.broadcast %mul3A_2552 : f32 to vector<16xf32>
        %mul3A_2554 = arith.mulf %get3A_2551, %mul3A_2553 : vector<16xf32>
        %swap3A_2555 = arith.index_cast %add3A_2543 : i32 to index
        %swap3A_2556 = arith.constant 0 : index
        %swap3A_2557 = tpu.vector_load %arg11[%swap3A_2555, %swap3A_2556] {strides = array<i32>} : memref<200x64xf32, #tpu.memory_space<vmem>>, vector<1x16xf32>,
        %swap3A_2558 = vector.shape_cast %swap3A_2557 : vector<1x16xf32> to vector<16xf32>
        %swap3A_2559 = vector.shape_cast %mul3A_2554 : vector<16xf32> to vector<1x16xf32>
        tpu.vector_store %arg11[%swap3A_2555, %swap3A_2556], %swap3A_2559 {strides = array<i32>} : memref<200x64xf32, #tpu.memory_space<vmem>>, vector<1x16xf32>,
        %add3A_2560 = arith.constant 16 : i32
        %add3A_2561 = arith.addi %squeeze3A_2545, %add3A_2560 : i32
        %get3A_2562 = arith.index_cast %add3A_2543 : i32 to index
        %get3A_2563 = arith.index_cast %add3A_2561 : i32 to index
        %get3A_2564 = tpu.vector_load %arg9[%get3A_2562, %get3A_2563] {strides = array<i32>} : memref<200x128xf32, #tpu.memory_space<vmem>>, vector<1x16xf32>,
        %get3A_2565 = vector.shape_cast %get3A_2564 : vector<1x16xf32> to vector<16xf32>
        %mul3A_2566 = arith.constant 8.000000e+00 : f32
        %mul3A_2567 = vector.broadcast %mul3A_2566 : f32 to vector<16xf32>
        %mul3A_2568 = arith.mulf %get3A_2565, %mul3A_2567 : vector<16xf32>
        %swap3A_2569 = arith.index_cast %add3A_2543 : i32 to index
        %swap3A_2570 = arith.constant 16 : index
        %swap3A_2571 = tpu.vector_load %arg11[%swap3A_2569, %swap3A_2570] {strides = array<i32>} : memref<200x64xf32, #tpu.memory_space<vmem>>, vector<1x16xf32>,
        %swap3A_2572 = vector.shape_cast %swap3A_2571 : vector<1x16xf32> to vector<16xf32>
        %swap3A_2573 = vector.shape_cast %mul3A_2568 : vector<16xf32> to vector<1x16xf32>
        tpu.vector_store %arg11[%swap3A_2569, %swap3A_2570], %swap3A_2573 {strides = array<i32>} : memref<200x64xf32, #tpu.memory_space<vmem>>, vector<1x16xf32>,
        %add3A_2574 = arith.constant 32 : i32
        %add3A_2575 = arith.addi %squeeze3A_2545, %add3A_2574 : i32
        %get3A_2576 = arith.index_cast %add3A_2543 : i32 to index
        %get3A_2577 = arith.index_cast %add3A_2575 : i32 to index
        %get3A_2578 = tpu.vector_load %arg9[%get3A_2576, %get3A_2577] {strides = array<i32>} : memref<200x128xf32, #tpu.memory_space<vmem>>, vector<1x16xf32>,
        %get3A_2579 = vector.shape_cast %get3A_2578 : vector<1x16xf32> to vector<16xf32>
        %mul3A_2580 = arith.constant 8.000000e+00 : f32
        %mul3A_2581 = vector.broadcast %mul3A_2580 : f32 to vector<16xf32>
        %mul3A_2582 = arith.mulf %get3A_2579, %mul3A_2581 : vector<16xf32>
        %swap3A_2583 = arith.index_cast %add3A_2543 : i32 to index
        %swap3A_2584 = arith.constant 32 : index
        %swap3A_2585 = tpu.vector_load %arg11[%swap3A_2583, %swap3A_2584] {strides = array<i32>} : memref<200x64xf32, #tpu.memory_space<vmem>>, vector<1x16xf32>,
        %swap3A_2586 = vector.shape_cast %swap3A_2585 : vector<1x16xf32> to vector<16xf32>
        %swap3A_2587 = vector.shape_cast %mul3A_2582 : vector<16xf32> to vector<1x16xf32>
        tpu.vector_store %arg11[%swap3A_2583, %swap3A_2584], %swap3A_2587 {strides = array<i32>} : memref<200x64xf32, #tpu.memory_space<vmem>>, vector<1x16xf32>,
        %add3A_2588 = arith.constant 48 : i32
        %add3A_2589 = arith.addi %squeeze3A_2545, %add3A_2588 : i32
        %get3A_2590 = arith.index_cast %add3A_2543 : i32 to index
        %get3A_2591 = arith.index_cast %add3A_2589 : i32 to index
        %get3A_2592 = tpu.vector_load %arg9[%get3A_2590, %get3A_2591] {strides = array<i32>} : memref<200x128xf32, #tpu.memory_space<vmem>>, vector<1x16xf32>,
        %get3A_2593 = vector.shape_cast %get3A_2592 : vector<1x16xf32> to vector<16xf32>
        %mul3A_2594 = arith.constant 8.000000e+00 : f32
        %mul3A_2595 = vector.broadcast %mul3A_2594 : f32 to vector<16xf32>
        %mul3A_2596 = arith.mulf %get3A_2593, %mul3A_2595 : vector<16xf32>
        %swap3A_2597 = arith.index_cast %add3A_2543 : i32 to index
        %swap3A_2598 = arith.constant 48 : index
        %swap3A_2599 = tpu.vector_load %arg11[%swap3A_2597, %swap3A_2598] {strides = array<i32>} : memref<200x64xf32, #tpu.memory_space<vmem>>, vector<1x16xf32>,
        %swap3A_2600 = vector.shape_cast %swap3A_2599 : vector<1x16xf32> to vector<16xf32>
        %swap3A_2601 = vector.shape_cast %mul3A_2596 : vector<16xf32> to vector<1x16xf32>
        tpu.vector_store %arg11[%swap3A_2597, %swap3A_2598], %swap3A_2601 {strides = array<i32>} : memref<200x64xf32, #tpu.memory_space<vmem>>, vector<1x16xf32>,
        %add3A_2602 = arith.constant 6 : i32
        %add3A_2603 = arith.addi %mul3A_2238, %add3A_2602 : i32
        %slice3A_2604 = vector.extract_strided_slice %get3A_2241 {offsets = [6], sizes = [1], strides = [1]} : vector<16xi32> to vector<1xi32>
        %squeeze3A_2605 = vector.extract %slice3A_2604[0] : i32 from vector<1xi32>
        %add3A_2606 = arith.constant 0 : i32
        %add3A_2607 = arith.addi %squeeze3A_2605, %add3A_2606 : i32
        %get3A_2608 = arith.index_cast %add3A_2603 : i32 to index
        %get3A_2609 = arith.index_cast %add3A_2607 : i32 to index
        %get3A_2610 = tpu.vector_load %arg9[%get3A_2608, %get3A_2609] {strides = array<i32>} : memref<200x128xf32, #tpu.memory_space<vmem>>, vector<1x16xf32>,
        %get3A_2611 = vector.shape_cast %get3A_2610 : vector<1x16xf32> to vector<16xf32>
        %mul3A_2612 = arith.constant 8.000000e+00 : f32
        %mul3A_2613 = vector.broadcast %mul3A_2612 : f32 to vector<16xf32>
        %mul3A_2614 = arith.mulf %get3A_2611, %mul3A_2613 : vector<16xf32>
        %swap3A_2615 = arith.index_cast %add3A_2603 : i32 to index
        %swap3A_2616 = arith.constant 0 : index
        %swap3A_2617 = tpu.vector_load %arg11[%swap3A_2615, %swap3A_2616] {strides = array<i32>} : memref<200x64xf32, #tpu.memory_space<vmem>>, vector<1x16xf32>,
        %swap3A_2618 = vector.shape_cast %swap3A_2617 : vector<1x16xf32> to vector<16xf32>
        %swap3A_2619 = vector.shape_cast %mul3A_2614 : vector<16xf32> to vector<1x16xf32>
        tpu.vector_store %arg11[%swap3A_2615, %swap3A_2616], %swap3A_2619 {strides = array<i32>} : memref<200x64xf32, #tpu.memory_space<vmem>>, vector<1x16xf32>,
        %add3A_2620 = arith.constant 16 : i32
        %add3A_2621 = arith.addi %squeeze3A_2605, %add3A_2620 : i32
        %get3A_2622 = arith.index_cast %add3A_2603 : i32 to index
        %get3A_2623 = arith.index_cast %add3A_2621 : i32 to index
        %get3A_2624 = tpu.vector_load %arg9[%get3A_2622, %get3A_2623] {strides = array<i32>} : memref<200x128xf32, #tpu.memory_space<vmem>>, vector<1x16xf32>,
        %get3A_2625 = vector.shape_cast %get3A_2624 : vector<1x16xf32> to vector<16xf32>
        %mul3A_2626 = arith.constant 8.000000e+00 : f32
        %mul3A_2627 = vector.broadcast %mul3A_2626 : f32 to vector<16xf32>
        %mul3A_2628 = arith.mulf %get3A_2625, %mul3A_2627 : vector<16xf32>
        %swap3A_2629 = arith.index_cast %add3A_2603 : i32 to index
        %swap3A_2630 = arith.constant 16 : index
        %swap3A_2631 = tpu.vector_load %arg11[%swap3A_2629, %swap3A_2630] {strides = array<i32>} : memref<200x64xf32, #tpu.memory_space<vmem>>, vector<1x16xf32>,
        %swap3A_2632 = vector.shape_cast %swap3A_2631 : vector<1x16xf32> to vector<16xf32>
        %swap3A_2633 = vector.shape_cast %mul3A_2628 : vector<16xf32> to vector<1x16xf32>
        tpu.vector_store %arg11[%swap3A_2629, %swap3A_2630], %swap3A_2633 {strides = array<i32>} : memref<200x64xf32, #tpu.memory_space<vmem>>, vector<1x16xf32>,
        %add3A_2634 = arith.constant 32 : i32
        %add3A_2635 = arith.addi %squeeze3A_2605, %add3A_2634 : i32
        %get3A_2636 = arith.index_cast %add3A_2603 : i32 to index
        %get3A_2637 = arith.index_cast %add3A_2635 : i32 to index
        %get3A_2638 = tpu.vector_load %arg9[%get3A_2636, %get3A_2637] {strides = array<i32>} : memref<200x128xf32, #tpu.memory_space<vmem>>, vector<1x16xf32>,
        %get3A_2639 = vector.shape_cast %get3A_2638 : vector<1x16xf32> to vector<16xf32>
        %mul3A_2640 = arith.constant 8.000000e+00 : f32
        %mul3A_2641 = vector.broadcast %mul3A_2640 : f32 to vector<16xf32>
        %mul3A_2642 = arith.mulf %get3A_2639, %mul3A_2641 : vector<16xf32>
        %swap3A_2643 = arith.index_cast %add3A_2603 : i32 to index
        %swap3A_2644 = arith.constant 32 : index
        %swap3A_2645 = tpu.vector_load %arg11[%swap3A_2643, %swap3A_2644] {strides = array<i32>} : memref<200x64xf32, #tpu.memory_space<vmem>>, vector<1x16xf32>,
        %swap3A_2646 = vector.shape_cast %swap3A_2645 : vector<1x16xf32> to vector<16xf32>
        %swap3A_2647 = vector.shape_cast %mul3A_2642 : vector<16xf32> to vector<1x16xf32>
        tpu.vector_store %arg11[%swap3A_2643, %swap3A_2644], %swap3A_2647 {strides = array<i32>} : memref<200x64xf32, #tpu.memory_space<vmem>>, vector<1x16xf32>,
        %add3A_2648 = arith.constant 48 : i32
        %add3A_2649 = arith.addi %squeeze3A_2605, %add3A_2648 : i32
        %get3A_2650 = arith.index_cast %add3A_2603 : i32 to index
        %get3A_2651 = arith.index_cast %add3A_2649 : i32 to index
        %get3A_2652 = tpu.vector_load %arg9[%get3A_2650, %get3A_2651] {strides = array<i32>} : memref<200x128xf32, #tpu.memory_space<vmem>>, vector<1x16xf32>,
        %get3A_2653 = vector.shape_cast %get3A_2652 : vector<1x16xf32> to vector<16xf32>
        %mul3A_2654 = arith.constant 8.000000e+00 : f32
        %mul3A_2655 = vector.broadcast %mul3A_2654 : f32 to vector<16xf32>
        %mul3A_2656 = arith.mulf %get3A_2653, %mul3A_2655 : vector<16xf32>
        %swap3A_2657 = arith.index_cast %add3A_2603 : i32 to index
        %swap3A_2658 = arith.constant 48 : index
        %swap3A_2659 = tpu.vector_load %arg11[%swap3A_2657, %swap3A_2658] {strides = array<i32>} : memref<200x64xf32, #tpu.memory_space<vmem>>, vector<1x16xf32>,
        %swap3A_2660 = vector.shape_cast %swap3A_2659 : vector<1x16xf32> to vector<16xf32>
        %swap3A_2661 = vector.shape_cast %mul3A_2656 : vector<16xf32> to vector<1x16xf32>
        tpu.vector_store %arg11[%swap3A_2657, %swap3A_2658], %swap3A_2661 {strides = array<i32>} : memref<200x64xf32, #tpu.memory_space<vmem>>, vector<1x16xf32>,
        %add3A_2662 = arith.constant 7 : i32
        %add3A_2663 = arith.addi %mul3A_2238, %add3A_2662 : i32
        %slice3A_2664 = vector.extract_strided_slice %get3A_2241 {offsets = [7], sizes = [1], strides = [1]} : vector<16xi32> to vector<1xi32>
        %squeeze3A_2665 = vector.extract %slice3A_2664[0] : i32 from vector<1xi32>
        %add3A_2666 = arith.constant 0 : i32
        %add3A_2667 = arith.addi %squeeze3A_2665, %add3A_2666 : i32
        %get3A_2668 = arith.index_cast %add3A_2663 : i32 to index
        %get3A_2669 = arith.index_cast %add3A_2667 : i32 to index
        %get3A_2670 = tpu.vector_load %arg9[%get3A_2668, %get3A_2669] {strides = array<i32>} : memref<200x128xf32, #tpu.memory_space<vmem>>, vector<1x16xf32>,
        %get3A_2671 = vector.shape_cast %get3A_2670 : vector<1x16xf32> to vector<16xf32>
        %mul3A_2672 = arith.constant 8.000000e+00 : f32
        %mul3A_2673 = vector.broadcast %mul3A_2672 : f32 to vector<16xf32>
        %mul3A_2674 = arith.mulf %get3A_2671, %mul3A_2673 : vector<16xf32>
        %swap3A_2675 = arith.index_cast %add3A_2663 : i32 to index
        %swap3A_2676 = arith.constant 0 : index
        %swap3A_2677 = tpu.vector_load %arg11[%swap3A_2675, %swap3A_2676] {strides = array<i32>} : memref<200x64xf32, #tpu.memory_space<vmem>>, vector<1x16xf32>,
        %swap3A_2678 = vector.shape_cast %swap3A_2677 : vector<1x16xf32> to vector<16xf32>
        %swap3A_2679 = vector.shape_cast %mul3A_2674 : vector<16xf32> to vector<1x16xf32>
        tpu.vector_store %arg11[%swap3A_2675, %swap3A_2676], %swap3A_2679 {strides = array<i32>} : memref<200x64xf32, #tpu.memory_space<vmem>>, vector<1x16xf32>,
        %add3A_2680 = arith.constant 16 : i32
        %add3A_2681 = arith.addi %squeeze3A_2665, %add3A_2680 : i32
        %get3A_2682 = arith.index_cast %add3A_2663 : i32 to index
        %get3A_2683 = arith.index_cast %add3A_2681 : i32 to index
        %get3A_2684 = tpu.vector_load %arg9[%get3A_2682, %get3A_2683] {strides = array<i32>} : memref<200x128xf32, #tpu.memory_space<vmem>>, vector<1x16xf32>,
        %get3A_2685 = vector.shape_cast %get3A_2684 : vector<1x16xf32> to vector<16xf32>
        %mul3A_2686 = arith.constant 8.000000e+00 : f32
        %mul3A_2687 = vector.broadcast %mul3A_2686 : f32 to vector<16xf32>
        %mul3A_2688 = arith.mulf %get3A_2685, %mul3A_2687 : vector<16xf32>
        %swap3A_2689 = arith.index_cast %add3A_2663 : i32 to index
        %swap3A_2690 = arith.constant 16 : index
        %swap3A_2691 = tpu.vector_load %arg11[%swap3A_2689, %swap3A_2690] {strides = array<i32>} : memref<200x64xf32, #tpu.memory_space<vmem>>, vector<1x16xf32>,
        %swap3A_2692 = vector.shape_cast %swap3A_2691 : vector<1x16xf32> to vector<16xf32>
        %swap3A_2693 = vector.shape_cast %mul3A_2688 : vector<16xf32> to vector<1x16xf32>
        tpu.vector_store %arg11[%swap3A_2689, %swap3A_2690], %swap3A_2693 {strides = array<i32>} : memref<200x64xf32, #tpu.memory_space<vmem>>, vector<1x16xf32>,
        %add3A_2694 = arith.constant 32 : i32
        %add3A_2695 = arith.addi %squeeze3A_2665, %add3A_2694 : i32
        %get3A_2696 = arith.index_cast %add3A_2663 : i32 to index
        %get3A_2697 = arith.index_cast %add3A_2695 : i32 to index
        %get3A_2698 = tpu.vector_load %arg9[%get3A_2696, %get3A_2697] {strides = array<i32>} : memref<200x128xf32, #tpu.memory_space<vmem>>, vector<1x16xf32>,
        %get3A_2699 = vector.shape_cast %get3A_2698 : vector<1x16xf32> to vector<16xf32>
        %mul3A_2700 = arith.constant 8.000000e+00 : f32
        %mul3A_2701 = vector.broadcast %mul3A_2700 : f32 to vector<16xf32>
        %mul3A_2702 = arith.mulf %get3A_2699, %mul3A_2701 : vector<16xf32>
        %swap3A_2703 = arith.index_cast %add3A_2663 : i32 to index
        %swap3A_2704 = arith.constant 32 : index
        %swap3A_2705 = tpu.vector_load %arg11[%swap3A_2703, %swap3A_2704] {strides = array<i32>} : memref<200x64xf32, #tpu.memory_space<vmem>>, vector<1x16xf32>,
        %swap3A_2706 = vector.shape_cast %swap3A_2705 : vector<1x16xf32> to vector<16xf32>
        %swap3A_2707 = vector.shape_cast %mul3A_2702 : vector<16xf32> to vector<1x16xf32>
        tpu.vector_store %arg11[%swap3A_2703, %swap3A_2704], %swap3A_2707 {strides = array<i32>} : memref<200x64xf32, #tpu.memory_space<vmem>>, vector<1x16xf32>,
        %add3A_2708 = arith.constant 48 : i32
        %add3A_2709 = arith.addi %squeeze3A_2665, %add3A_2708 : i32
        %get3A_2710 = arith.index_cast %add3A_2663 : i32 to index
        %get3A_2711 = arith.index_cast %add3A_2709 : i32 to index
        %get3A_2712 = tpu.vector_load %arg9[%get3A_2710, %get3A_2711] {strides = array<i32>} : memref<200x128xf32, #tpu.memory_space<vmem>>, vector<1x16xf32>,
        %get3A_2713 = vector.shape_cast %get3A_2712 : vector<1x16xf32> to vector<16xf32>
        %mul3A_2714 = arith.constant 8.000000e+00 : f32
        %mul3A_2715 = vector.broadcast %mul3A_2714 : f32 to vector<16xf32>
        %mul3A_2716 = arith.mulf %get3A_2713, %mul3A_2715 : vector<16xf32>
        %swap3A_2717 = arith.index_cast %add3A_2663 : i32 to index
        %swap3A_2718 = arith.constant 48 : index
        %swap3A_2719 = tpu.vector_load %arg11[%swap3A_2717, %swap3A_2718] {strides = array<i32>} : memref<200x64xf32, #tpu.memory_space<vmem>>, vector<1x16xf32>,
        %swap3A_2720 = vector.shape_cast %swap3A_2719 : vector<1x16xf32> to vector<16xf32>
        %swap3A_2721 = vector.shape_cast %mul3A_2716 : vector<16xf32> to vector<1x16xf32>
        tpu.vector_store %arg11[%swap3A_2717, %swap3A_2718], %swap3A_2721 {strides = array<i32>} : memref<200x64xf32, #tpu.memory_space<vmem>>, vector<1x16xf32>,
        %add3A_2722 = arith.constant 8 : i32
        %add3A_2723 = arith.addi %mul3A_2238, %add3A_2722 : i32
        %slice3A_2724 = vector.extract_strided_slice %get3A_2241 {offsets = [8], sizes = [1], strides = [1]} : vector<16xi32> to vector<1xi32>
        %squeeze3A_2725 = vector.extract %slice3A_2724[0] : i32 from vector<1xi32>
        %add3A_2726 = arith.constant 0 : i32
        %add3A_2727 = arith.addi %squeeze3A_2725, %add3A_2726 : i32
        %get3A_2728 = arith.index_cast %add3A_2723 : i32 to index
        %get3A_2729 = arith.index_cast %add3A_2727 : i32 to index
        %get3A_2730 = tpu.vector_load %arg9[%get3A_2728, %get3A_2729] {strides = array<i32>} : memref<200x128xf32, #tpu.memory_space<vmem>>, vector<1x16xf32>,
        %get3A_2731 = vector.shape_cast %get3A_2730 : vector<1x16xf32> to vector<16xf32>
        %mul3A_2732 = arith.constant 8.000000e+00 : f32
        %mul3A_2733 = vector.broadcast %mul3A_2732 : f32 to vector<16xf32>
        %mul3A_2734 = arith.mulf %get3A_2731, %mul3A_2733 : vector<16xf32>
        %swap3A_2735 = arith.index_cast %add3A_2723 : i32 to index
        %swap3A_2736 = arith.constant 0 : index
        %swap3A_2737 = tpu.vector_load %arg11[%swap3A_2735, %swap3A_2736] {strides = array<i32>} : memref<200x64xf32, #tpu.memory_space<vmem>>, vector<1x16xf32>,
        %swap3A_2738 = vector.shape_cast %swap3A_2737 : vector<1x16xf32> to vector<16xf32>
        %swap3A_2739 = vector.shape_cast %mul3A_2734 : vector<16xf32> to vector<1x16xf32>
        tpu.vector_store %arg11[%swap3A_2735, %swap3A_2736], %swap3A_2739 {strides = array<i32>} : memref<200x64xf32, #tpu.memory_space<vmem>>, vector<1x16xf32>,
        %add3A_2740 = arith.constant 16 : i32
        %add3A_2741 = arith.addi %squeeze3A_2725, %add3A_2740 : i32
        %get3A_2742 = arith.index_cast %add3A_2723 : i32 to index
        %get3A_2743 = arith.index_cast %add3A_2741 : i32 to index
        %get3A_2744 = tpu.vector_load %arg9[%get3A_2742, %get3A_2743] {strides = array<i32>} : memref<200x128xf32, #tpu.memory_space<vmem>>, vector<1x16xf32>,
        %get3A_2745 = vector.shape_cast %get3A_2744 : vector<1x16xf32> to vector<16xf32>
        %mul3A_2746 = arith.constant 8.000000e+00 : f32
        %mul3A_2747 = vector.broadcast %mul3A_2746 : f32 to vector<16xf32>
        %mul3A_2748 = arith.mulf %get3A_2745, %mul3A_2747 : vector<16xf32>
        %swap3A_2749 = arith.index_cast %add3A_2723 : i32 to index
        %swap3A_2750 = arith.constant 16 : index
        %swap3A_2751 = tpu.vector_load %arg11[%swap3A_2749, %swap3A_2750] {strides = array<i32>} : memref<200x64xf32, #tpu.memory_space<vmem>>, vector<1x16xf32>,
        %swap3A_2752 = vector.shape_cast %swap3A_2751 : vector<1x16xf32> to vector<16xf32>
        %swap3A_2753 = vector.shape_cast %mul3A_2748 : vector<16xf32> to vector<1x16xf32>
        tpu.vector_store %arg11[%swap3A_2749, %swap3A_2750], %swap3A_2753 {strides = array<i32>} : memref<200x64xf32, #tpu.memory_space<vmem>>, vector<1x16xf32>,
        %add3A_2754 = arith.constant 32 : i32
        %add3A_2755 = arith.addi %squeeze3A_2725, %add3A_2754 : i32
        %get3A_2756 = arith.index_cast %add3A_2723 : i32 to index
        %get3A_2757 = arith.index_cast %add3A_2755 : i32 to index
        %get3A_2758 = tpu.vector_load %arg9[%get3A_2756, %get3A_2757] {strides = array<i32>} : memref<200x128xf32, #tpu.memory_space<vmem>>, vector<1x16xf32>,
        %get3A_2759 = vector.shape_cast %get3A_2758 : vector<1x16xf32> to vector<16xf32>
        %mul3A_2760 = arith.constant 8.000000e+00 : f32
        %mul3A_2761 = vector.broadcast %mul3A_2760 : f32 to vector<16xf32>
        %mul3A_2762 = arith.mulf %get3A_2759, %mul3A_2761 : vector<16xf32>
        %swap3A_2763 = arith.index_cast %add3A_2723 : i32 to index
        %swap3A_2764 = arith.constant 32 : index
        %swap3A_2765 = tpu.vector_load %arg11[%swap3A_2763, %swap3A_2764] {strides = array<i32>} : memref<200x64xf32, #tpu.memory_space<vmem>>, vector<1x16xf32>,
        %swap3A_2766 = vector.shape_cast %swap3A_2765 : vector<1x16xf32> to vector<16xf32>
        %swap3A_2767 = vector.shape_cast %mul3A_2762 : vector<16xf32> to vector<1x16xf32>
        tpu.vector_store %arg11[%swap3A_2763, %swap3A_2764], %swap3A_2767 {strides = array<i32>} : memref<200x64xf32, #tpu.memory_space<vmem>>, vector<1x16xf32>,
        %add3A_2768 = arith.constant 48 : i32
        %add3A_2769 = arith.addi %squeeze3A_2725, %add3A_2768 : i32
        %get3A_2770 = arith.index_cast %add3A_2723 : i32 to index
        %get3A_2771 = arith.index_cast %add3A_2769 : i32 to index
        %get3A_2772 = tpu.vector_load %arg9[%get3A_2770, %get3A_2771] {strides = array<i32>} : memref<200x128xf32, #tpu.memory_space<vmem>>, vector<1x16xf32>,
        %get3A_2773 = vector.shape_cast %get3A_2772 : vector<1x16xf32> to vector<16xf32>
        %mul3A_2774 = arith.constant 8.000000e+00 : f32
        %mul3A_2775 = vector.broadcast %mul3A_2774 : f32 to vector<16xf32>
        %mul3A_2776 = arith.mulf %get3A_2773, %mul3A_2775 : vector<16xf32>
        %swap3A_2777 = arith.index_cast %add3A_2723 : i32 to index
        %swap3A_2778 = arith.constant 48 : index
        %swap3A_2779 = tpu.vector_load %arg11[%swap3A_2777, %swap3A_2778] {strides = array<i32>} : memref<200x64xf32, #tpu.memory_space<vmem>>, vector<1x16xf32>,
        %swap3A_2780 = vector.shape_cast %swap3A_2779 : vector<1x16xf32> to vector<16xf32>
        %swap3A_2781 = vector.shape_cast %mul3A_2776 : vector<16xf32> to vector<1x16xf32>
        tpu.vector_store %arg11[%swap3A_2777, %swap3A_2778], %swap3A_2781 {strides = array<i32>} : memref<200x64xf32, #tpu.memory_space<vmem>>, vector<1x16xf32>,
        %add3A_2782 = arith.constant 9 : i32
        %add3A_2783 = arith.addi %mul3A_2238, %add3A_2782 : i32
        %slice3A_2784 = vector.extract_strided_slice %get3A_2241 {offsets = [9], sizes = [1], strides = [1]} : vector<16xi32> to vector<1xi32>
        %squeeze3A_2785 = vector.extract %slice3A_2784[0] : i32 from vector<1xi32>
        %add3A_2786 = arith.constant 0 : i32
        %add3A_2787 = arith.addi %squeeze3A_2785, %add3A_2786 : i32
        %get3A_2788 = arith.index_cast %add3A_2783 : i32 to index
        %get3A_2789 = arith.index_cast %add3A_2787 : i32 to index
        %get3A_2790 = tpu.vector_load %arg9[%get3A_2788, %get3A_2789] {strides = array<i32>} : memref<200x128xf32, #tpu.memory_space<vmem>>, vector<1x16xf32>,
        %get3A_2791 = vector.shape_cast %get3A_2790 : vector<1x16xf32> to vector<16xf32>
        %mul3A_2792 = arith.constant 8.000000e+00 : f32
        %mul3A_2793 = vector.broadcast %mul3A_2792 : f32 to vector<16xf32>
        %mul3A_2794 = arith.mulf %get3A_2791, %mul3A_2793 : vector<16xf32>
        %swap3A_2795 = arith.index_cast %add3A_2783 : i32 to index
        %swap3A_2796 = arith.constant 0 : index
        %swap3A_2797 = tpu.vector_load %arg11[%swap3A_2795, %swap3A_2796] {strides = array<i32>} : memref<200x64xf32, #tpu.memory_space<vmem>>, vector<1x16xf32>,
        %swap3A_2798 = vector.shape_cast %swap3A_2797 : vector<1x16xf32> to vector<16xf32>
        %swap3A_2799 = vector.shape_cast %mul3A_2794 : vector<16xf32> to vector<1x16xf32>
        tpu.vector_store %arg11[%swap3A_2795, %swap3A_2796], %swap3A_2799 {strides = array<i32>} : memref<200x64xf32, #tpu.memory_space<vmem>>, vector<1x16xf32>,
        %add3A_2800 = arith.constant 16 : i32
        %add3A_2801 = arith.addi %squeeze3A_2785, %add3A_2800 : i32
        %get3A_2802 = arith.index_cast %add3A_2783 : i32 to index
        %get3A_2803 = arith.index_cast %add3A_2801 : i32 to index
        %get3A_2804 = tpu.vector_load %arg9[%get3A_2802, %get3A_2803] {strides = array<i32>} : memref<200x128xf32, #tpu.memory_space<vmem>>, vector<1x16xf32>,
        %get3A_2805 = vector.shape_cast %get3A_2804 : vector<1x16xf32> to vector<16xf32>
        %mul3A_2806 = arith.constant 8.000000e+00 : f32
        %mul3A_2807 = vector.broadcast %mul3A_2806 : f32 to vector<16xf32>
        %mul3A_2808 = arith.mulf %get3A_2805, %mul3A_2807 : vector<16xf32>
        %swap3A_2809 = arith.index_cast %add3A_2783 : i32 to index
        %swap3A_2810 = arith.constant 16 : index
        %swap3A_2811 = tpu.vector_load %arg11[%swap3A_2809, %swap3A_2810] {strides = array<i32>} : memref<200x64xf32, #tpu.memory_space<vmem>>, vector<1x16xf32>,
        %swap3A_2812 = vector.shape_cast %swap3A_2811 : vector<1x16xf32> to vector<16xf32>
        %swap3A_2813 = vector.shape_cast %mul3A_2808 : vector<16xf32> to vector<1x16xf32>
        tpu.vector_store %arg11[%swap3A_2809, %swap3A_2810], %swap3A_2813 {strides = array<i32>} : memref<200x64xf32, #tpu.memory_space<vmem>>, vector<1x16xf32>,
        %add3A_2814 = arith.constant 32 : i32
        %add3A_2815 = arith.addi %squeeze3A_2785, %add3A_2814 : i32
        %get3A_2816 = arith.index_cast %add3A_2783 : i32 to index
        %get3A_2817 = arith.index_cast %add3A_2815 : i32 to index
        %get3A_2818 = tpu.vector_load %arg9[%get3A_2816, %get3A_2817] {strides = array<i32>} : memref<200x128xf32, #tpu.memory_space<vmem>>, vector<1x16xf32>,
        %get3A_2819 = vector.shape_cast %get3A_2818 : vector<1x16xf32> to vector<16xf32>
        %mul3A_2820 = arith.constant 8.000000e+00 : f32
        %mul3A_2821 = vector.broadcast %mul3A_2820 : f32 to vector<16xf32>
        %mul3A_2822 = arith.mulf %get3A_2819, %mul3A_2821 : vector<16xf32>
        %swap3A_2823 = arith.index_cast %add3A_2783 : i32 to index
        %swap3A_2824 = arith.constant 32 : index
        %swap3A_2825 = tpu.vector_load %arg11[%swap3A_2823, %swap3A_2824] {strides = array<i32>} : memref<200x64xf32, #tpu.memory_space<vmem>>, vector<1x16xf32>,
        %swap3A_2826 = vector.shape_cast %swap3A_2825 : vector<1x16xf32> to vector<16xf32>
        %swap3A_2827 = vector.shape_cast %mul3A_2822 : vector<16xf32> to vector<1x16xf32>
        tpu.vector_store %arg11[%swap3A_2823, %swap3A_2824], %swap3A_2827 {strides = array<i32>} : memref<200x64xf32, #tpu.memory_space<vmem>>, vector<1x16xf32>,
        %add3A_2828 = arith.constant 48 : i32
        %add3A_2829 = arith.addi %squeeze3A_2785, %add3A_2828 : i32
        %get3A_2830 = arith.index_cast %add3A_2783 : i32 to index
        %get3A_2831 = arith.index_cast %add3A_2829 : i32 to index
        %get3A_2832 = tpu.vector_load %arg9[%get3A_2830, %get3A_2831] {strides = array<i32>} : memref<200x128xf32, #tpu.memory_space<vmem>>, vector<1x16xf32>,
        %get3A_2833 = vector.shape_cast %get3A_2832 : vector<1x16xf32> to vector<16xf32>
        %mul3A_2834 = arith.constant 8.000000e+00 : f32
        %mul3A_2835 = vector.broadcast %mul3A_2834 : f32 to vector<16xf32>
        %mul3A_2836 = arith.mulf %get3A_2833, %mul3A_2835 : vector<16xf32>
        %swap3A_2837 = arith.index_cast %add3A_2783 : i32 to index
        %swap3A_2838 = arith.constant 48 : index
        %swap3A_2839 = tpu.vector_load %arg11[%swap3A_2837, %swap3A_2838] {strides = array<i32>} : memref<200x64xf32, #tpu.memory_space<vmem>>, vector<1x16xf32>,
        %swap3A_2840 = vector.shape_cast %swap3A_2839 : vector<1x16xf32> to vector<16xf32>
        %swap3A_2841 = vector.shape_cast %mul3A_2836 : vector<16xf32> to vector<1x16xf32>
        tpu.vector_store %arg11[%swap3A_2837, %swap3A_2838], %swap3A_2841 {strides = array<i32>} : memref<200x64xf32, #tpu.memory_space<vmem>>, vector<1x16xf32>,
        %add3A_2842 = arith.constant 10 : i32
        %add3A_2843 = arith.addi %mul3A_2238, %add3A_2842 : i32
        %slice3A_2844 = vector.extract_strided_slice %get3A_2241 {offsets = [10], sizes = [1], strides = [1]} : vector<16xi32> to vector<1xi32>
        %squeeze3A_2845 = vector.extract %slice3A_2844[0] : i32 from vector<1xi32>
        %add3A_2846 = arith.constant 0 : i32
        %add3A_2847 = arith.addi %squeeze3A_2845, %add3A_2846 : i32
        %get3A_2848 = arith.index_cast %add3A_2843 : i32 to index
        %get3A_2849 = arith.index_cast %add3A_2847 : i32 to index
        %get3A_2850 = tpu.vector_load %arg9[%get3A_2848, %get3A_2849] {strides = array<i32>} : memref<200x128xf32, #tpu.memory_space<vmem>>, vector<1x16xf32>,
        %get3A_2851 = vector.shape_cast %get3A_2850 : vector<1x16xf32> to vector<16xf32>
        %mul3A_2852 = arith.constant 8.000000e+00 : f32
        %mul3A_2853 = vector.broadcast %mul3A_2852 : f32 to vector<16xf32>
        %mul3A_2854 = arith.mulf %get3A_2851, %mul3A_2853 : vector<16xf32>
        %swap3A_2855 = arith.index_cast %add3A_2843 : i32 to index
        %swap3A_2856 = arith.constant 0 : index
        %swap3A_2857 = tpu.vector_load %arg11[%swap3A_2855, %swap3A_2856] {strides = array<i32>} : memref<200x64xf32, #tpu.memory_space<vmem>>, vector<1x16xf32>,
        %swap3A_2858 = vector.shape_cast %swap3A_2857 : vector<1x16xf32> to vector<16xf32>
        %swap3A_2859 = vector.shape_cast %mul3A_2854 : vector<16xf32> to vector<1x16xf32>
        tpu.vector_store %arg11[%swap3A_2855, %swap3A_2856], %swap3A_2859 {strides = array<i32>} : memref<200x64xf32, #tpu.memory_space<vmem>>, vector<1x16xf32>,
        %add3A_2860 = arith.constant 16 : i32
        %add3A_2861 = arith.addi %squeeze3A_2845, %add3A_2860 : i32
        %get3A_2862 = arith.index_cast %add3A_2843 : i32 to index
        %get3A_2863 = arith.index_cast %add3A_2861 : i32 to index
        %get3A_2864 = tpu.vector_load %arg9[%get3A_2862, %get3A_2863] {strides = array<i32>} : memref<200x128xf32, #tpu.memory_space<vmem>>, vector<1x16xf32>,
        %get3A_2865 = vector.shape_cast %get3A_2864 : vector<1x16xf32> to vector<16xf32>
        %mul3A_2866 = arith.constant 8.000000e+00 : f32
        %mul3A_2867 = vector.broadcast %mul3A_2866 : f32 to vector<16xf32>
        %mul3A_2868 = arith.mulf %get3A_2865, %mul3A_2867 : vector<16xf32>
        %swap3A_2869 = arith.index_cast %add3A_2843 : i32 to index
        %swap3A_2870 = arith.constant 16 : index
        %swap3A_2871 = tpu.vector_load %arg11[%swap3A_2869, %swap3A_2870] {strides = array<i32>} : memref<200x64xf32, #tpu.memory_space<vmem>>, vector<1x16xf32>,
        %swap3A_2872 = vector.shape_cast %swap3A_2871 : vector<1x16xf32> to vector<16xf32>
        %swap3A_2873 = vector.shape_cast %mul3A_2868 : vector<16xf32> to vector<1x16xf32>
        tpu.vector_store %arg11[%swap3A_2869, %swap3A_2870], %swap3A_2873 {strides = array<i32>} : memref<200x64xf32, #tpu.memory_space<vmem>>, vector<1x16xf32>,
        %add3A_2874 = arith.constant 32 : i32
        %add3A_2875 = arith.addi %squeeze3A_2845, %add3A_2874 : i32
        %get3A_2876 = arith.index_cast %add3A_2843 : i32 to index
        %get3A_2877 = arith.index_cast %add3A_2875 : i32 to index
        %get3A_2878 = tpu.vector_load %arg9[%get3A_2876, %get3A_2877] {strides = array<i32>} : memref<200x128xf32, #tpu.memory_space<vmem>>, vector<1x16xf32>,
        %get3A_2879 = vector.shape_cast %get3A_2878 : vector<1x16xf32> to vector<16xf32>
        %mul3A_2880 = arith.constant 8.000000e+00 : f32
        %mul3A_2881 = vector.broadcast %mul3A_2880 : f32 to vector<16xf32>
        %mul3A_2882 = arith.mulf %get3A_2879, %mul3A_2881 : vector<16xf32>
        %swap3A_2883 = arith.index_cast %add3A_2843 : i32 to index
        %swap3A_2884 = arith.constant 32 : index
        %swap3A_2885 = tpu.vector_load %arg11[%swap3A_2883, %swap3A_2884] {strides = array<i32>} : memref<200x64xf32, #tpu.memory_space<vmem>>, vector<1x16xf32>,
        %swap3A_2886 = vector.shape_cast %swap3A_2885 : vector<1x16xf32> to vector<16xf32>
        %swap3A_2887 = vector.shape_cast %mul3A_2882 : vector<16xf32> to vector<1x16xf32>
        tpu.vector_store %arg11[%swap3A_2883, %swap3A_2884], %swap3A_2887 {strides = array<i32>} : memref<200x64xf32, #tpu.memory_space<vmem>>, vector<1x16xf32>,
        %add3A_2888 = arith.constant 48 : i32
        %add3A_2889 = arith.addi %squeeze3A_2845, %add3A_2888 : i32
        %get3A_2890 = arith.index_cast %add3A_2843 : i32 to index
        %get3A_2891 = arith.index_cast %add3A_2889 : i32 to index
        %get3A_2892 = tpu.vector_load %arg9[%get3A_2890, %get3A_2891] {strides = array<i32>} : memref<200x128xf32, #tpu.memory_space<vmem>>, vector<1x16xf32>,
        %get3A_2893 = vector.shape_cast %get3A_2892 : vector<1x16xf32> to vector<16xf32>
        %mul3A_2894 = arith.constant 8.000000e+00 : f32
        %mul3A_2895 = vector.broadcast %mul3A_2894 : f32 to vector<16xf32>
        %mul3A_2896 = arith.mulf %get3A_2893, %mul3A_2895 : vector<16xf32>
        %swap3A_2897 = arith.index_cast %add3A_2843 : i32 to index
        %swap3A_2898 = arith.constant 48 : index
        %swap3A_2899 = tpu.vector_load %arg11[%swap3A_2897, %swap3A_2898] {strides = array<i32>} : memref<200x64xf32, #tpu.memory_space<vmem>>, vector<1x16xf32>,
        %swap3A_2900 = vector.shape_cast %swap3A_2899 : vector<1x16xf32> to vector<16xf32>
        %swap3A_2901 = vector.shape_cast %mul3A_2896 : vector<16xf32> to vector<1x16xf32>
        tpu.vector_store %arg11[%swap3A_2897, %swap3A_2898], %swap3A_2901 {strides = array<i32>} : memref<200x64xf32, #tpu.memory_space<vmem>>, vector<1x16xf32>,
        %add3A_2902 = arith.constant 11 : i32
        %add3A_2903 = arith.addi %mul3A_2238, %add3A_2902 : i32
        %slice3A_2904 = vector.extract_strided_slice %get3A_2241 {offsets = [11], sizes = [1], strides = [1]} : vector<16xi32> to vector<1xi32>
        %squeeze3A_2905 = vector.extract %slice3A_2904[0] : i32 from vector<1xi32>
        %add3A_2906 = arith.constant 0 : i32
        %add3A_2907 = arith.addi %squeeze3A_2905, %add3A_2906 : i32
        %get3A_2908 = arith.index_cast %add3A_2903 : i32 to index
        %get3A_2909 = arith.index_cast %add3A_2907 : i32 to index
        %get3A_2910 = tpu.vector_load %arg9[%get3A_2908, %get3A_2909] {strides = array<i32>} : memref<200x128xf32, #tpu.memory_space<vmem>>, vector<1x16xf32>,
        %get3A_2911 = vector.shape_cast %get3A_2910 : vector<1x16xf32> to vector<16xf32>
        %mul3A_2912 = arith.constant 8.000000e+00 : f32
        %mul3A_2913 = vector.broadcast %mul3A_2912 : f32 to vector<16xf32>
        %mul3A_2914 = arith.mulf %get3A_2911, %mul3A_2913 : vector<16xf32>
        %swap3A_2915 = arith.index_cast %add3A_2903 : i32 to index
        %swap3A_2916 = arith.constant 0 : index
        %swap3A_2917 = tpu.vector_load %arg11[%swap3A_2915, %swap3A_2916] {strides = array<i32>} : memref<200x64xf32, #tpu.memory_space<vmem>>, vector<1x16xf32>,
        %swap3A_2918 = vector.shape_cast %swap3A_2917 : vector<1x16xf32> to vector<16xf32>
        %swap3A_2919 = vector.shape_cast %mul3A_2914 : vector<16xf32> to vector<1x16xf32>
        tpu.vector_store %arg11[%swap3A_2915, %swap3A_2916], %swap3A_2919 {strides = array<i32>} : memref<200x64xf32, #tpu.memory_space<vmem>>, vector<1x16xf32>,
        %add3A_2920 = arith.constant 16 : i32
        %add3A_2921 = arith.addi %squeeze3A_2905, %add3A_2920 : i32
        %get3A_2922 = arith.index_cast %add3A_2903 : i32 to index
        %get3A_2923 = arith.index_cast %add3A_2921 : i32 to index
        %get3A_2924 = tpu.vector_load %arg9[%get3A_2922, %get3A_2923] {strides = array<i32>} : memref<200x128xf32, #tpu.memory_space<vmem>>, vector<1x16xf32>,
        %get3A_2925 = vector.shape_cast %get3A_2924 : vector<1x16xf32> to vector<16xf32>
        %mul3A_2926 = arith.constant 8.000000e+00 : f32
        %mul3A_2927 = vector.broadcast %mul3A_2926 : f32 to vector<16xf32>
        %mul3A_2928 = arith.mulf %get3A_2925, %mul3A_2927 : vector<16xf32>
        %swap3A_2929 = arith.index_cast %add3A_2903 : i32 to index
        %swap3A_2930 = arith.constant 16 : index
        %swap3A_2931 = tpu.vector_load %arg11[%swap3A_2929, %swap3A_2930] {strides = array<i32>} : memref<200x64xf32, #tpu.memory_space<vmem>>, vector<1x16xf32>,
        %swap3A_2932 = vector.shape_cast %swap3A_2931 : vector<1x16xf32> to vector<16xf32>
        %swap3A_2933 = vector.shape_cast %mul3A_2928 : vector<16xf32> to vector<1x16xf32>
        tpu.vector_store %arg11[%swap3A_2929, %swap3A_2930], %swap3A_2933 {strides = array<i32>} : memref<200x64xf32, #tpu.memory_space<vmem>>, vector<1x16xf32>,
        %add3A_2934 = arith.constant 32 : i32
        %add3A_2935 = arith.addi %squeeze3A_2905, %add3A_2934 : i32
        %get3A_2936 = arith.index_cast %add3A_2903 : i32 to index
        %get3A_2937 = arith.index_cast %add3A_2935 : i32 to index
        %get3A_2938 = tpu.vector_load %arg9[%get3A_2936, %get3A_2937] {strides = array<i32>} : memref<200x128xf32, #tpu.memory_space<vmem>>, vector<1x16xf32>,
        %get3A_2939 = vector.shape_cast %get3A_2938 : vector<1x16xf32> to vector<16xf32>
        %mul3A_2940 = arith.constant 8.000000e+00 : f32
        %mul3A_2941 = vector.broadcast %mul3A_2940 : f32 to vector<16xf32>
        %mul3A_2942 = arith.mulf %get3A_2939, %mul3A_2941 : vector<16xf32>
        %swap3A_2943 = arith.index_cast %add3A_2903 : i32 to index
        %swap3A_2944 = arith.constant 32 : index
        %swap3A_2945 = tpu.vector_load %arg11[%swap3A_2943, %swap3A_2944] {strides = array<i32>} : memref<200x64xf32, #tpu.memory_space<vmem>>, vector<1x16xf32>,
        %swap3A_2946 = vector.shape_cast %swap3A_2945 : vector<1x16xf32> to vector<16xf32>
        %swap3A_2947 = vector.shape_cast %mul3A_2942 : vector<16xf32> to vector<1x16xf32>
        tpu.vector_store %arg11[%swap3A_2943, %swap3A_2944], %swap3A_2947 {strides = array<i32>} : memref<200x64xf32, #tpu.memory_space<vmem>>, vector<1x16xf32>,
        %add3A_2948 = arith.constant 48 : i32
        %add3A_2949 = arith.addi %squeeze3A_2905, %add3A_2948 : i32
        %get3A_2950 = arith.index_cast %add3A_2903 : i32 to index
        %get3A_2951 = arith.index_cast %add3A_2949 : i32 to index
        %get3A_2952 = tpu.vector_load %arg9[%get3A_2950, %get3A_2951] {strides = array<i32>} : memref<200x128xf32, #tpu.memory_space<vmem>>, vector<1x16xf32>,
        %get3A_2953 = vector.shape_cast %get3A_2952 : vector<1x16xf32> to vector<16xf32>
        %mul3A_2954 = arith.constant 8.000000e+00 : f32
        %mul3A_2955 = vector.broadcast %mul3A_2954 : f32 to vector<16xf32>
        %mul3A_2956 = arith.mulf %get3A_2953, %mul3A_2955 : vector<16xf32>
        %swap3A_2957 = arith.index_cast %add3A_2903 : i32 to index
        %swap3A_2958 = arith.constant 48 : index
        %swap3A_2959 = tpu.vector_load %arg11[%swap3A_2957, %swap3A_2958] {strides = array<i32>} : memref<200x64xf32, #tpu.memory_space<vmem>>, vector<1x16xf32>,
        %swap3A_2960 = vector.shape_cast %swap3A_2959 : vector<1x16xf32> to vector<16xf32>
        %swap3A_2961 = vector.shape_cast %mul3A_2956 : vector<16xf32> to vector<1x16xf32>
        tpu.vector_store %arg11[%swap3A_2957, %swap3A_2958], %swap3A_2961 {strides = array<i32>} : memref<200x64xf32, #tpu.memory_space<vmem>>, vector<1x16xf32>,
        %add3A_2962 = arith.constant 12 : i32
        %add3A_2963 = arith.addi %mul3A_2238, %add3A_2962 : i32
        %slice3A_2964 = vector.extract_strided_slice %get3A_2241 {offsets = [12], sizes = [1], strides = [1]} : vector<16xi32> to vector<1xi32>
        %squeeze3A_2965 = vector.extract %slice3A_2964[0] : i32 from vector<1xi32>
        %add3A_2966 = arith.constant 0 : i32
        %add3A_2967 = arith.addi %squeeze3A_2965, %add3A_2966 : i32
        %get3A_2968 = arith.index_cast %add3A_2963 : i32 to index
        %get3A_2969 = arith.index_cast %add3A_2967 : i32 to index
        %get3A_2970 = tpu.vector_load %arg9[%get3A_2968, %get3A_2969] {strides = array<i32>} : memref<200x128xf32, #tpu.memory_space<vmem>>, vector<1x16xf32>,
        %get3A_2971 = vector.shape_cast %get3A_2970 : vector<1x16xf32> to vector<16xf32>
        %mul3A_2972 = arith.constant 8.000000e+00 : f32
        %mul3A_2973 = vector.broadcast %mul3A_2972 : f32 to vector<16xf32>
        %mul3A_2974 = arith.mulf %get3A_2971, %mul3A_2973 : vector<16xf32>
        %swap3A_2975 = arith.index_cast %add3A_2963 : i32 to index
        %swap3A_2976 = arith.constant 0 : index
        %swap3A_2977 = tpu.vector_load %arg11[%swap3A_2975, %swap3A_2976] {strides = array<i32>} : memref<200x64xf32, #tpu.memory_space<vmem>>, vector<1x16xf32>,
        %swap3A_2978 = vector.shape_cast %swap3A_2977 : vector<1x16xf32> to vector<16xf32>
        %swap3A_2979 = vector.shape_cast %mul3A_2974 : vector<16xf32> to vector<1x16xf32>
        tpu.vector_store %arg11[%swap3A_2975, %swap3A_2976], %swap3A_2979 {strides = array<i32>} : memref<200x64xf32, #tpu.memory_space<vmem>>, vector<1x16xf32>,
        %add3A_2980 = arith.constant 16 : i32
        %add3A_2981 = arith.addi %squeeze3A_2965, %add3A_2980 : i32
        %get3A_2982 = arith.index_cast %add3A_2963 : i32 to index
        %get3A_2983 = arith.index_cast %add3A_2981 : i32 to index
        %get3A_2984 = tpu.vector_load %arg9[%get3A_2982, %get3A_2983] {strides = array<i32>} : memref<200x128xf32, #tpu.memory_space<vmem>>, vector<1x16xf32>,
        %get3A_2985 = vector.shape_cast %get3A_2984 : vector<1x16xf32> to vector<16xf32>
        %mul3A_2986 = arith.constant 8.000000e+00 : f32
        %mul3A_2987 = vector.broadcast %mul3A_2986 : f32 to vector<16xf32>
        %mul3A_2988 = arith.mulf %get3A_2985, %mul3A_2987 : vector<16xf32>
        %swap3A_2989 = arith.index_cast %add3A_2963 : i32 to index
        %swap3A_2990 = arith.constant 16 : index
        %swap3A_2991 = tpu.vector_load %arg11[%swap3A_2989, %swap3A_2990] {strides = array<i32>} : memref<200x64xf32, #tpu.memory_space<vmem>>, vector<1x16xf32>,
        %swap3A_2992 = vector.shape_cast %swap3A_2991 : vector<1x16xf32> to vector<16xf32>
        %swap3A_2993 = vector.shape_cast %mul3A_2988 : vector<16xf32> to vector<1x16xf32>
        tpu.vector_store %arg11[%swap3A_2989, %swap3A_2990], %swap3A_2993 {strides = array<i32>} : memref<200x64xf32, #tpu.memory_space<vmem>>, vector<1x16xf32>,
        %add3A_2994 = arith.constant 32 : i32
        %add3A_2995 = arith.addi %squeeze3A_2965, %add3A_2994 : i32
        %get3A_2996 = arith.index_cast %add3A_2963 : i32 to index
        %get3A_2997 = arith.index_cast %add3A_2995 : i32 to index
        %get3A_2998 = tpu.vector_load %arg9[%get3A_2996, %get3A_2997] {strides = array<i32>} : memref<200x128xf32, #tpu.memory_space<vmem>>, vector<1x16xf32>,
        %get3A_2999 = vector.shape_cast %get3A_2998 : vector<1x16xf32> to vector<16xf32>
        %mul3A_3000 = arith.constant 8.000000e+00 : f32
        %mul3A_3001 = vector.broadcast %mul3A_3000 : f32 to vector<16xf32>
        %mul3A_3002 = arith.mulf %get3A_2999, %mul3A_3001 : vector<16xf32>
        %swap3A_3003 = arith.index_cast %add3A_2963 : i32 to index
        %swap3A_3004 = arith.constant 32 : index
        %swap3A_3005 = tpu.vector_load %arg11[%swap3A_3003, %swap3A_3004] {strides = array<i32>} : memref<200x64xf32, #tpu.memory_space<vmem>>, vector<1x16xf32>,
        %swap3A_3006 = vector.shape_cast %swap3A_3005 : vector<1x16xf32> to vector<16xf32>
        %swap3A_3007 = vector.shape_cast %mul3A_3002 : vector<16xf32> to vector<1x16xf32>
        tpu.vector_store %arg11[%swap3A_3003, %swap3A_3004], %swap3A_3007 {strides = array<i32>} : memref<200x64xf32, #tpu.memory_space<vmem>>, vector<1x16xf32>,
        %add3A_3008 = arith.constant 48 : i32
        %add3A_3009 = arith.addi %squeeze3A_2965, %add3A_3008 : i32
        %get3A_3010 = arith.index_cast %add3A_2963 : i32 to index
        %get3A_3011 = arith.index_cast %add3A_3009 : i32 to index
        %get3A_3012 = tpu.vector_load %arg9[%get3A_3010, %get3A_3011] {strides = array<i32>} : memref<200x128xf32, #tpu.memory_space<vmem>>, vector<1x16xf32>,
        %get3A_3013 = vector.shape_cast %get3A_3012 : vector<1x16xf32> to vector<16xf32>
        %mul3A_3014 = arith.constant 8.000000e+00 : f32
        %mul3A_3015 = vector.broadcast %mul3A_3014 : f32 to vector<16xf32>
        %mul3A_3016 = arith.mulf %get3A_3013, %mul3A_3015 : vector<16xf32>
        %swap3A_3017 = arith.index_cast %add3A_2963 : i32 to index
        %swap3A_3018 = arith.constant 48 : index
        %swap3A_3019 = tpu.vector_load %arg11[%swap3A_3017, %swap3A_3018] {strides = array<i32>} : memref<200x64xf32, #tpu.memory_space<vmem>>, vector<1x16xf32>,
        %swap3A_3020 = vector.shape_cast %swap3A_3019 : vector<1x16xf32> to vector<16xf32>
        %swap3A_3021 = vector.shape_cast %mul3A_3016 : vector<16xf32> to vector<1x16xf32>
        tpu.vector_store %arg11[%swap3A_3017, %swap3A_3018], %swap3A_3021 {strides = array<i32>} : memref<200x64xf32, #tpu.memory_space<vmem>>, vector<1x16xf32>,
        %add3A_3022 = arith.constant 13 : i32
        %add3A_3023 = arith.addi %mul3A_2238, %add3A_3022 : i32
        %slice3A_3024 = vector.extract_strided_slice %get3A_2241 {offsets = [13], sizes = [1], strides = [1]} : vector<16xi32> to vector<1xi32>
        %squeeze3A_3025 = vector.extract %slice3A_3024[0] : i32 from vector<1xi32>
        %add3A_3026 = arith.constant 0 : i32
        %add3A_3027 = arith.addi %squeeze3A_3025, %add3A_3026 : i32
        %get3A_3028 = arith.index_cast %add3A_3023 : i32 to index
        %get3A_3029 = arith.index_cast %add3A_3027 : i32 to index
        %get3A_3030 = tpu.vector_load %arg9[%get3A_3028, %get3A_3029] {strides = array<i32>} : memref<200x128xf32, #tpu.memory_space<vmem>>, vector<1x16xf32>,
        %get3A_3031 = vector.shape_cast %get3A_3030 : vector<1x16xf32> to vector<16xf32>
        %mul3A_3032 = arith.constant 8.000000e+00 : f32
        %mul3A_3033 = vector.broadcast %mul3A_3032 : f32 to vector<16xf32>
        %mul3A_3034 = arith.mulf %get3A_3031, %mul3A_3033 : vector<16xf32>
        %swap3A_3035 = arith.index_cast %add3A_3023 : i32 to index
        %swap3A_3036 = arith.constant 0 : index
        %swap3A_3037 = tpu.vector_load %arg11[%swap3A_3035, %swap3A_3036] {strides = array<i32>} : memref<200x64xf32, #tpu.memory_space<vmem>>, vector<1x16xf32>,
        %swap3A_3038 = vector.shape_cast %swap3A_3037 : vector<1x16xf32> to vector<16xf32>
        %swap3A_3039 = vector.shape_cast %mul3A_3034 : vector<16xf32> to vector<1x16xf32>
        tpu.vector_store %arg11[%swap3A_3035, %swap3A_3036], %swap3A_3039 {strides = array<i32>} : memref<200x64xf32, #tpu.memory_space<vmem>>, vector<1x16xf32>,
        %add3A_3040 = arith.constant 16 : i32
        %add3A_3041 = arith.addi %squeeze3A_3025, %add3A_3040 : i32
        %get3A_3042 = arith.index_cast %add3A_3023 : i32 to index
        %get3A_3043 = arith.index_cast %add3A_3041 : i32 to index
        %get3A_3044 = tpu.vector_load %arg9[%get3A_3042, %get3A_3043] {strides = array<i32>} : memref<200x128xf32, #tpu.memory_space<vmem>>, vector<1x16xf32>,
        %get3A_3045 = vector.shape_cast %get3A_3044 : vector<1x16xf32> to vector<16xf32>
        %mul3A_3046 = arith.constant 8.000000e+00 : f32
        %mul3A_3047 = vector.broadcast %mul3A_3046 : f32 to vector<16xf32>
        %mul3A_3048 = arith.mulf %get3A_3045, %mul3A_3047 : vector<16xf32>
        %swap3A_3049 = arith.index_cast %add3A_3023 : i32 to index
        %swap3A_3050 = arith.constant 16 : index
        %swap3A_3051 = tpu.vector_load %arg11[%swap3A_3049, %swap3A_3050] {strides = array<i32>} : memref<200x64xf32, #tpu.memory_space<vmem>>, vector<1x16xf32>,
        %swap3A_3052 = vector.shape_cast %swap3A_3051 : vector<1x16xf32> to vector<16xf32>
        %swap3A_3053 = vector.shape_cast %mul3A_3048 : vector<16xf32> to vector<1x16xf32>
        tpu.vector_store %arg11[%swap3A_3049, %swap3A_3050], %swap3A_3053 {strides = array<i32>} : memref<200x64xf32, #tpu.memory_space<vmem>>, vector<1x16xf32>,
        %add3A_3054 = arith.constant 32 : i32
        %add3A_3055 = arith.addi %squeeze3A_3025, %add3A_3054 : i32
        %get3A_3056 = arith.index_cast %add3A_3023 : i32 to index
        %get3A_3057 = arith.index_cast %add3A_3055 : i32 to index
        %get3A_3058 = tpu.vector_load %arg9[%get3A_3056, %get3A_3057] {strides = array<i32>} : memref<200x128xf32, #tpu.memory_space<vmem>>, vector<1x16xf32>,
        %get3A_3059 = vector.shape_cast %get3A_3058 : vector<1x16xf32> to vector<16xf32>
        %mul3A_3060 = arith.constant 8.000000e+00 : f32
        %mul3A_3061 = vector.broadcast %mul3A_3060 : f32 to vector<16xf32>
        %mul3A_3062 = arith.mulf %get3A_3059, %mul3A_3061 : vector<16xf32>
        %swap3A_3063 = arith.index_cast %add3A_3023 : i32 to index
        %swap3A_3064 = arith.constant 32 : index
        %swap3A_3065 = tpu.vector_load %arg11[%swap3A_3063, %swap3A_3064] {strides = array<i32>} : memref<200x64xf32, #tpu.memory_space<vmem>>, vector<1x16xf32>,
        %swap3A_3066 = vector.shape_cast %swap3A_3065 : vector<1x16xf32> to vector<16xf32>
        %swap3A_3067 = vector.shape_cast %mul3A_3062 : vector<16xf32> to vector<1x16xf32>
        tpu.vector_store %arg11[%swap3A_3063, %swap3A_3064], %swap3A_3067 {strides = array<i32>} : memref<200x64xf32, #tpu.memory_space<vmem>>, vector<1x16xf32>,
        %add3A_3068 = arith.constant 48 : i32
        %add3A_3069 = arith.addi %squeeze3A_3025, %add3A_3068 : i32
        %get3A_3070 = arith.index_cast %add3A_3023 : i32 to index
        %get3A_3071 = arith.index_cast %add3A_3069 : i32 to index
        %get3A_3072 = tpu.vector_load %arg9[%get3A_3070, %get3A_3071] {strides = array<i32>} : memref<200x128xf32, #tpu.memory_space<vmem>>, vector<1x16xf32>,
        %get3A_3073 = vector.shape_cast %get3A_3072 : vector<1x16xf32> to vector<16xf32>
        %mul3A_3074 = arith.constant 8.000000e+00 : f32
        %mul3A_3075 = vector.broadcast %mul3A_3074 : f32 to vector<16xf32>
        %mul3A_3076 = arith.mulf %get3A_3073, %mul3A_3075 : vector<16xf32>
        %swap3A_3077 = arith.index_cast %add3A_3023 : i32 to index
        %swap3A_3078 = arith.constant 48 : index
        %swap3A_3079 = tpu.vector_load %arg11[%swap3A_3077, %swap3A_3078] {strides = array<i32>} : memref<200x64xf32, #tpu.memory_space<vmem>>, vector<1x16xf32>,
        %swap3A_3080 = vector.shape_cast %swap3A_3079 : vector<1x16xf32> to vector<16xf32>
        %swap3A_3081 = vector.shape_cast %mul3A_3076 : vector<16xf32> to vector<1x16xf32>
        tpu.vector_store %arg11[%swap3A_3077, %swap3A_3078], %swap3A_3081 {strides = array<i32>} : memref<200x64xf32, #tpu.memory_space<vmem>>, vector<1x16xf32>,
        %add3A_3082 = arith.constant 14 : i32
        %add3A_3083 = arith.addi %mul3A_2238, %add3A_3082 : i32
        %slice3A_3084 = vector.extract_strided_slice %get3A_2241 {offsets = [14], sizes = [1], strides = [1]} : vector<16xi32> to vector<1xi32>
        %squeeze3A_3085 = vector.extract %slice3A_3084[0] : i32 from vector<1xi32>
        %add3A_3086 = arith.constant 0 : i32
        %add3A_3087 = arith.addi %squeeze3A_3085, %add3A_3086 : i32
        %get3A_3088 = arith.index_cast %add3A_3083 : i32 to index
        %get3A_3089 = arith.index_cast %add3A_3087 : i32 to index
        %get3A_3090 = tpu.vector_load %arg9[%get3A_3088, %get3A_3089] {strides = array<i32>} : memref<200x128xf32, #tpu.memory_space<vmem>>, vector<1x16xf32>,
        %get3A_3091 = vector.shape_cast %get3A_3090 : vector<1x16xf32> to vector<16xf32>
        %mul3A_3092 = arith.constant 8.000000e+00 : f32
        %mul3A_3093 = vector.broadcast %mul3A_3092 : f32 to vector<16xf32>
        %mul3A_3094 = arith.mulf %get3A_3091, %mul3A_3093 : vector<16xf32>
        %swap3A_3095 = arith.index_cast %add3A_3083 : i32 to index
        %swap3A_3096 = arith.constant 0 : index
        %swap3A_3097 = tpu.vector_load %arg11[%swap3A_3095, %swap3A_3096] {strides = array<i32>} : memref<200x64xf32, #tpu.memory_space<vmem>>, vector<1x16xf32>,
        %swap3A_3098 = vector.shape_cast %swap3A_3097 : vector<1x16xf32> to vector<16xf32>
        %swap3A_3099 = vector.shape_cast %mul3A_3094 : vector<16xf32> to vector<1x16xf32>
        tpu.vector_store %arg11[%swap3A_3095, %swap3A_3096], %swap3A_3099 {strides = array<i32>} : memref<200x64xf32, #tpu.memory_space<vmem>>, vector<1x16xf32>,
        %add3A_3100 = arith.constant 16 : i32
        %add3A_3101 = arith.addi %squeeze3A_3085, %add3A_3100 : i32
        %get3A_3102 = arith.index_cast %add3A_3083 : i32 to index
        %get3A_3103 = arith.index_cast %add3A_3101 : i32 to index
        %get3A_3104 = tpu.vector_load %arg9[%get3A_3102, %get3A_3103] {strides = array<i32>} : memref<200x128xf32, #tpu.memory_space<vmem>>, vector<1x16xf32>,
        %get3A_3105 = vector.shape_cast %get3A_3104 : vector<1x16xf32> to vector<16xf32>
        %mul3A_3106 = arith.constant 8.000000e+00 : f32
        %mul3A_3107 = vector.broadcast %mul3A_3106 : f32 to vector<16xf32>
        %mul3A_3108 = arith.mulf %get3A_3105, %mul3A_3107 : vector<16xf32>
        %swap3A_3109 = arith.index_cast %add3A_3083 : i32 to index
        %swap3A_3110 = arith.constant 16 : index
        %swap3A_3111 = tpu.vector_load %arg11[%swap3A_3109, %swap3A_3110] {strides = array<i32>} : memref<200x64xf32, #tpu.memory_space<vmem>>, vector<1x16xf32>,
        %swap3A_3112 = vector.shape_cast %swap3A_3111 : vector<1x16xf32> to vector<16xf32>
        %swap3A_3113 = vector.shape_cast %mul3A_3108 : vector<16xf32> to vector<1x16xf32>
        tpu.vector_store %arg11[%swap3A_3109, %swap3A_3110], %swap3A_3113 {strides = array<i32>} : memref<200x64xf32, #tpu.memory_space<vmem>>, vector<1x16xf32>,
        %add3A_3114 = arith.constant 32 : i32
        %add3A_3115 = arith.addi %squeeze3A_3085, %add3A_3114 : i32
        %get3A_3116 = arith.index_cast %add3A_3083 : i32 to index
        %get3A_3117 = arith.index_cast %add3A_3115 : i32 to index
        %get3A_3118 = tpu.vector_load %arg9[%get3A_3116, %get3A_3117] {strides = array<i32>} : memref<200x128xf32, #tpu.memory_space<vmem>>, vector<1x16xf32>,
        %get3A_3119 = vector.shape_cast %get3A_3118 : vector<1x16xf32> to vector<16xf32>
        %mul3A_3120 = arith.constant 8.000000e+00 : f32
        %mul3A_3121 = vector.broadcast %mul3A_3120 : f32 to vector<16xf32>
        %mul3A_3122 = arith.mulf %get3A_3119, %mul3A_3121 : vector<16xf32>
        %swap3A_3123 = arith.index_cast %add3A_3083 : i32 to index
        %swap3A_3124 = arith.constant 32 : index
        %swap3A_3125 = tpu.vector_load %arg11[%swap3A_3123, %swap3A_3124] {strides = array<i32>} : memref<200x64xf32, #tpu.memory_space<vmem>>, vector<1x16xf32>,
        %swap3A_3126 = vector.shape_cast %swap3A_3125 : vector<1x16xf32> to vector<16xf32>
        %swap3A_3127 = vector.shape_cast %mul3A_3122 : vector<16xf32> to vector<1x16xf32>
        tpu.vector_store %arg11[%swap3A_3123, %swap3A_3124], %swap3A_3127 {strides = array<i32>} : memref<200x64xf32, #tpu.memory_space<vmem>>, vector<1x16xf32>,
        %add3A_3128 = arith.constant 48 : i32
        %add3A_3129 = arith.addi %squeeze3A_3085, %add3A_3128 : i32
        %get3A_3130 = arith.index_cast %add3A_3083 : i32 to index
        %get3A_3131 = arith.index_cast %add3A_3129 : i32 to index
        %get3A_3132 = tpu.vector_load %arg9[%get3A_3130, %get3A_3131] {strides = array<i32>} : memref<200x128xf32, #tpu.memory_space<vmem>>, vector<1x16xf32>,
        %get3A_3133 = vector.shape_cast %get3A_3132 : vector<1x16xf32> to vector<16xf32>
        %mul3A_3134 = arith.constant 8.000000e+00 : f32
        %mul3A_3135 = vector.broadcast %mul3A_3134 : f32 to vector<16xf32>
        %mul3A_3136 = arith.mulf %get3A_3133, %mul3A_3135 : vector<16xf32>
        %swap3A_3137 = arith.index_cast %add3A_3083 : i32 to index
        %swap3A_3138 = arith.constant 48 : index
        %swap3A_3139 = tpu.vector_load %arg11[%swap3A_3137, %swap3A_3138] {strides = array<i32>} : memref<200x64xf32, #tpu.memory_space<vmem>>, vector<1x16xf32>,
        %swap3A_3140 = vector.shape_cast %swap3A_3139 : vector<1x16xf32> to vector<16xf32>
        %swap3A_3141 = vector.shape_cast %mul3A_3136 : vector<16xf32> to vector<1x16xf32>
        tpu.vector_store %arg11[%swap3A_3137, %swap3A_3138], %swap3A_3141 {strides = array<i32>} : memref<200x64xf32, #tpu.memory_space<vmem>>, vector<1x16xf32>,
        %add3A_3142 = arith.constant 15 : i32
        %add3A_3143 = arith.addi %mul3A_2238, %add3A_3142 : i32
        %slice3A_3144 = vector.extract_strided_slice %get3A_2241 {offsets = [15], sizes = [1], strides = [1]} : vector<16xi32> to vector<1xi32>
        %squeeze3A_3145 = vector.extract %slice3A_3144[0] : i32 from vector<1xi32>
        %add3A_3146 = arith.constant 0 : i32
        %add3A_3147 = arith.addi %squeeze3A_3145, %add3A_3146 : i32
        %get3A_3148 = arith.index_cast %add3A_3143 : i32 to index
        %get3A_3149 = arith.index_cast %add3A_3147 : i32 to index
        %get3A_3150 = tpu.vector_load %arg9[%get3A_3148, %get3A_3149] {strides = array<i32>} : memref<200x128xf32, #tpu.memory_space<vmem>>, vector<1x16xf32>,
        %get3A_3151 = vector.shape_cast %get3A_3150 : vector<1x16xf32> to vector<16xf32>
        %mul3A_3152 = arith.constant 8.000000e+00 : f32
        %mul3A_3153 = vector.broadcast %mul3A_3152 : f32 to vector<16xf32>
        %mul3A_3154 = arith.mulf %get3A_3151, %mul3A_3153 : vector<16xf32>
        %swap3A_3155 = arith.index_cast %add3A_3143 : i32 to index
        %swap3A_3156 = arith.constant 0 : index
        %swap3A_3157 = tpu.vector_load %arg11[%swap3A_3155, %swap3A_3156] {strides = array<i32>} : memref<200x64xf32, #tpu.memory_space<vmem>>, vector<1x16xf32>,
        %swap3A_3158 = vector.shape_cast %swap3A_3157 : vector<1x16xf32> to vector<16xf32>
        %swap3A_3159 = vector.shape_cast %mul3A_3154 : vector<16xf32> to vector<1x16xf32>
        tpu.vector_store %arg11[%swap3A_3155, %swap3A_3156], %swap3A_3159 {strides = array<i32>} : memref<200x64xf32, #tpu.memory_space<vmem>>, vector<1x16xf32>,
        %add3A_3160 = arith.constant 16 : i32
        %add3A_3161 = arith.addi %squeeze3A_3145, %add3A_3160 : i32
        %get3A_3162 = arith.index_cast %add3A_3143 : i32 to index
        %get3A_3163 = arith.index_cast %add3A_3161 : i32 to index
        %get3A_3164 = tpu.vector_load %arg9[%get3A_3162, %get3A_3163] {strides = array<i32>} : memref<200x128xf32, #tpu.memory_space<vmem>>, vector<1x16xf32>,
        %get3A_3165 = vector.shape_cast %get3A_3164 : vector<1x16xf32> to vector<16xf32>
        %mul3A_3166 = arith.constant 8.000000e+00 : f32
        %mul3A_3167 = vector.broadcast %mul3A_3166 : f32 to vector<16xf32>
        %mul3A_3168 = arith.mulf %get3A_3165, %mul3A_3167 : vector<16xf32>
        %swap3A_3169 = arith.index_cast %add3A_3143 : i32 to index
        %swap3A_3170 = arith.constant 16 : index
        %swap3A_3171 = tpu.vector_load %arg11[%swap3A_3169, %swap3A_3170] {strides = array<i32>} : memref<200x64xf32, #tpu.memory_space<vmem>>, vector<1x16xf32>,
        %swap3A_3172 = vector.shape_cast %swap3A_3171 : vector<1x16xf32> to vector<16xf32>
        %swap3A_3173 = vector.shape_cast %mul3A_3168 : vector<16xf32> to vector<1x16xf32>
        tpu.vector_store %arg11[%swap3A_3169, %swap3A_3170], %swap3A_3173 {strides = array<i32>} : memref<200x64xf32, #tpu.memory_space<vmem>>, vector<1x16xf32>,
        %add3A_3174 = arith.constant 32 : i32
        %add3A_3175 = arith.addi %squeeze3A_3145, %add3A_3174 : i32
        %get3A_3176 = arith.index_cast %add3A_3143 : i32 to index
        %get3A_3177 = arith.index_cast %add3A_3175 : i32 to index
        %get3A_3178 = tpu.vector_load %arg9[%get3A_3176, %get3A_3177] {strides = array<i32>} : memref<200x128xf32, #tpu.memory_space<vmem>>, vector<1x16xf32>,
        %get3A_3179 = vector.shape_cast %get3A_3178 : vector<1x16xf32> to vector<16xf32>
        %mul3A_3180 = arith.constant 8.000000e+00 : f32
        %mul3A_3181 = vector.broadcast %mul3A_3180 : f32 to vector<16xf32>
        %mul3A_3182 = arith.mulf %get3A_3179, %mul3A_3181 : vector<16xf32>
        %swap3A_3183 = arith.index_cast %add3A_3143 : i32 to index
        %swap3A_3184 = arith.constant 32 : index
        %swap3A_3185 = tpu.vector_load %arg11[%swap3A_3183, %swap3A_3184] {strides = array<i32>} : memref<200x64xf32, #tpu.memory_space<vmem>>, vector<1x16xf32>,
        %swap3A_3186 = vector.shape_cast %swap3A_3185 : vector<1x16xf32> to vector<16xf32>
        %swap3A_3187 = vector.shape_cast %mul3A_3182 : vector<16xf32> to vector<1x16xf32>
        tpu.vector_store %arg11[%swap3A_3183, %swap3A_3184], %swap3A_3187 {strides = array<i32>} : memref<200x64xf32, #tpu.memory_space<vmem>>, vector<1x16xf32>,
        %add3A_3188 = arith.constant 48 : i32
        %add3A_3189 = arith.addi %squeeze3A_3145, %add3A_3188 : i32
        %get3A_3190 = arith.index_cast %add3A_3143 : i32 to index
        %get3A_3191 = arith.index_cast %add3A_3189 : i32 to index
        %get3A_3192 = tpu.vector_load %arg9[%get3A_3190, %get3A_3191] {strides = array<i32>} : memref<200x128xf32, #tpu.memory_space<vmem>>, vector<1x16xf32>,
        %get3A_3193 = vector.shape_cast %get3A_3192 : vector<1x16xf32> to vector<16xf32>
        %mul3A_3194 = arith.constant 8.000000e+00 : f32
        %mul3A_3195 = vector.broadcast %mul3A_3194 : f32 to vector<16xf32>
        %mul3A_3196 = arith.mulf %get3A_3193, %mul3A_3195 : vector<16xf32>
        %swap3A_3197 = arith.index_cast %add3A_3143 : i32 to index
        %swap3A_3198 = arith.constant 48 : index
        %swap3A_3199 = tpu.vector_load %arg11[%swap3A_3197, %swap3A_3198] {strides = array<i32>} : memref<200x64xf32, #tpu.memory_space<vmem>>, vector<1x16xf32>,
        %swap3A_3200 = vector.shape_cast %swap3A_3199 : vector<1x16xf32> to vector<16xf32>
        %swap3A_3201 = vector.shape_cast %mul3A_3196 : vector<16xf32> to vector<1x16xf32>
        tpu.vector_store %arg11[%swap3A_3197, %swap3A_3198], %swap3A_3201 {strides = array<i32>} : memref<200x64xf32, #tpu.memory_space<vmem>>, vector<1x16xf32>,
      }
      %scan3A_67 = arith.constant 12 : i32
      %get3A = arith.constant 184 : index
      %get3A_68 = tpu.vector_load %arg7[%get3A] {strides = array<i32>} : memref<200xi32, #tpu.memory_space<vmem>>, vector<16xi32>,
      %get3A_69 = vector.shape_cast %get3A_68 : vector<16xi32> to vector<16xi32>
      %slice3A = vector.extract_strided_slice %get3A_69 {offsets = [0], sizes = [1], strides = [1]} : vector<16xi32> to vector<1xi32>
      %squeeze3A = vector.extract %slice3A[0] : i32 from vector<1xi32>
      %add3A_70 = arith.constant 0 : i32
      %add3A_71 = arith.addi %squeeze3A, %add3A_70 : i32
      %get3A_72 = arith.constant 184 : i32
      %get3A_73 = arith.index_cast %get3A_72 : i32 to index
      %get3A_74 = arith.index_cast %add3A_71 : i32 to index
      %get3A_75 = tpu.vector_load %arg9[%get3A_73, %get3A_74] {strides = array<i32>} : memref<200x128xf32, #tpu.memory_space<vmem>>, vector<1x16xf32>,
      %get3A_76 = vector.shape_cast %get3A_75 : vector<1x16xf32> to vector<16xf32>
      %mul3A_77 = arith.constant 8.000000e+00 : f32
      %mul3A_78 = vector.broadcast %mul3A_77 : f32 to vector<16xf32>
      %mul3A_79 = arith.mulf %get3A_76, %mul3A_78 : vector<16xf32>
      %swap3A = arith.constant 184 : i32
      %swap3A_80 = arith.index_cast %swap3A : i32 to index
      %swap3A_81 = arith.constant 0 : index
      %swap3A_82 = tpu.vector_load %arg11[%swap3A_80, %swap3A_81] {strides = array<i32>} : memref<200x64xf32, #tpu.memory_space<vmem>>, vector<1x16xf32>,
      %swap3A_83 = vector.shape_cast %swap3A_82 : vector<1x16xf32> to vector<16xf32>
      %swap3A_84 = vector.shape_cast %mul3A_79 : vector<16xf32> to vector<1x16xf32>
      tpu.vector_store %arg11[%swap3A_80, %swap3A_81], %swap3A_84 {strides = array<i32>} : memref<200x64xf32, #tpu.memory_space<vmem>>, vector<1x16xf32>,
      %add3A_85 = arith.constant 16 : i32
      %add3A_86 = arith.addi %squeeze3A, %add3A_85 : i32
      %get3A_87 = arith.constant 184 : i32
      %get3A_88 = arith.index_cast %get3A_87 : i32 to index
      %get3A_89 = arith.index_cast %add3A_86 : i32 to index
      %get3A_90 = tpu.vector_load %arg9[%get3A_88, %get3A_89] {strides = array<i32>} : memref<200x128xf32, #tpu.memory_space<vmem>>, vector<1x16xf32>,
      %get3A_91 = vector.shape_cast %get3A_90 : vector<1x16xf32> to vector<16xf32>
      %mul3A_92 = arith.constant 8.000000e+00 : f32
      %mul3A_93 = vector.broadcast %mul3A_92 : f32 to vector<16xf32>
      %mul3A_94 = arith.mulf %get3A_91, %mul3A_93 : vector<16xf32>
      %swap3A_95 = arith.constant 184 : i32
      %swap3A_96 = arith.index_cast %swap3A_95 : i32 to index
      %swap3A_97 = arith.constant 16 : index
      %swap3A_98 = tpu.vector_load %arg11[%swap3A_96, %swap3A_97] {strides = array<i32>} : memref<200x64xf32, #tpu.memory_space<vmem>>, vector<1x16xf32>,
      %swap3A_99 = vector.shape_cast %swap3A_98 : vector<1x16xf32> to vector<16xf32>
      %swap3A_100 = vector.shape_cast %mul3A_94 : vector<16xf32> to vector<1x16xf32>
      tpu.vector_store %arg11[%swap3A_96, %swap3A_97], %swap3A_100 {strides = array<i32>} : memref<200x64xf32, #tpu.memory_space<vmem>>, vector<1x16xf32>,
      %add3A_101 = arith.constant 32 : i32
      %add3A_102 = arith.addi %squeeze3A, %add3A_101 : i32
      %get3A_103 = arith.constant 184 : i32
      %get3A_104 = arith.index_cast %get3A_103 : i32 to index
      %get3A_105 = arith.index_cast %add3A_102 : i32 to index
      %get3A_106 = tpu.vector_load %arg9[%get3A_104, %get3A_105] {strides = array<i32>} : memref<200x128xf32, #tpu.memory_space<vmem>>, vector<1x16xf32>,
      %get3A_107 = vector.shape_cast %get3A_106 : vector<1x16xf32> to vector<16xf32>
      %mul3A_108 = arith.constant 8.000000e+00 : f32
      %mul3A_109 = vector.broadcast %mul3A_108 : f32 to vector<16xf32>
      %mul3A_110 = arith.mulf %get3A_107, %mul3A_109 : vector<16xf32>
      %swap3A_111 = arith.constant 184 : i32
      %swap3A_112 = arith.index_cast %swap3A_111 : i32 to index
      %swap3A_113 = arith.constant 32 : index
      %swap3A_114 = tpu.vector_load %arg11[%swap3A_112, %swap3A_113] {strides = array<i32>} : memref<200x64xf32, #tpu.memory_space<vmem>>, vector<1x16xf32>,
      %swap3A_115 = vector.shape_cast %swap3A_114 : vector<1x16xf32> to vector<16xf32>
      %swap3A_116 = vector.shape_cast %mul3A_110 : vector<16xf32> to vector<1x16xf32>
      tpu.vector_store %arg11[%swap3A_112, %swap3A_113], %swap3A_116 {strides = array<i32>} : memref<200x64xf32, #tpu.memory_space<vmem>>, vector<1x16xf32>,
      %add3A_117 = arith.constant 48 : i32
      %add3A_118 = arith.addi %squeeze3A, %add3A_117 : i32
      %get3A_119 = arith.constant 184 : i32
      %get3A_120 = arith.index_cast %get3A_119 : i32 to index
      %get3A_121 = arith.index_cast %add3A_118 : i32 to index
      %get3A_122 = tpu.vector_load %arg9[%get3A_120, %get3A_121] {strides = array<i32>} : memref<200x128xf32, #tpu.memory_space<vmem>>, vector<1x16xf32>,
      %get3A_123 = vector.shape_cast %get3A_122 : vector<1x16xf32> to vector<16xf32>
      %mul3A_124 = arith.constant 8.000000e+00 : f32
      %mul3A_125 = vector.broadcast %mul3A_124 : f32 to vector<16xf32>
      %mul3A_126 = arith.mulf %get3A_123, %mul3A_125 : vector<16xf32>
      %swap3A_127 = arith.constant 184 : i32
      %swap3A_128 = arith.index_cast %swap3A_127 : i32 to index
      %swap3A_129 = arith.constant 48 : index
      %swap3A_130 = tpu.vector_load %arg11[%swap3A_128, %swap3A_129] {strides = array<i32>} : memref<200x64xf32, #tpu.memory_space<vmem>>, vector<1x16xf32>,
      %swap3A_131 = vector.shape_cast %swap3A_130 : vector<1x16xf32> to vector<16xf32>
      %swap3A_132 = vector.shape_cast %mul3A_126 : vector<16xf32> to vector<1x16xf32>
      tpu.vector_store %arg11[%swap3A_128, %swap3A_129], %swap3A_132 {strides = array<i32>} : memref<200x64xf32, #tpu.memory_space<vmem>>, vector<1x16xf32>,
      %slice3A_133 = vector.extract_strided_slice %get3A_69 {offsets = [1], sizes = [1], strides = [1]} : vector<16xi32> to vector<1xi32>
      %squeeze3A_134 = vector.extract %slice3A_133[0] : i32 from vector<1xi32>
      %add3A_135 = arith.constant 0 : i32
      %add3A_136 = arith.addi %squeeze3A_134, %add3A_135 : i32
      %get3A_137 = arith.constant 185 : i32
      %get3A_138 = arith.index_cast %get3A_137 : i32 to index
      %get3A_139 = arith.index_cast %add3A_136 : i32 to index
      %get3A_140 = tpu.vector_load %arg9[%get3A_138, %get3A_139] {strides = array<i32>} : memref<200x128xf32, #tpu.memory_space<vmem>>, vector<1x16xf32>,
      %get3A_141 = vector.shape_cast %get3A_140 : vector<1x16xf32> to vector<16xf32>
      %mul3A_142 = arith.constant 8.000000e+00 : f32
      %mul3A_143 = vector.broadcast %mul3A_142 : f32 to vector<16xf32>
      %mul3A_144 = arith.mulf %get3A_141, %mul3A_143 : vector<16xf32>
      %swap3A_145 = arith.constant 185 : i32
      %swap3A_146 = arith.index_cast %swap3A_145 : i32 to index
      %swap3A_147 = arith.constant 0 : index
      %swap3A_148 = tpu.vector_load %arg11[%swap3A_146, %swap3A_147] {strides = array<i32>} : memref<200x64xf32, #tpu.memory_space<vmem>>, vector<1x16xf32>,
      %swap3A_149 = vector.shape_cast %swap3A_148 : vector<1x16xf32> to vector<16xf32>
      %swap3A_150 = vector.shape_cast %mul3A_144 : vector<16xf32> to vector<1x16xf32>
      tpu.vector_store %arg11[%swap3A_146, %swap3A_147], %swap3A_150 {strides = array<i32>} : memref<200x64xf32, #tpu.memory_space<vmem>>, vector<1x16xf32>,
      %add3A_151 = arith.constant 16 : i32
      %add3A_152 = arith.addi %squeeze3A_134, %add3A_151 : i32
      %get3A_153 = arith.constant 185 : i32
      %get3A_154 = arith.index_cast %get3A_153 : i32 to index
      %get3A_155 = arith.index_cast %add3A_152 : i32 to index
      %get3A_156 = tpu.vector_load %arg9[%get3A_154, %get3A_155] {strides = array<i32>} : memref<200x128xf32, #tpu.memory_space<vmem>>, vector<1x16xf32>,
      %get3A_157 = vector.shape_cast %get3A_156 : vector<1x16xf32> to vector<16xf32>
      %mul3A_158 = arith.constant 8.000000e+00 : f32
      %mul3A_159 = vector.broadcast %mul3A_158 : f32 to vector<16xf32>
      %mul3A_160 = arith.mulf %get3A_157, %mul3A_159 : vector<16xf32>
      %swap3A_161 = arith.constant 185 : i32
      %swap3A_162 = arith.index_cast %swap3A_161 : i32 to index
      %swap3A_163 = arith.constant 16 : index
      %swap3A_164 = tpu.vector_load %arg11[%swap3A_162, %swap3A_163] {strides = array<i32>} : memref<200x64xf32, #tpu.memory_space<vmem>>, vector<1x16xf32>,
      %swap3A_165 = vector.shape_cast %swap3A_164 : vector<1x16xf32> to vector<16xf32>
      %swap3A_166 = vector.shape_cast %mul3A_160 : vector<16xf32> to vector<1x16xf32>
      tpu.vector_store %arg11[%swap3A_162, %swap3A_163], %swap3A_166 {strides = array<i32>} : memref<200x64xf32, #tpu.memory_space<vmem>>, vector<1x16xf32>,
      %add3A_167 = arith.constant 32 : i32
      %add3A_168 = arith.addi %squeeze3A_134, %add3A_167 : i32
      %get3A_169 = arith.constant 185 : i32
      %get3A_170 = arith.index_cast %get3A_169 : i32 to index
      %get3A_171 = arith.index_cast %add3A_168 : i32 to index
      %get3A_172 = tpu.vector_load %arg9[%get3A_170, %get3A_171] {strides = array<i32>} : memref<200x128xf32, #tpu.memory_space<vmem>>, vector<1x16xf32>,
      %get3A_173 = vector.shape_cast %get3A_172 : vector<1x16xf32> to vector<16xf32>
      %mul3A_174 = arith.constant 8.000000e+00 : f32
      %mul3A_175 = vector.broadcast %mul3A_174 : f32 to vector<16xf32>
      %mul3A_176 = arith.mulf %get3A_173, %mul3A_175 : vector<16xf32>
      %swap3A_177 = arith.constant 185 : i32
      %swap3A_178 = arith.index_cast %swap3A_177 : i32 to index
      %swap3A_179 = arith.constant 32 : index
      %swap3A_180 = tpu.vector_load %arg11[%swap3A_178, %swap3A_179] {strides = array<i32>} : memref<200x64xf32, #tpu.memory_space<vmem>>, vector<1x16xf32>,
      %swap3A_181 = vector.shape_cast %swap3A_180 : vector<1x16xf32> to vector<16xf32>
      %swap3A_182 = vector.shape_cast %mul3A_176 : vector<16xf32> to vector<1x16xf32>
      tpu.vector_store %arg11[%swap3A_178, %swap3A_179], %swap3A_182 {strides = array<i32>} : memref<200x64xf32, #tpu.memory_space<vmem>>, vector<1x16xf32>,
      %add3A_183 = arith.constant 48 : i32
      %add3A_184 = arith.addi %squeeze3A_134, %add3A_183 : i32
      %get3A_185 = arith.constant 185 : i32
      %get3A_186 = arith.index_cast %get3A_185 : i32 to index
      %get3A_187 = arith.index_cast %add3A_184 : i32 to index
      %get3A_188 = tpu.vector_load %arg9[%get3A_186, %get3A_187] {strides = array<i32>} : memref<200x128xf32, #tpu.memory_space<vmem>>, vector<1x16xf32>,
      %get3A_189 = vector.shape_cast %get3A_188 : vector<1x16xf32> to vector<16xf32>
      %mul3A_190 = arith.constant 8.000000e+00 : f32
      %mul3A_191 = vector.broadcast %mul3A_190 : f32 to vector<16xf32>
      %mul3A_192 = arith.mulf %get3A_189, %mul3A_191 : vector<16xf32>
      %swap3A_193 = arith.constant 185 : i32
      %swap3A_194 = arith.index_cast %swap3A_193 : i32 to index
      %swap3A_195 = arith.constant 48 : index
      %swap3A_196 = tpu.vector_load %arg11[%swap3A_194, %swap3A_195] {strides = array<i32>} : memref<200x64xf32, #tpu.memory_space<vmem>>, vector<1x16xf32>,
      %swap3A_197 = vector.shape_cast %swap3A_196 : vector<1x16xf32> to vector<16xf32>
      %swap3A_198 = vector.shape_cast %mul3A_192 : vector<16xf32> to vector<1x16xf32>
      tpu.vector_store %arg11[%swap3A_194, %swap3A_195], %swap3A_198 {strides = array<i32>} : memref<200x64xf32, #tpu.memory_space<vmem>>, vector<1x16xf32>,
      %slice3A_199 = vector.extract_strided_slice %get3A_69 {offsets = [2], sizes = [1], strides = [1]} : vector<16xi32> to vector<1xi32>
      %squeeze3A_200 = vector.extract %slice3A_199[0] : i32 from vector<1xi32>
      %add3A_201 = arith.constant 0 : i32
      %add3A_202 = arith.addi %squeeze3A_200, %add3A_201 : i32
      %get3A_203 = arith.constant 186 : i32
      %get3A_204 = arith.index_cast %get3A_203 : i32 to index
      %get3A_205 = arith.index_cast %add3A_202 : i32 to index
      %get3A_206 = tpu.vector_load %arg9[%get3A_204, %get3A_205] {strides = array<i32>} : memref<200x128xf32, #tpu.memory_space<vmem>>, vector<1x16xf32>,
      %get3A_207 = vector.shape_cast %get3A_206 : vector<1x16xf32> to vector<16xf32>
      %mul3A_208 = arith.constant 8.000000e+00 : f32
      %mul3A_209 = vector.broadcast %mul3A_208 : f32 to vector<16xf32>
      %mul3A_210 = arith.mulf %get3A_207, %mul3A_209 : vector<16xf32>
      %swap3A_211 = arith.constant 186 : i32
      %swap3A_212 = arith.index_cast %swap3A_211 : i32 to index
      %swap3A_213 = arith.constant 0 : index
      %swap3A_214 = tpu.vector_load %arg11[%swap3A_212, %swap3A_213] {strides = array<i32>} : memref<200x64xf32, #tpu.memory_space<vmem>>, vector<1x16xf32>,
      %swap3A_215 = vector.shape_cast %swap3A_214 : vector<1x16xf32> to vector<16xf32>
      %swap3A_216 = vector.shape_cast %mul3A_210 : vector<16xf32> to vector<1x16xf32>
      tpu.vector_store %arg11[%swap3A_212, %swap3A_213], %swap3A_216 {strides = array<i32>} : memref<200x64xf32, #tpu.memory_space<vmem>>, vector<1x16xf32>,
      %add3A_217 = arith.constant 16 : i32
      %add3A_218 = arith.addi %squeeze3A_200, %add3A_217 : i32
      %get3A_219 = arith.constant 186 : i32
      %get3A_220 = arith.index_cast %get3A_219 : i32 to index
      %get3A_221 = arith.index_cast %add3A_218 : i32 to index
      %get3A_222 = tpu.vector_load %arg9[%get3A_220, %get3A_221] {strides = array<i32>} : memref<200x128xf32, #tpu.memory_space<vmem>>, vector<1x16xf32>,
      %get3A_223 = vector.shape_cast %get3A_222 : vector<1x16xf32> to vector<16xf32>
      %mul3A_224 = arith.constant 8.000000e+00 : f32
      %mul3A_225 = vector.broadcast %mul3A_224 : f32 to vector<16xf32>
      %mul3A_226 = arith.mulf %get3A_223, %mul3A_225 : vector<16xf32>
      %swap3A_227 = arith.constant 186 : i32
      %swap3A_228 = arith.index_cast %swap3A_227 : i32 to index
      %swap3A_229 = arith.constant 16 : index
      %swap3A_230 = tpu.vector_load %arg11[%swap3A_228, %swap3A_229] {strides = array<i32>} : memref<200x64xf32, #tpu.memory_space<vmem>>, vector<1x16xf32>,
      %swap3A_231 = vector.shape_cast %swap3A_230 : vector<1x16xf32> to vector<16xf32>
      %swap3A_232 = vector.shape_cast %mul3A_226 : vector<16xf32> to vector<1x16xf32>
      tpu.vector_store %arg11[%swap3A_228, %swap3A_229], %swap3A_232 {strides = array<i32>} : memref<200x64xf32, #tpu.memory_space<vmem>>, vector<1x16xf32>,
      %add3A_233 = arith.constant 32 : i32
      %add3A_234 = arith.addi %squeeze3A_200, %add3A_233 : i32
      %get3A_235 = arith.constant 186 : i32
      %get3A_236 = arith.index_cast %get3A_235 : i32 to index
      %get3A_237 = arith.index_cast %add3A_234 : i32 to index
      %get3A_238 = tpu.vector_load %arg9[%get3A_236, %get3A_237] {strides = array<i32>} : memref<200x128xf32, #tpu.memory_space<vmem>>, vector<1x16xf32>,
      %get3A_239 = vector.shape_cast %get3A_238 : vector<1x16xf32> to vector<16xf32>
      %mul3A_240 = arith.constant 8.000000e+00 : f32
      %mul3A_241 = vector.broadcast %mul3A_240 : f32 to vector<16xf32>
      %mul3A_242 = arith.mulf %get3A_239, %mul3A_241 : vector<16xf32>
      %swap3A_243 = arith.constant 186 : i32
      %swap3A_244 = arith.index_cast %swap3A_243 : i32 to index
      %swap3A_245 = arith.constant 32 : index
      %swap3A_246 = tpu.vector_load %arg11[%swap3A_244, %swap3A_245] {strides = array<i32>} : memref<200x64xf32, #tpu.memory_space<vmem>>, vector<1x16xf32>,
      %swap3A_247 = vector.shape_cast %swap3A_246 : vector<1x16xf32> to vector<16xf32>
      %swap3A_248 = vector.shape_cast %mul3A_242 : vector<16xf32> to vector<1x16xf32>
      tpu.vector_store %arg11[%swap3A_244, %swap3A_245], %swap3A_248 {strides = array<i32>} : memref<200x64xf32, #tpu.memory_space<vmem>>, vector<1x16xf32>,
      %add3A_249 = arith.constant 48 : i32
      %add3A_250 = arith.addi %squeeze3A_200, %add3A_249 : i32
      %get3A_251 = arith.constant 186 : i32
      %get3A_252 = arith.index_cast %get3A_251 : i32 to index
      %get3A_253 = arith.index_cast %add3A_250 : i32 to index
      %get3A_254 = tpu.vector_load %arg9[%get3A_252, %get3A_253] {strides = array<i32>} : memref<200x128xf32, #tpu.memory_space<vmem>>, vector<1x16xf32>,
      %get3A_255 = vector.shape_cast %get3A_254 : vector<1x16xf32> to vector<16xf32>
      %mul3A_256 = arith.constant 8.000000e+00 : f32
      %mul3A_257 = vector.broadcast %mul3A_256 : f32 to vector<16xf32>
      %mul3A_258 = arith.mulf %get3A_255, %mul3A_257 : vector<16xf32>
      %swap3A_259 = arith.constant 186 : i32
      %swap3A_260 = arith.index_cast %swap3A_259 : i32 to index
      %swap3A_261 = arith.constant 48 : index
      %swap3A_262 = tpu.vector_load %arg11[%swap3A_260, %swap3A_261] {strides = array<i32>} : memref<200x64xf32, #tpu.memory_space<vmem>>, vector<1x16xf32>,
      %swap3A_263 = vector.shape_cast %swap3A_262 : vector<1x16xf32> to vector<16xf32>
      %swap3A_264 = vector.shape_cast %mul3A_258 : vector<16xf32> to vector<1x16xf32>
      tpu.vector_store %arg11[%swap3A_260, %swap3A_261], %swap3A_264 {strides = array<i32>} : memref<200x64xf32, #tpu.memory_space<vmem>>, vector<1x16xf32>,
      %slice3A_265 = vector.extract_strided_slice %get3A_69 {offsets = [3], sizes = [1], strides = [1]} : vector<16xi32> to vector<1xi32>
      %squeeze3A_266 = vector.extract %slice3A_265[0] : i32 from vector<1xi32>
      %add3A_267 = arith.constant 0 : i32
      %add3A_268 = arith.addi %squeeze3A_266, %add3A_267 : i32
      %get3A_269 = arith.constant 187 : i32
      %get3A_270 = arith.index_cast %get3A_269 : i32 to index
      %get3A_271 = arith.index_cast %add3A_268 : i32 to index
      %get3A_272 = tpu.vector_load %arg9[%get3A_270, %get3A_271] {strides = array<i32>} : memref<200x128xf32, #tpu.memory_space<vmem>>, vector<1x16xf32>,
      %get3A_273 = vector.shape_cast %get3A_272 : vector<1x16xf32> to vector<16xf32>
      %mul3A_274 = arith.constant 8.000000e+00 : f32
      %mul3A_275 = vector.broadcast %mul3A_274 : f32 to vector<16xf32>
      %mul3A_276 = arith.mulf %get3A_273, %mul3A_275 : vector<16xf32>
      %swap3A_277 = arith.constant 187 : i32
      %swap3A_278 = arith.index_cast %swap3A_277 : i32 to index
      %swap3A_279 = arith.constant 0 : index
      %swap3A_280 = tpu.vector_load %arg11[%swap3A_278, %swap3A_279] {strides = array<i32>} : memref<200x64xf32, #tpu.memory_space<vmem>>, vector<1x16xf32>,
      %swap3A_281 = vector.shape_cast %swap3A_280 : vector<1x16xf32> to vector<16xf32>
      %swap3A_282 = vector.shape_cast %mul3A_276 : vector<16xf32> to vector<1x16xf32>
      tpu.vector_store %arg11[%swap3A_278, %swap3A_279], %swap3A_282 {strides = array<i32>} : memref<200x64xf32, #tpu.memory_space<vmem>>, vector<1x16xf32>,
      %add3A_283 = arith.constant 16 : i32
      %add3A_284 = arith.addi %squeeze3A_266, %add3A_283 : i32
      %get3A_285 = arith.constant 187 : i32
      %get3A_286 = arith.index_cast %get3A_285 : i32 to index
      %get3A_287 = arith.index_cast %add3A_284 : i32 to index
      %get3A_288 = tpu.vector_load %arg9[%get3A_286, %get3A_287] {strides = array<i32>} : memref<200x128xf32, #tpu.memory_space<vmem>>, vector<1x16xf32>,
      %get3A_289 = vector.shape_cast %get3A_288 : vector<1x16xf32> to vector<16xf32>
      %mul3A_290 = arith.constant 8.000000e+00 : f32
      %mul3A_291 = vector.broadcast %mul3A_290 : f32 to vector<16xf32>
      %mul3A_292 = arith.mulf %get3A_289, %mul3A_291 : vector<16xf32>
      %swap3A_293 = arith.constant 187 : i32
      %swap3A_294 = arith.index_cast %swap3A_293 : i32 to index
      %swap3A_295 = arith.constant 16 : index
      %swap3A_296 = tpu.vector_load %arg11[%swap3A_294, %swap3A_295] {strides = array<i32>} : memref<200x64xf32, #tpu.memory_space<vmem>>, vector<1x16xf32>,
      %swap3A_297 = vector.shape_cast %swap3A_296 : vector<1x16xf32> to vector<16xf32>
      %swap3A_298 = vector.shape_cast %mul3A_292 : vector<16xf32> to vector<1x16xf32>
      tpu.vector_store %arg11[%swap3A_294, %swap3A_295], %swap3A_298 {strides = array<i32>} : memref<200x64xf32, #tpu.memory_space<vmem>>, vector<1x16xf32>,
      %add3A_299 = arith.constant 32 : i32
      %add3A_300 = arith.addi %squeeze3A_266, %add3A_299 : i32
      %get3A_301 = arith.constant 187 : i32
      %get3A_302 = arith.index_cast %get3A_301 : i32 to index
      %get3A_303 = arith.index_cast %add3A_300 : i32 to index
      %get3A_304 = tpu.vector_load %arg9[%get3A_302, %get3A_303] {strides = array<i32>} : memref<200x128xf32, #tpu.memory_space<vmem>>, vector<1x16xf32>,
      %get3A_305 = vector.shape_cast %get3A_304 : vector<1x16xf32> to vector<16xf32>
      %mul3A_306 = arith.constant 8.000000e+00 : f32
      %mul3A_307 = vector.broadcast %mul3A_306 : f32 to vector<16xf32>
      %mul3A_308 = arith.mulf %get3A_305, %mul3A_307 : vector<16xf32>
      %swap3A_309 = arith.constant 187 : i32
      %swap3A_310 = arith.index_cast %swap3A_309 : i32 to index
      %swap3A_311 = arith.constant 32 : index
      %swap3A_312 = tpu.vector_load %arg11[%swap3A_310, %swap3A_311] {strides = array<i32>} : memref<200x64xf32, #tpu.memory_space<vmem>>, vector<1x16xf32>,
      %swap3A_313 = vector.shape_cast %swap3A_312 : vector<1x16xf32> to vector<16xf32>
      %swap3A_314 = vector.shape_cast %mul3A_308 : vector<16xf32> to vector<1x16xf32>
      tpu.vector_store %arg11[%swap3A_310, %swap3A_311], %swap3A_314 {strides = array<i32>} : memref<200x64xf32, #tpu.memory_space<vmem>>, vector<1x16xf32>,
      %add3A_315 = arith.constant 48 : i32
      %add3A_316 = arith.addi %squeeze3A_266, %add3A_315 : i32
      %get3A_317 = arith.constant 187 : i32
      %get3A_318 = arith.index_cast %get3A_317 : i32 to index
      %get3A_319 = arith.index_cast %add3A_316 : i32 to index
      %get3A_320 = tpu.vector_load %arg9[%get3A_318, %get3A_319] {strides = array<i32>} : memref<200x128xf32, #tpu.memory_space<vmem>>, vector<1x16xf32>,
      %get3A_321 = vector.shape_cast %get3A_320 : vector<1x16xf32> to vector<16xf32>
      %mul3A_322 = arith.constant 8.000000e+00 : f32
      %mul3A_323 = vector.broadcast %mul3A_322 : f32 to vector<16xf32>
      %mul3A_324 = arith.mulf %get3A_321, %mul3A_323 : vector<16xf32>
      %swap3A_325 = arith.constant 187 : i32
      %swap3A_326 = arith.index_cast %swap3A_325 : i32 to index
      %swap3A_327 = arith.constant 48 : index
      %swap3A_328 = tpu.vector_load %arg11[%swap3A_326, %swap3A_327] {strides = array<i32>} : memref<200x64xf32, #tpu.memory_space<vmem>>, vector<1x16xf32>,
      %swap3A_329 = vector.shape_cast %swap3A_328 : vector<1x16xf32> to vector<16xf32>
      %swap3A_330 = vector.shape_cast %mul3A_324 : vector<16xf32> to vector<1x16xf32>
      tpu.vector_store %arg11[%swap3A_326, %swap3A_327], %swap3A_330 {strides = array<i32>} : memref<200x64xf32, #tpu.memory_space<vmem>>, vector<1x16xf32>,
      %slice3A_331 = vector.extract_strided_slice %get3A_69 {offsets = [4], sizes = [1], strides = [1]} : vector<16xi32> to vector<1xi32>
      %squeeze3A_332 = vector.extract %slice3A_331[0] : i32 from vector<1xi32>
      %add3A_333 = arith.constant 0 : i32
      %add3A_334 = arith.addi %squeeze3A_332, %add3A_333 : i32
      %get3A_335 = arith.constant 188 : i32
      %get3A_336 = arith.index_cast %get3A_335 : i32 to index
      %get3A_337 = arith.index_cast %add3A_334 : i32 to index
      %get3A_338 = tpu.vector_load %arg9[%get3A_336, %get3A_337] {strides = array<i32>} : memref<200x128xf32, #tpu.memory_space<vmem>>, vector<1x16xf32>,
      %get3A_339 = vector.shape_cast %get3A_338 : vector<1x16xf32> to vector<16xf32>
      %mul3A_340 = arith.constant 8.000000e+00 : f32
      %mul3A_341 = vector.broadcast %mul3A_340 : f32 to vector<16xf32>
      %mul3A_342 = arith.mulf %get3A_339, %mul3A_341 : vector<16xf32>
      %swap3A_343 = arith.constant 188 : i32
      %swap3A_344 = arith.index_cast %swap3A_343 : i32 to index
      %swap3A_345 = arith.constant 0 : index
      %swap3A_346 = tpu.vector_load %arg11[%swap3A_344, %swap3A_345] {strides = array<i32>} : memref<200x64xf32, #tpu.memory_space<vmem>>, vector<1x16xf32>,
      %swap3A_347 = vector.shape_cast %swap3A_346 : vector<1x16xf32> to vector<16xf32>
      %swap3A_348 = vector.shape_cast %mul3A_342 : vector<16xf32> to vector<1x16xf32>
      tpu.vector_store %arg11[%swap3A_344, %swap3A_345], %swap3A_348 {strides = array<i32>} : memref<200x64xf32, #tpu.memory_space<vmem>>, vector<1x16xf32>,
      %add3A_349 = arith.constant 16 : i32
      %add3A_350 = arith.addi %squeeze3A_332, %add3A_349 : i32
      %get3A_351 = arith.constant 188 : i32
      %get3A_352 = arith.index_cast %get3A_351 : i32 to index
      %get3A_353 = arith.index_cast %add3A_350 : i32 to index
      %get3A_354 = tpu.vector_load %arg9[%get3A_352, %get3A_353] {strides = array<i32>} : memref<200x128xf32, #tpu.memory_space<vmem>>, vector<1x16xf32>,
      %get3A_355 = vector.shape_cast %get3A_354 : vector<1x16xf32> to vector<16xf32>
      %mul3A_356 = arith.constant 8.000000e+00 : f32
      %mul3A_357 = vector.broadcast %mul3A_356 : f32 to vector<16xf32>
      %mul3A_358 = arith.mulf %get3A_355, %mul3A_357 : vector<16xf32>
      %swap3A_359 = arith.constant 188 : i32
      %swap3A_360 = arith.index_cast %swap3A_359 : i32 to index
      %swap3A_361 = arith.constant 16 : index
      %swap3A_362 = tpu.vector_load %arg11[%swap3A_360, %swap3A_361] {strides = array<i32>} : memref<200x64xf32, #tpu.memory_space<vmem>>, vector<1x16xf32>,
      %swap3A_363 = vector.shape_cast %swap3A_362 : vector<1x16xf32> to vector<16xf32>
      %swap3A_364 = vector.shape_cast %mul3A_358 : vector<16xf32> to vector<1x16xf32>
      tpu.vector_store %arg11[%swap3A_360, %swap3A_361], %swap3A_364 {strides = array<i32>} : memref<200x64xf32, #tpu.memory_space<vmem>>, vector<1x16xf32>,
      %add3A_365 = arith.constant 32 : i32
      %add3A_366 = arith.addi %squeeze3A_332, %add3A_365 : i32
      %get3A_367 = arith.constant 188 : i32
      %get3A_368 = arith.index_cast %get3A_367 : i32 to index
      %get3A_369 = arith.index_cast %add3A_366 : i32 to index
      %get3A_370 = tpu.vector_load %arg9[%get3A_368, %get3A_369] {strides = array<i32>} : memref<200x128xf32, #tpu.memory_space<vmem>>, vector<1x16xf32>,
      %get3A_371 = vector.shape_cast %get3A_370 : vector<1x16xf32> to vector<16xf32>
      %mul3A_372 = arith.constant 8.000000e+00 : f32
      %mul3A_373 = vector.broadcast %mul3A_372 : f32 to vector<16xf32>
      %mul3A_374 = arith.mulf %get3A_371, %mul3A_373 : vector<16xf32>
      %swap3A_375 = arith.constant 188 : i32
      %swap3A_376 = arith.index_cast %swap3A_375 : i32 to index
      %swap3A_377 = arith.constant 32 : index
      %swap3A_378 = tpu.vector_load %arg11[%swap3A_376, %swap3A_377] {strides = array<i32>} : memref<200x64xf32, #tpu.memory_space<vmem>>, vector<1x16xf32>,
      %swap3A_379 = vector.shape_cast %swap3A_378 : vector<1x16xf32> to vector<16xf32>
      %swap3A_380 = vector.shape_cast %mul3A_374 : vector<16xf32> to vector<1x16xf32>
      tpu.vector_store %arg11[%swap3A_376, %swap3A_377], %swap3A_380 {strides = array<i32>} : memref<200x64xf32, #tpu.memory_space<vmem>>, vector<1x16xf32>,
      %add3A_381 = arith.constant 48 : i32
      %add3A_382 = arith.addi %squeeze3A_332, %add3A_381 : i32
      %get3A_383 = arith.constant 188 : i32
      %get3A_384 = arith.index_cast %get3A_383 : i32 to index
      %get3A_385 = arith.index_cast %add3A_382 : i32 to index
      %get3A_386 = tpu.vector_load %arg9[%get3A_384, %get3A_385] {strides = array<i32>} : memref<200x128xf32, #tpu.memory_space<vmem>>, vector<1x16xf32>,
      %get3A_387 = vector.shape_cast %get3A_386 : vector<1x16xf32> to vector<16xf32>
      %mul3A_388 = arith.constant 8.000000e+00 : f32
      %mul3A_389 = vector.broadcast %mul3A_388 : f32 to vector<16xf32>
      %mul3A_390 = arith.mulf %get3A_387, %mul3A_389 : vector<16xf32>
      %swap3A_391 = arith.constant 188 : i32
      %swap3A_392 = arith.index_cast %swap3A_391 : i32 to index
      %swap3A_393 = arith.constant 48 : index
      %swap3A_394 = tpu.vector_load %arg11[%swap3A_392, %swap3A_393] {strides = array<i32>} : memref<200x64xf32, #tpu.memory_space<vmem>>, vector<1x16xf32>,
      %swap3A_395 = vector.shape_cast %swap3A_394 : vector<1x16xf32> to vector<16xf32>
      %swap3A_396 = vector.shape_cast %mul3A_390 : vector<16xf32> to vector<1x16xf32>
      tpu.vector_store %arg11[%swap3A_392, %swap3A_393], %swap3A_396 {strides = array<i32>} : memref<200x64xf32, #tpu.memory_space<vmem>>, vector<1x16xf32>,
      %slice3A_397 = vector.extract_strided_slice %get3A_69 {offsets = [5], sizes = [1], strides = [1]} : vector<16xi32> to vector<1xi32>
      %squeeze3A_398 = vector.extract %slice3A_397[0] : i32 from vector<1xi32>
      %add3A_399 = arith.constant 0 : i32
      %add3A_400 = arith.addi %squeeze3A_398, %add3A_399 : i32
      %get3A_401 = arith.constant 189 : i32
      %get3A_402 = arith.index_cast %get3A_401 : i32 to index
      %get3A_403 = arith.index_cast %add3A_400 : i32 to index
      %get3A_404 = tpu.vector_load %arg9[%get3A_402, %get3A_403] {strides = array<i32>} : memref<200x128xf32, #tpu.memory_space<vmem>>, vector<1x16xf32>,
      %get3A_405 = vector.shape_cast %get3A_404 : vector<1x16xf32> to vector<16xf32>
      %mul3A_406 = arith.constant 8.000000e+00 : f32
      %mul3A_407 = vector.broadcast %mul3A_406 : f32 to vector<16xf32>
      %mul3A_408 = arith.mulf %get3A_405, %mul3A_407 : vector<16xf32>
      %swap3A_409 = arith.constant 189 : i32
      %swap3A_410 = arith.index_cast %swap3A_409 : i32 to index
      %swap3A_411 = arith.constant 0 : index
      %swap3A_412 = tpu.vector_load %arg11[%swap3A_410, %swap3A_411] {strides = array<i32>} : memref<200x64xf32, #tpu.memory_space<vmem>>, vector<1x16xf32>,
      %swap3A_413 = vector.shape_cast %swap3A_412 : vector<1x16xf32> to vector<16xf32>
      %swap3A_414 = vector.shape_cast %mul3A_408 : vector<16xf32> to vector<1x16xf32>
      tpu.vector_store %arg11[%swap3A_410, %swap3A_411], %swap3A_414 {strides = array<i32>} : memref<200x64xf32, #tpu.memory_space<vmem>>, vector<1x16xf32>,
      %add3A_415 = arith.constant 16 : i32
      %add3A_416 = arith.addi %squeeze3A_398, %add3A_415 : i32
      %get3A_417 = arith.constant 189 : i32
      %get3A_418 = arith.index_cast %get3A_417 : i32 to index
      %get3A_419 = arith.index_cast %add3A_416 : i32 to index
      %get3A_420 = tpu.vector_load %arg9[%get3A_418, %get3A_419] {strides = array<i32>} : memref<200x128xf32, #tpu.memory_space<vmem>>, vector<1x16xf32>,
      %get3A_421 = vector.shape_cast %get3A_420 : vector<1x16xf32> to vector<16xf32>
      %mul3A_422 = arith.constant 8.000000e+00 : f32
      %mul3A_423 = vector.broadcast %mul3A_422 : f32 to vector<16xf32>
      %mul3A_424 = arith.mulf %get3A_421, %mul3A_423 : vector<16xf32>
      %swap3A_425 = arith.constant 189 : i32
      %swap3A_426 = arith.index_cast %swap3A_425 : i32 to index
      %swap3A_427 = arith.constant 16 : index
      %swap3A_428 = tpu.vector_load %arg11[%swap3A_426, %swap3A_427] {strides = array<i32>} : memref<200x64xf32, #tpu.memory_space<vmem>>, vector<1x16xf32>,
      %swap3A_429 = vector.shape_cast %swap3A_428 : vector<1x16xf32> to vector<16xf32>
      %swap3A_430 = vector.shape_cast %mul3A_424 : vector<16xf32> to vector<1x16xf32>
      tpu.vector_store %arg11[%swap3A_426, %swap3A_427], %swap3A_430 {strides = array<i32>} : memref<200x64xf32, #tpu.memory_space<vmem>>, vector<1x16xf32>,
      %add3A_431 = arith.constant 32 : i32
      %add3A_432 = arith.addi %squeeze3A_398, %add3A_431 : i32
      %get3A_433 = arith.constant 189 : i32
      %get3A_434 = arith.index_cast %get3A_433 : i32 to index
      %get3A_435 = arith.index_cast %add3A_432 : i32 to index
      %get3A_436 = tpu.vector_load %arg9[%get3A_434, %get3A_435] {strides = array<i32>} : memref<200x128xf32, #tpu.memory_space<vmem>>, vector<1x16xf32>,
      %get3A_437 = vector.shape_cast %get3A_436 : vector<1x16xf32> to vector<16xf32>
      %mul3A_438 = arith.constant 8.000000e+00 : f32
      %mul3A_439 = vector.broadcast %mul3A_438 : f32 to vector<16xf32>
      %mul3A_440 = arith.mulf %get3A_437, %mul3A_439 : vector<16xf32>
      %swap3A_441 = arith.constant 189 : i32
      %swap3A_442 = arith.index_cast %swap3A_441 : i32 to index
      %swap3A_443 = arith.constant 32 : index
      %swap3A_444 = tpu.vector_load %arg11[%swap3A_442, %swap3A_443] {strides = array<i32>} : memref<200x64xf32, #tpu.memory_space<vmem>>, vector<1x16xf32>,
      %swap3A_445 = vector.shape_cast %swap3A_444 : vector<1x16xf32> to vector<16xf32>
      %swap3A_446 = vector.shape_cast %mul3A_440 : vector<16xf32> to vector<1x16xf32>
      tpu.vector_store %arg11[%swap3A_442, %swap3A_443], %swap3A_446 {strides = array<i32>} : memref<200x64xf32, #tpu.memory_space<vmem>>, vector<1x16xf32>,
      %add3A_447 = arith.constant 48 : i32
      %add3A_448 = arith.addi %squeeze3A_398, %add3A_447 : i32
      %get3A_449 = arith.constant 189 : i32
      %get3A_450 = arith.index_cast %get3A_449 : i32 to index
      %get3A_451 = arith.index_cast %add3A_448 : i32 to index
      %get3A_452 = tpu.vector_load %arg9[%get3A_450, %get3A_451] {strides = array<i32>} : memref<200x128xf32, #tpu.memory_space<vmem>>, vector<1x16xf32>,
      %get3A_453 = vector.shape_cast %get3A_452 : vector<1x16xf32> to vector<16xf32>
      %mul3A_454 = arith.constant 8.000000e+00 : f32
      %mul3A_455 = vector.broadcast %mul3A_454 : f32 to vector<16xf32>
      %mul3A_456 = arith.mulf %get3A_453, %mul3A_455 : vector<16xf32>
      %swap3A_457 = arith.constant 189 : i32
      %swap3A_458 = arith.index_cast %swap3A_457 : i32 to index
      %swap3A_459 = arith.constant 48 : index
      %swap3A_460 = tpu.vector_load %arg11[%swap3A_458, %swap3A_459] {strides = array<i32>} : memref<200x64xf32, #tpu.memory_space<vmem>>, vector<1x16xf32>,
      %swap3A_461 = vector.shape_cast %swap3A_460 : vector<1x16xf32> to vector<16xf32>
      %swap3A_462 = vector.shape_cast %mul3A_456 : vector<16xf32> to vector<1x16xf32>
      tpu.vector_store %arg11[%swap3A_458, %swap3A_459], %swap3A_462 {strides = array<i32>} : memref<200x64xf32, #tpu.memory_space<vmem>>, vector<1x16xf32>,
      %slice3A_463 = vector.extract_strided_slice %get3A_69 {offsets = [6], sizes = [1], strides = [1]} : vector<16xi32> to vector<1xi32>
      %squeeze3A_464 = vector.extract %slice3A_463[0] : i32 from vector<1xi32>
      %add3A_465 = arith.constant 0 : i32
      %add3A_466 = arith.addi %squeeze3A_464, %add3A_465 : i32
      %get3A_467 = arith.constant 190 : i32
      %get3A_468 = arith.index_cast %get3A_467 : i32 to index
      %get3A_469 = arith.index_cast %add3A_466 : i32 to index
      %get3A_470 = tpu.vector_load %arg9[%get3A_468, %get3A_469] {strides = array<i32>} : memref<200x128xf32, #tpu.memory_space<vmem>>, vector<1x16xf32>,
      %get3A_471 = vector.shape_cast %get3A_470 : vector<1x16xf32> to vector<16xf32>
      %mul3A_472 = arith.constant 8.000000e+00 : f32
      %mul3A_473 = vector.broadcast %mul3A_472 : f32 to vector<16xf32>
      %mul3A_474 = arith.mulf %get3A_471, %mul3A_473 : vector<16xf32>
      %swap3A_475 = arith.constant 190 : i32
      %swap3A_476 = arith.index_cast %swap3A_475 : i32 to index
      %swap3A_477 = arith.constant 0 : index
      %swap3A_478 = tpu.vector_load %arg11[%swap3A_476, %swap3A_477] {strides = array<i32>} : memref<200x64xf32, #tpu.memory_space<vmem>>, vector<1x16xf32>,
      %swap3A_479 = vector.shape_cast %swap3A_478 : vector<1x16xf32> to vector<16xf32>
      %swap3A_480 = vector.shape_cast %mul3A_474 : vector<16xf32> to vector<1x16xf32>
      tpu.vector_store %arg11[%swap3A_476, %swap3A_477], %swap3A_480 {strides = array<i32>} : memref<200x64xf32, #tpu.memory_space<vmem>>, vector<1x16xf32>,
      %add3A_481 = arith.constant 16 : i32
      %add3A_482 = arith.addi %squeeze3A_464, %add3A_481 : i32
      %get3A_483 = arith.constant 190 : i32
      %get3A_484 = arith.index_cast %get3A_483 : i32 to index
      %get3A_485 = arith.index_cast %add3A_482 : i32 to index
      %get3A_486 = tpu.vector_load %arg9[%get3A_484, %get3A_485] {strides = array<i32>} : memref<200x128xf32, #tpu.memory_space<vmem>>, vector<1x16xf32>,
      %get3A_487 = vector.shape_cast %get3A_486 : vector<1x16xf32> to vector<16xf32>
      %mul3A_488 = arith.constant 8.000000e+00 : f32
      %mul3A_489 = vector.broadcast %mul3A_488 : f32 to vector<16xf32>
      %mul3A_490 = arith.mulf %get3A_487, %mul3A_489 : vector<16xf32>
      %swap3A_491 = arith.constant 190 : i32
      %swap3A_492 = arith.index_cast %swap3A_491 : i32 to index
      %swap3A_493 = arith.constant 16 : index
      %swap3A_494 = tpu.vector_load %arg11[%swap3A_492, %swap3A_493] {strides = array<i32>} : memref<200x64xf32, #tpu.memory_space<vmem>>, vector<1x16xf32>,
      %swap3A_495 = vector.shape_cast %swap3A_494 : vector<1x16xf32> to vector<16xf32>
      %swap3A_496 = vector.shape_cast %mul3A_490 : vector<16xf32> to vector<1x16xf32>
      tpu.vector_store %arg11[%swap3A_492, %swap3A_493], %swap3A_496 {strides = array<i32>} : memref<200x64xf32, #tpu.memory_space<vmem>>, vector<1x16xf32>,
      %add3A_497 = arith.constant 32 : i32
      %add3A_498 = arith.addi %squeeze3A_464, %add3A_497 : i32
      %get3A_499 = arith.constant 190 : i32
      %get3A_500 = arith.index_cast %get3A_499 : i32 to index
      %get3A_501 = arith.index_cast %add3A_498 : i32 to index
      %get3A_502 = tpu.vector_load %arg9[%get3A_500, %get3A_501] {strides = array<i32>} : memref<200x128xf32, #tpu.memory_space<vmem>>, vector<1x16xf32>,
      %get3A_503 = vector.shape_cast %get3A_502 : vector<1x16xf32> to vector<16xf32>
      %mul3A_504 = arith.constant 8.000000e+00 : f32
      %mul3A_505 = vector.broadcast %mul3A_504 : f32 to vector<16xf32>
      %mul3A_506 = arith.mulf %get3A_503, %mul3A_505 : vector<16xf32>
      %swap3A_507 = arith.constant 190 : i32
      %swap3A_508 = arith.index_cast %swap3A_507 : i32 to index
      %swap3A_509 = arith.constant 32 : index
      %swap3A_510 = tpu.vector_load %arg11[%swap3A_508, %swap3A_509] {strides = array<i32>} : memref<200x64xf32, #tpu.memory_space<vmem>>, vector<1x16xf32>,
      %swap3A_511 = vector.shape_cast %swap3A_510 : vector<1x16xf32> to vector<16xf32>
      %swap3A_512 = vector.shape_cast %mul3A_506 : vector<16xf32> to vector<1x16xf32>
      tpu.vector_store %arg11[%swap3A_508, %swap3A_509], %swap3A_512 {strides = array<i32>} : memref<200x64xf32, #tpu.memory_space<vmem>>, vector<1x16xf32>,
      %add3A_513 = arith.constant 48 : i32
      %add3A_514 = arith.addi %squeeze3A_464, %add3A_513 : i32
      %get3A_515 = arith.constant 190 : i32
      %get3A_516 = arith.index_cast %get3A_515 : i32 to index
      %get3A_517 = arith.index_cast %add3A_514 : i32 to index
      %get3A_518 = tpu.vector_load %arg9[%get3A_516, %get3A_517] {strides = array<i32>} : memref<200x128xf32, #tpu.memory_space<vmem>>, vector<1x16xf32>,
      %get3A_519 = vector.shape_cast %get3A_518 : vector<1x16xf32> to vector<16xf32>
      %mul3A_520 = arith.constant 8.000000e+00 : f32
      %mul3A_521 = vector.broadcast %mul3A_520 : f32 to vector<16xf32>
      %mul3A_522 = arith.mulf %get3A_519, %mul3A_521 : vector<16xf32>
      %swap3A_523 = arith.constant 190 : i32
      %swap3A_524 = arith.index_cast %swap3A_523 : i32 to index
      %swap3A_525 = arith.constant 48 : index
      %swap3A_526 = tpu.vector_load %arg11[%swap3A_524, %swap3A_525] {strides = array<i32>} : memref<200x64xf32, #tpu.memory_space<vmem>>, vector<1x16xf32>,
      %swap3A_527 = vector.shape_cast %swap3A_526 : vector<1x16xf32> to vector<16xf32>
      %swap3A_528 = vector.shape_cast %mul3A_522 : vector<16xf32> to vector<1x16xf32>
      tpu.vector_store %arg11[%swap3A_524, %swap3A_525], %swap3A_528 {strides = array<i32>} : memref<200x64xf32, #tpu.memory_space<vmem>>, vector<1x16xf32>,
      %slice3A_529 = vector.extract_strided_slice %get3A_69 {offsets = [7], sizes = [1], strides = [1]} : vector<16xi32> to vector<1xi32>
      %squeeze3A_530 = vector.extract %slice3A_529[0] : i32 from vector<1xi32>
      %add3A_531 = arith.constant 0 : i32
      %add3A_532 = arith.addi %squeeze3A_530, %add3A_531 : i32
      %get3A_533 = arith.constant 191 : i32
      %get3A_534 = arith.index_cast %get3A_533 : i32 to index
      %get3A_535 = arith.index_cast %add3A_532 : i32 to index
      %get3A_536 = tpu.vector_load %arg9[%get3A_534, %get3A_535] {strides = array<i32>} : memref<200x128xf32, #tpu.memory_space<vmem>>, vector<1x16xf32>,
      %get3A_537 = vector.shape_cast %get3A_536 : vector<1x16xf32> to vector<16xf32>
      %mul3A_538 = arith.constant 8.000000e+00 : f32
      %mul3A_539 = vector.broadcast %mul3A_538 : f32 to vector<16xf32>
      %mul3A_540 = arith.mulf %get3A_537, %mul3A_539 : vector<16xf32>
      %swap3A_541 = arith.constant 191 : i32
      %swap3A_542 = arith.index_cast %swap3A_541 : i32 to index
      %swap3A_543 = arith.constant 0 : index
      %swap3A_544 = tpu.vector_load %arg11[%swap3A_542, %swap3A_543] {strides = array<i32>} : memref<200x64xf32, #tpu.memory_space<vmem>>, vector<1x16xf32>,
      %swap3A_545 = vector.shape_cast %swap3A_544 : vector<1x16xf32> to vector<16xf32>
      %swap3A_546 = vector.shape_cast %mul3A_540 : vector<16xf32> to vector<1x16xf32>
      tpu.vector_store %arg11[%swap3A_542, %swap3A_543], %swap3A_546 {strides = array<i32>} : memref<200x64xf32, #tpu.memory_space<vmem>>, vector<1x16xf32>,
      %add3A_547 = arith.constant 16 : i32
      %add3A_548 = arith.addi %squeeze3A_530, %add3A_547 : i32
      %get3A_549 = arith.constant 191 : i32
      %get3A_550 = arith.index_cast %get3A_549 : i32 to index
      %get3A_551 = arith.index_cast %add3A_548 : i32 to index
      %get3A_552 = tpu.vector_load %arg9[%get3A_550, %get3A_551] {strides = array<i32>} : memref<200x128xf32, #tpu.memory_space<vmem>>, vector<1x16xf32>,
      %get3A_553 = vector.shape_cast %get3A_552 : vector<1x16xf32> to vector<16xf32>
      %mul3A_554 = arith.constant 8.000000e+00 : f32
      %mul3A_555 = vector.broadcast %mul3A_554 : f32 to vector<16xf32>
      %mul3A_556 = arith.mulf %get3A_553, %mul3A_555 : vector<16xf32>
      %swap3A_557 = arith.constant 191 : i32
      %swap3A_558 = arith.index_cast %swap3A_557 : i32 to index
      %swap3A_559 = arith.constant 16 : index
      %swap3A_560 = tpu.vector_load %arg11[%swap3A_558, %swap3A_559] {strides = array<i32>} : memref<200x64xf32, #tpu.memory_space<vmem>>, vector<1x16xf32>,
      %swap3A_561 = vector.shape_cast %swap3A_560 : vector<1x16xf32> to vector<16xf32>
      %swap3A_562 = vector.shape_cast %mul3A_556 : vector<16xf32> to vector<1x16xf32>
      tpu.vector_store %arg11[%swap3A_558, %swap3A_559], %swap3A_562 {strides = array<i32>} : memref<200x64xf32, #tpu.memory_space<vmem>>, vector<1x16xf32>,
      %add3A_563 = arith.constant 32 : i32
      %add3A_564 = arith.addi %squeeze3A_530, %add3A_563 : i32
      %get3A_565 = arith.constant 191 : i32
      %get3A_566 = arith.index_cast %get3A_565 : i32 to index
      %get3A_567 = arith.index_cast %add3A_564 : i32 to index
      %get3A_568 = tpu.vector_load %arg9[%get3A_566, %get3A_567] {strides = array<i32>} : memref<200x128xf32, #tpu.memory_space<vmem>>, vector<1x16xf32>,
      %get3A_569 = vector.shape_cast %get3A_568 : vector<1x16xf32> to vector<16xf32>
      %mul3A_570 = arith.constant 8.000000e+00 : f32
      %mul3A_571 = vector.broadcast %mul3A_570 : f32 to vector<16xf32>
      %mul3A_572 = arith.mulf %get3A_569, %mul3A_571 : vector<16xf32>
      %swap3A_573 = arith.constant 191 : i32
      %swap3A_574 = arith.index_cast %swap3A_573 : i32 to index
      %swap3A_575 = arith.constant 32 : index
      %swap3A_576 = tpu.vector_load %arg11[%swap3A_574, %swap3A_575] {strides = array<i32>} : memref<200x64xf32, #tpu.memory_space<vmem>>, vector<1x16xf32>,
      %swap3A_577 = vector.shape_cast %swap3A_576 : vector<1x16xf32> to vector<16xf32>
      %swap3A_578 = vector.shape_cast %mul3A_572 : vector<16xf32> to vector<1x16xf32>
      tpu.vector_store %arg11[%swap3A_574, %swap3A_575], %swap3A_578 {strides = array<i32>} : memref<200x64xf32, #tpu.memory_space<vmem>>, vector<1x16xf32>,
      %add3A_579 = arith.constant 48 : i32
      %add3A_580 = arith.addi %squeeze3A_530, %add3A_579 : i32
      %get3A_581 = arith.constant 191 : i32
      %get3A_582 = arith.index_cast %get3A_581 : i32 to index
      %get3A_583 = arith.index_cast %add3A_580 : i32 to index
      %get3A_584 = tpu.vector_load %arg9[%get3A_582, %get3A_583] {strides = array<i32>} : memref<200x128xf32, #tpu.memory_space<vmem>>, vector<1x16xf32>,
      %get3A_585 = vector.shape_cast %get3A_584 : vector<1x16xf32> to vector<16xf32>
      %mul3A_586 = arith.constant 8.000000e+00 : f32
      %mul3A_587 = vector.broadcast %mul3A_586 : f32 to vector<16xf32>
      %mul3A_588 = arith.mulf %get3A_585, %mul3A_587 : vector<16xf32>
      %swap3A_589 = arith.constant 191 : i32
      %swap3A_590 = arith.index_cast %swap3A_589 : i32 to index
      %swap3A_591 = arith.constant 48 : index
      %swap3A_592 = tpu.vector_load %arg11[%swap3A_590, %swap3A_591] {strides = array<i32>} : memref<200x64xf32, #tpu.memory_space<vmem>>, vector<1x16xf32>,
      %swap3A_593 = vector.shape_cast %swap3A_592 : vector<1x16xf32> to vector<16xf32>
      %swap3A_594 = vector.shape_cast %mul3A_588 : vector<16xf32> to vector<1x16xf32>
      tpu.vector_store %arg11[%swap3A_590, %swap3A_591], %swap3A_594 {strides = array<i32>} : memref<200x64xf32, #tpu.memory_space<vmem>>, vector<1x16xf32>,
      %slice3A_595 = vector.extract_strided_slice %get3A_69 {offsets = [8], sizes = [1], strides = [1]} : vector<16xi32> to vector<1xi32>
      %squeeze3A_596 = vector.extract %slice3A_595[0] : i32 from vector<1xi32>
      %add3A_597 = arith.constant 0 : i32
      %add3A_598 = arith.addi %squeeze3A_596, %add3A_597 : i32
      %get3A_599 = arith.constant 192 : i32
      %get3A_600 = arith.index_cast %get3A_599 : i32 to index
      %get3A_601 = arith.index_cast %add3A_598 : i32 to index
      %get3A_602 = tpu.vector_load %arg9[%get3A_600, %get3A_601] {strides = array<i32>} : memref<200x128xf32, #tpu.memory_space<vmem>>, vector<1x16xf32>,
      %get3A_603 = vector.shape_cast %get3A_602 : vector<1x16xf32> to vector<16xf32>
      %mul3A_604 = arith.constant 8.000000e+00 : f32
      %mul3A_605 = vector.broadcast %mul3A_604 : f32 to vector<16xf32>
      %mul3A_606 = arith.mulf %get3A_603, %mul3A_605 : vector<16xf32>
      %swap3A_607 = arith.constant 192 : i32
      %swap3A_608 = arith.index_cast %swap3A_607 : i32 to index
      %swap3A_609 = arith.constant 0 : index
      %swap3A_610 = tpu.vector_load %arg11[%swap3A_608, %swap3A_609] {strides = array<i32>} : memref<200x64xf32, #tpu.memory_space<vmem>>, vector<1x16xf32>,
      %swap3A_611 = vector.shape_cast %swap3A_610 : vector<1x16xf32> to vector<16xf32>
      %swap3A_612 = vector.shape_cast %mul3A_606 : vector<16xf32> to vector<1x16xf32>
      tpu.vector_store %arg11[%swap3A_608, %swap3A_609], %swap3A_612 {strides = array<i32>} : memref<200x64xf32, #tpu.memory_space<vmem>>, vector<1x16xf32>,
      %add3A_613 = arith.constant 16 : i32
      %add3A_614 = arith.addi %squeeze3A_596, %add3A_613 : i32
      %get3A_615 = arith.constant 192 : i32
      %get3A_616 = arith.index_cast %get3A_615 : i32 to index
      %get3A_617 = arith.index_cast %add3A_614 : i32 to index
      %get3A_618 = tpu.vector_load %arg9[%get3A_616, %get3A_617] {strides = array<i32>} : memref<200x128xf32, #tpu.memory_space<vmem>>, vector<1x16xf32>,
      %get3A_619 = vector.shape_cast %get3A_618 : vector<1x16xf32> to vector<16xf32>
      %mul3A_620 = arith.constant 8.000000e+00 : f32
      %mul3A_621 = vector.broadcast %mul3A_620 : f32 to vector<16xf32>
      %mul3A_622 = arith.mulf %get3A_619, %mul3A_621 : vector<16xf32>
      %swap3A_623 = arith.constant 192 : i32
      %swap3A_624 = arith.index_cast %swap3A_623 : i32 to index
      %swap3A_625 = arith.constant 16 : index
      %swap3A_626 = tpu.vector_load %arg11[%swap3A_624, %swap3A_625] {strides = array<i32>} : memref<200x64xf32, #tpu.memory_space<vmem>>, vector<1x16xf32>,
      %swap3A_627 = vector.shape_cast %swap3A_626 : vector<1x16xf32> to vector<16xf32>
      %swap3A_628 = vector.shape_cast %mul3A_622 : vector<16xf32> to vector<1x16xf32>
      tpu.vector_store %arg11[%swap3A_624, %swap3A_625], %swap3A_628 {strides = array<i32>} : memref<200x64xf32, #tpu.memory_space<vmem>>, vector<1x16xf32>,
      %add3A_629 = arith.constant 32 : i32
      %add3A_630 = arith.addi %squeeze3A_596, %add3A_629 : i32
      %get3A_631 = arith.constant 192 : i32
      %get3A_632 = arith.index_cast %get3A_631 : i32 to index
      %get3A_633 = arith.index_cast %add3A_630 : i32 to index
      %get3A_634 = tpu.vector_load %arg9[%get3A_632, %get3A_633] {strides = array<i32>} : memref<200x128xf32, #tpu.memory_space<vmem>>, vector<1x16xf32>,
      %get3A_635 = vector.shape_cast %get3A_634 : vector<1x16xf32> to vector<16xf32>
      %mul3A_636 = arith.constant 8.000000e+00 : f32
      %mul3A_637 = vector.broadcast %mul3A_636 : f32 to vector<16xf32>
      %mul3A_638 = arith.mulf %get3A_635, %mul3A_637 : vector<16xf32>
      %swap3A_639 = arith.constant 192 : i32
      %swap3A_640 = arith.index_cast %swap3A_639 : i32 to index
      %swap3A_641 = arith.constant 32 : index
      %swap3A_642 = tpu.vector_load %arg11[%swap3A_640, %swap3A_641] {strides = array<i32>} : memref<200x64xf32, #tpu.memory_space<vmem>>, vector<1x16xf32>,
      %swap3A_643 = vector.shape_cast %swap3A_642 : vector<1x16xf32> to vector<16xf32>
      %swap3A_644 = vector.shape_cast %mul3A_638 : vector<16xf32> to vector<1x16xf32>
      tpu.vector_store %arg11[%swap3A_640, %swap3A_641], %swap3A_644 {strides = array<i32>} : memref<200x64xf32, #tpu.memory_space<vmem>>, vector<1x16xf32>,
      %add3A_645 = arith.constant 48 : i32
      %add3A_646 = arith.addi %squeeze3A_596, %add3A_645 : i32
      %get3A_647 = arith.constant 192 : i32
      %get3A_648 = arith.index_cast %get3A_647 : i32 to index
      %get3A_649 = arith.index_cast %add3A_646 : i32 to index
      %get3A_650 = tpu.vector_load %arg9[%get3A_648, %get3A_649] {strides = array<i32>} : memref<200x128xf32, #tpu.memory_space<vmem>>, vector<1x16xf32>,
      %get3A_651 = vector.shape_cast %get3A_650 : vector<1x16xf32> to vector<16xf32>
      %mul3A_652 = arith.constant 8.000000e+00 : f32
      %mul3A_653 = vector.broadcast %mul3A_652 : f32 to vector<16xf32>
      %mul3A_654 = arith.mulf %get3A_651, %mul3A_653 : vector<16xf32>
      %swap3A_655 = arith.constant 192 : i32
      %swap3A_656 = arith.index_cast %swap3A_655 : i32 to index
      %swap3A_657 = arith.constant 48 : index
      %swap3A_658 = tpu.vector_load %arg11[%swap3A_656, %swap3A_657] {strides = array<i32>} : memref<200x64xf32, #tpu.memory_space<vmem>>, vector<1x16xf32>,
      %swap3A_659 = vector.shape_cast %swap3A_658 : vector<1x16xf32> to vector<16xf32>
      %swap3A_660 = vector.shape_cast %mul3A_654 : vector<16xf32> to vector<1x16xf32>
      tpu.vector_store %arg11[%swap3A_656, %swap3A_657], %swap3A_660 {strides = array<i32>} : memref<200x64xf32, #tpu.memory_space<vmem>>, vector<1x16xf32>,
      %slice3A_661 = vector.extract_strided_slice %get3A_69 {offsets = [9], sizes = [1], strides = [1]} : vector<16xi32> to vector<1xi32>
      %squeeze3A_662 = vector.extract %slice3A_661[0] : i32 from vector<1xi32>
      %add3A_663 = arith.constant 0 : i32
      %add3A_664 = arith.addi %squeeze3A_662, %add3A_663 : i32
      %get3A_665 = arith.constant 193 : i32
      %get3A_666 = arith.index_cast %get3A_665 : i32 to index
      %get3A_667 = arith.index_cast %add3A_664 : i32 to index
      %get3A_668 = tpu.vector_load %arg9[%get3A_666, %get3A_667] {strides = array<i32>} : memref<200x128xf32, #tpu.memory_space<vmem>>, vector<1x16xf32>,
      %get3A_669 = vector.shape_cast %get3A_668 : vector<1x16xf32> to vector<16xf32>
      %mul3A_670 = arith.constant 8.000000e+00 : f32
      %mul3A_671 = vector.broadcast %mul3A_670 : f32 to vector<16xf32>
      %mul3A_672 = arith.mulf %get3A_669, %mul3A_671 : vector<16xf32>
      %swap3A_673 = arith.constant 193 : i32
      %swap3A_674 = arith.index_cast %swap3A_673 : i32 to index
      %swap3A_675 = arith.constant 0 : index
      %swap3A_676 = tpu.vector_load %arg11[%swap3A_674, %swap3A_675] {strides = array<i32>} : memref<200x64xf32, #tpu.memory_space<vmem>>, vector<1x16xf32>,
      %swap3A_677 = vector.shape_cast %swap3A_676 : vector<1x16xf32> to vector<16xf32>
      %swap3A_678 = vector.shape_cast %mul3A_672 : vector<16xf32> to vector<1x16xf32>
      tpu.vector_store %arg11[%swap3A_674, %swap3A_675], %swap3A_678 {strides = array<i32>} : memref<200x64xf32, #tpu.memory_space<vmem>>, vector<1x16xf32>,
      %add3A_679 = arith.constant 16 : i32
      %add3A_680 = arith.addi %squeeze3A_662, %add3A_679 : i32
      %get3A_681 = arith.constant 193 : i32
      %get3A_682 = arith.index_cast %get3A_681 : i32 to index
      %get3A_683 = arith.index_cast %add3A_680 : i32 to index
      %get3A_684 = tpu.vector_load %arg9[%get3A_682, %get3A_683] {strides = array<i32>} : memref<200x128xf32, #tpu.memory_space<vmem>>, vector<1x16xf32>,
      %get3A_685 = vector.shape_cast %get3A_684 : vector<1x16xf32> to vector<16xf32>
      %mul3A_686 = arith.constant 8.000000e+00 : f32
      %mul3A_687 = vector.broadcast %mul3A_686 : f32 to vector<16xf32>
      %mul3A_688 = arith.mulf %get3A_685, %mul3A_687 : vector<16xf32>
      %swap3A_689 = arith.constant 193 : i32
      %swap3A_690 = arith.index_cast %swap3A_689 : i32 to index
      %swap3A_691 = arith.constant 16 : index
      %swap3A_692 = tpu.vector_load %arg11[%swap3A_690, %swap3A_691] {strides = array<i32>} : memref<200x64xf32, #tpu.memory_space<vmem>>, vector<1x16xf32>,
      %swap3A_693 = vector.shape_cast %swap3A_692 : vector<1x16xf32> to vector<16xf32>
      %swap3A_694 = vector.shape_cast %mul3A_688 : vector<16xf32> to vector<1x16xf32>
      tpu.vector_store %arg11[%swap3A_690, %swap3A_691], %swap3A_694 {strides = array<i32>} : memref<200x64xf32, #tpu.memory_space<vmem>>, vector<1x16xf32>,
      %add3A_695 = arith.constant 32 : i32
      %add3A_696 = arith.addi %squeeze3A_662, %add3A_695 : i32
      %get3A_697 = arith.constant 193 : i32
      %get3A_698 = arith.index_cast %get3A_697 : i32 to index
      %get3A_699 = arith.index_cast %add3A_696 : i32 to index
      %get3A_700 = tpu.vector_load %arg9[%get3A_698, %get3A_699] {strides = array<i32>} : memref<200x128xf32, #tpu.memory_space<vmem>>, vector<1x16xf32>,
      %get3A_701 = vector.shape_cast %get3A_700 : vector<1x16xf32> to vector<16xf32>
      %mul3A_702 = arith.constant 8.000000e+00 : f32
      %mul3A_703 = vector.broadcast %mul3A_702 : f32 to vector<16xf32>
      %mul3A_704 = arith.mulf %get3A_701, %mul3A_703 : vector<16xf32>
      %swap3A_705 = arith.constant 193 : i32
      %swap3A_706 = arith.index_cast %swap3A_705 : i32 to index
      %swap3A_707 = arith.constant 32 : index
      %swap3A_708 = tpu.vector_load %arg11[%swap3A_706, %swap3A_707] {strides = array<i32>} : memref<200x64xf32, #tpu.memory_space<vmem>>, vector<1x16xf32>,
      %swap3A_709 = vector.shape_cast %swap3A_708 : vector<1x16xf32> to vector<16xf32>
      %swap3A_710 = vector.shape_cast %mul3A_704 : vector<16xf32> to vector<1x16xf32>
      tpu.vector_store %arg11[%swap3A_706, %swap3A_707], %swap3A_710 {strides = array<i32>} : memref<200x64xf32, #tpu.memory_space<vmem>>, vector<1x16xf32>,
      %add3A_711 = arith.constant 48 : i32
      %add3A_712 = arith.addi %squeeze3A_662, %add3A_711 : i32
      %get3A_713 = arith.constant 193 : i32
      %get3A_714 = arith.index_cast %get3A_713 : i32 to index
      %get3A_715 = arith.index_cast %add3A_712 : i32 to index
      %get3A_716 = tpu.vector_load %arg9[%get3A_714, %get3A_715] {strides = array<i32>} : memref<200x128xf32, #tpu.memory_space<vmem>>, vector<1x16xf32>,
      %get3A_717 = vector.shape_cast %get3A_716 : vector<1x16xf32> to vector<16xf32>
      %mul3A_718 = arith.constant 8.000000e+00 : f32
      %mul3A_719 = vector.broadcast %mul3A_718 : f32 to vector<16xf32>
      %mul3A_720 = arith.mulf %get3A_717, %mul3A_719 : vector<16xf32>
      %swap3A_721 = arith.constant 193 : i32
      %swap3A_722 = arith.index_cast %swap3A_721 : i32 to index
      %swap3A_723 = arith.constant 48 : index
      %swap3A_724 = tpu.vector_load %arg11[%swap3A_722, %swap3A_723] {strides = array<i32>} : memref<200x64xf32, #tpu.memory_space<vmem>>, vector<1x16xf32>,
      %swap3A_725 = vector.shape_cast %swap3A_724 : vector<1x16xf32> to vector<16xf32>
      %swap3A_726 = vector.shape_cast %mul3A_720 : vector<16xf32> to vector<1x16xf32>
      tpu.vector_store %arg11[%swap3A_722, %swap3A_723], %swap3A_726 {strides = array<i32>} : memref<200x64xf32, #tpu.memory_space<vmem>>, vector<1x16xf32>,
      %slice3A_727 = vector.extract_strided_slice %get3A_69 {offsets = [10], sizes = [1], strides = [1]} : vector<16xi32> to vector<1xi32>
      %squeeze3A_728 = vector.extract %slice3A_727[0] : i32 from vector<1xi32>
      %add3A_729 = arith.constant 0 : i32
      %add3A_730 = arith.addi %squeeze3A_728, %add3A_729 : i32
      %get3A_731 = arith.constant 194 : i32
      %get3A_732 = arith.index_cast %get3A_731 : i32 to index
      %get3A_733 = arith.index_cast %add3A_730 : i32 to index
      %get3A_734 = tpu.vector_load %arg9[%get3A_732, %get3A_733] {strides = array<i32>} : memref<200x128xf32, #tpu.memory_space<vmem>>, vector<1x16xf32>,
      %get3A_735 = vector.shape_cast %get3A_734 : vector<1x16xf32> to vector<16xf32>
      %mul3A_736 = arith.constant 8.000000e+00 : f32
      %mul3A_737 = vector.broadcast %mul3A_736 : f32 to vector<16xf32>
      %mul3A_738 = arith.mulf %get3A_735, %mul3A_737 : vector<16xf32>
      %swap3A_739 = arith.constant 194 : i32
      %swap3A_740 = arith.index_cast %swap3A_739 : i32 to index
      %swap3A_741 = arith.constant 0 : index
      %swap3A_742 = tpu.vector_load %arg11[%swap3A_740, %swap3A_741] {strides = array<i32>} : memref<200x64xf32, #tpu.memory_space<vmem>>, vector<1x16xf32>,
      %swap3A_743 = vector.shape_cast %swap3A_742 : vector<1x16xf32> to vector<16xf32>
      %swap3A_744 = vector.shape_cast %mul3A_738 : vector<16xf32> to vector<1x16xf32>
      tpu.vector_store %arg11[%swap3A_740, %swap3A_741], %swap3A_744 {strides = array<i32>} : memref<200x64xf32, #tpu.memory_space<vmem>>, vector<1x16xf32>,
      %add3A_745 = arith.constant 16 : i32
      %add3A_746 = arith.addi %squeeze3A_728, %add3A_745 : i32
      %get3A_747 = arith.constant 194 : i32
      %get3A_748 = arith.index_cast %get3A_747 : i32 to index
      %get3A_749 = arith.index_cast %add3A_746 : i32 to index
      %get3A_750 = tpu.vector_load %arg9[%get3A_748, %get3A_749] {strides = array<i32>} : memref<200x128xf32, #tpu.memory_space<vmem>>, vector<1x16xf32>,
      %get3A_751 = vector.shape_cast %get3A_750 : vector<1x16xf32> to vector<16xf32>
      %mul3A_752 = arith.constant 8.000000e+00 : f32
      %mul3A_753 = vector.broadcast %mul3A_752 : f32 to vector<16xf32>
      %mul3A_754 = arith.mulf %get3A_751, %mul3A_753 : vector<16xf32>
      %swap3A_755 = arith.constant 194 : i32
      %swap3A_756 = arith.index_cast %swap3A_755 : i32 to index
      %swap3A_757 = arith.constant 16 : index
      %swap3A_758 = tpu.vector_load %arg11[%swap3A_756, %swap3A_757] {strides = array<i32>} : memref<200x64xf32, #tpu.memory_space<vmem>>, vector<1x16xf32>,
      %swap3A_759 = vector.shape_cast %swap3A_758 : vector<1x16xf32> to vector<16xf32>
      %swap3A_760 = vector.shape_cast %mul3A_754 : vector<16xf32> to vector<1x16xf32>
      tpu.vector_store %arg11[%swap3A_756, %swap3A_757], %swap3A_760 {strides = array<i32>} : memref<200x64xf32, #tpu.memory_space<vmem>>, vector<1x16xf32>,
      %add3A_761 = arith.constant 32 : i32
      %add3A_762 = arith.addi %squeeze3A_728, %add3A_761 : i32
      %get3A_763 = arith.constant 194 : i32
      %get3A_764 = arith.index_cast %get3A_763 : i32 to index
      %get3A_765 = arith.index_cast %add3A_762 : i32 to index
      %get3A_766 = tpu.vector_load %arg9[%get3A_764, %get3A_765] {strides = array<i32>} : memref<200x128xf32, #tpu.memory_space<vmem>>, vector<1x16xf32>,
      %get3A_767 = vector.shape_cast %get3A_766 : vector<1x16xf32> to vector<16xf32>
      %mul3A_768 = arith.constant 8.000000e+00 : f32
      %mul3A_769 = vector.broadcast %mul3A_768 : f32 to vector<16xf32>
      %mul3A_770 = arith.mulf %get3A_767, %mul3A_769 : vector<16xf32>
      %swap3A_771 = arith.constant 194 : i32
      %swap3A_772 = arith.index_cast %swap3A_771 : i32 to index
      %swap3A_773 = arith.constant 32 : index
      %swap3A_774 = tpu.vector_load %arg11[%swap3A_772, %swap3A_773] {strides = array<i32>} : memref<200x64xf32, #tpu.memory_space<vmem>>, vector<1x16xf32>,
      %swap3A_775 = vector.shape_cast %swap3A_774 : vector<1x16xf32> to vector<16xf32>
      %swap3A_776 = vector.shape_cast %mul3A_770 : vector<16xf32> to vector<1x16xf32>
      tpu.vector_store %arg11[%swap3A_772, %swap3A_773], %swap3A_776 {strides = array<i32>} : memref<200x64xf32, #tpu.memory_space<vmem>>, vector<1x16xf32>,
      %add3A_777 = arith.constant 48 : i32
      %add3A_778 = arith.addi %squeeze3A_728, %add3A_777 : i32
      %get3A_779 = arith.constant 194 : i32
      %get3A_780 = arith.index_cast %get3A_779 : i32 to index
      %get3A_781 = arith.index_cast %add3A_778 : i32 to index
      %get3A_782 = tpu.vector_load %arg9[%get3A_780, %get3A_781] {strides = array<i32>} : memref<200x128xf32, #tpu.memory_space<vmem>>, vector<1x16xf32>,
      %get3A_783 = vector.shape_cast %get3A_782 : vector<1x16xf32> to vector<16xf32>
      %mul3A_784 = arith.constant 8.000000e+00 : f32
      %mul3A_785 = vector.broadcast %mul3A_784 : f32 to vector<16xf32>
      %mul3A_786 = arith.mulf %get3A_783, %mul3A_785 : vector<16xf32>
      %swap3A_787 = arith.constant 194 : i32
      %swap3A_788 = arith.index_cast %swap3A_787 : i32 to index
      %swap3A_789 = arith.constant 48 : index
      %swap3A_790 = tpu.vector_load %arg11[%swap3A_788, %swap3A_789] {strides = array<i32>} : memref<200x64xf32, #tpu.memory_space<vmem>>, vector<1x16xf32>,
      %swap3A_791 = vector.shape_cast %swap3A_790 : vector<1x16xf32> to vector<16xf32>
      %swap3A_792 = vector.shape_cast %mul3A_786 : vector<16xf32> to vector<1x16xf32>
      tpu.vector_store %arg11[%swap3A_788, %swap3A_789], %swap3A_792 {strides = array<i32>} : memref<200x64xf32, #tpu.memory_space<vmem>>, vector<1x16xf32>,
      %slice3A_793 = vector.extract_strided_slice %get3A_69 {offsets = [11], sizes = [1], strides = [1]} : vector<16xi32> to vector<1xi32>
      %squeeze3A_794 = vector.extract %slice3A_793[0] : i32 from vector<1xi32>
      %add3A_795 = arith.constant 0 : i32
      %add3A_796 = arith.addi %squeeze3A_794, %add3A_795 : i32
      %get3A_797 = arith.constant 195 : i32
      %get3A_798 = arith.index_cast %get3A_797 : i32 to index
      %get3A_799 = arith.index_cast %add3A_796 : i32 to index
      %get3A_800 = tpu.vector_load %arg9[%get3A_798, %get3A_799] {strides = array<i32>} : memref<200x128xf32, #tpu.memory_space<vmem>>, vector<1x16xf32>,
      %get3A_801 = vector.shape_cast %get3A_800 : vector<1x16xf32> to vector<16xf32>
      %mul3A_802 = arith.constant 8.000000e+00 : f32
      %mul3A_803 = vector.broadcast %mul3A_802 : f32 to vector<16xf32>
      %mul3A_804 = arith.mulf %get3A_801, %mul3A_803 : vector<16xf32>
      %swap3A_805 = arith.constant 195 : i32
      %swap3A_806 = arith.index_cast %swap3A_805 : i32 to index
      %swap3A_807 = arith.constant 0 : index
      %swap3A_808 = tpu.vector_load %arg11[%swap3A_806, %swap3A_807] {strides = array<i32>} : memref<200x64xf32, #tpu.memory_space<vmem>>, vector<1x16xf32>,
      %swap3A_809 = vector.shape_cast %swap3A_808 : vector<1x16xf32> to vector<16xf32>
      %swap3A_810 = vector.shape_cast %mul3A_804 : vector<16xf32> to vector<1x16xf32>
      tpu.vector_store %arg11[%swap3A_806, %swap3A_807], %swap3A_810 {strides = array<i32>} : memref<200x64xf32, #tpu.memory_space<vmem>>, vector<1x16xf32>,
      %add3A_811 = arith.constant 16 : i32
      %add3A_812 = arith.addi %squeeze3A_794, %add3A_811 : i32
      %get3A_813 = arith.constant 195 : i32
      %get3A_814 = arith.index_cast %get3A_813 : i32 to index
      %get3A_815 = arith.index_cast %add3A_812 : i32 to index
      %get3A_816 = tpu.vector_load %arg9[%get3A_814, %get3A_815] {strides = array<i32>} : memref<200x128xf32, #tpu.memory_space<vmem>>, vector<1x16xf32>,
      %get3A_817 = vector.shape_cast %get3A_816 : vector<1x16xf32> to vector<16xf32>
      %mul3A_818 = arith.constant 8.000000e+00 : f32
      %mul3A_819 = vector.broadcast %mul3A_818 : f32 to vector<16xf32>
      %mul3A_820 = arith.mulf %get3A_817, %mul3A_819 : vector<16xf32>
      %swap3A_821 = arith.constant 195 : i32
      %swap3A_822 = arith.index_cast %swap3A_821 : i32 to index
      %swap3A_823 = arith.constant 16 : index
      %swap3A_824 = tpu.vector_load %arg11[%swap3A_822, %swap3A_823] {strides = array<i32>} : memref<200x64xf32, #tpu.memory_space<vmem>>, vector<1x16xf32>,
      %swap3A_825 = vector.shape_cast %swap3A_824 : vector<1x16xf32> to vector<16xf32>
      %swap3A_826 = vector.shape_cast %mul3A_820 : vector<16xf32> to vector<1x16xf32>
      tpu.vector_store %arg11[%swap3A_822, %swap3A_823], %swap3A_826 {strides = array<i32>} : memref<200x64xf32, #tpu.memory_space<vmem>>, vector<1x16xf32>,
      %add3A_827 = arith.constant 32 : i32
      %add3A_828 = arith.addi %squeeze3A_794, %add3A_827 : i32
      %get3A_829 = arith.constant 195 : i32
      %get3A_830 = arith.index_cast %get3A_829 : i32 to index
      %get3A_831 = arith.index_cast %add3A_828 : i32 to index
      %get3A_832 = tpu.vector_load %arg9[%get3A_830, %get3A_831] {strides = array<i32>} : memref<200x128xf32, #tpu.memory_space<vmem>>, vector<1x16xf32>,
      %get3A_833 = vector.shape_cast %get3A_832 : vector<1x16xf32> to vector<16xf32>
      %mul3A_834 = arith.constant 8.000000e+00 : f32
      %mul3A_835 = vector.broadcast %mul3A_834 : f32 to vector<16xf32>
      %mul3A_836 = arith.mulf %get3A_833, %mul3A_835 : vector<16xf32>
      %swap3A_837 = arith.constant 195 : i32
      %swap3A_838 = arith.index_cast %swap3A_837 : i32 to index
      %swap3A_839 = arith.constant 32 : index
      %swap3A_840 = tpu.vector_load %arg11[%swap3A_838, %swap3A_839] {strides = array<i32>} : memref<200x64xf32, #tpu.memory_space<vmem>>, vector<1x16xf32>,
      %swap3A_841 = vector.shape_cast %swap3A_840 : vector<1x16xf32> to vector<16xf32>
      %swap3A_842 = vector.shape_cast %mul3A_836 : vector<16xf32> to vector<1x16xf32>
      tpu.vector_store %arg11[%swap3A_838, %swap3A_839], %swap3A_842 {strides = array<i32>} : memref<200x64xf32, #tpu.memory_space<vmem>>, vector<1x16xf32>,
      %add3A_843 = arith.constant 48 : i32
      %add3A_844 = arith.addi %squeeze3A_794, %add3A_843 : i32
      %get3A_845 = arith.constant 195 : i32
      %get3A_846 = arith.index_cast %get3A_845 : i32 to index
      %get3A_847 = arith.index_cast %add3A_844 : i32 to index
      %get3A_848 = tpu.vector_load %arg9[%get3A_846, %get3A_847] {strides = array<i32>} : memref<200x128xf32, #tpu.memory_space<vmem>>, vector<1x16xf32>,
      %get3A_849 = vector.shape_cast %get3A_848 : vector<1x16xf32> to vector<16xf32>
      %mul3A_850 = arith.constant 8.000000e+00 : f32
      %mul3A_851 = vector.broadcast %mul3A_850 : f32 to vector<16xf32>
      %mul3A_852 = arith.mulf %get3A_849, %mul3A_851 : vector<16xf32>
      %swap3A_853 = arith.constant 195 : i32
      %swap3A_854 = arith.index_cast %swap3A_853 : i32 to index
      %swap3A_855 = arith.constant 48 : index
      %swap3A_856 = tpu.vector_load %arg11[%swap3A_854, %swap3A_855] {strides = array<i32>} : memref<200x64xf32, #tpu.memory_space<vmem>>, vector<1x16xf32>,
      %swap3A_857 = vector.shape_cast %swap3A_856 : vector<1x16xf32> to vector<16xf32>
      %swap3A_858 = vector.shape_cast %mul3A_852 : vector<16xf32> to vector<1x16xf32>
      tpu.vector_store %arg11[%swap3A_854, %swap3A_855], %swap3A_858 {strides = array<i32>} : memref<200x64xf32, #tpu.memory_space<vmem>>, vector<1x16xf32>,
      %slice3A_859 = vector.extract_strided_slice %get3A_69 {offsets = [12], sizes = [1], strides = [1]} : vector<16xi32> to vector<1xi32>
      %squeeze3A_860 = vector.extract %slice3A_859[0] : i32 from vector<1xi32>
      %add3A_861 = arith.constant 0 : i32
      %add3A_862 = arith.addi %squeeze3A_860, %add3A_861 : i32
      %get3A_863 = arith.constant 196 : i32
      %get3A_864 = arith.index_cast %get3A_863 : i32 to index
      %get3A_865 = arith.index_cast %add3A_862 : i32 to index
      %get3A_866 = tpu.vector_load %arg9[%get3A_864, %get3A_865] {strides = array<i32>} : memref<200x128xf32, #tpu.memory_space<vmem>>, vector<1x16xf32>,
      %get3A_867 = vector.shape_cast %get3A_866 : vector<1x16xf32> to vector<16xf32>
      %mul3A_868 = arith.constant 8.000000e+00 : f32
      %mul3A_869 = vector.broadcast %mul3A_868 : f32 to vector<16xf32>
      %mul3A_870 = arith.mulf %get3A_867, %mul3A_869 : vector<16xf32>
      %swap3A_871 = arith.constant 196 : i32
      %swap3A_872 = arith.index_cast %swap3A_871 : i32 to index
      %swap3A_873 = arith.constant 0 : index
      %swap3A_874 = tpu.vector_load %arg11[%swap3A_872, %swap3A_873] {strides = array<i32>} : memref<200x64xf32, #tpu.memory_space<vmem>>, vector<1x16xf32>,
      %swap3A_875 = vector.shape_cast %swap3A_874 : vector<1x16xf32> to vector<16xf32>
      %swap3A_876 = vector.shape_cast %mul3A_870 : vector<16xf32> to vector<1x16xf32>
      tpu.vector_store %arg11[%swap3A_872, %swap3A_873], %swap3A_876 {strides = array<i32>} : memref<200x64xf32, #tpu.memory_space<vmem>>, vector<1x16xf32>,
      %add3A_877 = arith.constant 16 : i32
      %add3A_878 = arith.addi %squeeze3A_860, %add3A_877 : i32
      %get3A_879 = arith.constant 196 : i32
      %get3A_880 = arith.index_cast %get3A_879 : i32 to index
      %get3A_881 = arith.index_cast %add3A_878 : i32 to index
      %get3A_882 = tpu.vector_load %arg9[%get3A_880, %get3A_881] {strides = array<i32>} : memref<200x128xf32, #tpu.memory_space<vmem>>, vector<1x16xf32>,
      %get3A_883 = vector.shape_cast %get3A_882 : vector<1x16xf32> to vector<16xf32>
      %mul3A_884 = arith.constant 8.000000e+00 : f32
      %mul3A_885 = vector.broadcast %mul3A_884 : f32 to vector<16xf32>
      %mul3A_886 = arith.mulf %get3A_883, %mul3A_885 : vector<16xf32>
      %swap3A_887 = arith.constant 196 : i32
      %swap3A_888 = arith.index_cast %swap3A_887 : i32 to index
      %swap3A_889 = arith.constant 16 : index
      %swap3A_890 = tpu.vector_load %arg11[%swap3A_888, %swap3A_889] {strides = array<i32>} : memref<200x64xf32, #tpu.memory_space<vmem>>, vector<1x16xf32>,
      %swap3A_891 = vector.shape_cast %swap3A_890 : vector<1x16xf32> to vector<16xf32>
      %swap3A_892 = vector.shape_cast %mul3A_886 : vector<16xf32> to vector<1x16xf32>
      tpu.vector_store %arg11[%swap3A_888, %swap3A_889], %swap3A_892 {strides = array<i32>} : memref<200x64xf32, #tpu.memory_space<vmem>>, vector<1x16xf32>,
      %add3A_893 = arith.constant 32 : i32
      %add3A_894 = arith.addi %squeeze3A_860, %add3A_893 : i32
      %get3A_895 = arith.constant 196 : i32
      %get3A_896 = arith.index_cast %get3A_895 : i32 to index
      %get3A_897 = arith.index_cast %add3A_894 : i32 to index
      %get3A_898 = tpu.vector_load %arg9[%get3A_896, %get3A_897] {strides = array<i32>} : memref<200x128xf32, #tpu.memory_space<vmem>>, vector<1x16xf32>,
      %get3A_899 = vector.shape_cast %get3A_898 : vector<1x16xf32> to vector<16xf32>
      %mul3A_900 = arith.constant 8.000000e+00 : f32
      %mul3A_901 = vector.broadcast %mul3A_900 : f32 to vector<16xf32>
      %mul3A_902 = arith.mulf %get3A_899, %mul3A_901 : vector<16xf32>
      %swap3A_903 = arith.constant 196 : i32
      %swap3A_904 = arith.index_cast %swap3A_903 : i32 to index
      %swap3A_905 = arith.constant 32 : index
      %swap3A_906 = tpu.vector_load %arg11[%swap3A_904, %swap3A_905] {strides = array<i32>} : memref<200x64xf32, #tpu.memory_space<vmem>>, vector<1x16xf32>,
      %swap3A_907 = vector.shape_cast %swap3A_906 : vector<1x16xf32> to vector<16xf32>
      %swap3A_908 = vector.shape_cast %mul3A_902 : vector<16xf32> to vector<1x16xf32>
      tpu.vector_store %arg11[%swap3A_904, %swap3A_905], %swap3A_908 {strides = array<i32>} : memref<200x64xf32, #tpu.memory_space<vmem>>, vector<1x16xf32>,
      %add3A_909 = arith.constant 48 : i32
      %add3A_910 = arith.addi %squeeze3A_860, %add3A_909 : i32
      %get3A_911 = arith.constant 196 : i32
      %get3A_912 = arith.index_cast %get3A_911 : i32 to index
      %get3A_913 = arith.index_cast %add3A_910 : i32 to index
      %get3A_914 = tpu.vector_load %arg9[%get3A_912, %get3A_913] {strides = array<i32>} : memref<200x128xf32, #tpu.memory_space<vmem>>, vector<1x16xf32>,
      %get3A_915 = vector.shape_cast %get3A_914 : vector<1x16xf32> to vector<16xf32>
      %mul3A_916 = arith.constant 8.000000e+00 : f32
      %mul3A_917 = vector.broadcast %mul3A_916 : f32 to vector<16xf32>
      %mul3A_918 = arith.mulf %get3A_915, %mul3A_917 : vector<16xf32>
      %swap3A_919 = arith.constant 196 : i32
      %swap3A_920 = arith.index_cast %swap3A_919 : i32 to index
      %swap3A_921 = arith.constant 48 : index
      %swap3A_922 = tpu.vector_load %arg11[%swap3A_920, %swap3A_921] {strides = array<i32>} : memref<200x64xf32, #tpu.memory_space<vmem>>, vector<1x16xf32>,
      %swap3A_923 = vector.shape_cast %swap3A_922 : vector<1x16xf32> to vector<16xf32>
      %swap3A_924 = vector.shape_cast %mul3A_918 : vector<16xf32> to vector<1x16xf32>
      tpu.vector_store %arg11[%swap3A_920, %swap3A_921], %swap3A_924 {strides = array<i32>} : memref<200x64xf32, #tpu.memory_space<vmem>>, vector<1x16xf32>,
      %slice3A_925 = vector.extract_strided_slice %get3A_69 {offsets = [13], sizes = [1], strides = [1]} : vector<16xi32> to vector<1xi32>
      %squeeze3A_926 = vector.extract %slice3A_925[0] : i32 from vector<1xi32>
      %add3A_927 = arith.constant 0 : i32
      %add3A_928 = arith.addi %squeeze3A_926, %add3A_927 : i32
      %get3A_929 = arith.constant 197 : i32
      %get3A_930 = arith.index_cast %get3A_929 : i32 to index
      %get3A_931 = arith.index_cast %add3A_928 : i32 to index
      %get3A_932 = tpu.vector_load %arg9[%get3A_930, %get3A_931] {strides = array<i32>} : memref<200x128xf32, #tpu.memory_space<vmem>>, vector<1x16xf32>,
      %get3A_933 = vector.shape_cast %get3A_932 : vector<1x16xf32> to vector<16xf32>
      %mul3A_934 = arith.constant 8.000000e+00 : f32
      %mul3A_935 = vector.broadcast %mul3A_934 : f32 to vector<16xf32>
      %mul3A_936 = arith.mulf %get3A_933, %mul3A_935 : vector<16xf32>
      %swap3A_937 = arith.constant 197 : i32
      %swap3A_938 = arith.index_cast %swap3A_937 : i32 to index
      %swap3A_939 = arith.constant 0 : index
      %swap3A_940 = tpu.vector_load %arg11[%swap3A_938, %swap3A_939] {strides = array<i32>} : memref<200x64xf32, #tpu.memory_space<vmem>>, vector<1x16xf32>,
      %swap3A_941 = vector.shape_cast %swap3A_940 : vector<1x16xf32> to vector<16xf32>
      %swap3A_942 = vector.shape_cast %mul3A_936 : vector<16xf32> to vector<1x16xf32>
      tpu.vector_store %arg11[%swap3A_938, %swap3A_939], %swap3A_942 {strides = array<i32>} : memref<200x64xf32, #tpu.memory_space<vmem>>, vector<1x16xf32>,
      %add3A_943 = arith.constant 16 : i32
      %add3A_944 = arith.addi %squeeze3A_926, %add3A_943 : i32
      %get3A_945 = arith.constant 197 : i32
      %get3A_946 = arith.index_cast %get3A_945 : i32 to index
      %get3A_947 = arith.index_cast %add3A_944 : i32 to index
      %get3A_948 = tpu.vector_load %arg9[%get3A_946, %get3A_947] {strides = array<i32>} : memref<200x128xf32, #tpu.memory_space<vmem>>, vector<1x16xf32>,
      %get3A_949 = vector.shape_cast %get3A_948 : vector<1x16xf32> to vector<16xf32>
      %mul3A_950 = arith.constant 8.000000e+00 : f32
      %mul3A_951 = vector.broadcast %mul3A_950 : f32 to vector<16xf32>
      %mul3A_952 = arith.mulf %get3A_949, %mul3A_951 : vector<16xf32>
      %swap3A_953 = arith.constant 197 : i32
      %swap3A_954 = arith.index_cast %swap3A_953 : i32 to index
      %swap3A_955 = arith.constant 16 : index
      %swap3A_956 = tpu.vector_load %arg11[%swap3A_954, %swap3A_955] {strides = array<i32>} : memref<200x64xf32, #tpu.memory_space<vmem>>, vector<1x16xf32>,
      %swap3A_957 = vector.shape_cast %swap3A_956 : vector<1x16xf32> to vector<16xf32>
      %swap3A_958 = vector.shape_cast %mul3A_952 : vector<16xf32> to vector<1x16xf32>
      tpu.vector_store %arg11[%swap3A_954, %swap3A_955], %swap3A_958 {strides = array<i32>} : memref<200x64xf32, #tpu.memory_space<vmem>>, vector<1x16xf32>,
      %add3A_959 = arith.constant 32 : i32
      %add3A_960 = arith.addi %squeeze3A_926, %add3A_959 : i32
      %get3A_961 = arith.constant 197 : i32
      %get3A_962 = arith.index_cast %get3A_961 : i32 to index
      %get3A_963 = arith.index_cast %add3A_960 : i32 to index
      %get3A_964 = tpu.vector_load %arg9[%get3A_962, %get3A_963] {strides = array<i32>} : memref<200x128xf32, #tpu.memory_space<vmem>>, vector<1x16xf32>,
      %get3A_965 = vector.shape_cast %get3A_964 : vector<1x16xf32> to vector<16xf32>
      %mul3A_966 = arith.constant 8.000000e+00 : f32
      %mul3A_967 = vector.broadcast %mul3A_966 : f32 to vector<16xf32>
      %mul3A_968 = arith.mulf %get3A_965, %mul3A_967 : vector<16xf32>
      %swap3A_969 = arith.constant 197 : i32
      %swap3A_970 = arith.index_cast %swap3A_969 : i32 to index
      %swap3A_971 = arith.constant 32 : index
      %swap3A_972 = tpu.vector_load %arg11[%swap3A_970, %swap3A_971] {strides = array<i32>} : memref<200x64xf32, #tpu.memory_space<vmem>>, vector<1x16xf32>,
      %swap3A_973 = vector.shape_cast %swap3A_972 : vector<1x16xf32> to vector<16xf32>
      %swap3A_974 = vector.shape_cast %mul3A_968 : vector<16xf32> to vector<1x16xf32>
      tpu.vector_store %arg11[%swap3A_970, %swap3A_971], %swap3A_974 {strides = array<i32>} : memref<200x64xf32, #tpu.memory_space<vmem>>, vector<1x16xf32>,
      %add3A_975 = arith.constant 48 : i32
      %add3A_976 = arith.addi %squeeze3A_926, %add3A_975 : i32
      %get3A_977 = arith.constant 197 : i32
      %get3A_978 = arith.index_cast %get3A_977 : i32 to index
      %get3A_979 = arith.index_cast %add3A_976 : i32 to index
      %get3A_980 = tpu.vector_load %arg9[%get3A_978, %get3A_979] {strides = array<i32>} : memref<200x128xf32, #tpu.memory_space<vmem>>, vector<1x16xf32>,
      %get3A_981 = vector.shape_cast %get3A_980 : vector<1x16xf32> to vector<16xf32>
      %mul3A_982 = arith.constant 8.000000e+00 : f32
      %mul3A_983 = vector.broadcast %mul3A_982 : f32 to vector<16xf32>
      %mul3A_984 = arith.mulf %get3A_981, %mul3A_983 : vector<16xf32>
      %swap3A_985 = arith.constant 197 : i32
      %swap3A_986 = arith.index_cast %swap3A_985 : i32 to index
      %swap3A_987 = arith.constant 48 : index
      %swap3A_988 = tpu.vector_load %arg11[%swap3A_986, %swap3A_987] {strides = array<i32>} : memref<200x64xf32, #tpu.memory_space<vmem>>, vector<1x16xf32>,
      %swap3A_989 = vector.shape_cast %swap3A_988 : vector<1x16xf32> to vector<16xf32>
      %swap3A_990 = vector.shape_cast %mul3A_984 : vector<16xf32> to vector<1x16xf32>
      tpu.vector_store %arg11[%swap3A_986, %swap3A_987], %swap3A_990 {strides = array<i32>} : memref<200x64xf32, #tpu.memory_space<vmem>>, vector<1x16xf32>,
      %slice3A_991 = vector.extract_strided_slice %get3A_69 {offsets = [14], sizes = [1], strides = [1]} : vector<16xi32> to vector<1xi32>
      %squeeze3A_992 = vector.extract %slice3A_991[0] : i32 from vector<1xi32>
      %add3A_993 = arith.constant 0 : i32
      %add3A_994 = arith.addi %squeeze3A_992, %add3A_993 : i32
      %get3A_995 = arith.constant 198 : i32
      %get3A_996 = arith.index_cast %get3A_995 : i32 to index
      %get3A_997 = arith.index_cast %add3A_994 : i32 to index
      %get3A_998 = tpu.vector_load %arg9[%get3A_996, %get3A_997] {strides = array<i32>} : memref<200x128xf32, #tpu.memory_space<vmem>>, vector<1x16xf32>,
      %get3A_999 = vector.shape_cast %get3A_998 : vector<1x16xf32> to vector<16xf32>
      %mul3A_1000 = arith.constant 8.000000e+00 : f32
      %mul3A_1001 = vector.broadcast %mul3A_1000 : f32 to vector<16xf32>
      %mul3A_1002 = arith.mulf %get3A_999, %mul3A_1001 : vector<16xf32>
      %swap3A_1003 = arith.constant 198 : i32
      %swap3A_1004 = arith.index_cast %swap3A_1003 : i32 to index
      %swap3A_1005 = arith.constant 0 : index
      %swap3A_1006 = tpu.vector_load %arg11[%swap3A_1004, %swap3A_1005] {strides = array<i32>} : memref<200x64xf32, #tpu.memory_space<vmem>>, vector<1x16xf32>,
      %swap3A_1007 = vector.shape_cast %swap3A_1006 : vector<1x16xf32> to vector<16xf32>
      %swap3A_1008 = vector.shape_cast %mul3A_1002 : vector<16xf32> to vector<1x16xf32>
      tpu.vector_store %arg11[%swap3A_1004, %swap3A_1005], %swap3A_1008 {strides = array<i32>} : memref<200x64xf32, #tpu.memory_space<vmem>>, vector<1x16xf32>,
      %add3A_1009 = arith.constant 16 : i32
      %add3A_1010 = arith.addi %squeeze3A_992, %add3A_1009 : i32
      %get3A_1011 = arith.constant 198 : i32
      %get3A_1012 = arith.index_cast %get3A_1011 : i32 to index
      %get3A_1013 = arith.index_cast %add3A_1010 : i32 to index
      %get3A_1014 = tpu.vector_load %arg9[%get3A_1012, %get3A_1013] {strides = array<i32>} : memref<200x128xf32, #tpu.memory_space<vmem>>, vector<1x16xf32>,
      %get3A_1015 = vector.shape_cast %get3A_1014 : vector<1x16xf32> to vector<16xf32>
      %mul3A_1016 = arith.constant 8.000000e+00 : f32
      %mul3A_1017 = vector.broadcast %mul3A_1016 : f32 to vector<16xf32>
      %mul3A_1018 = arith.mulf %get3A_1015, %mul3A_1017 : vector<16xf32>
      %swap3A_1019 = arith.constant 198 : i32
      %swap3A_1020 = arith.index_cast %swap3A_1019 : i32 to index
      %swap3A_1021 = arith.constant 16 : index
      %swap3A_1022 = tpu.vector_load %arg11[%swap3A_1020, %swap3A_1021] {strides = array<i32>} : memref<200x64xf32, #tpu.memory_space<vmem>>, vector<1x16xf32>,
      %swap3A_1023 = vector.shape_cast %swap3A_1022 : vector<1x16xf32> to vector<16xf32>
      %swap3A_1024 = vector.shape_cast %mul3A_1018 : vector<16xf32> to vector<1x16xf32>
      tpu.vector_store %arg11[%swap3A_1020, %swap3A_1021], %swap3A_1024 {strides = array<i32>} : memref<200x64xf32, #tpu.memory_space<vmem>>, vector<1x16xf32>,
      %add3A_1025 = arith.constant 32 : i32
      %add3A_1026 = arith.addi %squeeze3A_992, %add3A_1025 : i32
      %get3A_1027 = arith.constant 198 : i32
      %get3A_1028 = arith.index_cast %get3A_1027 : i32 to index
      %get3A_1029 = arith.index_cast %add3A_1026 : i32 to index
      %get3A_1030 = tpu.vector_load %arg9[%get3A_1028, %get3A_1029] {strides = array<i32>} : memref<200x128xf32, #tpu.memory_space<vmem>>, vector<1x16xf32>,
      %get3A_1031 = vector.shape_cast %get3A_1030 : vector<1x16xf32> to vector<16xf32>
      %mul3A_1032 = arith.constant 8.000000e+00 : f32
      %mul3A_1033 = vector.broadcast %mul3A_1032 : f32 to vector<16xf32>
      %mul3A_1034 = arith.mulf %get3A_1031, %mul3A_1033 : vector<16xf32>
      %swap3A_1035 = arith.constant 198 : i32
      %swap3A_1036 = arith.index_cast %swap3A_1035 : i32 to index
      %swap3A_1037 = arith.constant 32 : index
      %swap3A_1038 = tpu.vector_load %arg11[%swap3A_1036, %swap3A_1037] {strides = array<i32>} : memref<200x64xf32, #tpu.memory_space<vmem>>, vector<1x16xf32>,
      %swap3A_1039 = vector.shape_cast %swap3A_1038 : vector<1x16xf32> to vector<16xf32>
      %swap3A_1040 = vector.shape_cast %mul3A_1034 : vector<16xf32> to vector<1x16xf32>
      tpu.vector_store %arg11[%swap3A_1036, %swap3A_1037], %swap3A_1040 {strides = array<i32>} : memref<200x64xf32, #tpu.memory_space<vmem>>, vector<1x16xf32>,
      %add3A_1041 = arith.constant 48 : i32
      %add3A_1042 = arith.addi %squeeze3A_992, %add3A_1041 : i32
      %get3A_1043 = arith.constant 198 : i32
      %get3A_1044 = arith.index_cast %get3A_1043 : i32 to index
      %get3A_1045 = arith.index_cast %add3A_1042 : i32 to index
      %get3A_1046 = tpu.vector_load %arg9[%get3A_1044, %get3A_1045] {strides = array<i32>} : memref<200x128xf32, #tpu.memory_space<vmem>>, vector<1x16xf32>,
      %get3A_1047 = vector.shape_cast %get3A_1046 : vector<1x16xf32> to vector<16xf32>
      %mul3A_1048 = arith.constant 8.000000e+00 : f32
      %mul3A_1049 = vector.broadcast %mul3A_1048 : f32 to vector<16xf32>
      %mul3A_1050 = arith.mulf %get3A_1047, %mul3A_1049 : vector<16xf32>
      %swap3A_1051 = arith.constant 198 : i32
      %swap3A_1052 = arith.index_cast %swap3A_1051 : i32 to index
      %swap3A_1053 = arith.constant 48 : index
      %swap3A_1054 = tpu.vector_load %arg11[%swap3A_1052, %swap3A_1053] {strides = array<i32>} : memref<200x64xf32, #tpu.memory_space<vmem>>, vector<1x16xf32>,
      %swap3A_1055 = vector.shape_cast %swap3A_1054 : vector<1x16xf32> to vector<16xf32>
      %swap3A_1056 = vector.shape_cast %mul3A_1050 : vector<16xf32> to vector<1x16xf32>
      tpu.vector_store %arg11[%swap3A_1052, %swap3A_1053], %swap3A_1056 {strides = array<i32>} : memref<200x64xf32, #tpu.memory_space<vmem>>, vector<1x16xf32>,
      %slice3A_1057 = vector.extract_strided_slice %get3A_69 {offsets = [15], sizes = [1], strides = [1]} : vector<16xi32> to vector<1xi32>
      %squeeze3A_1058 = vector.extract %slice3A_1057[0] : i32 from vector<1xi32>
      %add3A_1059 = arith.constant 0 : i32
      %add3A_1060 = arith.addi %squeeze3A_1058, %add3A_1059 : i32
      %get3A_1061 = arith.constant 199 : i32
      %get3A_1062 = arith.index_cast %get3A_1061 : i32 to index
      %get3A_1063 = arith.index_cast %add3A_1060 : i32 to index
      %get3A_1064 = tpu.vector_load %arg9[%get3A_1062, %get3A_1063] {strides = array<i32>} : memref<200x128xf32, #tpu.memory_space<vmem>>, vector<1x16xf32>,
      %get3A_1065 = vector.shape_cast %get3A_1064 : vector<1x16xf32> to vector<16xf32>
      %mul3A_1066 = arith.constant 8.000000e+00 : f32
      %mul3A_1067 = vector.broadcast %mul3A_1066 : f32 to vector<16xf32>
      %mul3A_1068 = arith.mulf %get3A_1065, %mul3A_1067 : vector<16xf32>
      %swap3A_1069 = arith.constant 199 : i32
      %swap3A_1070 = arith.index_cast %swap3A_1069 : i32 to index
      %swap3A_1071 = arith.constant 0 : index
      %swap3A_1072 = tpu.vector_load %arg11[%swap3A_1070, %swap3A_1071] {strides = array<i32>} : memref<200x64xf32, #tpu.memory_space<vmem>>, vector<1x16xf32>,
      %swap3A_1073 = vector.shape_cast %swap3A_1072 : vector<1x16xf32> to vector<16xf32>
      %swap3A_1074 = vector.shape_cast %mul3A_1068 : vector<16xf32> to vector<1x16xf32>
      tpu.vector_store %arg11[%swap3A_1070, %swap3A_1071], %swap3A_1074 {strides = array<i32>} : memref<200x64xf32, #tpu.memory_space<vmem>>, vector<1x16xf32>,
      %add3A_1075 = arith.constant 16 : i32
      %add3A_1076 = arith.addi %squeeze3A_1058, %add3A_1075 : i32
      %get3A_1077 = arith.constant 199 : i32
      %get3A_1078 = arith.index_cast %get3A_1077 : i32 to index
      %get3A_1079 = arith.index_cast %add3A_1076 : i32 to index
      %get3A_1080 = tpu.vector_load %arg9[%get3A_1078, %get3A_1079] {strides = array<i32>} : memref<200x128xf32, #tpu.memory_space<vmem>>, vector<1x16xf32>,
      %get3A_1081 = vector.shape_cast %get3A_1080 : vector<1x16xf32> to vector<16xf32>
      %mul3A_1082 = arith.constant 8.000000e+00 : f32
      %mul3A_1083 = vector.broadcast %mul3A_1082 : f32 to vector<16xf32>
      %mul3A_1084 = arith.mulf %get3A_1081, %mul3A_1083 : vector<16xf32>
      %swap3A_1085 = arith.constant 199 : i32
      %swap3A_1086 = arith.index_cast %swap3A_1085 : i32 to index
      %swap3A_1087 = arith.constant 16 : index
      %swap3A_1088 = tpu.vector_load %arg11[%swap3A_1086, %swap3A_1087] {strides = array<i32>} : memref<200x64xf32, #tpu.memory_space<vmem>>, vector<1x16xf32>,
      %swap3A_1089 = vector.shape_cast %swap3A_1088 : vector<1x16xf32> to vector<16xf32>
      %swap3A_1090 = vector.shape_cast %mul3A_1084 : vector<16xf32> to vector<1x16xf32>
      tpu.vector_store %arg11[%swap3A_1086, %swap3A_1087], %swap3A_1090 {strides = array<i32>} : memref<200x64xf32, #tpu.memory_space<vmem>>, vector<1x16xf32>,
      %add3A_1091 = arith.constant 32 : i32
      %add3A_1092 = arith.addi %squeeze3A_1058, %add3A_1091 : i32
      %get3A_1093 = arith.constant 199 : i32
      %get3A_1094 = arith.index_cast %get3A_1093 : i32 to index
      %get3A_1095 = arith.index_cast %add3A_1092 : i32 to index
      %get3A_1096 = tpu.vector_load %arg9[%get3A_1094, %get3A_1095] {strides = array<i32>} : memref<200x128xf32, #tpu.memory_space<vmem>>, vector<1x16xf32>,
      %get3A_1097 = vector.shape_cast %get3A_1096 : vector<1x16xf32> to vector<16xf32>
      %mul3A_1098 = arith.constant 8.000000e+00 : f32
      %mul3A_1099 = vector.broadcast %mul3A_1098 : f32 to vector<16xf32>
      %mul3A_1100 = arith.mulf %get3A_1097, %mul3A_1099 : vector<16xf32>
      %swap3A_1101 = arith.constant 199 : i32
      %swap3A_1102 = arith.index_cast %swap3A_1101 : i32 to index
      %swap3A_1103 = arith.constant 32 : index
      %swap3A_1104 = tpu.vector_load %arg11[%swap3A_1102, %swap3A_1103] {strides = array<i32>} : memref<200x64xf32, #tpu.memory_space<vmem>>, vector<1x16xf32>,
      %swap3A_1105 = vector.shape_cast %swap3A_1104 : vector<1x16xf32> to vector<16xf32>
      %swap3A_1106 = vector.shape_cast %mul3A_1100 : vector<16xf32> to vector<1x16xf32>
      tpu.vector_store %arg11[%swap3A_1102, %swap3A_1103], %swap3A_1106 {strides = array<i32>} : memref<200x64xf32, #tpu.memory_space<vmem>>, vector<1x16xf32>,
      %add3A_1107 = arith.constant 48 : i32
      %add3A_1108 = arith.addi %squeeze3A_1058, %add3A_1107 : i32
      %get3A_1109 = arith.constant 199 : i32
      %get3A_1110 = arith.index_cast %get3A_1109 : i32 to index
      %get3A_1111 = arith.index_cast %add3A_1108 : i32 to index
      %get3A_1112 = tpu.vector_load %arg9[%get3A_1110, %get3A_1111] {strides = array<i32>} : memref<200x128xf32, #tpu.memory_space<vmem>>, vector<1x16xf32>,
      %get3A_1113 = vector.shape_cast %get3A_1112 : vector<1x16xf32> to vector<16xf32>
      %mul3A_1114 = arith.constant 8.000000e+00 : f32
      %mul3A_1115 = vector.broadcast %mul3A_1114 : f32 to vector<16xf32>
      %mul3A_1116 = arith.mulf %get3A_1113, %mul3A_1115 : vector<16xf32>
      %swap3A_1117 = arith.constant 199 : i32
      %swap3A_1118 = arith.index_cast %swap3A_1117 : i32 to index
      %swap3A_1119 = arith.constant 48 : index
      %swap3A_1120 = tpu.vector_load %arg11[%swap3A_1118, %swap3A_1119] {strides = array<i32>} : memref<200x64xf32, #tpu.memory_space<vmem>>, vector<1x16xf32>,
      %swap3A_1121 = vector.shape_cast %swap3A_1120 : vector<1x16xf32> to vector<16xf32>
      %swap3A_1122 = vector.shape_cast %mul3A_1116 : vector<16xf32> to vector<1x16xf32>
      tpu.vector_store %arg11[%swap3A_1118, %swap3A_1119], %swap3A_1122 {strides = array<i32>} : memref<200x64xf32, #tpu.memory_space<vmem>>, vector<1x16xf32>,
      %add3A_1123 = arith.addi %mul3A_2, %mul3A_37 : i32
      %mul3A_1124 = arith.constant 200 : i32
      %mul3A_1125 = arith.muli %add3A_1123, %mul3A_1124 : i32
      %multiple_of3A_1126 = tpu.assume_multiple %mul3A_1125, 8 : i32
      %dma_start3A_1127 = arith.constant 0 : i32
      %dma_start3A_1128 = tpu.memref_slice %arg5[%multiple_of3A_1126, %dma_start3A_1127] : memref<819200x64xf32, #tpu.memory_space<hbm>> -> memref<200x64xf32, #tpu.memory_space<hbm>>
      %dma_start3A_1129 = arith.constant 0 : i32
      %dma_start3A_1130 = tpu.memref_slice %arg5[%multiple_of3A_1126, %dma_start3A_1129] : memref<819200x64xf32, #tpu.memory_space<hbm>> -> memref<200x64xf32, #tpu.memory_space<hbm>>
      tpu.enqueue_dma source(%arg11 : memref<200x64xf32, #tpu.memory_space<vmem>>) target(%dma_start3A_1130 : memref<200x64xf32, #tpu.memory_space<hbm>>) target_semaphore(%arg15 : memref<!tpu.dma_semaphore, #tpu.memory_space<semaphore_mem>>)
      %mul3A_1131 = arith.constant 2 : i32
      %mul3A_1132 = arith.muli %mul3A_1131, %scan3A_35 : i32
      %add3A_1133 = arith.constant 1 : i32
      %add3A_1134 = arith.addi %mul3A_1132, %add3A_1133 : i32
      %ge3A_1135 = arith.constant 2 : i32
      %ge3A_1136 = arith.cmpi sge, %add3A_1134, %ge3A_1135 : i32
      %convert_element_type3A_1137 = arith.extui %ge3A_1136 : i1 to i32
      %cond3A_1138 = arith.constant 0 : i32
      %cond3A_1139 = arith.cmpi ne, %convert_element_type3A_1137, %cond3A_1138 : i32
      scf.if %cond3A_1139 {
        %dma_wait3A_2236 = arith.constant 0 : i32
        %dma_wait3A_2237 = arith.constant 0 : i32
        %dma_wait3A_2238 = tpu.memref_slice %arg5[%dma_wait3A_2236, %dma_wait3A_2237] : memref<819200x64xf32, #tpu.memory_space<hbm>> -> memref<200x64xf32, #tpu.memory_space<hbm>>
        %dma_wait3A_2239 = arith.constant 0 : i32
        %dma_wait3A_2240 = arith.constant 0 : i32
        %dma_wait3A_2241 = tpu.memref_slice %arg5[%dma_wait3A_2239, %dma_wait3A_2240] : memref<819200x64xf32, #tpu.memory_space<hbm>> -> memref<200x64xf32, #tpu.memory_space<hbm>>
        tpu.wait_dma2 semaphore(%arg16 : memref<!tpu.dma_semaphore, #tpu.memory_space<semaphore_mem>>) src(%arg12 : memref<200x64xf32, #tpu.memory_space<vmem>>) dst(%dma_wait3A_2241 : memref<200x64xf32, #tpu.memory_space<hbm>>)
      } else {
      }
      %add3A_1140 = arith.constant 1 : i32
      %add3A_1141 = arith.addi %add3A_1134, %add3A_1140 : i32
      %lt3A_1142 = arith.constant 128 : i32
      %lt3A_1143 = arith.cmpi slt, %add3A_1141, %lt3A_1142 : i32
      %convert_element_type3A_1144 = arith.extui %lt3A_1143 : i1 to i32
      %cond3A_1145 = arith.constant 0 : i32
      %cond3A_1146 = arith.cmpi ne, %convert_element_type3A_1144, %cond3A_1145 : i32
      scf.if %cond3A_1146 {
        %add3A_2236 = arith.constant 1 : i32
        %add3A_2237 = arith.addi %add3A_1134, %add3A_2236 : i32
        %mul3A_2238 = arith.constant 200 : i32
        %mul3A_2239 = arith.muli %add3A_2237, %mul3A_2238 : i32
        %add3A_2240 = arith.constant 0 : i32
        %add3A_2241 = arith.addi %mul3A_2239, %add3A_2240 : i32
        %dma_start3A_2242 = arith.constant 0 : i32
        %dma_start3A_2243 = arith.constant 0 : i32
        %dma_start3A_2244 = tpu.memref_slice %arg9[%dma_start3A_2242, %dma_start3A_2243] : memref<200x128xf32, #tpu.memory_space<vmem>> -> memref<128x128xf32, #tpu.memory_space<vmem>>
        %dma_start3A_2245 = tpu.memref_slice %arg6[%add3A_2241] : memref<25600xi32, #tpu.memory_space<vmem>> -> memref<128xi32, #tpu.memory_space<vmem>>
        %dma_start3A_2246 = arith.constant 0 : i32
        %dma_start3A_2247 = arith.constant 0 : i32
        %dma_start3A_2248 = tpu.memref_slice %arg4[%dma_start3A_2246, %dma_start3A_2247] : memref<500000x128xf32, #tpu.memory_space<hbm>> -> memref<500000x128xf32, #tpu.memory_space<hbm>>
        tpu.enqueue_indirect_dma source(%dma_start3A_2248 : memref<500000x128xf32, #tpu.memory_space<hbm>>) target(%dma_start3A_2244 : memref<128x128xf32, #tpu.memory_space<vmem>>) offsets(%dma_start3A_2245 : memref<128xi32, #tpu.memory_space<vmem>>) semaphore(%arg13 : memref<!tpu.dma_semaphore, #tpu.memory_space<semaphore_mem>>)
        %mul3A_2249 = arith.constant 200 : i32
        %mul3A_2250 = arith.muli %add3A_2237, %mul3A_2249 : i32
        %add3A_2251 = arith.constant 128 : i32
        %add3A_2252 = arith.addi %mul3A_2250, %add3A_2251 : i32
        %dma_start3A_2253 = arith.constant 128 : i32
        %dma_start3A_2254 = arith.constant 0 : i32
        %dma_start3A_2255 = tpu.memref_slice %arg9[%dma_start3A_2253, %dma_start3A_2254] : memref<200x128xf32, #tpu.memory_space<vmem>> -> memref<72x128xf32, #tpu.memory_space<vmem>>
        %dma_start3A_2256 = tpu.memref_slice %arg6[%add3A_2252] : memref<25600xi32, #tpu.memory_space<vmem>> -> memref<72xi32, #tpu.memory_space<vmem>>
        %dma_start3A_2257 = arith.constant 0 : i32
        %dma_start3A_2258 = arith.constant 0 : i32
        %dma_start3A_2259 = tpu.memref_slice %arg4[%dma_start3A_2257, %dma_start3A_2258] : memref<500000x128xf32, #tpu.memory_space<hbm>> -> memref<500000x128xf32, #tpu.memory_space<hbm>>
        tpu.enqueue_indirect_dma source(%dma_start3A_2259 : memref<500000x128xf32, #tpu.memory_space<hbm>>) target(%dma_start3A_2255 : memref<72x128xf32, #tpu.memory_space<vmem>>) offsets(%dma_start3A_2256 : memref<72xi32, #tpu.memory_space<vmem>>) semaphore(%arg13 : memref<!tpu.dma_semaphore, #tpu.memory_space<semaphore_mem>>)
        %add3A_2260 = arith.constant 1 : i32
        %add3A_2261 = arith.addi %add3A_1134, %add3A_2260 : i32
        %add3A_2262 = arith.addi %mul3A_2, %add3A_2261 : i32
        %mul3A_2263 = arith.constant 200 : i32
        %mul3A_2264 = arith.muli %add3A_2262, %mul3A_2263 : i32
        %multiple_of3A_2265 = tpu.assume_multiple %mul3A_2264, 8 : i32
        "tpu.region"() ({
          %run_scoped3A = tpu.sem_alloc : memref<!tpu.dma_semaphore, #tpu.memory_space<semaphore_mem>>
          %dma_start3A_2266 = tpu.memref_slice %arg3[%multiple_of3A_2265] : memref<819200xi32, #tpu.memory_space<hbm>> -> memref<200xi32, #tpu.memory_space<hbm>>
          %dma_start3A_2267 = tpu.memref_slice %arg3[%multiple_of3A_2265] : memref<819200xi32, #tpu.memory_space<hbm>> -> memref<200xi32, #tpu.memory_space<hbm>>
          tpu.enqueue_dma source(%dma_start3A_2267 : memref<200xi32, #tpu.memory_space<hbm>>) target(%arg7 : memref<200xi32, #tpu.memory_space<vmem>>) target_semaphore(%run_scoped3A : memref<!tpu.dma_semaphore, #tpu.memory_space<semaphore_mem>>)
          %dma_wait3A_2268 = tpu.memref_slice %arg3[%multiple_of3A_2265] : memref<819200xi32, #tpu.memory_space<hbm>> -> memref<200xi32, #tpu.memory_space<hbm>>
          %dma_wait3A_2269 = tpu.memref_slice %arg3[%multiple_of3A_2265] : memref<819200xi32, #tpu.memory_space<hbm>> -> memref<200xi32, #tpu.memory_space<hbm>>
          tpu.wait_dma2 semaphore(%run_scoped3A : memref<!tpu.dma_semaphore, #tpu.memory_space<semaphore_mem>>) src(%dma_wait3A_2269 : memref<200xi32, #tpu.memory_space<hbm>>) dst(%arg7 : memref<200xi32, #tpu.memory_space<vmem>>)
          tpu.yield
        }) : () -> ()
      } else {
      }
      %dma_wait3A_1147 = arith.constant 0 : i32
      %dma_wait3A_1148 = arith.constant 0 : i32
      %dma_wait3A_1149 = tpu.memref_slice %arg10[%dma_wait3A_1147, %dma_wait3A_1148] : memref<200x128xf32, #tpu.memory_space<vmem>> -> memref<128x128xf32, #tpu.memory_space<vmem>>
      %dma_wait3A_1150 = arith.constant 0 : i32
      %dma_wait3A_1151 = tpu.memref_slice %arg6[%dma_wait3A_1150] : memref<25600xi32, #tpu.memory_space<vmem>> -> memref<128xi32, #tpu.memory_space<vmem>>
      %dma_wait3A_1152 = arith.constant 0 : i32
      %dma_wait3A_1153 = arith.constant 0 : i32
      %dma_wait3A_1154 = tpu.memref_slice %arg4[%dma_wait3A_1152, %dma_wait3A_1153] : memref<500000x128xf32, #tpu.memory_space<hbm>> -> memref<500000x128xf32, #tpu.memory_space<hbm>>
      tpu.wait_indirect_dma semaphore(%arg14 : memref<!tpu.dma_semaphore, #tpu.memory_space<semaphore_mem>>) src(%dma_wait3A_1154 : memref<500000x128xf32, #tpu.memory_space<hbm>>) dst(%dma_wait3A_1149 : memref<128x128xf32, #tpu.memory_space<vmem>>)
      %dma_wait3A_1155 = arith.constant 128 : i32
      %dma_wait3A_1156 = arith.constant 0 : i32
      %dma_wait3A_1157 = tpu.memref_slice %arg10[%dma_wait3A_1155, %dma_wait3A_1156] : memref<200x128xf32, #tpu.memory_space<vmem>> -> memref<72x128xf32, #tpu.memory_space<vmem>>
      %dma_wait3A_1158 = arith.constant 128 : i32
      %dma_wait3A_1159 = tpu.memref_slice %arg6[%dma_wait3A_1158] : memref<25600xi32, #tpu.memory_space<vmem>> -> memref<72xi32, #tpu.memory_space<vmem>>
      %dma_wait3A_1160 = arith.constant 0 : i32
      %dma_wait3A_1161 = arith.constant 0 : i32
      %dma_wait3A_1162 = tpu.memref_slice %arg4[%dma_wait3A_1160, %dma_wait3A_1161] : memref<500000x128xf32, #tpu.memory_space<hbm>> -> memref<500000x128xf32, #tpu.memory_space<hbm>>
      tpu.wait_indirect_dma semaphore(%arg14 : memref<!tpu.dma_semaphore, #tpu.memory_space<semaphore_mem>>) src(%dma_wait3A_1162 : memref<500000x128xf32, #tpu.memory_space<hbm>>) dst(%dma_wait3A_1157 : memref<72x128xf32, #tpu.memory_space<vmem>>)
      %scan3A_1163 = arith.constant 0 : i32
      %scan3A_1164 = arith.constant 0 : i32
      %scan3A_1165 = arith.constant 12 : i32
      %scan3A_1166 = arith.addi %scan3A_1164, %scan3A_1165 : i32
      %scan3A_1167 = arith.constant 1 : i32
      scf.for %scan3A_2236 = %scan3A_1164 to %scan3A_1166 step %scan3A_1167  : i32 {
        %mul3A_2237 = arith.constant 16 : i32
        %mul3A_2238 = arith.muli %scan3A_2236, %mul3A_2237 : i32
        %get3A_2239 = arith.index_cast %mul3A_2238 : i32 to index
        %get3A_2240 = tpu.vector_load %arg8[%get3A_2239] {strides = array<i32>} : memref<200xi32, #tpu.memory_space<vmem>>, vector<16xi32>,
        %get3A_2241 = vector.shape_cast %get3A_2240 : vector<16xi32> to vector<16xi32>
        %add3A_2242 = arith.constant 0 : i32
        %add3A_2243 = arith.addi %mul3A_2238, %add3A_2242 : i32
        %slice3A_2244 = vector.extract_strided_slice %get3A_2241 {offsets = [0], sizes = [1], strides = [1]} : vector<16xi32> to vector<1xi32>
        %squeeze3A_2245 = vector.extract %slice3A_2244[0] : i32 from vector<1xi32>
        %add3A_2246 = arith.constant 0 : i32
        %add3A_2247 = arith.addi %squeeze3A_2245, %add3A_2246 : i32
        %get3A_2248 = arith.index_cast %add3A_2243 : i32 to index
        %get3A_2249 = arith.index_cast %add3A_2247 : i32 to index
        %get3A_2250 = tpu.vector_load %arg10[%get3A_2248, %get3A_2249] {strides = array<i32>} : memref<200x128xf32, #tpu.memory_space<vmem>>, vector<1x16xf32>,
        %get3A_2251 = vector.shape_cast %get3A_2250 : vector<1x16xf32> to vector<16xf32>
        %mul3A_2252 = arith.constant 8.000000e+00 : f32
        %mul3A_2253 = vector.broadcast %mul3A_2252 : f32 to vector<16xf32>
        %mul3A_2254 = arith.mulf %get3A_2251, %mul3A_2253 : vector<16xf32>
        %swap3A_2255 = arith.index_cast %add3A_2243 : i32 to index
        %swap3A_2256 = arith.constant 0 : index
        %swap3A_2257 = tpu.vector_load %arg12[%swap3A_2255, %swap3A_2256] {strides = array<i32>} : memref<200x64xf32, #tpu.memory_space<vmem>>, vector<1x16xf32>,
        %swap3A_2258 = vector.shape_cast %swap3A_2257 : vector<1x16xf32> to vector<16xf32>
        %swap3A_2259 = vector.shape_cast %mul3A_2254 : vector<16xf32> to vector<1x16xf32>
        tpu.vector_store %arg12[%swap3A_2255, %swap3A_2256], %swap3A_2259 {strides = array<i32>} : memref<200x64xf32, #tpu.memory_space<vmem>>, vector<1x16xf32>,
        %add3A_2260 = arith.constant 16 : i32
        %add3A_2261 = arith.addi %squeeze3A_2245, %add3A_2260 : i32
        %get3A_2262 = arith.index_cast %add3A_2243 : i32 to index
        %get3A_2263 = arith.index_cast %add3A_2261 : i32 to index
        %get3A_2264 = tpu.vector_load %arg10[%get3A_2262, %get3A_2263] {strides = array<i32>} : memref<200x128xf32, #tpu.memory_space<vmem>>, vector<1x16xf32>,
        %get3A_2265 = vector.shape_cast %get3A_2264 : vector<1x16xf32> to vector<16xf32>
        %mul3A_2266 = arith.constant 8.000000e+00 : f32
        %mul3A_2267 = vector.broadcast %mul3A_2266 : f32 to vector<16xf32>
        %mul3A_2268 = arith.mulf %get3A_2265, %mul3A_2267 : vector<16xf32>
        %swap3A_2269 = arith.index_cast %add3A_2243 : i32 to index
        %swap3A_2270 = arith.constant 16 : index
        %swap3A_2271 = tpu.vector_load %arg12[%swap3A_2269, %swap3A_2270] {strides = array<i32>} : memref<200x64xf32, #tpu.memory_space<vmem>>, vector<1x16xf32>,
        %swap3A_2272 = vector.shape_cast %swap3A_2271 : vector<1x16xf32> to vector<16xf32>
        %swap3A_2273 = vector.shape_cast %mul3A_2268 : vector<16xf32> to vector<1x16xf32>
        tpu.vector_store %arg12[%swap3A_2269, %swap3A_2270], %swap3A_2273 {strides = array<i32>} : memref<200x64xf32, #tpu.memory_space<vmem>>, vector<1x16xf32>,
        %add3A_2274 = arith.constant 32 : i32
        %add3A_2275 = arith.addi %squeeze3A_2245, %add3A_2274 : i32
        %get3A_2276 = arith.index_cast %add3A_2243 : i32 to index
        %get3A_2277 = arith.index_cast %add3A_2275 : i32 to index
        %get3A_2278 = tpu.vector_load %arg10[%get3A_2276, %get3A_2277] {strides = array<i32>} : memref<200x128xf32, #tpu.memory_space<vmem>>, vector<1x16xf32>,
        %get3A_2279 = vector.shape_cast %get3A_2278 : vector<1x16xf32> to vector<16xf32>
        %mul3A_2280 = arith.constant 8.000000e+00 : f32
        %mul3A_2281 = vector.broadcast %mul3A_2280 : f32 to vector<16xf32>
        %mul3A_2282 = arith.mulf %get3A_2279, %mul3A_2281 : vector<16xf32>
        %swap3A_2283 = arith.index_cast %add3A_2243 : i32 to index
        %swap3A_2284 = arith.constant 32 : index
        %swap3A_2285 = tpu.vector_load %arg12[%swap3A_2283, %swap3A_2284] {strides = array<i32>} : memref<200x64xf32, #tpu.memory_space<vmem>>, vector<1x16xf32>,
        %swap3A_2286 = vector.shape_cast %swap3A_2285 : vector<1x16xf32> to vector<16xf32>
        %swap3A_2287 = vector.shape_cast %mul3A_2282 : vector<16xf32> to vector<1x16xf32>
        tpu.vector_store %arg12[%swap3A_2283, %swap3A_2284], %swap3A_2287 {strides = array<i32>} : memref<200x64xf32, #tpu.memory_space<vmem>>, vector<1x16xf32>,
        %add3A_2288 = arith.constant 48 : i32
        %add3A_2289 = arith.addi %squeeze3A_2245, %add3A_2288 : i32
        %get3A_2290 = arith.index_cast %add3A_2243 : i32 to index
        %get3A_2291 = arith.index_cast %add3A_2289 : i32 to index
        %get3A_2292 = tpu.vector_load %arg10[%get3A_2290, %get3A_2291] {strides = array<i32>} : memref<200x128xf32, #tpu.memory_space<vmem>>, vector<1x16xf32>,
        %get3A_2293 = vector.shape_cast %get3A_2292 : vector<1x16xf32> to vector<16xf32>
        %mul3A_2294 = arith.constant 8.000000e+00 : f32
        %mul3A_2295 = vector.broadcast %mul3A_2294 : f32 to vector<16xf32>
        %mul3A_2296 = arith.mulf %get3A_2293, %mul3A_2295 : vector<16xf32>
        %swap3A_2297 = arith.index_cast %add3A_2243 : i32 to index
        %swap3A_2298 = arith.constant 48 : index
        %swap3A_2299 = tpu.vector_load %arg12[%swap3A_2297, %swap3A_2298] {strides = array<i32>} : memref<200x64xf32, #tpu.memory_space<vmem>>, vector<1x16xf32>,
        %swap3A_2300 = vector.shape_cast %swap3A_2299 : vector<1x16xf32> to vector<16xf32>
        %swap3A_2301 = vector.shape_cast %mul3A_2296 : vector<16xf32> to vector<1x16xf32>
        tpu.vector_store %arg12[%swap3A_2297, %swap3A_2298], %swap3A_2301 {strides = array<i32>} : memref<200x64xf32, #tpu.memory_space<vmem>>, vector<1x16xf32>,
        %add3A_2302 = arith.constant 1 : i32
        %add3A_2303 = arith.addi %mul3A_2238, %add3A_2302 : i32
        %slice3A_2304 = vector.extract_strided_slice %get3A_2241 {offsets = [1], sizes = [1], strides = [1]} : vector<16xi32> to vector<1xi32>
        %squeeze3A_2305 = vector.extract %slice3A_2304[0] : i32 from vector<1xi32>
        %add3A_2306 = arith.constant 0 : i32
        %add3A_2307 = arith.addi %squeeze3A_2305, %add3A_2306 : i32
        %get3A_2308 = arith.index_cast %add3A_2303 : i32 to index
        %get3A_2309 = arith.index_cast %add3A_2307 : i32 to index
        %get3A_2310 = tpu.vector_load %arg10[%get3A_2308, %get3A_2309] {strides = array<i32>} : memref<200x128xf32, #tpu.memory_space<vmem>>, vector<1x16xf32>,
        %get3A_2311 = vector.shape_cast %get3A_2310 : vector<1x16xf32> to vector<16xf32>
        %mul3A_2312 = arith.constant 8.000000e+00 : f32
        %mul3A_2313 = vector.broadcast %mul3A_2312 : f32 to vector<16xf32>
        %mul3A_2314 = arith.mulf %get3A_2311, %mul3A_2313 : vector<16xf32>
        %swap3A_2315 = arith.index_cast %add3A_2303 : i32 to index
        %swap3A_2316 = arith.constant 0 : index
        %swap3A_2317 = tpu.vector_load %arg12[%swap3A_2315, %swap3A_2316] {strides = array<i32>} : memref<200x64xf32, #tpu.memory_space<vmem>>, vector<1x16xf32>,
        %swap3A_2318 = vector.shape_cast %swap3A_2317 : vector<1x16xf32> to vector<16xf32>
        %swap3A_2319 = vector.shape_cast %mul3A_2314 : vector<16xf32> to vector<1x16xf32>
        tpu.vector_store %arg12[%swap3A_2315, %swap3A_2316], %swap3A_2319 {strides = array<i32>} : memref<200x64xf32, #tpu.memory_space<vmem>>, vector<1x16xf32>,
        %add3A_2320 = arith.constant 16 : i32
        %add3A_2321 = arith.addi %squeeze3A_2305, %add3A_2320 : i32
        %get3A_2322 = arith.index_cast %add3A_2303 : i32 to index
        %get3A_2323 = arith.index_cast %add3A_2321 : i32 to index
        %get3A_2324 = tpu.vector_load %arg10[%get3A_2322, %get3A_2323] {strides = array<i32>} : memref<200x128xf32, #tpu.memory_space<vmem>>, vector<1x16xf32>,
        %get3A_2325 = vector.shape_cast %get3A_2324 : vector<1x16xf32> to vector<16xf32>
        %mul3A_2326 = arith.constant 8.000000e+00 : f32
        %mul3A_2327 = vector.broadcast %mul3A_2326 : f32 to vector<16xf32>
        %mul3A_2328 = arith.mulf %get3A_2325, %mul3A_2327 : vector<16xf32>
        %swap3A_2329 = arith.index_cast %add3A_2303 : i32 to index
        %swap3A_2330 = arith.constant 16 : index
        %swap3A_2331 = tpu.vector_load %arg12[%swap3A_2329, %swap3A_2330] {strides = array<i32>} : memref<200x64xf32, #tpu.memory_space<vmem>>, vector<1x16xf32>,
        %swap3A_2332 = vector.shape_cast %swap3A_2331 : vector<1x16xf32> to vector<16xf32>
        %swap3A_2333 = vector.shape_cast %mul3A_2328 : vector<16xf32> to vector<1x16xf32>
        tpu.vector_store %arg12[%swap3A_2329, %swap3A_2330], %swap3A_2333 {strides = array<i32>} : memref<200x64xf32, #tpu.memory_space<vmem>>, vector<1x16xf32>,
        %add3A_2334 = arith.constant 32 : i32
        %add3A_2335 = arith.addi %squeeze3A_2305, %add3A_2334 : i32
        %get3A_2336 = arith.index_cast %add3A_2303 : i32 to index
        %get3A_2337 = arith.index_cast %add3A_2335 : i32 to index
        %get3A_2338 = tpu.vector_load %arg10[%get3A_2336, %get3A_2337] {strides = array<i32>} : memref<200x128xf32, #tpu.memory_space<vmem>>, vector<1x16xf32>,
        %get3A_2339 = vector.shape_cast %get3A_2338 : vector<1x16xf32> to vector<16xf32>
        %mul3A_2340 = arith.constant 8.000000e+00 : f32
        %mul3A_2341 = vector.broadcast %mul3A_2340 : f32 to vector<16xf32>
        %mul3A_2342 = arith.mulf %get3A_2339, %mul3A_2341 : vector<16xf32>
        %swap3A_2343 = arith.index_cast %add3A_2303 : i32 to index
        %swap3A_2344 = arith.constant 32 : index
        %swap3A_2345 = tpu.vector_load %arg12[%swap3A_2343, %swap3A_2344] {strides = array<i32>} : memref<200x64xf32, #tpu.memory_space<vmem>>, vector<1x16xf32>,
        %swap3A_2346 = vector.shape_cast %swap3A_2345 : vector<1x16xf32> to vector<16xf32>
        %swap3A_2347 = vector.shape_cast %mul3A_2342 : vector<16xf32> to vector<1x16xf32>
        tpu.vector_store %arg12[%swap3A_2343, %swap3A_2344], %swap3A_2347 {strides = array<i32>} : memref<200x64xf32, #tpu.memory_space<vmem>>, vector<1x16xf32>,
        %add3A_2348 = arith.constant 48 : i32
        %add3A_2349 = arith.addi %squeeze3A_2305, %add3A_2348 : i32
        %get3A_2350 = arith.index_cast %add3A_2303 : i32 to index
        %get3A_2351 = arith.index_cast %add3A_2349 : i32 to index
        %get3A_2352 = tpu.vector_load %arg10[%get3A_2350, %get3A_2351] {strides = array<i32>} : memref<200x128xf32, #tpu.memory_space<vmem>>, vector<1x16xf32>,
        %get3A_2353 = vector.shape_cast %get3A_2352 : vector<1x16xf32> to vector<16xf32>
        %mul3A_2354 = arith.constant 8.000000e+00 : f32
        %mul3A_2355 = vector.broadcast %mul3A_2354 : f32 to vector<16xf32>
        %mul3A_2356 = arith.mulf %get3A_2353, %mul3A_2355 : vector<16xf32>
        %swap3A_2357 = arith.index_cast %add3A_2303 : i32 to index
        %swap3A_2358 = arith.constant 48 : index
        %swap3A_2359 = tpu.vector_load %arg12[%swap3A_2357, %swap3A_2358] {strides = array<i32>} : memref<200x64xf32, #tpu.memory_space<vmem>>, vector<1x16xf32>,
        %swap3A_2360 = vector.shape_cast %swap3A_2359 : vector<1x16xf32> to vector<16xf32>
        %swap3A_2361 = vector.shape_cast %mul3A_2356 : vector<16xf32> to vector<1x16xf32>
        tpu.vector_store %arg12[%swap3A_2357, %swap3A_2358], %swap3A_2361 {strides = array<i32>} : memref<200x64xf32, #tpu.memory_space<vmem>>, vector<1x16xf32>,
        %add3A_2362 = arith.constant 2 : i32
        %add3A_2363 = arith.addi %mul3A_2238, %add3A_2362 : i32
        %slice3A_2364 = vector.extract_strided_slice %get3A_2241 {offsets = [2], sizes = [1], strides = [1]} : vector<16xi32> to vector<1xi32>
        %squeeze3A_2365 = vector.extract %slice3A_2364[0] : i32 from vector<1xi32>
        %add3A_2366 = arith.constant 0 : i32
        %add3A_2367 = arith.addi %squeeze3A_2365, %add3A_2366 : i32
        %get3A_2368 = arith.index_cast %add3A_2363 : i32 to index
        %get3A_2369 = arith.index_cast %add3A_2367 : i32 to index
        %get3A_2370 = tpu.vector_load %arg10[%get3A_2368, %get3A_2369] {strides = array<i32>} : memref<200x128xf32, #tpu.memory_space<vmem>>, vector<1x16xf32>,
        %get3A_2371 = vector.shape_cast %get3A_2370 : vector<1x16xf32> to vector<16xf32>
        %mul3A_2372 = arith.constant 8.000000e+00 : f32
        %mul3A_2373 = vector.broadcast %mul3A_2372 : f32 to vector<16xf32>
        %mul3A_2374 = arith.mulf %get3A_2371, %mul3A_2373 : vector<16xf32>
        %swap3A_2375 = arith.index_cast %add3A_2363 : i32 to index
        %swap3A_2376 = arith.constant 0 : index
        %swap3A_2377 = tpu.vector_load %arg12[%swap3A_2375, %swap3A_2376] {strides = array<i32>} : memref<200x64xf32, #tpu.memory_space<vmem>>, vector<1x16xf32>,
        %swap3A_2378 = vector.shape_cast %swap3A_2377 : vector<1x16xf32> to vector<16xf32>
        %swap3A_2379 = vector.shape_cast %mul3A_2374 : vector<16xf32> to vector<1x16xf32>
        tpu.vector_store %arg12[%swap3A_2375, %swap3A_2376], %swap3A_2379 {strides = array<i32>} : memref<200x64xf32, #tpu.memory_space<vmem>>, vector<1x16xf32>,
        %add3A_2380 = arith.constant 16 : i32
        %add3A_2381 = arith.addi %squeeze3A_2365, %add3A_2380 : i32
        %get3A_2382 = arith.index_cast %add3A_2363 : i32 to index
        %get3A_2383 = arith.index_cast %add3A_2381 : i32 to index
        %get3A_2384 = tpu.vector_load %arg10[%get3A_2382, %get3A_2383] {strides = array<i32>} : memref<200x128xf32, #tpu.memory_space<vmem>>, vector<1x16xf32>,
        %get3A_2385 = vector.shape_cast %get3A_2384 : vector<1x16xf32> to vector<16xf32>
        %mul3A_2386 = arith.constant 8.000000e+00 : f32
        %mul3A_2387 = vector.broadcast %mul3A_2386 : f32 to vector<16xf32>
        %mul3A_2388 = arith.mulf %get3A_2385, %mul3A_2387 : vector<16xf32>
        %swap3A_2389 = arith.index_cast %add3A_2363 : i32 to index
        %swap3A_2390 = arith.constant 16 : index
        %swap3A_2391 = tpu.vector_load %arg12[%swap3A_2389, %swap3A_2390] {strides = array<i32>} : memref<200x64xf32, #tpu.memory_space<vmem>>, vector<1x16xf32>,
        %swap3A_2392 = vector.shape_cast %swap3A_2391 : vector<1x16xf32> to vector<16xf32>
        %swap3A_2393 = vector.shape_cast %mul3A_2388 : vector<16xf32> to vector<1x16xf32>
        tpu.vector_store %arg12[%swap3A_2389, %swap3A_2390], %swap3A_2393 {strides = array<i32>} : memref<200x64xf32, #tpu.memory_space<vmem>>, vector<1x16xf32>,
        %add3A_2394 = arith.constant 32 : i32
        %add3A_2395 = arith.addi %squeeze3A_2365, %add3A_2394 : i32
        %get3A_2396 = arith.index_cast %add3A_2363 : i32 to index
        %get3A_2397 = arith.index_cast %add3A_2395 : i32 to index
        %get3A_2398 = tpu.vector_load %arg10[%get3A_2396, %get3A_2397] {strides = array<i32>} : memref<200x128xf32, #tpu.memory_space<vmem>>, vector<1x16xf32>,
        %get3A_2399 = vector.shape_cast %get3A_2398 : vector<1x16xf32> to vector<16xf32>
        %mul3A_2400 = arith.constant 8.000000e+00 : f32
        %mul3A_2401 = vector.broadcast %mul3A_2400 : f32 to vector<16xf32>
        %mul3A_2402 = arith.mulf %get3A_2399, %mul3A_2401 : vector<16xf32>
        %swap3A_2403 = arith.index_cast %add3A_2363 : i32 to index
        %swap3A_2404 = arith.constant 32 : index
        %swap3A_2405 = tpu.vector_load %arg12[%swap3A_2403, %swap3A_2404] {strides = array<i32>} : memref<200x64xf32, #tpu.memory_space<vmem>>, vector<1x16xf32>,
        %swap3A_2406 = vector.shape_cast %swap3A_2405 : vector<1x16xf32> to vector<16xf32>
        %swap3A_2407 = vector.shape_cast %mul3A_2402 : vector<16xf32> to vector<1x16xf32>
        tpu.vector_store %arg12[%swap3A_2403, %swap3A_2404], %swap3A_2407 {strides = array<i32>} : memref<200x64xf32, #tpu.memory_space<vmem>>, vector<1x16xf32>,
        %add3A_2408 = arith.constant 48 : i32
        %add3A_2409 = arith.addi %squeeze3A_2365, %add3A_2408 : i32
        %get3A_2410 = arith.index_cast %add3A_2363 : i32 to index
        %get3A_2411 = arith.index_cast %add3A_2409 : i32 to index
        %get3A_2412 = tpu.vector_load %arg10[%get3A_2410, %get3A_2411] {strides = array<i32>} : memref<200x128xf32, #tpu.memory_space<vmem>>, vector<1x16xf32>,
        %get3A_2413 = vector.shape_cast %get3A_2412 : vector<1x16xf32> to vector<16xf32>
        %mul3A_2414 = arith.constant 8.000000e+00 : f32
        %mul3A_2415 = vector.broadcast %mul3A_2414 : f32 to vector<16xf32>
        %mul3A_2416 = arith.mulf %get3A_2413, %mul3A_2415 : vector<16xf32>
        %swap3A_2417 = arith.index_cast %add3A_2363 : i32 to index
        %swap3A_2418 = arith.constant 48 : index
        %swap3A_2419 = tpu.vector_load %arg12[%swap3A_2417, %swap3A_2418] {strides = array<i32>} : memref<200x64xf32, #tpu.memory_space<vmem>>, vector<1x16xf32>,
        %swap3A_2420 = vector.shape_cast %swap3A_2419 : vector<1x16xf32> to vector<16xf32>
        %swap3A_2421 = vector.shape_cast %mul3A_2416 : vector<16xf32> to vector<1x16xf32>
        tpu.vector_store %arg12[%swap3A_2417, %swap3A_2418], %swap3A_2421 {strides = array<i32>} : memref<200x64xf32, #tpu.memory_space<vmem>>, vector<1x16xf32>,
        %add3A_2422 = arith.constant 3 : i32
        %add3A_2423 = arith.addi %mul3A_2238, %add3A_2422 : i32
        %slice3A_2424 = vector.extract_strided_slice %get3A_2241 {offsets = [3], sizes = [1], strides = [1]} : vector<16xi32> to vector<1xi32>
        %squeeze3A_2425 = vector.extract %slice3A_2424[0] : i32 from vector<1xi32>
        %add3A_2426 = arith.constant 0 : i32
        %add3A_2427 = arith.addi %squeeze3A_2425, %add3A_2426 : i32
        %get3A_2428 = arith.index_cast %add3A_2423 : i32 to index
        %get3A_2429 = arith.index_cast %add3A_2427 : i32 to index
        %get3A_2430 = tpu.vector_load %arg10[%get3A_2428, %get3A_2429] {strides = array<i32>} : memref<200x128xf32, #tpu.memory_space<vmem>>, vector<1x16xf32>,
        %get3A_2431 = vector.shape_cast %get3A_2430 : vector<1x16xf32> to vector<16xf32>
        %mul3A_2432 = arith.constant 8.000000e+00 : f32
        %mul3A_2433 = vector.broadcast %mul3A_2432 : f32 to vector<16xf32>
        %mul3A_2434 = arith.mulf %get3A_2431, %mul3A_2433 : vector<16xf32>
        %swap3A_2435 = arith.index_cast %add3A_2423 : i32 to index
        %swap3A_2436 = arith.constant 0 : index
        %swap3A_2437 = tpu.vector_load %arg12[%swap3A_2435, %swap3A_2436] {strides = array<i32>} : memref<200x64xf32, #tpu.memory_space<vmem>>, vector<1x16xf32>,
        %swap3A_2438 = vector.shape_cast %swap3A_2437 : vector<1x16xf32> to vector<16xf32>
        %swap3A_2439 = vector.shape_cast %mul3A_2434 : vector<16xf32> to vector<1x16xf32>
        tpu.vector_store %arg12[%swap3A_2435, %swap3A_2436], %swap3A_2439 {strides = array<i32>} : memref<200x64xf32, #tpu.memory_space<vmem>>, vector<1x16xf32>,
        %add3A_2440 = arith.constant 16 : i32
        %add3A_2441 = arith.addi %squeeze3A_2425, %add3A_2440 : i32
        %get3A_2442 = arith.index_cast %add3A_2423 : i32 to index
        %get3A_2443 = arith.index_cast %add3A_2441 : i32 to index
        %get3A_2444 = tpu.vector_load %arg10[%get3A_2442, %get3A_2443] {strides = array<i32>} : memref<200x128xf32, #tpu.memory_space<vmem>>, vector<1x16xf32>,
        %get3A_2445 = vector.shape_cast %get3A_2444 : vector<1x16xf32> to vector<16xf32>
        %mul3A_2446 = arith.constant 8.000000e+00 : f32
        %mul3A_2447 = vector.broadcast %mul3A_2446 : f32 to vector<16xf32>
        %mul3A_2448 = arith.mulf %get3A_2445, %mul3A_2447 : vector<16xf32>
        %swap3A_2449 = arith.index_cast %add3A_2423 : i32 to index
        %swap3A_2450 = arith.constant 16 : index
        %swap3A_2451 = tpu.vector_load %arg12[%swap3A_2449, %swap3A_2450] {strides = array<i32>} : memref<200x64xf32, #tpu.memory_space<vmem>>, vector<1x16xf32>,
        %swap3A_2452 = vector.shape_cast %swap3A_2451 : vector<1x16xf32> to vector<16xf32>
        %swap3A_2453 = vector.shape_cast %mul3A_2448 : vector<16xf32> to vector<1x16xf32>
        tpu.vector_store %arg12[%swap3A_2449, %swap3A_2450], %swap3A_2453 {strides = array<i32>} : memref<200x64xf32, #tpu.memory_space<vmem>>, vector<1x16xf32>,
        %add3A_2454 = arith.constant 32 : i32
        %add3A_2455 = arith.addi %squeeze3A_2425, %add3A_2454 : i32
        %get3A_2456 = arith.index_cast %add3A_2423 : i32 to index
        %get3A_2457 = arith.index_cast %add3A_2455 : i32 to index
        %get3A_2458 = tpu.vector_load %arg10[%get3A_2456, %get3A_2457] {strides = array<i32>} : memref<200x128xf32, #tpu.memory_space<vmem>>, vector<1x16xf32>,
        %get3A_2459 = vector.shape_cast %get3A_2458 : vector<1x16xf32> to vector<16xf32>
        %mul3A_2460 = arith.constant 8.000000e+00 : f32
        %mul3A_2461 = vector.broadcast %mul3A_2460 : f32 to vector<16xf32>
        %mul3A_2462 = arith.mulf %get3A_2459, %mul3A_2461 : vector<16xf32>
        %swap3A_2463 = arith.index_cast %add3A_2423 : i32 to index
        %swap3A_2464 = arith.constant 32 : index
        %swap3A_2465 = tpu.vector_load %arg12[%swap3A_2463, %swap3A_2464] {strides = array<i32>} : memref<200x64xf32, #tpu.memory_space<vmem>>, vector<1x16xf32>,
        %swap3A_2466 = vector.shape_cast %swap3A_2465 : vector<1x16xf32> to vector<16xf32>
        %swap3A_2467 = vector.shape_cast %mul3A_2462 : vector<16xf32> to vector<1x16xf32>
        tpu.vector_store %arg12[%swap3A_2463, %swap3A_2464], %swap3A_2467 {strides = array<i32>} : memref<200x64xf32, #tpu.memory_space<vmem>>, vector<1x16xf32>,
        %add3A_2468 = arith.constant 48 : i32
        %add3A_2469 = arith.addi %squeeze3A_2425, %add3A_2468 : i32
        %get3A_2470 = arith.index_cast %add3A_2423 : i32 to index
        %get3A_2471 = arith.index_cast %add3A_2469 : i32 to index
        %get3A_2472 = tpu.vector_load %arg10[%get3A_2470, %get3A_2471] {strides = array<i32>} : memref<200x128xf32, #tpu.memory_space<vmem>>, vector<1x16xf32>,
        %get3A_2473 = vector.shape_cast %get3A_2472 : vector<1x16xf32> to vector<16xf32>
        %mul3A_2474 = arith.constant 8.000000e+00 : f32
        %mul3A_2475 = vector.broadcast %mul3A_2474 : f32 to vector<16xf32>
        %mul3A_2476 = arith.mulf %get3A_2473, %mul3A_2475 : vector<16xf32>
        %swap3A_2477 = arith.index_cast %add3A_2423 : i32 to index
        %swap3A_2478 = arith.constant 48 : index
        %swap3A_2479 = tpu.vector_load %arg12[%swap3A_2477, %swap3A_2478] {strides = array<i32>} : memref<200x64xf32, #tpu.memory_space<vmem>>, vector<1x16xf32>,
        %swap3A_2480 = vector.shape_cast %swap3A_2479 : vector<1x16xf32> to vector<16xf32>
        %swap3A_2481 = vector.shape_cast %mul3A_2476 : vector<16xf32> to vector<1x16xf32>
        tpu.vector_store %arg12[%swap3A_2477, %swap3A_2478], %swap3A_2481 {strides = array<i32>} : memref<200x64xf32, #tpu.memory_space<vmem>>, vector<1x16xf32>,
        %add3A_2482 = arith.constant 4 : i32
        %add3A_2483 = arith.addi %mul3A_2238, %add3A_2482 : i32
        %slice3A_2484 = vector.extract_strided_slice %get3A_2241 {offsets = [4], sizes = [1], strides = [1]} : vector<16xi32> to vector<1xi32>
        %squeeze3A_2485 = vector.extract %slice3A_2484[0] : i32 from vector<1xi32>
        %add3A_2486 = arith.constant 0 : i32
        %add3A_2487 = arith.addi %squeeze3A_2485, %add3A_2486 : i32
        %get3A_2488 = arith.index_cast %add3A_2483 : i32 to index
        %get3A_2489 = arith.index_cast %add3A_2487 : i32 to index
        %get3A_2490 = tpu.vector_load %arg10[%get3A_2488, %get3A_2489] {strides = array<i32>} : memref<200x128xf32, #tpu.memory_space<vmem>>, vector<1x16xf32>,
        %get3A_2491 = vector.shape_cast %get3A_2490 : vector<1x16xf32> to vector<16xf32>
        %mul3A_2492 = arith.constant 8.000000e+00 : f32
        %mul3A_2493 = vector.broadcast %mul3A_2492 : f32 to vector<16xf32>
        %mul3A_2494 = arith.mulf %get3A_2491, %mul3A_2493 : vector<16xf32>
        %swap3A_2495 = arith.index_cast %add3A_2483 : i32 to index
        %swap3A_2496 = arith.constant 0 : index
        %swap3A_2497 = tpu.vector_load %arg12[%swap3A_2495, %swap3A_2496] {strides = array<i32>} : memref<200x64xf32, #tpu.memory_space<vmem>>, vector<1x16xf32>,
        %swap3A_2498 = vector.shape_cast %swap3A_2497 : vector<1x16xf32> to vector<16xf32>
        %swap3A_2499 = vector.shape_cast %mul3A_2494 : vector<16xf32> to vector<1x16xf32>
        tpu.vector_store %arg12[%swap3A_2495, %swap3A_2496], %swap3A_2499 {strides = array<i32>} : memref<200x64xf32, #tpu.memory_space<vmem>>, vector<1x16xf32>,
        %add3A_2500 = arith.constant 16 : i32
        %add3A_2501 = arith.addi %squeeze3A_2485, %add3A_2500 : i32
        %get3A_2502 = arith.index_cast %add3A_2483 : i32 to index
        %get3A_2503 = arith.index_cast %add3A_2501 : i32 to index
        %get3A_2504 = tpu.vector_load %arg10[%get3A_2502, %get3A_2503] {strides = array<i32>} : memref<200x128xf32, #tpu.memory_space<vmem>>, vector<1x16xf32>,
        %get3A_2505 = vector.shape_cast %get3A_2504 : vector<1x16xf32> to vector<16xf32>
        %mul3A_2506 = arith.constant 8.000000e+00 : f32
        %mul3A_2507 = vector.broadcast %mul3A_2506 : f32 to vector<16xf32>
        %mul3A_2508 = arith.mulf %get3A_2505, %mul3A_2507 : vector<16xf32>
        %swap3A_2509 = arith.index_cast %add3A_2483 : i32 to index
        %swap3A_2510 = arith.constant 16 : index
        %swap3A_2511 = tpu.vector_load %arg12[%swap3A_2509, %swap3A_2510] {strides = array<i32>} : memref<200x64xf32, #tpu.memory_space<vmem>>, vector<1x16xf32>,
        %swap3A_2512 = vector.shape_cast %swap3A_2511 : vector<1x16xf32> to vector<16xf32>
        %swap3A_2513 = vector.shape_cast %mul3A_2508 : vector<16xf32> to vector<1x16xf32>
        tpu.vector_store %arg12[%swap3A_2509, %swap3A_2510], %swap3A_2513 {strides = array<i32>} : memref<200x64xf32, #tpu.memory_space<vmem>>, vector<1x16xf32>,
        %add3A_2514 = arith.constant 32 : i32
        %add3A_2515 = arith.addi %squeeze3A_2485, %add3A_2514 : i32
        %get3A_2516 = arith.index_cast %add3A_2483 : i32 to index
        %get3A_2517 = arith.index_cast %add3A_2515 : i32 to index
        %get3A_2518 = tpu.vector_load %arg10[%get3A_2516, %get3A_2517] {strides = array<i32>} : memref<200x128xf32, #tpu.memory_space<vmem>>, vector<1x16xf32>,
        %get3A_2519 = vector.shape_cast %get3A_2518 : vector<1x16xf32> to vector<16xf32>
        %mul3A_2520 = arith.constant 8.000000e+00 : f32
        %mul3A_2521 = vector.broadcast %mul3A_2520 : f32 to vector<16xf32>
        %mul3A_2522 = arith.mulf %get3A_2519, %mul3A_2521 : vector<16xf32>
        %swap3A_2523 = arith.index_cast %add3A_2483 : i32 to index
        %swap3A_2524 = arith.constant 32 : index
        %swap3A_2525 = tpu.vector_load %arg12[%swap3A_2523, %swap3A_2524] {strides = array<i32>} : memref<200x64xf32, #tpu.memory_space<vmem>>, vector<1x16xf32>,
        %swap3A_2526 = vector.shape_cast %swap3A_2525 : vector<1x16xf32> to vector<16xf32>
        %swap3A_2527 = vector.shape_cast %mul3A_2522 : vector<16xf32> to vector<1x16xf32>
        tpu.vector_store %arg12[%swap3A_2523, %swap3A_2524], %swap3A_2527 {strides = array<i32>} : memref<200x64xf32, #tpu.memory_space<vmem>>, vector<1x16xf32>,
        %add3A_2528 = arith.constant 48 : i32
        %add3A_2529 = arith.addi %squeeze3A_2485, %add3A_2528 : i32
        %get3A_2530 = arith.index_cast %add3A_2483 : i32 to index
        %get3A_2531 = arith.index_cast %add3A_2529 : i32 to index
        %get3A_2532 = tpu.vector_load %arg10[%get3A_2530, %get3A_2531] {strides = array<i32>} : memref<200x128xf32, #tpu.memory_space<vmem>>, vector<1x16xf32>,
        %get3A_2533 = vector.shape_cast %get3A_2532 : vector<1x16xf32> to vector<16xf32>
        %mul3A_2534 = arith.constant 8.000000e+00 : f32
        %mul3A_2535 = vector.broadcast %mul3A_2534 : f32 to vector<16xf32>
        %mul3A_2536 = arith.mulf %get3A_2533, %mul3A_2535 : vector<16xf32>
        %swap3A_2537 = arith.index_cast %add3A_2483 : i32 to index
        %swap3A_2538 = arith.constant 48 : index
        %swap3A_2539 = tpu.vector_load %arg12[%swap3A_2537, %swap3A_2538] {strides = array<i32>} : memref<200x64xf32, #tpu.memory_space<vmem>>, vector<1x16xf32>,
        %swap3A_2540 = vector.shape_cast %swap3A_2539 : vector<1x16xf32> to vector<16xf32>
        %swap3A_2541 = vector.shape_cast %mul3A_2536 : vector<16xf32> to vector<1x16xf32>
        tpu.vector_store %arg12[%swap3A_2537, %swap3A_2538], %swap3A_2541 {strides = array<i32>} : memref<200x64xf32, #tpu.memory_space<vmem>>, vector<1x16xf32>,
        %add3A_2542 = arith.constant 5 : i32
        %add3A_2543 = arith.addi %mul3A_2238, %add3A_2542 : i32
        %slice3A_2544 = vector.extract_strided_slice %get3A_2241 {offsets = [5], sizes = [1], strides = [1]} : vector<16xi32> to vector<1xi32>
        %squeeze3A_2545 = vector.extract %slice3A_2544[0] : i32 from vector<1xi32>
        %add3A_2546 = arith.constant 0 : i32
        %add3A_2547 = arith.addi %squeeze3A_2545, %add3A_2546 : i32
        %get3A_2548 = arith.index_cast %add3A_2543 : i32 to index
        %get3A_2549 = arith.index_cast %add3A_2547 : i32 to index
        %get3A_2550 = tpu.vector_load %arg10[%get3A_2548, %get3A_2549] {strides = array<i32>} : memref<200x128xf32, #tpu.memory_space<vmem>>, vector<1x16xf32>,
        %get3A_2551 = vector.shape_cast %get3A_2550 : vector<1x16xf32> to vector<16xf32>
        %mul3A_2552 = arith.constant 8.000000e+00 : f32
        %mul3A_2553 = vector.broadcast %mul3A_2552 : f32 to vector<16xf32>
        %mul3A_2554 = arith.mulf %get3A_2551, %mul3A_2553 : vector<16xf32>
        %swap3A_2555 = arith.index_cast %add3A_2543 : i32 to index
        %swap3A_2556 = arith.constant 0 : index
        %swap3A_2557 = tpu.vector_load %arg12[%swap3A_2555, %swap3A_2556] {strides = array<i32>} : memref<200x64xf32, #tpu.memory_space<vmem>>, vector<1x16xf32>,
        %swap3A_2558 = vector.shape_cast %swap3A_2557 : vector<1x16xf32> to vector<16xf32>
        %swap3A_2559 = vector.shape_cast %mul3A_2554 : vector<16xf32> to vector<1x16xf32>
        tpu.vector_store %arg12[%swap3A_2555, %swap3A_2556], %swap3A_2559 {strides = array<i32>} : memref<200x64xf32, #tpu.memory_space<vmem>>, vector<1x16xf32>,
        %add3A_2560 = arith.constant 16 : i32
        %add3A_2561 = arith.addi %squeeze3A_2545, %add3A_2560 : i32
        %get3A_2562 = arith.index_cast %add3A_2543 : i32 to index
        %get3A_2563 = arith.index_cast %add3A_2561 : i32 to index
        %get3A_2564 = tpu.vector_load %arg10[%get3A_2562, %get3A_2563] {strides = array<i32>} : memref<200x128xf32, #tpu.memory_space<vmem>>, vector<1x16xf32>,
        %get3A_2565 = vector.shape_cast %get3A_2564 : vector<1x16xf32> to vector<16xf32>
        %mul3A_2566 = arith.constant 8.000000e+00 : f32
        %mul3A_2567 = vector.broadcast %mul3A_2566 : f32 to vector<16xf32>
        %mul3A_2568 = arith.mulf %get3A_2565, %mul3A_2567 : vector<16xf32>
        %swap3A_2569 = arith.index_cast %add3A_2543 : i32 to index
        %swap3A_2570 = arith.constant 16 : index
        %swap3A_2571 = tpu.vector_load %arg12[%swap3A_2569, %swap3A_2570] {strides = array<i32>} : memref<200x64xf32, #tpu.memory_space<vmem>>, vector<1x16xf32>,
        %swap3A_2572 = vector.shape_cast %swap3A_2571 : vector<1x16xf32> to vector<16xf32>
        %swap3A_2573 = vector.shape_cast %mul3A_2568 : vector<16xf32> to vector<1x16xf32>
        tpu.vector_store %arg12[%swap3A_2569, %swap3A_2570], %swap3A_2573 {strides = array<i32>} : memref<200x64xf32, #tpu.memory_space<vmem>>, vector<1x16xf32>,
        %add3A_2574 = arith.constant 32 : i32
        %add3A_2575 = arith.addi %squeeze3A_2545, %add3A_2574 : i32
        %get3A_2576 = arith.index_cast %add3A_2543 : i32 to index
        %get3A_2577 = arith.index_cast %add3A_2575 : i32 to index
        %get3A_2578 = tpu.vector_load %arg10[%get3A_2576, %get3A_2577] {strides = array<i32>} : memref<200x128xf32, #tpu.memory_space<vmem>>, vector<1x16xf32>,
        %get3A_2579 = vector.shape_cast %get3A_2578 : vector<1x16xf32> to vector<16xf32>
        %mul3A_2580 = arith.constant 8.000000e+00 : f32
        %mul3A_2581 = vector.broadcast %mul3A_2580 : f32 to vector<16xf32>
        %mul3A_2582 = arith.mulf %get3A_2579, %mul3A_2581 : vector<16xf32>
        %swap3A_2583 = arith.index_cast %add3A_2543 : i32 to index
        %swap3A_2584 = arith.constant 32 : index
        %swap3A_2585 = tpu.vector_load %arg12[%swap3A_2583, %swap3A_2584] {strides = array<i32>} : memref<200x64xf32, #tpu.memory_space<vmem>>, vector<1x16xf32>,
        %swap3A_2586 = vector.shape_cast %swap3A_2585 : vector<1x16xf32> to vector<16xf32>
        %swap3A_2587 = vector.shape_cast %mul3A_2582 : vector<16xf32> to vector<1x16xf32>
        tpu.vector_store %arg12[%swap3A_2583, %swap3A_2584], %swap3A_2587 {strides = array<i32>} : memref<200x64xf32, #tpu.memory_space<vmem>>, vector<1x16xf32>,
        %add3A_2588 = arith.constant 48 : i32
        %add3A_2589 = arith.addi %squeeze3A_2545, %add3A_2588 : i32
        %get3A_2590 = arith.index_cast %add3A_2543 : i32 to index
        %get3A_2591 = arith.index_cast %add3A_2589 : i32 to index
        %get3A_2592 = tpu.vector_load %arg10[%get3A_2590, %get3A_2591] {strides = array<i32>} : memref<200x128xf32, #tpu.memory_space<vmem>>, vector<1x16xf32>,
        %get3A_2593 = vector.shape_cast %get3A_2592 : vector<1x16xf32> to vector<16xf32>
        %mul3A_2594 = arith.constant 8.000000e+00 : f32
        %mul3A_2595 = vector.broadcast %mul3A_2594 : f32 to vector<16xf32>
        %mul3A_2596 = arith.mulf %get3A_2593, %mul3A_2595 : vector<16xf32>
        %swap3A_2597 = arith.index_cast %add3A_2543 : i32 to index
        %swap3A_2598 = arith.constant 48 : index
        %swap3A_2599 = tpu.vector_load %arg12[%swap3A_2597, %swap3A_2598] {strides = array<i32>} : memref<200x64xf32, #tpu.memory_space<vmem>>, vector<1x16xf32>,
        %swap3A_2600 = vector.shape_cast %swap3A_2599 : vector<1x16xf32> to vector<16xf32>
        %swap3A_2601 = vector.shape_cast %mul3A_2596 : vector<16xf32> to vector<1x16xf32>
        tpu.vector_store %arg12[%swap3A_2597, %swap3A_2598], %swap3A_2601 {strides = array<i32>} : memref<200x64xf32, #tpu.memory_space<vmem>>, vector<1x16xf32>,
        %add3A_2602 = arith.constant 6 : i32
        %add3A_2603 = arith.addi %mul3A_2238, %add3A_2602 : i32
        %slice3A_2604 = vector.extract_strided_slice %get3A_2241 {offsets = [6], sizes = [1], strides = [1]} : vector<16xi32> to vector<1xi32>
        %squeeze3A_2605 = vector.extract %slice3A_2604[0] : i32 from vector<1xi32>
        %add3A_2606 = arith.constant 0 : i32
        %add3A_2607 = arith.addi %squeeze3A_2605, %add3A_2606 : i32
        %get3A_2608 = arith.index_cast %add3A_2603 : i32 to index
        %get3A_2609 = arith.index_cast %add3A_2607 : i32 to index
        %get3A_2610 = tpu.vector_load %arg10[%get3A_2608, %get3A_2609] {strides = array<i32>} : memref<200x128xf32, #tpu.memory_space<vmem>>, vector<1x16xf32>,
        %get3A_2611 = vector.shape_cast %get3A_2610 : vector<1x16xf32> to vector<16xf32>
        %mul3A_2612 = arith.constant 8.000000e+00 : f32
        %mul3A_2613 = vector.broadcast %mul3A_2612 : f32 to vector<16xf32>
        %mul3A_2614 = arith.mulf %get3A_2611, %mul3A_2613 : vector<16xf32>
        %swap3A_2615 = arith.index_cast %add3A_2603 : i32 to index
        %swap3A_2616 = arith.constant 0 : index
        %swap3A_2617 = tpu.vector_load %arg12[%swap3A_2615, %swap3A_2616] {strides = array<i32>} : memref<200x64xf32, #tpu.memory_space<vmem>>, vector<1x16xf32>,
        %swap3A_2618 = vector.shape_cast %swap3A_2617 : vector<1x16xf32> to vector<16xf32>
        %swap3A_2619 = vector.shape_cast %mul3A_2614 : vector<16xf32> to vector<1x16xf32>
        tpu.vector_store %arg12[%swap3A_2615, %swap3A_2616], %swap3A_2619 {strides = array<i32>} : memref<200x64xf32, #tpu.memory_space<vmem>>, vector<1x16xf32>,
        %add3A_2620 = arith.constant 16 : i32
        %add3A_2621 = arith.addi %squeeze3A_2605, %add3A_2620 : i32
        %get3A_2622 = arith.index_cast %add3A_2603 : i32 to index
        %get3A_2623 = arith.index_cast %add3A_2621 : i32 to index
        %get3A_2624 = tpu.vector_load %arg10[%get3A_2622, %get3A_2623] {strides = array<i32>} : memref<200x128xf32, #tpu.memory_space<vmem>>, vector<1x16xf32>,
        %get3A_2625 = vector.shape_cast %get3A_2624 : vector<1x16xf32> to vector<16xf32>
        %mul3A_2626 = arith.constant 8.000000e+00 : f32
        %mul3A_2627 = vector.broadcast %mul3A_2626 : f32 to vector<16xf32>
        %mul3A_2628 = arith.mulf %get3A_2625, %mul3A_2627 : vector<16xf32>
        %swap3A_2629 = arith.index_cast %add3A_2603 : i32 to index
        %swap3A_2630 = arith.constant 16 : index
        %swap3A_2631 = tpu.vector_load %arg12[%swap3A_2629, %swap3A_2630] {strides = array<i32>} : memref<200x64xf32, #tpu.memory_space<vmem>>, vector<1x16xf32>,
        %swap3A_2632 = vector.shape_cast %swap3A_2631 : vector<1x16xf32> to vector<16xf32>
        %swap3A_2633 = vector.shape_cast %mul3A_2628 : vector<16xf32> to vector<1x16xf32>
        tpu.vector_store %arg12[%swap3A_2629, %swap3A_2630], %swap3A_2633 {strides = array<i32>} : memref<200x64xf32, #tpu.memory_space<vmem>>, vector<1x16xf32>,
        %add3A_2634 = arith.constant 32 : i32
        %add3A_2635 = arith.addi %squeeze3A_2605, %add3A_2634 : i32
        %get3A_2636 = arith.index_cast %add3A_2603 : i32 to index
        %get3A_2637 = arith.index_cast %add3A_2635 : i32 to index
        %get3A_2638 = tpu.vector_load %arg10[%get3A_2636, %get3A_2637] {strides = array<i32>} : memref<200x128xf32, #tpu.memory_space<vmem>>, vector<1x16xf32>,
        %get3A_2639 = vector.shape_cast %get3A_2638 : vector<1x16xf32> to vector<16xf32>
        %mul3A_2640 = arith.constant 8.000000e+00 : f32
        %mul3A_2641 = vector.broadcast %mul3A_2640 : f32 to vector<16xf32>
        %mul3A_2642 = arith.mulf %get3A_2639, %mul3A_2641 : vector<16xf32>
        %swap3A_2643 = arith.index_cast %add3A_2603 : i32 to index
        %swap3A_2644 = arith.constant 32 : index
        %swap3A_2645 = tpu.vector_load %arg12[%swap3A_2643, %swap3A_2644] {strides = array<i32>} : memref<200x64xf32, #tpu.memory_space<vmem>>, vector<1x16xf32>,
        %swap3A_2646 = vector.shape_cast %swap3A_2645 : vector<1x16xf32> to vector<16xf32>
        %swap3A_2647 = vector.shape_cast %mul3A_2642 : vector<16xf32> to vector<1x16xf32>
        tpu.vector_store %arg12[%swap3A_2643, %swap3A_2644], %swap3A_2647 {strides = array<i32>} : memref<200x64xf32, #tpu.memory_space<vmem>>, vector<1x16xf32>,
        %add3A_2648 = arith.constant 48 : i32
        %add3A_2649 = arith.addi %squeeze3A_2605, %add3A_2648 : i32
        %get3A_2650 = arith.index_cast %add3A_2603 : i32 to index
        %get3A_2651 = arith.index_cast %add3A_2649 : i32 to index
        %get3A_2652 = tpu.vector_load %arg10[%get3A_2650, %get3A_2651] {strides = array<i32>} : memref<200x128xf32, #tpu.memory_space<vmem>>, vector<1x16xf32>,
        %get3A_2653 = vector.shape_cast %get3A_2652 : vector<1x16xf32> to vector<16xf32>
        %mul3A_2654 = arith.constant 8.000000e+00 : f32
        %mul3A_2655 = vector.broadcast %mul3A_2654 : f32 to vector<16xf32>
        %mul3A_2656 = arith.mulf %get3A_2653, %mul3A_2655 : vector<16xf32>
        %swap3A_2657 = arith.index_cast %add3A_2603 : i32 to index
        %swap3A_2658 = arith.constant 48 : index
        %swap3A_2659 = tpu.vector_load %arg12[%swap3A_2657, %swap3A_2658] {strides = array<i32>} : memref<200x64xf32, #tpu.memory_space<vmem>>, vector<1x16xf32>,
        %swap3A_2660 = vector.shape_cast %swap3A_2659 : vector<1x16xf32> to vector<16xf32>
        %swap3A_2661 = vector.shape_cast %mul3A_2656 : vector<16xf32> to vector<1x16xf32>
        tpu.vector_store %arg12[%swap3A_2657, %swap3A_2658], %swap3A_2661 {strides = array<i32>} : memref<200x64xf32, #tpu.memory_space<vmem>>, vector<1x16xf32>,
        %add3A_2662 = arith.constant 7 : i32
        %add3A_2663 = arith.addi %mul3A_2238, %add3A_2662 : i32
        %slice3A_2664 = vector.extract_strided_slice %get3A_2241 {offsets = [7], sizes = [1], strides = [1]} : vector<16xi32> to vector<1xi32>
        %squeeze3A_2665 = vector.extract %slice3A_2664[0] : i32 from vector<1xi32>
        %add3A_2666 = arith.constant 0 : i32
        %add3A_2667 = arith.addi %squeeze3A_2665, %add3A_2666 : i32
        %get3A_2668 = arith.index_cast %add3A_2663 : i32 to index
        %get3A_2669 = arith.index_cast %add3A_2667 : i32 to index
        %get3A_2670 = tpu.vector_load %arg10[%get3A_2668, %get3A_2669] {strides = array<i32>} : memref<200x128xf32, #tpu.memory_space<vmem>>, vector<1x16xf32>,
        %get3A_2671 = vector.shape_cast %get3A_2670 : vector<1x16xf32> to vector<16xf32>
        %mul3A_2672 = arith.constant 8.000000e+00 : f32
        %mul3A_2673 = vector.broadcast %mul3A_2672 : f32 to vector<16xf32>
        %mul3A_2674 = arith.mulf %get3A_2671, %mul3A_2673 : vector<16xf32>
        %swap3A_2675 = arith.index_cast %add3A_2663 : i32 to index
        %swap3A_2676 = arith.constant 0 : index
        %swap3A_2677 = tpu.vector_load %arg12[%swap3A_2675, %swap3A_2676] {strides = array<i32>} : memref<200x64xf32, #tpu.memory_space<vmem>>, vector<1x16xf32>,
        %swap3A_2678 = vector.shape_cast %swap3A_2677 : vector<1x16xf32> to vector<16xf32>
        %swap3A_2679 = vector.shape_cast %mul3A_2674 : vector<16xf32> to vector<1x16xf32>
        tpu.vector_store %arg12[%swap3A_2675, %swap3A_2676], %swap3A_2679 {strides = array<i32>} : memref<200x64xf32, #tpu.memory_space<vmem>>, vector<1x16xf32>,
        %add3A_2680 = arith.constant 16 : i32
        %add3A_2681 = arith.addi %squeeze3A_2665, %add3A_2680 : i32
        %get3A_2682 = arith.index_cast %add3A_2663 : i32 to index
        %get3A_2683 = arith.index_cast %add3A_2681 : i32 to index
        %get3A_2684 = tpu.vector_load %arg10[%get3A_2682, %get3A_2683] {strides = array<i32>} : memref<200x128xf32, #tpu.memory_space<vmem>>, vector<1x16xf32>,
        %get3A_2685 = vector.shape_cast %get3A_2684 : vector<1x16xf32> to vector<16xf32>
        %mul3A_2686 = arith.constant 8.000000e+00 : f32
        %mul3A_2687 = vector.broadcast %mul3A_2686 : f32 to vector<16xf32>
        %mul3A_2688 = arith.mulf %get3A_2685, %mul3A_2687 : vector<16xf32>
        %swap3A_2689 = arith.index_cast %add3A_2663 : i32 to index
        %swap3A_2690 = arith.constant 16 : index
        %swap3A_2691 = tpu.vector_load %arg12[%swap3A_2689, %swap3A_2690] {strides = array<i32>} : memref<200x64xf32, #tpu.memory_space<vmem>>, vector<1x16xf32>,
        %swap3A_2692 = vector.shape_cast %swap3A_2691 : vector<1x16xf32> to vector<16xf32>
        %swap3A_2693 = vector.shape_cast %mul3A_2688 : vector<16xf32> to vector<1x16xf32>
        tpu.vector_store %arg12[%swap3A_2689, %swap3A_2690], %swap3A_2693 {strides = array<i32>} : memref<200x64xf32, #tpu.memory_space<vmem>>, vector<1x16xf32>,
        %add3A_2694 = arith.constant 32 : i32
        %add3A_2695 = arith.addi %squeeze3A_2665, %add3A_2694 : i32
        %get3A_2696 = arith.index_cast %add3A_2663 : i32 to index
        %get3A_2697 = arith.index_cast %add3A_2695 : i32 to index
        %get3A_2698 = tpu.vector_load %arg10[%get3A_2696, %get3A_2697] {strides = array<i32>} : memref<200x128xf32, #tpu.memory_space<vmem>>, vector<1x16xf32>,
        %get3A_2699 = vector.shape_cast %get3A_2698 : vector<1x16xf32> to vector<16xf32>
        %mul3A_2700 = arith.constant 8.000000e+00 : f32
        %mul3A_2701 = vector.broadcast %mul3A_2700 : f32 to vector<16xf32>
        %mul3A_2702 = arith.mulf %get3A_2699, %mul3A_2701 : vector<16xf32>
        %swap3A_2703 = arith.index_cast %add3A_2663 : i32 to index
        %swap3A_2704 = arith.constant 32 : index
        %swap3A_2705 = tpu.vector_load %arg12[%swap3A_2703, %swap3A_2704] {strides = array<i32>} : memref<200x64xf32, #tpu.memory_space<vmem>>, vector<1x16xf32>,
        %swap3A_2706 = vector.shape_cast %swap3A_2705 : vector<1x16xf32> to vector<16xf32>
        %swap3A_2707 = vector.shape_cast %mul3A_2702 : vector<16xf32> to vector<1x16xf32>
        tpu.vector_store %arg12[%swap3A_2703, %swap3A_2704], %swap3A_2707 {strides = array<i32>} : memref<200x64xf32, #tpu.memory_space<vmem>>, vector<1x16xf32>,
        %add3A_2708 = arith.constant 48 : i32
        %add3A_2709 = arith.addi %squeeze3A_2665, %add3A_2708 : i32
        %get3A_2710 = arith.index_cast %add3A_2663 : i32 to index
        %get3A_2711 = arith.index_cast %add3A_2709 : i32 to index
        %get3A_2712 = tpu.vector_load %arg10[%get3A_2710, %get3A_2711] {strides = array<i32>} : memref<200x128xf32, #tpu.memory_space<vmem>>, vector<1x16xf32>,
        %get3A_2713 = vector.shape_cast %get3A_2712 : vector<1x16xf32> to vector<16xf32>
        %mul3A_2714 = arith.constant 8.000000e+00 : f32
        %mul3A_2715 = vector.broadcast %mul3A_2714 : f32 to vector<16xf32>
        %mul3A_2716 = arith.mulf %get3A_2713, %mul3A_2715 : vector<16xf32>
        %swap3A_2717 = arith.index_cast %add3A_2663 : i32 to index
        %swap3A_2718 = arith.constant 48 : index
        %swap3A_2719 = tpu.vector_load %arg12[%swap3A_2717, %swap3A_2718] {strides = array<i32>} : memref<200x64xf32, #tpu.memory_space<vmem>>, vector<1x16xf32>,
        %swap3A_2720 = vector.shape_cast %swap3A_2719 : vector<1x16xf32> to vector<16xf32>
        %swap3A_2721 = vector.shape_cast %mul3A_2716 : vector<16xf32> to vector<1x16xf32>
        tpu.vector_store %arg12[%swap3A_2717, %swap3A_2718], %swap3A_2721 {strides = array<i32>} : memref<200x64xf32, #tpu.memory_space<vmem>>, vector<1x16xf32>,
        %add3A_2722 = arith.constant 8 : i32
        %add3A_2723 = arith.addi %mul3A_2238, %add3A_2722 : i32
        %slice3A_2724 = vector.extract_strided_slice %get3A_2241 {offsets = [8], sizes = [1], strides = [1]} : vector<16xi32> to vector<1xi32>
        %squeeze3A_2725 = vector.extract %slice3A_2724[0] : i32 from vector<1xi32>
        %add3A_2726 = arith.constant 0 : i32
        %add3A_2727 = arith.addi %squeeze3A_2725, %add3A_2726 : i32
        %get3A_2728 = arith.index_cast %add3A_2723 : i32 to index
        %get3A_2729 = arith.index_cast %add3A_2727 : i32 to index
        %get3A_2730 = tpu.vector_load %arg10[%get3A_2728, %get3A_2729] {strides = array<i32>} : memref<200x128xf32, #tpu.memory_space<vmem>>, vector<1x16xf32>,
        %get3A_2731 = vector.shape_cast %get3A_2730 : vector<1x16xf32> to vector<16xf32>
        %mul3A_2732 = arith.constant 8.000000e+00 : f32
        %mul3A_2733 = vector.broadcast %mul3A_2732 : f32 to vector<16xf32>
        %mul3A_2734 = arith.mulf %get3A_2731, %mul3A_2733 : vector<16xf32>
        %swap3A_2735 = arith.index_cast %add3A_2723 : i32 to index
        %swap3A_2736 = arith.constant 0 : index
        %swap3A_2737 = tpu.vector_load %arg12[%swap3A_2735, %swap3A_2736] {strides = array<i32>} : memref<200x64xf32, #tpu.memory_space<vmem>>, vector<1x16xf32>,
        %swap3A_2738 = vector.shape_cast %swap3A_2737 : vector<1x16xf32> to vector<16xf32>
        %swap3A_2739 = vector.shape_cast %mul3A_2734 : vector<16xf32> to vector<1x16xf32>
        tpu.vector_store %arg12[%swap3A_2735, %swap3A_2736], %swap3A_2739 {strides = array<i32>} : memref<200x64xf32, #tpu.memory_space<vmem>>, vector<1x16xf32>,
        %add3A_2740 = arith.constant 16 : i32
        %add3A_2741 = arith.addi %squeeze3A_2725, %add3A_2740 : i32
        %get3A_2742 = arith.index_cast %add3A_2723 : i32 to index
        %get3A_2743 = arith.index_cast %add3A_2741 : i32 to index
        %get3A_2744 = tpu.vector_load %arg10[%get3A_2742, %get3A_2743] {strides = array<i32>} : memref<200x128xf32, #tpu.memory_space<vmem>>, vector<1x16xf32>,
        %get3A_2745 = vector.shape_cast %get3A_2744 : vector<1x16xf32> to vector<16xf32>
        %mul3A_2746 = arith.constant 8.000000e+00 : f32
        %mul3A_2747 = vector.broadcast %mul3A_2746 : f32 to vector<16xf32>
        %mul3A_2748 = arith.mulf %get3A_2745, %mul3A_2747 : vector<16xf32>
        %swap3A_2749 = arith.index_cast %add3A_2723 : i32 to index
        %swap3A_2750 = arith.constant 16 : index
        %swap3A_2751 = tpu.vector_load %arg12[%swap3A_2749, %swap3A_2750] {strides = array<i32>} : memref<200x64xf32, #tpu.memory_space<vmem>>, vector<1x16xf32>,
        %swap3A_2752 = vector.shape_cast %swap3A_2751 : vector<1x16xf32> to vector<16xf32>
        %swap3A_2753 = vector.shape_cast %mul3A_2748 : vector<16xf32> to vector<1x16xf32>
        tpu.vector_store %arg12[%swap3A_2749, %swap3A_2750], %swap3A_2753 {strides = array<i32>} : memref<200x64xf32, #tpu.memory_space<vmem>>, vector<1x16xf32>,
        %add3A_2754 = arith.constant 32 : i32
        %add3A_2755 = arith.addi %squeeze3A_2725, %add3A_2754 : i32
        %get3A_2756 = arith.index_cast %add3A_2723 : i32 to index
        %get3A_2757 = arith.index_cast %add3A_2755 : i32 to index
        %get3A_2758 = tpu.vector_load %arg10[%get3A_2756, %get3A_2757] {strides = array<i32>} : memref<200x128xf32, #tpu.memory_space<vmem>>, vector<1x16xf32>,
        %get3A_2759 = vector.shape_cast %get3A_2758 : vector<1x16xf32> to vector<16xf32>
        %mul3A_2760 = arith.constant 8.000000e+00 : f32
        %mul3A_2761 = vector.broadcast %mul3A_2760 : f32 to vector<16xf32>
        %mul3A_2762 = arith.mulf %get3A_2759, %mul3A_2761 : vector<16xf32>
        %swap3A_2763 = arith.index_cast %add3A_2723 : i32 to index
        %swap3A_2764 = arith.constant 32 : index
        %swap3A_2765 = tpu.vector_load %arg12[%swap3A_2763, %swap3A_2764] {strides = array<i32>} : memref<200x64xf32, #tpu.memory_space<vmem>>, vector<1x16xf32>,
        %swap3A_2766 = vector.shape_cast %swap3A_2765 : vector<1x16xf32> to vector<16xf32>
        %swap3A_2767 = vector.shape_cast %mul3A_2762 : vector<16xf32> to vector<1x16xf32>
        tpu.vector_store %arg12[%swap3A_2763, %swap3A_2764], %swap3A_2767 {strides = array<i32>} : memref<200x64xf32, #tpu.memory_space<vmem>>, vector<1x16xf32>,
        %add3A_2768 = arith.constant 48 : i32
        %add3A_2769 = arith.addi %squeeze3A_2725, %add3A_2768 : i32
        %get3A_2770 = arith.index_cast %add3A_2723 : i32 to index
        %get3A_2771 = arith.index_cast %add3A_2769 : i32 to index
        %get3A_2772 = tpu.vector_load %arg10[%get3A_2770, %get3A_2771] {strides = array<i32>} : memref<200x128xf32, #tpu.memory_space<vmem>>, vector<1x16xf32>,
        %get3A_2773 = vector.shape_cast %get3A_2772 : vector<1x16xf32> to vector<16xf32>
        %mul3A_2774 = arith.constant 8.000000e+00 : f32
        %mul3A_2775 = vector.broadcast %mul3A_2774 : f32 to vector<16xf32>
        %mul3A_2776 = arith.mulf %get3A_2773, %mul3A_2775 : vector<16xf32>
        %swap3A_2777 = arith.index_cast %add3A_2723 : i32 to index
        %swap3A_2778 = arith.constant 48 : index
        %swap3A_2779 = tpu.vector_load %arg12[%swap3A_2777, %swap3A_2778] {strides = array<i32>} : memref<200x64xf32, #tpu.memory_space<vmem>>, vector<1x16xf32>,
        %swap3A_2780 = vector.shape_cast %swap3A_2779 : vector<1x16xf32> to vector<16xf32>
        %swap3A_2781 = vector.shape_cast %mul3A_2776 : vector<16xf32> to vector<1x16xf32>
        tpu.vector_store %arg12[%swap3A_2777, %swap3A_2778], %swap3A_2781 {strides = array<i32>} : memref<200x64xf32, #tpu.memory_space<vmem>>, vector<1x16xf32>,
        %add3A_2782 = arith.constant 9 : i32
        %add3A_2783 = arith.addi %mul3A_2238, %add3A_2782 : i32
        %slice3A_2784 = vector.extract_strided_slice %get3A_2241 {offsets = [9], sizes = [1], strides = [1]} : vector<16xi32> to vector<1xi32>
        %squeeze3A_2785 = vector.extract %slice3A_2784[0] : i32 from vector<1xi32>
        %add3A_2786 = arith.constant 0 : i32
        %add3A_2787 = arith.addi %squeeze3A_2785, %add3A_2786 : i32
        %get3A_2788 = arith.index_cast %add3A_2783 : i32 to index
        %get3A_2789 = arith.index_cast %add3A_2787 : i32 to index
        %get3A_2790 = tpu.vector_load %arg10[%get3A_2788, %get3A_2789] {strides = array<i32>} : memref<200x128xf32, #tpu.memory_space<vmem>>, vector<1x16xf32>,
        %get3A_2791 = vector.shape_cast %get3A_2790 : vector<1x16xf32> to vector<16xf32>
        %mul3A_2792 = arith.constant 8.000000e+00 : f32
        %mul3A_2793 = vector.broadcast %mul3A_2792 : f32 to vector<16xf32>
        %mul3A_2794 = arith.mulf %get3A_2791, %mul3A_2793 : vector<16xf32>
        %swap3A_2795 = arith.index_cast %add3A_2783 : i32 to index
        %swap3A_2796 = arith.constant 0 : index
        %swap3A_2797 = tpu.vector_load %arg12[%swap3A_2795, %swap3A_2796] {strides = array<i32>} : memref<200x64xf32, #tpu.memory_space<vmem>>, vector<1x16xf32>,
        %swap3A_2798 = vector.shape_cast %swap3A_2797 : vector<1x16xf32> to vector<16xf32>
        %swap3A_2799 = vector.shape_cast %mul3A_2794 : vector<16xf32> to vector<1x16xf32>
        tpu.vector_store %arg12[%swap3A_2795, %swap3A_2796], %swap3A_2799 {strides = array<i32>} : memref<200x64xf32, #tpu.memory_space<vmem>>, vector<1x16xf32>,
        %add3A_2800 = arith.constant 16 : i32
        %add3A_2801 = arith.addi %squeeze3A_2785, %add3A_2800 : i32
        %get3A_2802 = arith.index_cast %add3A_2783 : i32 to index
        %get3A_2803 = arith.index_cast %add3A_2801 : i32 to index
        %get3A_2804 = tpu.vector_load %arg10[%get3A_2802, %get3A_2803] {strides = array<i32>} : memref<200x128xf32, #tpu.memory_space<vmem>>, vector<1x16xf32>,
        %get3A_2805 = vector.shape_cast %get3A_2804 : vector<1x16xf32> to vector<16xf32>
        %mul3A_2806 = arith.constant 8.000000e+00 : f32
        %mul3A_2807 = vector.broadcast %mul3A_2806 : f32 to vector<16xf32>
        %mul3A_2808 = arith.mulf %get3A_2805, %mul3A_2807 : vector<16xf32>
        %swap3A_2809 = arith.index_cast %add3A_2783 : i32 to index
        %swap3A_2810 = arith.constant 16 : index
        %swap3A_2811 = tpu.vector_load %arg12[%swap3A_2809, %swap3A_2810] {strides = array<i32>} : memref<200x64xf32, #tpu.memory_space<vmem>>, vector<1x16xf32>,
        %swap3A_2812 = vector.shape_cast %swap3A_2811 : vector<1x16xf32> to vector<16xf32>
        %swap3A_2813 = vector.shape_cast %mul3A_2808 : vector<16xf32> to vector<1x16xf32>
        tpu.vector_store %arg12[%swap3A_2809, %swap3A_2810], %swap3A_2813 {strides = array<i32>} : memref<200x64xf32, #tpu.memory_space<vmem>>, vector<1x16xf32>,
        %add3A_2814 = arith.constant 32 : i32
        %add3A_2815 = arith.addi %squeeze3A_2785, %add3A_2814 : i32
        %get3A_2816 = arith.index_cast %add3A_2783 : i32 to index
        %get3A_2817 = arith.index_cast %add3A_2815 : i32 to index
        %get3A_2818 = tpu.vector_load %arg10[%get3A_2816, %get3A_2817] {strides = array<i32>} : memref<200x128xf32, #tpu.memory_space<vmem>>, vector<1x16xf32>,
        %get3A_2819 = vector.shape_cast %get3A_2818 : vector<1x16xf32> to vector<16xf32>
        %mul3A_2820 = arith.constant 8.000000e+00 : f32
        %mul3A_2821 = vector.broadcast %mul3A_2820 : f32 to vector<16xf32>
        %mul3A_2822 = arith.mulf %get3A_2819, %mul3A_2821 : vector<16xf32>
        %swap3A_2823 = arith.index_cast %add3A_2783 : i32 to index
        %swap3A_2824 = arith.constant 32 : index
        %swap3A_2825 = tpu.vector_load %arg12[%swap3A_2823, %swap3A_2824] {strides = array<i32>} : memref<200x64xf32, #tpu.memory_space<vmem>>, vector<1x16xf32>,
        %swap3A_2826 = vector.shape_cast %swap3A_2825 : vector<1x16xf32> to vector<16xf32>
        %swap3A_2827 = vector.shape_cast %mul3A_2822 : vector<16xf32> to vector<1x16xf32>
        tpu.vector_store %arg12[%swap3A_2823, %swap3A_2824], %swap3A_2827 {strides = array<i32>} : memref<200x64xf32, #tpu.memory_space<vmem>>, vector<1x16xf32>,
        %add3A_2828 = arith.constant 48 : i32
        %add3A_2829 = arith.addi %squeeze3A_2785, %add3A_2828 : i32
        %get3A_2830 = arith.index_cast %add3A_2783 : i32 to index
        %get3A_2831 = arith.index_cast %add3A_2829 : i32 to index
        %get3A_2832 = tpu.vector_load %arg10[%get3A_2830, %get3A_2831] {strides = array<i32>} : memref<200x128xf32, #tpu.memory_space<vmem>>, vector<1x16xf32>,
        %get3A_2833 = vector.shape_cast %get3A_2832 : vector<1x16xf32> to vector<16xf32>
        %mul3A_2834 = arith.constant 8.000000e+00 : f32
        %mul3A_2835 = vector.broadcast %mul3A_2834 : f32 to vector<16xf32>
        %mul3A_2836 = arith.mulf %get3A_2833, %mul3A_2835 : vector<16xf32>
        %swap3A_2837 = arith.index_cast %add3A_2783 : i32 to index
        %swap3A_2838 = arith.constant 48 : index
        %swap3A_2839 = tpu.vector_load %arg12[%swap3A_2837, %swap3A_2838] {strides = array<i32>} : memref<200x64xf32, #tpu.memory_space<vmem>>, vector<1x16xf32>,
        %swap3A_2840 = vector.shape_cast %swap3A_2839 : vector<1x16xf32> to vector<16xf32>
        %swap3A_2841 = vector.shape_cast %mul3A_2836 : vector<16xf32> to vector<1x16xf32>
        tpu.vector_store %arg12[%swap3A_2837, %swap3A_2838], %swap3A_2841 {strides = array<i32>} : memref<200x64xf32, #tpu.memory_space<vmem>>, vector<1x16xf32>,
        %add3A_2842 = arith.constant 10 : i32
        %add3A_2843 = arith.addi %mul3A_2238, %add3A_2842 : i32
        %slice3A_2844 = vector.extract_strided_slice %get3A_2241 {offsets = [10], sizes = [1], strides = [1]} : vector<16xi32> to vector<1xi32>
        %squeeze3A_2845 = vector.extract %slice3A_2844[0] : i32 from vector<1xi32>
        %add3A_2846 = arith.constant 0 : i32
        %add3A_2847 = arith.addi %squeeze3A_2845, %add3A_2846 : i32
        %get3A_2848 = arith.index_cast %add3A_2843 : i32 to index
        %get3A_2849 = arith.index_cast %add3A_2847 : i32 to index
        %get3A_2850 = tpu.vector_load %arg10[%get3A_2848, %get3A_2849] {strides = array<i32>} : memref<200x128xf32, #tpu.memory_space<vmem>>, vector<1x16xf32>,
        %get3A_2851 = vector.shape_cast %get3A_2850 : vector<1x16xf32> to vector<16xf32>
        %mul3A_2852 = arith.constant 8.000000e+00 : f32
        %mul3A_2853 = vector.broadcast %mul3A_2852 : f32 to vector<16xf32>
        %mul3A_2854 = arith.mulf %get3A_2851, %mul3A_2853 : vector<16xf32>
        %swap3A_2855 = arith.index_cast %add3A_2843 : i32 to index
        %swap3A_2856 = arith.constant 0 : index
        %swap3A_2857 = tpu.vector_load %arg12[%swap3A_2855, %swap3A_2856] {strides = array<i32>} : memref<200x64xf32, #tpu.memory_space<vmem>>, vector<1x16xf32>,
        %swap3A_2858 = vector.shape_cast %swap3A_2857 : vector<1x16xf32> to vector<16xf32>
        %swap3A_2859 = vector.shape_cast %mul3A_2854 : vector<16xf32> to vector<1x16xf32>
        tpu.vector_store %arg12[%swap3A_2855, %swap3A_2856], %swap3A_2859 {strides = array<i32>} : memref<200x64xf32, #tpu.memory_space<vmem>>, vector<1x16xf32>,
        %add3A_2860 = arith.constant 16 : i32
        %add3A_2861 = arith.addi %squeeze3A_2845, %add3A_2860 : i32
        %get3A_2862 = arith.index_cast %add3A_2843 : i32 to index
        %get3A_2863 = arith.index_cast %add3A_2861 : i32 to index
        %get3A_2864 = tpu.vector_load %arg10[%get3A_2862, %get3A_2863] {strides = array<i32>} : memref<200x128xf32, #tpu.memory_space<vmem>>, vector<1x16xf32>,
        %get3A_2865 = vector.shape_cast %get3A_2864 : vector<1x16xf32> to vector<16xf32>
        %mul3A_2866 = arith.constant 8.000000e+00 : f32
        %mul3A_2867 = vector.broadcast %mul3A_2866 : f32 to vector<16xf32>
        %mul3A_2868 = arith.mulf %get3A_2865, %mul3A_2867 : vector<16xf32>
        %swap3A_2869 = arith.index_cast %add3A_2843 : i32 to index
        %swap3A_2870 = arith.constant 16 : index
        %swap3A_2871 = tpu.vector_load %arg12[%swap3A_2869, %swap3A_2870] {strides = array<i32>} : memref<200x64xf32, #tpu.memory_space<vmem>>, vector<1x16xf32>,
        %swap3A_2872 = vector.shape_cast %swap3A_2871 : vector<1x16xf32> to vector<16xf32>
        %swap3A_2873 = vector.shape_cast %mul3A_2868 : vector<16xf32> to vector<1x16xf32>
        tpu.vector_store %arg12[%swap3A_2869, %swap3A_2870], %swap3A_2873 {strides = array<i32>} : memref<200x64xf32, #tpu.memory_space<vmem>>, vector<1x16xf32>,
        %add3A_2874 = arith.constant 32 : i32
        %add3A_2875 = arith.addi %squeeze3A_2845, %add3A_2874 : i32
        %get3A_2876 = arith.index_cast %add3A_2843 : i32 to index
        %get3A_2877 = arith.index_cast %add3A_2875 : i32 to index
        %get3A_2878 = tpu.vector_load %arg10[%get3A_2876, %get3A_2877] {strides = array<i32>} : memref<200x128xf32, #tpu.memory_space<vmem>>, vector<1x16xf32>,
        %get3A_2879 = vector.shape_cast %get3A_2878 : vector<1x16xf32> to vector<16xf32>
        %mul3A_2880 = arith.constant 8.000000e+00 : f32
        %mul3A_2881 = vector.broadcast %mul3A_2880 : f32 to vector<16xf32>
        %mul3A_2882 = arith.mulf %get3A_2879, %mul3A_2881 : vector<16xf32>
        %swap3A_2883 = arith.index_cast %add3A_2843 : i32 to index
        %swap3A_2884 = arith.constant 32 : index
        %swap3A_2885 = tpu.vector_load %arg12[%swap3A_2883, %swap3A_2884] {strides = array<i32>} : memref<200x64xf32, #tpu.memory_space<vmem>>, vector<1x16xf32>,
        %swap3A_2886 = vector.shape_cast %swap3A_2885 : vector<1x16xf32> to vector<16xf32>
        %swap3A_2887 = vector.shape_cast %mul3A_2882 : vector<16xf32> to vector<1x16xf32>
        tpu.vector_store %arg12[%swap3A_2883, %swap3A_2884], %swap3A_2887 {strides = array<i32>} : memref<200x64xf32, #tpu.memory_space<vmem>>, vector<1x16xf32>,
        %add3A_2888 = arith.constant 48 : i32
        %add3A_2889 = arith.addi %squeeze3A_2845, %add3A_2888 : i32
        %get3A_2890 = arith.index_cast %add3A_2843 : i32 to index
        %get3A_2891 = arith.index_cast %add3A_2889 : i32 to index
        %get3A_2892 = tpu.vector_load %arg10[%get3A_2890, %get3A_2891] {strides = array<i32>} : memref<200x128xf32, #tpu.memory_space<vmem>>, vector<1x16xf32>,
        %get3A_2893 = vector.shape_cast %get3A_2892 : vector<1x16xf32> to vector<16xf32>
        %mul3A_2894 = arith.constant 8.000000e+00 : f32
        %mul3A_2895 = vector.broadcast %mul3A_2894 : f32 to vector<16xf32>
        %mul3A_2896 = arith.mulf %get3A_2893, %mul3A_2895 : vector<16xf32>
        %swap3A_2897 = arith.index_cast %add3A_2843 : i32 to index
        %swap3A_2898 = arith.constant 48 : index
        %swap3A_2899 = tpu.vector_load %arg12[%swap3A_2897, %swap3A_2898] {strides = array<i32>} : memref<200x64xf32, #tpu.memory_space<vmem>>, vector<1x16xf32>,
        %swap3A_2900 = vector.shape_cast %swap3A_2899 : vector<1x16xf32> to vector<16xf32>
        %swap3A_2901 = vector.shape_cast %mul3A_2896 : vector<16xf32> to vector<1x16xf32>
        tpu.vector_store %arg12[%swap3A_2897, %swap3A_2898], %swap3A_2901 {strides = array<i32>} : memref<200x64xf32, #tpu.memory_space<vmem>>, vector<1x16xf32>,
        %add3A_2902 = arith.constant 11 : i32
        %add3A_2903 = arith.addi %mul3A_2238, %add3A_2902 : i32
        %slice3A_2904 = vector.extract_strided_slice %get3A_2241 {offsets = [11], sizes = [1], strides = [1]} : vector<16xi32> to vector<1xi32>
        %squeeze3A_2905 = vector.extract %slice3A_2904[0] : i32 from vector<1xi32>
        %add3A_2906 = arith.constant 0 : i32
        %add3A_2907 = arith.addi %squeeze3A_2905, %add3A_2906 : i32
        %get3A_2908 = arith.index_cast %add3A_2903 : i32 to index
        %get3A_2909 = arith.index_cast %add3A_2907 : i32 to index
        %get3A_2910 = tpu.vector_load %arg10[%get3A_2908, %get3A_2909] {strides = array<i32>} : memref<200x128xf32, #tpu.memory_space<vmem>>, vector<1x16xf32>,
        %get3A_2911 = vector.shape_cast %get3A_2910 : vector<1x16xf32> to vector<16xf32>
        %mul3A_2912 = arith.constant 8.000000e+00 : f32
        %mul3A_2913 = vector.broadcast %mul3A_2912 : f32 to vector<16xf32>
        %mul3A_2914 = arith.mulf %get3A_2911, %mul3A_2913 : vector<16xf32>
        %swap3A_2915 = arith.index_cast %add3A_2903 : i32 to index
        %swap3A_2916 = arith.constant 0 : index
        %swap3A_2917 = tpu.vector_load %arg12[%swap3A_2915, %swap3A_2916] {strides = array<i32>} : memref<200x64xf32, #tpu.memory_space<vmem>>, vector<1x16xf32>,
        %swap3A_2918 = vector.shape_cast %swap3A_2917 : vector<1x16xf32> to vector<16xf32>
        %swap3A_2919 = vector.shape_cast %mul3A_2914 : vector<16xf32> to vector<1x16xf32>
        tpu.vector_store %arg12[%swap3A_2915, %swap3A_2916], %swap3A_2919 {strides = array<i32>} : memref<200x64xf32, #tpu.memory_space<vmem>>, vector<1x16xf32>,
        %add3A_2920 = arith.constant 16 : i32
        %add3A_2921 = arith.addi %squeeze3A_2905, %add3A_2920 : i32
        %get3A_2922 = arith.index_cast %add3A_2903 : i32 to index
        %get3A_2923 = arith.index_cast %add3A_2921 : i32 to index
        %get3A_2924 = tpu.vector_load %arg10[%get3A_2922, %get3A_2923] {strides = array<i32>} : memref<200x128xf32, #tpu.memory_space<vmem>>, vector<1x16xf32>,
        %get3A_2925 = vector.shape_cast %get3A_2924 : vector<1x16xf32> to vector<16xf32>
        %mul3A_2926 = arith.constant 8.000000e+00 : f32
        %mul3A_2927 = vector.broadcast %mul3A_2926 : f32 to vector<16xf32>
        %mul3A_2928 = arith.mulf %get3A_2925, %mul3A_2927 : vector<16xf32>
        %swap3A_2929 = arith.index_cast %add3A_2903 : i32 to index
        %swap3A_2930 = arith.constant 16 : index
        %swap3A_2931 = tpu.vector_load %arg12[%swap3A_2929, %swap3A_2930] {strides = array<i32>} : memref<200x64xf32, #tpu.memory_space<vmem>>, vector<1x16xf32>,
        %swap3A_2932 = vector.shape_cast %swap3A_2931 : vector<1x16xf32> to vector<16xf32>
        %swap3A_2933 = vector.shape_cast %mul3A_2928 : vector<16xf32> to vector<1x16xf32>
        tpu.vector_store %arg12[%swap3A_2929, %swap3A_2930], %swap3A_2933 {strides = array<i32>} : memref<200x64xf32, #tpu.memory_space<vmem>>, vector<1x16xf32>,
        %add3A_2934 = arith.constant 32 : i32
        %add3A_2935 = arith.addi %squeeze3A_2905, %add3A_2934 : i32
        %get3A_2936 = arith.index_cast %add3A_2903 : i32 to index
        %get3A_2937 = arith.index_cast %add3A_2935 : i32 to index
        %get3A_2938 = tpu.vector_load %arg10[%get3A_2936, %get3A_2937] {strides = array<i32>} : memref<200x128xf32, #tpu.memory_space<vmem>>, vector<1x16xf32>,
        %get3A_2939 = vector.shape_cast %get3A_2938 : vector<1x16xf32> to vector<16xf32>
        %mul3A_2940 = arith.constant 8.000000e+00 : f32
        %mul3A_2941 = vector.broadcast %mul3A_2940 : f32 to vector<16xf32>
        %mul3A_2942 = arith.mulf %get3A_2939, %mul3A_2941 : vector<16xf32>
        %swap3A_2943 = arith.index_cast %add3A_2903 : i32 to index
        %swap3A_2944 = arith.constant 32 : index
        %swap3A_2945 = tpu.vector_load %arg12[%swap3A_2943, %swap3A_2944] {strides = array<i32>} : memref<200x64xf32, #tpu.memory_space<vmem>>, vector<1x16xf32>,
        %swap3A_2946 = vector.shape_cast %swap3A_2945 : vector<1x16xf32> to vector<16xf32>
        %swap3A_2947 = vector.shape_cast %mul3A_2942 : vector<16xf32> to vector<1x16xf32>
        tpu.vector_store %arg12[%swap3A_2943, %swap3A_2944], %swap3A_2947 {strides = array<i32>} : memref<200x64xf32, #tpu.memory_space<vmem>>, vector<1x16xf32>,
        %add3A_2948 = arith.constant 48 : i32
        %add3A_2949 = arith.addi %squeeze3A_2905, %add3A_2948 : i32
        %get3A_2950 = arith.index_cast %add3A_2903 : i32 to index
        %get3A_2951 = arith.index_cast %add3A_2949 : i32 to index
        %get3A_2952 = tpu.vector_load %arg10[%get3A_2950, %get3A_2951] {strides = array<i32>} : memref<200x128xf32, #tpu.memory_space<vmem>>, vector<1x16xf32>,
        %get3A_2953 = vector.shape_cast %get3A_2952 : vector<1x16xf32> to vector<16xf32>
        %mul3A_2954 = arith.constant 8.000000e+00 : f32
        %mul3A_2955 = vector.broadcast %mul3A_2954 : f32 to vector<16xf32>
        %mul3A_2956 = arith.mulf %get3A_2953, %mul3A_2955 : vector<16xf32>
        %swap3A_2957 = arith.index_cast %add3A_2903 : i32 to index
        %swap3A_2958 = arith.constant 48 : index
        %swap3A_2959 = tpu.vector_load %arg12[%swap3A_2957, %swap3A_2958] {strides = array<i32>} : memref<200x64xf32, #tpu.memory_space<vmem>>, vector<1x16xf32>,
        %swap3A_2960 = vector.shape_cast %swap3A_2959 : vector<1x16xf32> to vector<16xf32>
        %swap3A_2961 = vector.shape_cast %mul3A_2956 : vector<16xf32> to vector<1x16xf32>
        tpu.vector_store %arg12[%swap3A_2957, %swap3A_2958], %swap3A_2961 {strides = array<i32>} : memref<200x64xf32, #tpu.memory_space<vmem>>, vector<1x16xf32>,
        %add3A_2962 = arith.constant 12 : i32
        %add3A_2963 = arith.addi %mul3A_2238, %add3A_2962 : i32
        %slice3A_2964 = vector.extract_strided_slice %get3A_2241 {offsets = [12], sizes = [1], strides = [1]} : vector<16xi32> to vector<1xi32>
        %squeeze3A_2965 = vector.extract %slice3A_2964[0] : i32 from vector<1xi32>
        %add3A_2966 = arith.constant 0 : i32
        %add3A_2967 = arith.addi %squeeze3A_2965, %add3A_2966 : i32
        %get3A_2968 = arith.index_cast %add3A_2963 : i32 to index
        %get3A_2969 = arith.index_cast %add3A_2967 : i32 to index
        %get3A_2970 = tpu.vector_load %arg10[%get3A_2968, %get3A_2969] {strides = array<i32>} : memref<200x128xf32, #tpu.memory_space<vmem>>, vector<1x16xf32>,
        %get3A_2971 = vector.shape_cast %get3A_2970 : vector<1x16xf32> to vector<16xf32>
        %mul3A_2972 = arith.constant 8.000000e+00 : f32
        %mul3A_2973 = vector.broadcast %mul3A_2972 : f32 to vector<16xf32>
        %mul3A_2974 = arith.mulf %get3A_2971, %mul3A_2973 : vector<16xf32>
        %swap3A_2975 = arith.index_cast %add3A_2963 : i32 to index
        %swap3A_2976 = arith.constant 0 : index
        %swap3A_2977 = tpu.vector_load %arg12[%swap3A_2975, %swap3A_2976] {strides = array<i32>} : memref<200x64xf32, #tpu.memory_space<vmem>>, vector<1x16xf32>,
        %swap3A_2978 = vector.shape_cast %swap3A_2977 : vector<1x16xf32> to vector<16xf32>
        %swap3A_2979 = vector.shape_cast %mul3A_2974 : vector<16xf32> to vector<1x16xf32>
        tpu.vector_store %arg12[%swap3A_2975, %swap3A_2976], %swap3A_2979 {strides = array<i32>} : memref<200x64xf32, #tpu.memory_space<vmem>>, vector<1x16xf32>,
        %add3A_2980 = arith.constant 16 : i32
        %add3A_2981 = arith.addi %squeeze3A_2965, %add3A_2980 : i32
        %get3A_2982 = arith.index_cast %add3A_2963 : i32 to index
        %get3A_2983 = arith.index_cast %add3A_2981 : i32 to index
        %get3A_2984 = tpu.vector_load %arg10[%get3A_2982, %get3A_2983] {strides = array<i32>} : memref<200x128xf32, #tpu.memory_space<vmem>>, vector<1x16xf32>,
        %get3A_2985 = vector.shape_cast %get3A_2984 : vector<1x16xf32> to vector<16xf32>
        %mul3A_2986 = arith.constant 8.000000e+00 : f32
        %mul3A_2987 = vector.broadcast %mul3A_2986 : f32 to vector<16xf32>
        %mul3A_2988 = arith.mulf %get3A_2985, %mul3A_2987 : vector<16xf32>
        %swap3A_2989 = arith.index_cast %add3A_2963 : i32 to index
        %swap3A_2990 = arith.constant 16 : index
        %swap3A_2991 = tpu.vector_load %arg12[%swap3A_2989, %swap3A_2990] {strides = array<i32>} : memref<200x64xf32, #tpu.memory_space<vmem>>, vector<1x16xf32>,
        %swap3A_2992 = vector.shape_cast %swap3A_2991 : vector<1x16xf32> to vector<16xf32>
        %swap3A_2993 = vector.shape_cast %mul3A_2988 : vector<16xf32> to vector<1x16xf32>
        tpu.vector_store %arg12[%swap3A_2989, %swap3A_2990], %swap3A_2993 {strides = array<i32>} : memref<200x64xf32, #tpu.memory_space<vmem>>, vector<1x16xf32>,
        %add3A_2994 = arith.constant 32 : i32
        %add3A_2995 = arith.addi %squeeze3A_2965, %add3A_2994 : i32
        %get3A_2996 = arith.index_cast %add3A_2963 : i32 to index
        %get3A_2997 = arith.index_cast %add3A_2995 : i32 to index
        %get3A_2998 = tpu.vector_load %arg10[%get3A_2996, %get3A_2997] {strides = array<i32>} : memref<200x128xf32, #tpu.memory_space<vmem>>, vector<1x16xf32>,
        %get3A_2999 = vector.shape_cast %get3A_2998 : vector<1x16xf32> to vector<16xf32>
        %mul3A_3000 = arith.constant 8.000000e+00 : f32
        %mul3A_3001 = vector.broadcast %mul3A_3000 : f32 to vector<16xf32>
        %mul3A_3002 = arith.mulf %get3A_2999, %mul3A_3001 : vector<16xf32>
        %swap3A_3003 = arith.index_cast %add3A_2963 : i32 to index
        %swap3A_3004 = arith.constant 32 : index
        %swap3A_3005 = tpu.vector_load %arg12[%swap3A_3003, %swap3A_3004] {strides = array<i32>} : memref<200x64xf32, #tpu.memory_space<vmem>>, vector<1x16xf32>,
        %swap3A_3006 = vector.shape_cast %swap3A_3005 : vector<1x16xf32> to vector<16xf32>
        %swap3A_3007 = vector.shape_cast %mul3A_3002 : vector<16xf32> to vector<1x16xf32>
        tpu.vector_store %arg12[%swap3A_3003, %swap3A_3004], %swap3A_3007 {strides = array<i32>} : memref<200x64xf32, #tpu.memory_space<vmem>>, vector<1x16xf32>,
        %add3A_3008 = arith.constant 48 : i32
        %add3A_3009 = arith.addi %squeeze3A_2965, %add3A_3008 : i32
        %get3A_3010 = arith.index_cast %add3A_2963 : i32 to index
        %get3A_3011 = arith.index_cast %add3A_3009 : i32 to index
        %get3A_3012 = tpu.vector_load %arg10[%get3A_3010, %get3A_3011] {strides = array<i32>} : memref<200x128xf32, #tpu.memory_space<vmem>>, vector<1x16xf32>,
        %get3A_3013 = vector.shape_cast %get3A_3012 : vector<1x16xf32> to vector<16xf32>
        %mul3A_3014 = arith.constant 8.000000e+00 : f32
        %mul3A_3015 = vector.broadcast %mul3A_3014 : f32 to vector<16xf32>
        %mul3A_3016 = arith.mulf %get3A_3013, %mul3A_3015 : vector<16xf32>
        %swap3A_3017 = arith.index_cast %add3A_2963 : i32 to index
        %swap3A_3018 = arith.constant 48 : index
        %swap3A_3019 = tpu.vector_load %arg12[%swap3A_3017, %swap3A_3018] {strides = array<i32>} : memref<200x64xf32, #tpu.memory_space<vmem>>, vector<1x16xf32>,
        %swap3A_3020 = vector.shape_cast %swap3A_3019 : vector<1x16xf32> to vector<16xf32>
        %swap3A_3021 = vector.shape_cast %mul3A_3016 : vector<16xf32> to vector<1x16xf32>
        tpu.vector_store %arg12[%swap3A_3017, %swap3A_3018], %swap3A_3021 {strides = array<i32>} : memref<200x64xf32, #tpu.memory_space<vmem>>, vector<1x16xf32>,
        %add3A_3022 = arith.constant 13 : i32
        %add3A_3023 = arith.addi %mul3A_2238, %add3A_3022 : i32
        %slice3A_3024 = vector.extract_strided_slice %get3A_2241 {offsets = [13], sizes = [1], strides = [1]} : vector<16xi32> to vector<1xi32>
        %squeeze3A_3025 = vector.extract %slice3A_3024[0] : i32 from vector<1xi32>
        %add3A_3026 = arith.constant 0 : i32
        %add3A_3027 = arith.addi %squeeze3A_3025, %add3A_3026 : i32
        %get3A_3028 = arith.index_cast %add3A_3023 : i32 to index
        %get3A_3029 = arith.index_cast %add3A_3027 : i32 to index
        %get3A_3030 = tpu.vector_load %arg10[%get3A_3028, %get3A_3029] {strides = array<i32>} : memref<200x128xf32, #tpu.memory_space<vmem>>, vector<1x16xf32>,
        %get3A_3031 = vector.shape_cast %get3A_3030 : vector<1x16xf32> to vector<16xf32>
        %mul3A_3032 = arith.constant 8.000000e+00 : f32
        %mul3A_3033 = vector.broadcast %mul3A_3032 : f32 to vector<16xf32>
        %mul3A_3034 = arith.mulf %get3A_3031, %mul3A_3033 : vector<16xf32>
        %swap3A_3035 = arith.index_cast %add3A_3023 : i32 to index
        %swap3A_3036 = arith.constant 0 : index
        %swap3A_3037 = tpu.vector_load %arg12[%swap3A_3035, %swap3A_3036] {strides = array<i32>} : memref<200x64xf32, #tpu.memory_space<vmem>>, vector<1x16xf32>,
        %swap3A_3038 = vector.shape_cast %swap3A_3037 : vector<1x16xf32> to vector<16xf32>
        %swap3A_3039 = vector.shape_cast %mul3A_3034 : vector<16xf32> to vector<1x16xf32>
        tpu.vector_store %arg12[%swap3A_3035, %swap3A_3036], %swap3A_3039 {strides = array<i32>} : memref<200x64xf32, #tpu.memory_space<vmem>>, vector<1x16xf32>,
        %add3A_3040 = arith.constant 16 : i32
        %add3A_3041 = arith.addi %squeeze3A_3025, %add3A_3040 : i32
        %get3A_3042 = arith.index_cast %add3A_3023 : i32 to index
        %get3A_3043 = arith.index_cast %add3A_3041 : i32 to index
        %get3A_3044 = tpu.vector_load %arg10[%get3A_3042, %get3A_3043] {strides = array<i32>} : memref<200x128xf32, #tpu.memory_space<vmem>>, vector<1x16xf32>,
        %get3A_3045 = vector.shape_cast %get3A_3044 : vector<1x16xf32> to vector<16xf32>
        %mul3A_3046 = arith.constant 8.000000e+00 : f32
        %mul3A_3047 = vector.broadcast %mul3A_3046 : f32 to vector<16xf32>
        %mul3A_3048 = arith.mulf %get3A_3045, %mul3A_3047 : vector<16xf32>
        %swap3A_3049 = arith.index_cast %add3A_3023 : i32 to index
        %swap3A_3050 = arith.constant 16 : index
        %swap3A_3051 = tpu.vector_load %arg12[%swap3A_3049, %swap3A_3050] {strides = array<i32>} : memref<200x64xf32, #tpu.memory_space<vmem>>, vector<1x16xf32>,
        %swap3A_3052 = vector.shape_cast %swap3A_3051 : vector<1x16xf32> to vector<16xf32>
        %swap3A_3053 = vector.shape_cast %mul3A_3048 : vector<16xf32> to vector<1x16xf32>
        tpu.vector_store %arg12[%swap3A_3049, %swap3A_3050], %swap3A_3053 {strides = array<i32>} : memref<200x64xf32, #tpu.memory_space<vmem>>, vector<1x16xf32>,
        %add3A_3054 = arith.constant 32 : i32
        %add3A_3055 = arith.addi %squeeze3A_3025, %add3A_3054 : i32
        %get3A_3056 = arith.index_cast %add3A_3023 : i32 to index
        %get3A_3057 = arith.index_cast %add3A_3055 : i32 to index
        %get3A_3058 = tpu.vector_load %arg10[%get3A_3056, %get3A_3057] {strides = array<i32>} : memref<200x128xf32, #tpu.memory_space<vmem>>, vector<1x16xf32>,
        %get3A_3059 = vector.shape_cast %get3A_3058 : vector<1x16xf32> to vector<16xf32>
        %mul3A_3060 = arith.constant 8.000000e+00 : f32
        %mul3A_3061 = vector.broadcast %mul3A_3060 : f32 to vector<16xf32>
        %mul3A_3062 = arith.mulf %get3A_3059, %mul3A_3061 : vector<16xf32>
        %swap3A_3063 = arith.index_cast %add3A_3023 : i32 to index
        %swap3A_3064 = arith.constant 32 : index
        %swap3A_3065 = tpu.vector_load %arg12[%swap3A_3063, %swap3A_3064] {strides = array<i32>} : memref<200x64xf32, #tpu.memory_space<vmem>>, vector<1x16xf32>,
        %swap3A_3066 = vector.shape_cast %swap3A_3065 : vector<1x16xf32> to vector<16xf32>
        %swap3A_3067 = vector.shape_cast %mul3A_3062 : vector<16xf32> to vector<1x16xf32>
        tpu.vector_store %arg12[%swap3A_3063, %swap3A_3064], %swap3A_3067 {strides = array<i32>} : memref<200x64xf32, #tpu.memory_space<vmem>>, vector<1x16xf32>,
        %add3A_3068 = arith.constant 48 : i32
        %add3A_3069 = arith.addi %squeeze3A_3025, %add3A_3068 : i32
        %get3A_3070 = arith.index_cast %add3A_3023 : i32 to index
        %get3A_3071 = arith.index_cast %add3A_3069 : i32 to index
        %get3A_3072 = tpu.vector_load %arg10[%get3A_3070, %get3A_3071] {strides = array<i32>} : memref<200x128xf32, #tpu.memory_space<vmem>>, vector<1x16xf32>,
        %get3A_3073 = vector.shape_cast %get3A_3072 : vector<1x16xf32> to vector<16xf32>
        %mul3A_3074 = arith.constant 8.000000e+00 : f32
        %mul3A_3075 = vector.broadcast %mul3A_3074 : f32 to vector<16xf32>
        %mul3A_3076 = arith.mulf %get3A_3073, %mul3A_3075 : vector<16xf32>
        %swap3A_3077 = arith.index_cast %add3A_3023 : i32 to index
        %swap3A_3078 = arith.constant 48 : index
        %swap3A_3079 = tpu.vector_load %arg12[%swap3A_3077, %swap3A_3078] {strides = array<i32>} : memref<200x64xf32, #tpu.memory_space<vmem>>, vector<1x16xf32>,
        %swap3A_3080 = vector.shape_cast %swap3A_3079 : vector<1x16xf32> to vector<16xf32>
        %swap3A_3081 = vector.shape_cast %mul3A_3076 : vector<16xf32> to vector<1x16xf32>
        tpu.vector_store %arg12[%swap3A_3077, %swap3A_3078], %swap3A_3081 {strides = array<i32>} : memref<200x64xf32, #tpu.memory_space<vmem>>, vector<1x16xf32>,
        %add3A_3082 = arith.constant 14 : i32
        %add3A_3083 = arith.addi %mul3A_2238, %add3A_3082 : i32
        %slice3A_3084 = vector.extract_strided_slice %get3A_2241 {offsets = [14], sizes = [1], strides = [1]} : vector<16xi32> to vector<1xi32>
        %squeeze3A_3085 = vector.extract %slice3A_3084[0] : i32 from vector<1xi32>
        %add3A_3086 = arith.constant 0 : i32
        %add3A_3087 = arith.addi %squeeze3A_3085, %add3A_3086 : i32
        %get3A_3088 = arith.index_cast %add3A_3083 : i32 to index
        %get3A_3089 = arith.index_cast %add3A_3087 : i32 to index
        %get3A_3090 = tpu.vector_load %arg10[%get3A_3088, %get3A_3089] {strides = array<i32>} : memref<200x128xf32, #tpu.memory_space<vmem>>, vector<1x16xf32>,
        %get3A_3091 = vector.shape_cast %get3A_3090 : vector<1x16xf32> to vector<16xf32>
        %mul3A_3092 = arith.constant 8.000000e+00 : f32
        %mul3A_3093 = vector.broadcast %mul3A_3092 : f32 to vector<16xf32>
        %mul3A_3094 = arith.mulf %get3A_3091, %mul3A_3093 : vector<16xf32>
        %swap3A_3095 = arith.index_cast %add3A_3083 : i32 to index
        %swap3A_3096 = arith.constant 0 : index
        %swap3A_3097 = tpu.vector_load %arg12[%swap3A_3095, %swap3A_3096] {strides = array<i32>} : memref<200x64xf32, #tpu.memory_space<vmem>>, vector<1x16xf32>,
        %swap3A_3098 = vector.shape_cast %swap3A_3097 : vector<1x16xf32> to vector<16xf32>
        %swap3A_3099 = vector.shape_cast %mul3A_3094 : vector<16xf32> to vector<1x16xf32>
        tpu.vector_store %arg12[%swap3A_3095, %swap3A_3096], %swap3A_3099 {strides = array<i32>} : memref<200x64xf32, #tpu.memory_space<vmem>>, vector<1x16xf32>,
        %add3A_3100 = arith.constant 16 : i32
        %add3A_3101 = arith.addi %squeeze3A_3085, %add3A_3100 : i32
        %get3A_3102 = arith.index_cast %add3A_3083 : i32 to index
        %get3A_3103 = arith.index_cast %add3A_3101 : i32 to index
        %get3A_3104 = tpu.vector_load %arg10[%get3A_3102, %get3A_3103] {strides = array<i32>} : memref<200x128xf32, #tpu.memory_space<vmem>>, vector<1x16xf32>,
        %get3A_3105 = vector.shape_cast %get3A_3104 : vector<1x16xf32> to vector<16xf32>
        %mul3A_3106 = arith.constant 8.000000e+00 : f32
        %mul3A_3107 = vector.broadcast %mul3A_3106 : f32 to vector<16xf32>
        %mul3A_3108 = arith.mulf %get3A_3105, %mul3A_3107 : vector<16xf32>
        %swap3A_3109 = arith.index_cast %add3A_3083 : i32 to index
        %swap3A_3110 = arith.constant 16 : index
        %swap3A_3111 = tpu.vector_load %arg12[%swap3A_3109, %swap3A_3110] {strides = array<i32>} : memref<200x64xf32, #tpu.memory_space<vmem>>, vector<1x16xf32>,
        %swap3A_3112 = vector.shape_cast %swap3A_3111 : vector<1x16xf32> to vector<16xf32>
        %swap3A_3113 = vector.shape_cast %mul3A_3108 : vector<16xf32> to vector<1x16xf32>
        tpu.vector_store %arg12[%swap3A_3109, %swap3A_3110], %swap3A_3113 {strides = array<i32>} : memref<200x64xf32, #tpu.memory_space<vmem>>, vector<1x16xf32>,
        %add3A_3114 = arith.constant 32 : i32
        %add3A_3115 = arith.addi %squeeze3A_3085, %add3A_3114 : i32
        %get3A_3116 = arith.index_cast %add3A_3083 : i32 to index
        %get3A_3117 = arith.index_cast %add3A_3115 : i32 to index
        %get3A_3118 = tpu.vector_load %arg10[%get3A_3116, %get3A_3117] {strides = array<i32>} : memref<200x128xf32, #tpu.memory_space<vmem>>, vector<1x16xf32>,
        %get3A_3119 = vector.shape_cast %get3A_3118 : vector<1x16xf32> to vector<16xf32>
        %mul3A_3120 = arith.constant 8.000000e+00 : f32
        %mul3A_3121 = vector.broadcast %mul3A_3120 : f32 to vector<16xf32>
        %mul3A_3122 = arith.mulf %get3A_3119, %mul3A_3121 : vector<16xf32>
        %swap3A_3123 = arith.index_cast %add3A_3083 : i32 to index
        %swap3A_3124 = arith.constant 32 : index
        %swap3A_3125 = tpu.vector_load %arg12[%swap3A_3123, %swap3A_3124] {strides = array<i32>} : memref<200x64xf32, #tpu.memory_space<vmem>>, vector<1x16xf32>,
        %swap3A_3126 = vector.shape_cast %swap3A_3125 : vector<1x16xf32> to vector<16xf32>
        %swap3A_3127 = vector.shape_cast %mul3A_3122 : vector<16xf32> to vector<1x16xf32>
        tpu.vector_store %arg12[%swap3A_3123, %swap3A_3124], %swap3A_3127 {strides = array<i32>} : memref<200x64xf32, #tpu.memory_space<vmem>>, vector<1x16xf32>,
        %add3A_3128 = arith.constant 48 : i32
        %add3A_3129 = arith.addi %squeeze3A_3085, %add3A_3128 : i32
        %get3A_3130 = arith.index_cast %add3A_3083 : i32 to index
        %get3A_3131 = arith.index_cast %add3A_3129 : i32 to index
        %get3A_3132 = tpu.vector_load %arg10[%get3A_3130, %get3A_3131] {strides = array<i32>} : memref<200x128xf32, #tpu.memory_space<vmem>>, vector<1x16xf32>,
        %get3A_3133 = vector.shape_cast %get3A_3132 : vector<1x16xf32> to vector<16xf32>
        %mul3A_3134 = arith.constant 8.000000e+00 : f32
        %mul3A_3135 = vector.broadcast %mul3A_3134 : f32 to vector<16xf32>
        %mul3A_3136 = arith.mulf %get3A_3133, %mul3A_3135 : vector<16xf32>
        %swap3A_3137 = arith.index_cast %add3A_3083 : i32 to index
        %swap3A_3138 = arith.constant 48 : index
        %swap3A_3139 = tpu.vector_load %arg12[%swap3A_3137, %swap3A_3138] {strides = array<i32>} : memref<200x64xf32, #tpu.memory_space<vmem>>, vector<1x16xf32>,
        %swap3A_3140 = vector.shape_cast %swap3A_3139 : vector<1x16xf32> to vector<16xf32>
        %swap3A_3141 = vector.shape_cast %mul3A_3136 : vector<16xf32> to vector<1x16xf32>
        tpu.vector_store %arg12[%swap3A_3137, %swap3A_3138], %swap3A_3141 {strides = array<i32>} : memref<200x64xf32, #tpu.memory_space<vmem>>, vector<1x16xf32>,
        %add3A_3142 = arith.constant 15 : i32
        %add3A_3143 = arith.addi %mul3A_2238, %add3A_3142 : i32
        %slice3A_3144 = vector.extract_strided_slice %get3A_2241 {offsets = [15], sizes = [1], strides = [1]} : vector<16xi32> to vector<1xi32>
        %squeeze3A_3145 = vector.extract %slice3A_3144[0] : i32 from vector<1xi32>
        %add3A_3146 = arith.constant 0 : i32
        %add3A_3147 = arith.addi %squeeze3A_3145, %add3A_3146 : i32
        %get3A_3148 = arith.index_cast %add3A_3143 : i32 to index
        %get3A_3149 = arith.index_cast %add3A_3147 : i32 to index
        %get3A_3150 = tpu.vector_load %arg10[%get3A_3148, %get3A_3149] {strides = array<i32>} : memref<200x128xf32, #tpu.memory_space<vmem>>, vector<1x16xf32>,
        %get3A_3151 = vector.shape_cast %get3A_3150 : vector<1x16xf32> to vector<16xf32>
        %mul3A_3152 = arith.constant 8.000000e+00 : f32
        %mul3A_3153 = vector.broadcast %mul3A_3152 : f32 to vector<16xf32>
        %mul3A_3154 = arith.mulf %get3A_3151, %mul3A_3153 : vector<16xf32>
        %swap3A_3155 = arith.index_cast %add3A_3143 : i32 to index
        %swap3A_3156 = arith.constant 0 : index
        %swap3A_3157 = tpu.vector_load %arg12[%swap3A_3155, %swap3A_3156] {strides = array<i32>} : memref<200x64xf32, #tpu.memory_space<vmem>>, vector<1x16xf32>,
        %swap3A_3158 = vector.shape_cast %swap3A_3157 : vector<1x16xf32> to vector<16xf32>
        %swap3A_3159 = vector.shape_cast %mul3A_3154 : vector<16xf32> to vector<1x16xf32>
        tpu.vector_store %arg12[%swap3A_3155, %swap3A_3156], %swap3A_3159 {strides = array<i32>} : memref<200x64xf32, #tpu.memory_space<vmem>>, vector<1x16xf32>,
        %add3A_3160 = arith.constant 16 : i32
        %add3A_3161 = arith.addi %squeeze3A_3145, %add3A_3160 : i32
        %get3A_3162 = arith.index_cast %add3A_3143 : i32 to index
        %get3A_3163 = arith.index_cast %add3A_3161 : i32 to index
        %get3A_3164 = tpu.vector_load %arg10[%get3A_3162, %get3A_3163] {strides = array<i32>} : memref<200x128xf32, #tpu.memory_space<vmem>>, vector<1x16xf32>,
        %get3A_3165 = vector.shape_cast %get3A_3164 : vector<1x16xf32> to vector<16xf32>
        %mul3A_3166 = arith.constant 8.000000e+00 : f32
        %mul3A_3167 = vector.broadcast %mul3A_3166 : f32 to vector<16xf32>
        %mul3A_3168 = arith.mulf %get3A_3165, %mul3A_3167 : vector<16xf32>
        %swap3A_3169 = arith.index_cast %add3A_3143 : i32 to index
        %swap3A_3170 = arith.constant 16 : index
        %swap3A_3171 = tpu.vector_load %arg12[%swap3A_3169, %swap3A_3170] {strides = array<i32>} : memref<200x64xf32, #tpu.memory_space<vmem>>, vector<1x16xf32>,
        %swap3A_3172 = vector.shape_cast %swap3A_3171 : vector<1x16xf32> to vector<16xf32>
        %swap3A_3173 = vector.shape_cast %mul3A_3168 : vector<16xf32> to vector<1x16xf32>
        tpu.vector_store %arg12[%swap3A_3169, %swap3A_3170], %swap3A_3173 {strides = array<i32>} : memref<200x64xf32, #tpu.memory_space<vmem>>, vector<1x16xf32>,
        %add3A_3174 = arith.constant 32 : i32
        %add3A_3175 = arith.addi %squeeze3A_3145, %add3A_3174 : i32
        %get3A_3176 = arith.index_cast %add3A_3143 : i32 to index
        %get3A_3177 = arith.index_cast %add3A_3175 : i32 to index
        %get3A_3178 = tpu.vector_load %arg10[%get3A_3176, %get3A_3177] {strides = array<i32>} : memref<200x128xf32, #tpu.memory_space<vmem>>, vector<1x16xf32>,
        %get3A_3179 = vector.shape_cast %get3A_3178 : vector<1x16xf32> to vector<16xf32>
        %mul3A_3180 = arith.constant 8.000000e+00 : f32
        %mul3A_3181 = vector.broadcast %mul3A_3180 : f32 to vector<16xf32>
        %mul3A_3182 = arith.mulf %get3A_3179, %mul3A_3181 : vector<16xf32>
        %swap3A_3183 = arith.index_cast %add3A_3143 : i32 to index
        %swap3A_3184 = arith.constant 32 : index
        %swap3A_3185 = tpu.vector_load %arg12[%swap3A_3183, %swap3A_3184] {strides = array<i32>} : memref<200x64xf32, #tpu.memory_space<vmem>>, vector<1x16xf32>,
        %swap3A_3186 = vector.shape_cast %swap3A_3185 : vector<1x16xf32> to vector<16xf32>
        %swap3A_3187 = vector.shape_cast %mul3A_3182 : vector<16xf32> to vector<1x16xf32>
        tpu.vector_store %arg12[%swap3A_3183, %swap3A_3184], %swap3A_3187 {strides = array<i32>} : memref<200x64xf32, #tpu.memory_space<vmem>>, vector<1x16xf32>,
        %add3A_3188 = arith.constant 48 : i32
        %add3A_3189 = arith.addi %squeeze3A_3145, %add3A_3188 : i32
        %get3A_3190 = arith.index_cast %add3A_3143 : i32 to index
        %get3A_3191 = arith.index_cast %add3A_3189 : i32 to index
        %get3A_3192 = tpu.vector_load %arg10[%get3A_3190, %get3A_3191] {strides = array<i32>} : memref<200x128xf32, #tpu.memory_space<vmem>>, vector<1x16xf32>,
        %get3A_3193 = vector.shape_cast %get3A_3192 : vector<1x16xf32> to vector<16xf32>
        %mul3A_3194 = arith.constant 8.000000e+00 : f32
        %mul3A_3195 = vector.broadcast %mul3A_3194 : f32 to vector<16xf32>
        %mul3A_3196 = arith.mulf %get3A_3193, %mul3A_3195 : vector<16xf32>
        %swap3A_3197 = arith.index_cast %add3A_3143 : i32 to index
        %swap3A_3198 = arith.constant 48 : index
        %swap3A_3199 = tpu.vector_load %arg12[%swap3A_3197, %swap3A_3198] {strides = array<i32>} : memref<200x64xf32, #tpu.memory_space<vmem>>, vector<1x16xf32>,
        %swap3A_3200 = vector.shape_cast %swap3A_3199 : vector<1x16xf32> to vector<16xf32>
        %swap3A_3201 = vector.shape_cast %mul3A_3196 : vector<16xf32> to vector<1x16xf32>
        tpu.vector_store %arg12[%swap3A_3197, %swap3A_3198], %swap3A_3201 {strides = array<i32>} : memref<200x64xf32, #tpu.memory_space<vmem>>, vector<1x16xf32>,
      }
      %scan3A_1168 = arith.constant 12 : i32
      %get3A_1169 = arith.constant 184 : index
      %get3A_1170 = tpu.vector_load %arg8[%get3A_1169] {strides = array<i32>} : memref<200xi32, #tpu.memory_space<vmem>>, vector<16xi32>,
      %get3A_1171 = vector.shape_cast %get3A_1170 : vector<16xi32> to vector<16xi32>
      %slice3A_1172 = vector.extract_strided_slice %get3A_1171 {offsets = [0], sizes = [1], strides = [1]} : vector<16xi32> to vector<1xi32>
      %squeeze3A_1173 = vector.extract %slice3A_1172[0] : i32 from vector<1xi32>
      %add3A_1174 = arith.constant 0 : i32
      %add3A_1175 = arith.addi %squeeze3A_1173, %add3A_1174 : i32
      %get3A_1176 = arith.constant 184 : i32
      %get3A_1177 = arith.index_cast %get3A_1176 : i32 to index
      %get3A_1178 = arith.index_cast %add3A_1175 : i32 to index
      %get3A_1179 = tpu.vector_load %arg10[%get3A_1177, %get3A_1178] {strides = array<i32>} : memref<200x128xf32, #tpu.memory_space<vmem>>, vector<1x16xf32>,
      %get3A_1180 = vector.shape_cast %get3A_1179 : vector<1x16xf32> to vector<16xf32>
      %mul3A_1181 = arith.constant 8.000000e+00 : f32
      %mul3A_1182 = vector.broadcast %mul3A_1181 : f32 to vector<16xf32>
      %mul3A_1183 = arith.mulf %get3A_1180, %mul3A_1182 : vector<16xf32>
      %swap3A_1184 = arith.constant 184 : i32
      %swap3A_1185 = arith.index_cast %swap3A_1184 : i32 to index
      %swap3A_1186 = arith.constant 0 : index
      %swap3A_1187 = tpu.vector_load %arg12[%swap3A_1185, %swap3A_1186] {strides = array<i32>} : memref<200x64xf32, #tpu.memory_space<vmem>>, vector<1x16xf32>,
      %swap3A_1188 = vector.shape_cast %swap3A_1187 : vector<1x16xf32> to vector<16xf32>
      %swap3A_1189 = vector.shape_cast %mul3A_1183 : vector<16xf32> to vector<1x16xf32>
      tpu.vector_store %arg12[%swap3A_1185, %swap3A_1186], %swap3A_1189 {strides = array<i32>} : memref<200x64xf32, #tpu.memory_space<vmem>>, vector<1x16xf32>,
      %add3A_1190 = arith.constant 16 : i32
      %add3A_1191 = arith.addi %squeeze3A_1173, %add3A_1190 : i32
      %get3A_1192 = arith.constant 184 : i32
      %get3A_1193 = arith.index_cast %get3A_1192 : i32 to index
      %get3A_1194 = arith.index_cast %add3A_1191 : i32 to index
      %get3A_1195 = tpu.vector_load %arg10[%get3A_1193, %get3A_1194] {strides = array<i32>} : memref<200x128xf32, #tpu.memory_space<vmem>>, vector<1x16xf32>,
      %get3A_1196 = vector.shape_cast %get3A_1195 : vector<1x16xf32> to vector<16xf32>
      %mul3A_1197 = arith.constant 8.000000e+00 : f32
      %mul3A_1198 = vector.broadcast %mul3A_1197 : f32 to vector<16xf32>
      %mul3A_1199 = arith.mulf %get3A_1196, %mul3A_1198 : vector<16xf32>
      %swap3A_1200 = arith.constant 184 : i32
      %swap3A_1201 = arith.index_cast %swap3A_1200 : i32 to index
      %swap3A_1202 = arith.constant 16 : index
      %swap3A_1203 = tpu.vector_load %arg12[%swap3A_1201, %swap3A_1202] {strides = array<i32>} : memref<200x64xf32, #tpu.memory_space<vmem>>, vector<1x16xf32>,
      %swap3A_1204 = vector.shape_cast %swap3A_1203 : vector<1x16xf32> to vector<16xf32>
      %swap3A_1205 = vector.shape_cast %mul3A_1199 : vector<16xf32> to vector<1x16xf32>
      tpu.vector_store %arg12[%swap3A_1201, %swap3A_1202], %swap3A_1205 {strides = array<i32>} : memref<200x64xf32, #tpu.memory_space<vmem>>, vector<1x16xf32>,
      %add3A_1206 = arith.constant 32 : i32
      %add3A_1207 = arith.addi %squeeze3A_1173, %add3A_1206 : i32
      %get3A_1208 = arith.constant 184 : i32
      %get3A_1209 = arith.index_cast %get3A_1208 : i32 to index
      %get3A_1210 = arith.index_cast %add3A_1207 : i32 to index
      %get3A_1211 = tpu.vector_load %arg10[%get3A_1209, %get3A_1210] {strides = array<i32>} : memref<200x128xf32, #tpu.memory_space<vmem>>, vector<1x16xf32>,
      %get3A_1212 = vector.shape_cast %get3A_1211 : vector<1x16xf32> to vector<16xf32>
      %mul3A_1213 = arith.constant 8.000000e+00 : f32
      %mul3A_1214 = vector.broadcast %mul3A_1213 : f32 to vector<16xf32>
      %mul3A_1215 = arith.mulf %get3A_1212, %mul3A_1214 : vector<16xf32>
      %swap3A_1216 = arith.constant 184 : i32
      %swap3A_1217 = arith.index_cast %swap3A_1216 : i32 to index
      %swap3A_1218 = arith.constant 32 : index
      %swap3A_1219 = tpu.vector_load %arg12[%swap3A_1217, %swap3A_1218] {strides = array<i32>} : memref<200x64xf32, #tpu.memory_space<vmem>>, vector<1x16xf32>,
      %swap3A_1220 = vector.shape_cast %swap3A_1219 : vector<1x16xf32> to vector<16xf32>
      %swap3A_1221 = vector.shape_cast %mul3A_1215 : vector<16xf32> to vector<1x16xf32>
      tpu.vector_store %arg12[%swap3A_1217, %swap3A_1218], %swap3A_1221 {strides = array<i32>} : memref<200x64xf32, #tpu.memory_space<vmem>>, vector<1x16xf32>,
      %add3A_1222 = arith.constant 48 : i32
      %add3A_1223 = arith.addi %squeeze3A_1173, %add3A_1222 : i32
      %get3A_1224 = arith.constant 184 : i32
      %get3A_1225 = arith.index_cast %get3A_1224 : i32 to index
      %get3A_1226 = arith.index_cast %add3A_1223 : i32 to index
      %get3A_1227 = tpu.vector_load %arg10[%get3A_1225, %get3A_1226] {strides = array<i32>} : memref<200x128xf32, #tpu.memory_space<vmem>>, vector<1x16xf32>,
      %get3A_1228 = vector.shape_cast %get3A_1227 : vector<1x16xf32> to vector<16xf32>
      %mul3A_1229 = arith.constant 8.000000e+00 : f32
      %mul3A_1230 = vector.broadcast %mul3A_1229 : f32 to vector<16xf32>
      %mul3A_1231 = arith.mulf %get3A_1228, %mul3A_1230 : vector<16xf32>
      %swap3A_1232 = arith.constant 184 : i32
      %swap3A_1233 = arith.index_cast %swap3A_1232 : i32 to index
      %swap3A_1234 = arith.constant 48 : index
      %swap3A_1235 = tpu.vector_load %arg12[%swap3A_1233, %swap3A_1234] {strides = array<i32>} : memref<200x64xf32, #tpu.memory_space<vmem>>, vector<1x16xf32>,
      %swap3A_1236 = vector.shape_cast %swap3A_1235 : vector<1x16xf32> to vector<16xf32>
      %swap3A_1237 = vector.shape_cast %mul3A_1231 : vector<16xf32> to vector<1x16xf32>
      tpu.vector_store %arg12[%swap3A_1233, %swap3A_1234], %swap3A_1237 {strides = array<i32>} : memref<200x64xf32, #tpu.memory_space<vmem>>, vector<1x16xf32>,
      %slice3A_1238 = vector.extract_strided_slice %get3A_1171 {offsets = [1], sizes = [1], strides = [1]} : vector<16xi32> to vector<1xi32>
      %squeeze3A_1239 = vector.extract %slice3A_1238[0] : i32 from vector<1xi32>
      %add3A_1240 = arith.constant 0 : i32
      %add3A_1241 = arith.addi %squeeze3A_1239, %add3A_1240 : i32
      %get3A_1242 = arith.constant 185 : i32
      %get3A_1243 = arith.index_cast %get3A_1242 : i32 to index
      %get3A_1244 = arith.index_cast %add3A_1241 : i32 to index
      %get3A_1245 = tpu.vector_load %arg10[%get3A_1243, %get3A_1244] {strides = array<i32>} : memref<200x128xf32, #tpu.memory_space<vmem>>, vector<1x16xf32>,
      %get3A_1246 = vector.shape_cast %get3A_1245 : vector<1x16xf32> to vector<16xf32>
      %mul3A_1247 = arith.constant 8.000000e+00 : f32
      %mul3A_1248 = vector.broadcast %mul3A_1247 : f32 to vector<16xf32>
      %mul3A_1249 = arith.mulf %get3A_1246, %mul3A_1248 : vector<16xf32>
      %swap3A_1250 = arith.constant 185 : i32
      %swap3A_1251 = arith.index_cast %swap3A_1250 : i32 to index
      %swap3A_1252 = arith.constant 0 : index
      %swap3A_1253 = tpu.vector_load %arg12[%swap3A_1251, %swap3A_1252] {strides = array<i32>} : memref<200x64xf32, #tpu.memory_space<vmem>>, vector<1x16xf32>,
      %swap3A_1254 = vector.shape_cast %swap3A_1253 : vector<1x16xf32> to vector<16xf32>
      %swap3A_1255 = vector.shape_cast %mul3A_1249 : vector<16xf32> to vector<1x16xf32>
      tpu.vector_store %arg12[%swap3A_1251, %swap3A_1252], %swap3A_1255 {strides = array<i32>} : memref<200x64xf32, #tpu.memory_space<vmem>>, vector<1x16xf32>,
      %add3A_1256 = arith.constant 16 : i32
      %add3A_1257 = arith.addi %squeeze3A_1239, %add3A_1256 : i32
      %get3A_1258 = arith.constant 185 : i32
      %get3A_1259 = arith.index_cast %get3A_1258 : i32 to index
      %get3A_1260 = arith.index_cast %add3A_1257 : i32 to index
      %get3A_1261 = tpu.vector_load %arg10[%get3A_1259, %get3A_1260] {strides = array<i32>} : memref<200x128xf32, #tpu.memory_space<vmem>>, vector<1x16xf32>,
      %get3A_1262 = vector.shape_cast %get3A_1261 : vector<1x16xf32> to vector<16xf32>
      %mul3A_1263 = arith.constant 8.000000e+00 : f32
      %mul3A_1264 = vector.broadcast %mul3A_1263 : f32 to vector<16xf32>
      %mul3A_1265 = arith.mulf %get3A_1262, %mul3A_1264 : vector<16xf32>
      %swap3A_1266 = arith.constant 185 : i32
      %swap3A_1267 = arith.index_cast %swap3A_1266 : i32 to index
      %swap3A_1268 = arith.constant 16 : index
      %swap3A_1269 = tpu.vector_load %arg12[%swap3A_1267, %swap3A_1268] {strides = array<i32>} : memref<200x64xf32, #tpu.memory_space<vmem>>, vector<1x16xf32>,
      %swap3A_1270 = vector.shape_cast %swap3A_1269 : vector<1x16xf32> to vector<16xf32>
      %swap3A_1271 = vector.shape_cast %mul3A_1265 : vector<16xf32> to vector<1x16xf32>
      tpu.vector_store %arg12[%swap3A_1267, %swap3A_1268], %swap3A_1271 {strides = array<i32>} : memref<200x64xf32, #tpu.memory_space<vmem>>, vector<1x16xf32>,
      %add3A_1272 = arith.constant 32 : i32
      %add3A_1273 = arith.addi %squeeze3A_1239, %add3A_1272 : i32
      %get3A_1274 = arith.constant 185 : i32
      %get3A_1275 = arith.index_cast %get3A_1274 : i32 to index
      %get3A_1276 = arith.index_cast %add3A_1273 : i32 to index
      %get3A_1277 = tpu.vector_load %arg10[%get3A_1275, %get3A_1276] {strides = array<i32>} : memref<200x128xf32, #tpu.memory_space<vmem>>, vector<1x16xf32>,
      %get3A_1278 = vector.shape_cast %get3A_1277 : vector<1x16xf32> to vector<16xf32>
      %mul3A_1279 = arith.constant 8.000000e+00 : f32
      %mul3A_1280 = vector.broadcast %mul3A_1279 : f32 to vector<16xf32>
      %mul3A_1281 = arith.mulf %get3A_1278, %mul3A_1280 : vector<16xf32>
      %swap3A_1282 = arith.constant 185 : i32
      %swap3A_1283 = arith.index_cast %swap3A_1282 : i32 to index
      %swap3A_1284 = arith.constant 32 : index
      %swap3A_1285 = tpu.vector_load %arg12[%swap3A_1283, %swap3A_1284] {strides = array<i32>} : memref<200x64xf32, #tpu.memory_space<vmem>>, vector<1x16xf32>,
      %swap3A_1286 = vector.shape_cast %swap3A_1285 : vector<1x16xf32> to vector<16xf32>
      %swap3A_1287 = vector.shape_cast %mul3A_1281 : vector<16xf32> to vector<1x16xf32>
      tpu.vector_store %arg12[%swap3A_1283, %swap3A_1284], %swap3A_1287 {strides = array<i32>} : memref<200x64xf32, #tpu.memory_space<vmem>>, vector<1x16xf32>,
      %add3A_1288 = arith.constant 48 : i32
      %add3A_1289 = arith.addi %squeeze3A_1239, %add3A_1288 : i32
      %get3A_1290 = arith.constant 185 : i32
      %get3A_1291 = arith.index_cast %get3A_1290 : i32 to index
      %get3A_1292 = arith.index_cast %add3A_1289 : i32 to index
      %get3A_1293 = tpu.vector_load %arg10[%get3A_1291, %get3A_1292] {strides = array<i32>} : memref<200x128xf32, #tpu.memory_space<vmem>>, vector<1x16xf32>,
      %get3A_1294 = vector.shape_cast %get3A_1293 : vector<1x16xf32> to vector<16xf32>
      %mul3A_1295 = arith.constant 8.000000e+00 : f32
      %mul3A_1296 = vector.broadcast %mul3A_1295 : f32 to vector<16xf32>
      %mul3A_1297 = arith.mulf %get3A_1294, %mul3A_1296 : vector<16xf32>
      %swap3A_1298 = arith.constant 185 : i32
      %swap3A_1299 = arith.index_cast %swap3A_1298 : i32 to index
      %swap3A_1300 = arith.constant 48 : index
      %swap3A_1301 = tpu.vector_load %arg12[%swap3A_1299, %swap3A_1300] {strides = array<i32>} : memref<200x64xf32, #tpu.memory_space<vmem>>, vector<1x16xf32>,
      %swap3A_1302 = vector.shape_cast %swap3A_1301 : vector<1x16xf32> to vector<16xf32>
      %swap3A_1303 = vector.shape_cast %mul3A_1297 : vector<16xf32> to vector<1x16xf32>
      tpu.vector_store %arg12[%swap3A_1299, %swap3A_1300], %swap3A_1303 {strides = array<i32>} : memref<200x64xf32, #tpu.memory_space<vmem>>, vector<1x16xf32>,
      %slice3A_1304 = vector.extract_strided_slice %get3A_1171 {offsets = [2], sizes = [1], strides = [1]} : vector<16xi32> to vector<1xi32>
      %squeeze3A_1305 = vector.extract %slice3A_1304[0] : i32 from vector<1xi32>
      %add3A_1306 = arith.constant 0 : i32
      %add3A_1307 = arith.addi %squeeze3A_1305, %add3A_1306 : i32
      %get3A_1308 = arith.constant 186 : i32
      %get3A_1309 = arith.index_cast %get3A_1308 : i32 to index
      %get3A_1310 = arith.index_cast %add3A_1307 : i32 to index
      %get3A_1311 = tpu.vector_load %arg10[%get3A_1309, %get3A_1310] {strides = array<i32>} : memref<200x128xf32, #tpu.memory_space<vmem>>, vector<1x16xf32>,
      %get3A_1312 = vector.shape_cast %get3A_1311 : vector<1x16xf32> to vector<16xf32>
      %mul3A_1313 = arith.constant 8.000000e+00 : f32
      %mul3A_1314 = vector.broadcast %mul3A_1313 : f32 to vector<16xf32>
      %mul3A_1315 = arith.mulf %get3A_1312, %mul3A_1314 : vector<16xf32>
      %swap3A_1316 = arith.constant 186 : i32
      %swap3A_1317 = arith.index_cast %swap3A_1316 : i32 to index
      %swap3A_1318 = arith.constant 0 : index
      %swap3A_1319 = tpu.vector_load %arg12[%swap3A_1317, %swap3A_1318] {strides = array<i32>} : memref<200x64xf32, #tpu.memory_space<vmem>>, vector<1x16xf32>,
      %swap3A_1320 = vector.shape_cast %swap3A_1319 : vector<1x16xf32> to vector<16xf32>
      %swap3A_1321 = vector.shape_cast %mul3A_1315 : vector<16xf32> to vector<1x16xf32>
      tpu.vector_store %arg12[%swap3A_1317, %swap3A_1318], %swap3A_1321 {strides = array<i32>} : memref<200x64xf32, #tpu.memory_space<vmem>>, vector<1x16xf32>,
      %add3A_1322 = arith.constant 16 : i32
      %add3A_1323 = arith.addi %squeeze3A_1305, %add3A_1322 : i32
      %get3A_1324 = arith.constant 186 : i32
      %get3A_1325 = arith.index_cast %get3A_1324 : i32 to index
      %get3A_1326 = arith.index_cast %add3A_1323 : i32 to index
      %get3A_1327 = tpu.vector_load %arg10[%get3A_1325, %get3A_1326] {strides = array<i32>} : memref<200x128xf32, #tpu.memory_space<vmem>>, vector<1x16xf32>,
      %get3A_1328 = vector.shape_cast %get3A_1327 : vector<1x16xf32> to vector<16xf32>
      %mul3A_1329 = arith.constant 8.000000e+00 : f32
      %mul3A_1330 = vector.broadcast %mul3A_1329 : f32 to vector<16xf32>
      %mul3A_1331 = arith.mulf %get3A_1328, %mul3A_1330 : vector<16xf32>
      %swap3A_1332 = arith.constant 186 : i32
      %swap3A_1333 = arith.index_cast %swap3A_1332 : i32 to index
      %swap3A_1334 = arith.constant 16 : index
      %swap3A_1335 = tpu.vector_load %arg12[%swap3A_1333, %swap3A_1334] {strides = array<i32>} : memref<200x64xf32, #tpu.memory_space<vmem>>, vector<1x16xf32>,
      %swap3A_1336 = vector.shape_cast %swap3A_1335 : vector<1x16xf32> to vector<16xf32>
      %swap3A_1337 = vector.shape_cast %mul3A_1331 : vector<16xf32> to vector<1x16xf32>
      tpu.vector_store %arg12[%swap3A_1333, %swap3A_1334], %swap3A_1337 {strides = array<i32>} : memref<200x64xf32, #tpu.memory_space<vmem>>, vector<1x16xf32>,
      %add3A_1338 = arith.constant 32 : i32
      %add3A_1339 = arith.addi %squeeze3A_1305, %add3A_1338 : i32
      %get3A_1340 = arith.constant 186 : i32
      %get3A_1341 = arith.index_cast %get3A_1340 : i32 to index
      %get3A_1342 = arith.index_cast %add3A_1339 : i32 to index
      %get3A_1343 = tpu.vector_load %arg10[%get3A_1341, %get3A_1342] {strides = array<i32>} : memref<200x128xf32, #tpu.memory_space<vmem>>, vector<1x16xf32>,
      %get3A_1344 = vector.shape_cast %get3A_1343 : vector<1x16xf32> to vector<16xf32>
      %mul3A_1345 = arith.constant 8.000000e+00 : f32
      %mul3A_1346 = vector.broadcast %mul3A_1345 : f32 to vector<16xf32>
      %mul3A_1347 = arith.mulf %get3A_1344, %mul3A_1346 : vector<16xf32>
      %swap3A_1348 = arith.constant 186 : i32
      %swap3A_1349 = arith.index_cast %swap3A_1348 : i32 to index
      %swap3A_1350 = arith.constant 32 : index
      %swap3A_1351 = tpu.vector_load %arg12[%swap3A_1349, %swap3A_1350] {strides = array<i32>} : memref<200x64xf32, #tpu.memory_space<vmem>>, vector<1x16xf32>,
      %swap3A_1352 = vector.shape_cast %swap3A_1351 : vector<1x16xf32> to vector<16xf32>
      %swap3A_1353 = vector.shape_cast %mul3A_1347 : vector<16xf32> to vector<1x16xf32>
      tpu.vector_store %arg12[%swap3A_1349, %swap3A_1350], %swap3A_1353 {strides = array<i32>} : memref<200x64xf32, #tpu.memory_space<vmem>>, vector<1x16xf32>,
      %add3A_1354 = arith.constant 48 : i32
      %add3A_1355 = arith.addi %squeeze3A_1305, %add3A_1354 : i32
      %get3A_1356 = arith.constant 186 : i32
      %get3A_1357 = arith.index_cast %get3A_1356 : i32 to index
      %get3A_1358 = arith.index_cast %add3A_1355 : i32 to index
      %get3A_1359 = tpu.vector_load %arg10[%get3A_1357, %get3A_1358] {strides = array<i32>} : memref<200x128xf32, #tpu.memory_space<vmem>>, vector<1x16xf32>,
      %get3A_1360 = vector.shape_cast %get3A_1359 : vector<1x16xf32> to vector<16xf32>
      %mul3A_1361 = arith.constant 8.000000e+00 : f32
      %mul3A_1362 = vector.broadcast %mul3A_1361 : f32 to vector<16xf32>
      %mul3A_1363 = arith.mulf %get3A_1360, %mul3A_1362 : vector<16xf32>
      %swap3A_1364 = arith.constant 186 : i32
      %swap3A_1365 = arith.index_cast %swap3A_1364 : i32 to index
      %swap3A_1366 = arith.constant 48 : index
      %swap3A_1367 = tpu.vector_load %arg12[%swap3A_1365, %swap3A_1366] {strides = array<i32>} : memref<200x64xf32, #tpu.memory_space<vmem>>, vector<1x16xf32>,
      %swap3A_1368 = vector.shape_cast %swap3A_1367 : vector<1x16xf32> to vector<16xf32>
      %swap3A_1369 = vector.shape_cast %mul3A_1363 : vector<16xf32> to vector<1x16xf32>
      tpu.vector_store %arg12[%swap3A_1365, %swap3A_1366], %swap3A_1369 {strides = array<i32>} : memref<200x64xf32, #tpu.memory_space<vmem>>, vector<1x16xf32>,
      %slice3A_1370 = vector.extract_strided_slice %get3A_1171 {offsets = [3], sizes = [1], strides = [1]} : vector<16xi32> to vector<1xi32>
      %squeeze3A_1371 = vector.extract %slice3A_1370[0] : i32 from vector<1xi32>
      %add3A_1372 = arith.constant 0 : i32
      %add3A_1373 = arith.addi %squeeze3A_1371, %add3A_1372 : i32
      %get3A_1374 = arith.constant 187 : i32
      %get3A_1375 = arith.index_cast %get3A_1374 : i32 to index
      %get3A_1376 = arith.index_cast %add3A_1373 : i32 to index
      %get3A_1377 = tpu.vector_load %arg10[%get3A_1375, %get3A_1376] {strides = array<i32>} : memref<200x128xf32, #tpu.memory_space<vmem>>, vector<1x16xf32>,
      %get3A_1378 = vector.shape_cast %get3A_1377 : vector<1x16xf32> to vector<16xf32>
      %mul3A_1379 = arith.constant 8.000000e+00 : f32
      %mul3A_1380 = vector.broadcast %mul3A_1379 : f32 to vector<16xf32>
      %mul3A_1381 = arith.mulf %get3A_1378, %mul3A_1380 : vector<16xf32>
      %swap3A_1382 = arith.constant 187 : i32
      %swap3A_1383 = arith.index_cast %swap3A_1382 : i32 to index
      %swap3A_1384 = arith.constant 0 : index
      %swap3A_1385 = tpu.vector_load %arg12[%swap3A_1383, %swap3A_1384] {strides = array<i32>} : memref<200x64xf32, #tpu.memory_space<vmem>>, vector<1x16xf32>,
      %swap3A_1386 = vector.shape_cast %swap3A_1385 : vector<1x16xf32> to vector<16xf32>
      %swap3A_1387 = vector.shape_cast %mul3A_1381 : vector<16xf32> to vector<1x16xf32>
      tpu.vector_store %arg12[%swap3A_1383, %swap3A_1384], %swap3A_1387 {strides = array<i32>} : memref<200x64xf32, #tpu.memory_space<vmem>>, vector<1x16xf32>,
      %add3A_1388 = arith.constant 16 : i32
      %add3A_1389 = arith.addi %squeeze3A_1371, %add3A_1388 : i32
      %get3A_1390 = arith.constant 187 : i32
      %get3A_1391 = arith.index_cast %get3A_1390 : i32 to index
      %get3A_1392 = arith.index_cast %add3A_1389 : i32 to index
      %get3A_1393 = tpu.vector_load %arg10[%get3A_1391, %get3A_1392] {strides = array<i32>} : memref<200x128xf32, #tpu.memory_space<vmem>>, vector<1x16xf32>,
      %get3A_1394 = vector.shape_cast %get3A_1393 : vector<1x16xf32> to vector<16xf32>
      %mul3A_1395 = arith.constant 8.000000e+00 : f32
      %mul3A_1396 = vector.broadcast %mul3A_1395 : f32 to vector<16xf32>
      %mul3A_1397 = arith.mulf %get3A_1394, %mul3A_1396 : vector<16xf32>
      %swap3A_1398 = arith.constant 187 : i32
      %swap3A_1399 = arith.index_cast %swap3A_1398 : i32 to index
      %swap3A_1400 = arith.constant 16 : index
      %swap3A_1401 = tpu.vector_load %arg12[%swap3A_1399, %swap3A_1400] {strides = array<i32>} : memref<200x64xf32, #tpu.memory_space<vmem>>, vector<1x16xf32>,
      %swap3A_1402 = vector.shape_cast %swap3A_1401 : vector<1x16xf32> to vector<16xf32>
      %swap3A_1403 = vector.shape_cast %mul3A_1397 : vector<16xf32> to vector<1x16xf32>
      tpu.vector_store %arg12[%swap3A_1399, %swap3A_1400], %swap3A_1403 {strides = array<i32>} : memref<200x64xf32, #tpu.memory_space<vmem>>, vector<1x16xf32>,
      %add3A_1404 = arith.constant 32 : i32
      %add3A_1405 = arith.addi %squeeze3A_1371, %add3A_1404 : i32
      %get3A_1406 = arith.constant 187 : i32
      %get3A_1407 = arith.index_cast %get3A_1406 : i32 to index
      %get3A_1408 = arith.index_cast %add3A_1405 : i32 to index
      %get3A_1409 = tpu.vector_load %arg10[%get3A_1407, %get3A_1408] {strides = array<i32>} : memref<200x128xf32, #tpu.memory_space<vmem>>, vector<1x16xf32>,
      %get3A_1410 = vector.shape_cast %get3A_1409 : vector<1x16xf32> to vector<16xf32>
      %mul3A_1411 = arith.constant 8.000000e+00 : f32
      %mul3A_1412 = vector.broadcast %mul3A_1411 : f32 to vector<16xf32>
      %mul3A_1413 = arith.mulf %get3A_1410, %mul3A_1412 : vector<16xf32>
      %swap3A_1414 = arith.constant 187 : i32
      %swap3A_1415 = arith.index_cast %swap3A_1414 : i32 to index
      %swap3A_1416 = arith.constant 32 : index
      %swap3A_1417 = tpu.vector_load %arg12[%swap3A_1415, %swap3A_1416] {strides = array<i32>} : memref<200x64xf32, #tpu.memory_space<vmem>>, vector<1x16xf32>,
      %swap3A_1418 = vector.shape_cast %swap3A_1417 : vector<1x16xf32> to vector<16xf32>
      %swap3A_1419 = vector.shape_cast %mul3A_1413 : vector<16xf32> to vector<1x16xf32>
      tpu.vector_store %arg12[%swap3A_1415, %swap3A_1416], %swap3A_1419 {strides = array<i32>} : memref<200x64xf32, #tpu.memory_space<vmem>>, vector<1x16xf32>,
      %add3A_1420 = arith.constant 48 : i32
      %add3A_1421 = arith.addi %squeeze3A_1371, %add3A_1420 : i32
      %get3A_1422 = arith.constant 187 : i32
      %get3A_1423 = arith.index_cast %get3A_1422 : i32 to index
      %get3A_1424 = arith.index_cast %add3A_1421 : i32 to index
      %get3A_1425 = tpu.vector_load %arg10[%get3A_1423, %get3A_1424] {strides = array<i32>} : memref<200x128xf32, #tpu.memory_space<vmem>>, vector<1x16xf32>,
      %get3A_1426 = vector.shape_cast %get3A_1425 : vector<1x16xf32> to vector<16xf32>
      %mul3A_1427 = arith.constant 8.000000e+00 : f32
      %mul3A_1428 = vector.broadcast %mul3A_1427 : f32 to vector<16xf32>
      %mul3A_1429 = arith.mulf %get3A_1426, %mul3A_1428 : vector<16xf32>
      %swap3A_1430 = arith.constant 187 : i32
      %swap3A_1431 = arith.index_cast %swap3A_1430 : i32 to index
      %swap3A_1432 = arith.constant 48 : index
      %swap3A_1433 = tpu.vector_load %arg12[%swap3A_1431, %swap3A_1432] {strides = array<i32>} : memref<200x64xf32, #tpu.memory_space<vmem>>, vector<1x16xf32>,
      %swap3A_1434 = vector.shape_cast %swap3A_1433 : vector<1x16xf32> to vector<16xf32>
      %swap3A_1435 = vector.shape_cast %mul3A_1429 : vector<16xf32> to vector<1x16xf32>
      tpu.vector_store %arg12[%swap3A_1431, %swap3A_1432], %swap3A_1435 {strides = array<i32>} : memref<200x64xf32, #tpu.memory_space<vmem>>, vector<1x16xf32>,
      %slice3A_1436 = vector.extract_strided_slice %get3A_1171 {offsets = [4], sizes = [1], strides = [1]} : vector<16xi32> to vector<1xi32>
      %squeeze3A_1437 = vector.extract %slice3A_1436[0] : i32 from vector<1xi32>
      %add3A_1438 = arith.constant 0 : i32
      %add3A_1439 = arith.addi %squeeze3A_1437, %add3A_1438 : i32
      %get3A_1440 = arith.constant 188 : i32
      %get3A_1441 = arith.index_cast %get3A_1440 : i32 to index
      %get3A_1442 = arith.index_cast %add3A_1439 : i32 to index
      %get3A_1443 = tpu.vector_load %arg10[%get3A_1441, %get3A_1442] {strides = array<i32>} : memref<200x128xf32, #tpu.memory_space<vmem>>, vector<1x16xf32>,
      %get3A_1444 = vector.shape_cast %get3A_1443 : vector<1x16xf32> to vector<16xf32>
      %mul3A_1445 = arith.constant 8.000000e+00 : f32
      %mul3A_1446 = vector.broadcast %mul3A_1445 : f32 to vector<16xf32>
      %mul3A_1447 = arith.mulf %get3A_1444, %mul3A_1446 : vector<16xf32>
      %swap3A_1448 = arith.constant 188 : i32
      %swap3A_1449 = arith.index_cast %swap3A_1448 : i32 to index
      %swap3A_1450 = arith.constant 0 : index
      %swap3A_1451 = tpu.vector_load %arg12[%swap3A_1449, %swap3A_1450] {strides = array<i32>} : memref<200x64xf32, #tpu.memory_space<vmem>>, vector<1x16xf32>,
      %swap3A_1452 = vector.shape_cast %swap3A_1451 : vector<1x16xf32> to vector<16xf32>
      %swap3A_1453 = vector.shape_cast %mul3A_1447 : vector<16xf32> to vector<1x16xf32>
      tpu.vector_store %arg12[%swap3A_1449, %swap3A_1450], %swap3A_1453 {strides = array<i32>} : memref<200x64xf32, #tpu.memory_space<vmem>>, vector<1x16xf32>,
      %add3A_1454 = arith.constant 16 : i32
      %add3A_1455 = arith.addi %squeeze3A_1437, %add3A_1454 : i32
      %get3A_1456 = arith.constant 188 : i32
      %get3A_1457 = arith.index_cast %get3A_1456 : i32 to index
      %get3A_1458 = arith.index_cast %add3A_1455 : i32 to index
      %get3A_1459 = tpu.vector_load %arg10[%get3A_1457, %get3A_1458] {strides = array<i32>} : memref<200x128xf32, #tpu.memory_space<vmem>>, vector<1x16xf32>,
      %get3A_1460 = vector.shape_cast %get3A_1459 : vector<1x16xf32> to vector<16xf32>
      %mul3A_1461 = arith.constant 8.000000e+00 : f32
      %mul3A_1462 = vector.broadcast %mul3A_1461 : f32 to vector<16xf32>
      %mul3A_1463 = arith.mulf %get3A_1460, %mul3A_1462 : vector<16xf32>
      %swap3A_1464 = arith.constant 188 : i32
      %swap3A_1465 = arith.index_cast %swap3A_1464 : i32 to index
      %swap3A_1466 = arith.constant 16 : index
      %swap3A_1467 = tpu.vector_load %arg12[%swap3A_1465, %swap3A_1466] {strides = array<i32>} : memref<200x64xf32, #tpu.memory_space<vmem>>, vector<1x16xf32>,
      %swap3A_1468 = vector.shape_cast %swap3A_1467 : vector<1x16xf32> to vector<16xf32>
      %swap3A_1469 = vector.shape_cast %mul3A_1463 : vector<16xf32> to vector<1x16xf32>
      tpu.vector_store %arg12[%swap3A_1465, %swap3A_1466], %swap3A_1469 {strides = array<i32>} : memref<200x64xf32, #tpu.memory_space<vmem>>, vector<1x16xf32>,
      %add3A_1470 = arith.constant 32 : i32
      %add3A_1471 = arith.addi %squeeze3A_1437, %add3A_1470 : i32
      %get3A_1472 = arith.constant 188 : i32
      %get3A_1473 = arith.index_cast %get3A_1472 : i32 to index
      %get3A_1474 = arith.index_cast %add3A_1471 : i32 to index
      %get3A_1475 = tpu.vector_load %arg10[%get3A_1473, %get3A_1474] {strides = array<i32>} : memref<200x128xf32, #tpu.memory_space<vmem>>, vector<1x16xf32>,
      %get3A_1476 = vector.shape_cast %get3A_1475 : vector<1x16xf32> to vector<16xf32>
      %mul3A_1477 = arith.constant 8.000000e+00 : f32
      %mul3A_1478 = vector.broadcast %mul3A_1477 : f32 to vector<16xf32>
      %mul3A_1479 = arith.mulf %get3A_1476, %mul3A_1478 : vector<16xf32>
      %swap3A_1480 = arith.constant 188 : i32
      %swap3A_1481 = arith.index_cast %swap3A_1480 : i32 to index
      %swap3A_1482 = arith.constant 32 : index
      %swap3A_1483 = tpu.vector_load %arg12[%swap3A_1481, %swap3A_1482] {strides = array<i32>} : memref<200x64xf32, #tpu.memory_space<vmem>>, vector<1x16xf32>,
      %swap3A_1484 = vector.shape_cast %swap3A_1483 : vector<1x16xf32> to vector<16xf32>
      %swap3A_1485 = vector.shape_cast %mul3A_1479 : vector<16xf32> to vector<1x16xf32>
      tpu.vector_store %arg12[%swap3A_1481, %swap3A_1482], %swap3A_1485 {strides = array<i32>} : memref<200x64xf32, #tpu.memory_space<vmem>>, vector<1x16xf32>,
      %add3A_1486 = arith.constant 48 : i32
      %add3A_1487 = arith.addi %squeeze3A_1437, %add3A_1486 : i32
      %get3A_1488 = arith.constant 188 : i32
      %get3A_1489 = arith.index_cast %get3A_1488 : i32 to index
      %get3A_1490 = arith.index_cast %add3A_1487 : i32 to index
      %get3A_1491 = tpu.vector_load %arg10[%get3A_1489, %get3A_1490] {strides = array<i32>} : memref<200x128xf32, #tpu.memory_space<vmem>>, vector<1x16xf32>,
      %get3A_1492 = vector.shape_cast %get3A_1491 : vector<1x16xf32> to vector<16xf32>
      %mul3A_1493 = arith.constant 8.000000e+00 : f32
      %mul3A_1494 = vector.broadcast %mul3A_1493 : f32 to vector<16xf32>
      %mul3A_1495 = arith.mulf %get3A_1492, %mul3A_1494 : vector<16xf32>
      %swap3A_1496 = arith.constant 188 : i32
      %swap3A_1497 = arith.index_cast %swap3A_1496 : i32 to index
      %swap3A_1498 = arith.constant 48 : index
      %swap3A_1499 = tpu.vector_load %arg12[%swap3A_1497, %swap3A_1498] {strides = array<i32>} : memref<200x64xf32, #tpu.memory_space<vmem>>, vector<1x16xf32>,
      %swap3A_1500 = vector.shape_cast %swap3A_1499 : vector<1x16xf32> to vector<16xf32>
      %swap3A_1501 = vector.shape_cast %mul3A_1495 : vector<16xf32> to vector<1x16xf32>
      tpu.vector_store %arg12[%swap3A_1497, %swap3A_1498], %swap3A_1501 {strides = array<i32>} : memref<200x64xf32, #tpu.memory_space<vmem>>, vector<1x16xf32>,
      %slice3A_1502 = vector.extract_strided_slice %get3A_1171 {offsets = [5], sizes = [1], strides = [1]} : vector<16xi32> to vector<1xi32>
      %squeeze3A_1503 = vector.extract %slice3A_1502[0] : i32 from vector<1xi32>
      %add3A_1504 = arith.constant 0 : i32
      %add3A_1505 = arith.addi %squeeze3A_1503, %add3A_1504 : i32
      %get3A_1506 = arith.constant 189 : i32
      %get3A_1507 = arith.index_cast %get3A_1506 : i32 to index
      %get3A_1508 = arith.index_cast %add3A_1505 : i32 to index
      %get3A_1509 = tpu.vector_load %arg10[%get3A_1507, %get3A_1508] {strides = array<i32>} : memref<200x128xf32, #tpu.memory_space<vmem>>, vector<1x16xf32>,
      %get3A_1510 = vector.shape_cast %get3A_1509 : vector<1x16xf32> to vector<16xf32>
      %mul3A_1511 = arith.constant 8.000000e+00 : f32
      %mul3A_1512 = vector.broadcast %mul3A_1511 : f32 to vector<16xf32>
      %mul3A_1513 = arith.mulf %get3A_1510, %mul3A_1512 : vector<16xf32>
      %swap3A_1514 = arith.constant 189 : i32
      %swap3A_1515 = arith.index_cast %swap3A_1514 : i32 to index
      %swap3A_1516 = arith.constant 0 : index
      %swap3A_1517 = tpu.vector_load %arg12[%swap3A_1515, %swap3A_1516] {strides = array<i32>} : memref<200x64xf32, #tpu.memory_space<vmem>>, vector<1x16xf32>,
      %swap3A_1518 = vector.shape_cast %swap3A_1517 : vector<1x16xf32> to vector<16xf32>
      %swap3A_1519 = vector.shape_cast %mul3A_1513 : vector<16xf32> to vector<1x16xf32>
      tpu.vector_store %arg12[%swap3A_1515, %swap3A_1516], %swap3A_1519 {strides = array<i32>} : memref<200x64xf32, #tpu.memory_space<vmem>>, vector<1x16xf32>,
      %add3A_1520 = arith.constant 16 : i32
      %add3A_1521 = arith.addi %squeeze3A_1503, %add3A_1520 : i32
      %get3A_1522 = arith.constant 189 : i32
      %get3A_1523 = arith.index_cast %get3A_1522 : i32 to index
      %get3A_1524 = arith.index_cast %add3A_1521 : i32 to index
      %get3A_1525 = tpu.vector_load %arg10[%get3A_1523, %get3A_1524] {strides = array<i32>} : memref<200x128xf32, #tpu.memory_space<vmem>>, vector<1x16xf32>,
      %get3A_1526 = vector.shape_cast %get3A_1525 : vector<1x16xf32> to vector<16xf32>
      %mul3A_1527 = arith.constant 8.000000e+00 : f32
      %mul3A_1528 = vector.broadcast %mul3A_1527 : f32 to vector<16xf32>
      %mul3A_1529 = arith.mulf %get3A_1526, %mul3A_1528 : vector<16xf32>
      %swap3A_1530 = arith.constant 189 : i32
      %swap3A_1531 = arith.index_cast %swap3A_1530 : i32 to index
      %swap3A_1532 = arith.constant 16 : index
      %swap3A_1533 = tpu.vector_load %arg12[%swap3A_1531, %swap3A_1532] {strides = array<i32>} : memref<200x64xf32, #tpu.memory_space<vmem>>, vector<1x16xf32>,
      %swap3A_1534 = vector.shape_cast %swap3A_1533 : vector<1x16xf32> to vector<16xf32>
      %swap3A_1535 = vector.shape_cast %mul3A_1529 : vector<16xf32> to vector<1x16xf32>
      tpu.vector_store %arg12[%swap3A_1531, %swap3A_1532], %swap3A_1535 {strides = array<i32>} : memref<200x64xf32, #tpu.memory_space<vmem>>, vector<1x16xf32>,
      %add3A_1536 = arith.constant 32 : i32
      %add3A_1537 = arith.addi %squeeze3A_1503, %add3A_1536 : i32
      %get3A_1538 = arith.constant 189 : i32
      %get3A_1539 = arith.index_cast %get3A_1538 : i32 to index
      %get3A_1540 = arith.index_cast %add3A_1537 : i32 to index
      %get3A_1541 = tpu.vector_load %arg10[%get3A_1539, %get3A_1540] {strides = array<i32>} : memref<200x128xf32, #tpu.memory_space<vmem>>, vector<1x16xf32>,
      %get3A_1542 = vector.shape_cast %get3A_1541 : vector<1x16xf32> to vector<16xf32>
      %mul3A_1543 = arith.constant 8.000000e+00 : f32
      %mul3A_1544 = vector.broadcast %mul3A_1543 : f32 to vector<16xf32>
      %mul3A_1545 = arith.mulf %get3A_1542, %mul3A_1544 : vector<16xf32>
      %swap3A_1546 = arith.constant 189 : i32
      %swap3A_1547 = arith.index_cast %swap3A_1546 : i32 to index
      %swap3A_1548 = arith.constant 32 : index
      %swap3A_1549 = tpu.vector_load %arg12[%swap3A_1547, %swap3A_1548] {strides = array<i32>} : memref<200x64xf32, #tpu.memory_space<vmem>>, vector<1x16xf32>,
      %swap3A_1550 = vector.shape_cast %swap3A_1549 : vector<1x16xf32> to vector<16xf32>
      %swap3A_1551 = vector.shape_cast %mul3A_1545 : vector<16xf32> to vector<1x16xf32>
      tpu.vector_store %arg12[%swap3A_1547, %swap3A_1548], %swap3A_1551 {strides = array<i32>} : memref<200x64xf32, #tpu.memory_space<vmem>>, vector<1x16xf32>,
      %add3A_1552 = arith.constant 48 : i32
      %add3A_1553 = arith.addi %squeeze3A_1503, %add3A_1552 : i32
      %get3A_1554 = arith.constant 189 : i32
      %get3A_1555 = arith.index_cast %get3A_1554 : i32 to index
      %get3A_1556 = arith.index_cast %add3A_1553 : i32 to index
      %get3A_1557 = tpu.vector_load %arg10[%get3A_1555, %get3A_1556] {strides = array<i32>} : memref<200x128xf32, #tpu.memory_space<vmem>>, vector<1x16xf32>,
      %get3A_1558 = vector.shape_cast %get3A_1557 : vector<1x16xf32> to vector<16xf32>
      %mul3A_1559 = arith.constant 8.000000e+00 : f32
      %mul3A_1560 = vector.broadcast %mul3A_1559 : f32 to vector<16xf32>
      %mul3A_1561 = arith.mulf %get3A_1558, %mul3A_1560 : vector<16xf32>
      %swap3A_1562 = arith.constant 189 : i32
      %swap3A_1563 = arith.index_cast %swap3A_1562 : i32 to index
      %swap3A_1564 = arith.constant 48 : index
      %swap3A_1565 = tpu.vector_load %arg12[%swap3A_1563, %swap3A_1564] {strides = array<i32>} : memref<200x64xf32, #tpu.memory_space<vmem>>, vector<1x16xf32>,
      %swap3A_1566 = vector.shape_cast %swap3A_1565 : vector<1x16xf32> to vector<16xf32>
      %swap3A_1567 = vector.shape_cast %mul3A_1561 : vector<16xf32> to vector<1x16xf32>
      tpu.vector_store %arg12[%swap3A_1563, %swap3A_1564], %swap3A_1567 {strides = array<i32>} : memref<200x64xf32, #tpu.memory_space<vmem>>, vector<1x16xf32>,
      %slice3A_1568 = vector.extract_strided_slice %get3A_1171 {offsets = [6], sizes = [1], strides = [1]} : vector<16xi32> to vector<1xi32>
      %squeeze3A_1569 = vector.extract %slice3A_1568[0] : i32 from vector<1xi32>
      %add3A_1570 = arith.constant 0 : i32
      %add3A_1571 = arith.addi %squeeze3A_1569, %add3A_1570 : i32
      %get3A_1572 = arith.constant 190 : i32
      %get3A_1573 = arith.index_cast %get3A_1572 : i32 to index
      %get3A_1574 = arith.index_cast %add3A_1571 : i32 to index
      %get3A_1575 = tpu.vector_load %arg10[%get3A_1573, %get3A_1574] {strides = array<i32>} : memref<200x128xf32, #tpu.memory_space<vmem>>, vector<1x16xf32>,
      %get3A_1576 = vector.shape_cast %get3A_1575 : vector<1x16xf32> to vector<16xf32>
      %mul3A_1577 = arith.constant 8.000000e+00 : f32
      %mul3A_1578 = vector.broadcast %mul3A_1577 : f32 to vector<16xf32>
      %mul3A_1579 = arith.mulf %get3A_1576, %mul3A_1578 : vector<16xf32>
      %swap3A_1580 = arith.constant 190 : i32
      %swap3A_1581 = arith.index_cast %swap3A_1580 : i32 to index
      %swap3A_1582 = arith.constant 0 : index
      %swap3A_1583 = tpu.vector_load %arg12[%swap3A_1581, %swap3A_1582] {strides = array<i32>} : memref<200x64xf32, #tpu.memory_space<vmem>>, vector<1x16xf32>,
      %swap3A_1584 = vector.shape_cast %swap3A_1583 : vector<1x16xf32> to vector<16xf32>
      %swap3A_1585 = vector.shape_cast %mul3A_1579 : vector<16xf32> to vector<1x16xf32>
      tpu.vector_store %arg12[%swap3A_1581, %swap3A_1582], %swap3A_1585 {strides = array<i32>} : memref<200x64xf32, #tpu.memory_space<vmem>>, vector<1x16xf32>,
      %add3A_1586 = arith.constant 16 : i32
      %add3A_1587 = arith.addi %squeeze3A_1569, %add3A_1586 : i32
      %get3A_1588 = arith.constant 190 : i32
      %get3A_1589 = arith.index_cast %get3A_1588 : i32 to index
      %get3A_1590 = arith.index_cast %add3A_1587 : i32 to index
      %get3A_1591 = tpu.vector_load %arg10[%get3A_1589, %get3A_1590] {strides = array<i32>} : memref<200x128xf32, #tpu.memory_space<vmem>>, vector<1x16xf32>,
      %get3A_1592 = vector.shape_cast %get3A_1591 : vector<1x16xf32> to vector<16xf32>
      %mul3A_1593 = arith.constant 8.000000e+00 : f32
      %mul3A_1594 = vector.broadcast %mul3A_1593 : f32 to vector<16xf32>
      %mul3A_1595 = arith.mulf %get3A_1592, %mul3A_1594 : vector<16xf32>
      %swap3A_1596 = arith.constant 190 : i32
      %swap3A_1597 = arith.index_cast %swap3A_1596 : i32 to index
      %swap3A_1598 = arith.constant 16 : index
      %swap3A_1599 = tpu.vector_load %arg12[%swap3A_1597, %swap3A_1598] {strides = array<i32>} : memref<200x64xf32, #tpu.memory_space<vmem>>, vector<1x16xf32>,
      %swap3A_1600 = vector.shape_cast %swap3A_1599 : vector<1x16xf32> to vector<16xf32>
      %swap3A_1601 = vector.shape_cast %mul3A_1595 : vector<16xf32> to vector<1x16xf32>
      tpu.vector_store %arg12[%swap3A_1597, %swap3A_1598], %swap3A_1601 {strides = array<i32>} : memref<200x64xf32, #tpu.memory_space<vmem>>, vector<1x16xf32>,
      %add3A_1602 = arith.constant 32 : i32
      %add3A_1603 = arith.addi %squeeze3A_1569, %add3A_1602 : i32
      %get3A_1604 = arith.constant 190 : i32
      %get3A_1605 = arith.index_cast %get3A_1604 : i32 to index
      %get3A_1606 = arith.index_cast %add3A_1603 : i32 to index
      %get3A_1607 = tpu.vector_load %arg10[%get3A_1605, %get3A_1606] {strides = array<i32>} : memref<200x128xf32, #tpu.memory_space<vmem>>, vector<1x16xf32>,
      %get3A_1608 = vector.shape_cast %get3A_1607 : vector<1x16xf32> to vector<16xf32>
      %mul3A_1609 = arith.constant 8.000000e+00 : f32
      %mul3A_1610 = vector.broadcast %mul3A_1609 : f32 to vector<16xf32>
      %mul3A_1611 = arith.mulf %get3A_1608, %mul3A_1610 : vector<16xf32>
      %swap3A_1612 = arith.constant 190 : i32
      %swap3A_1613 = arith.index_cast %swap3A_1612 : i32 to index
      %swap3A_1614 = arith.constant 32 : index
      %swap3A_1615 = tpu.vector_load %arg12[%swap3A_1613, %swap3A_1614] {strides = array<i32>} : memref<200x64xf32, #tpu.memory_space<vmem>>, vector<1x16xf32>,
      %swap3A_1616 = vector.shape_cast %swap3A_1615 : vector<1x16xf32> to vector<16xf32>
      %swap3A_1617 = vector.shape_cast %mul3A_1611 : vector<16xf32> to vector<1x16xf32>
      tpu.vector_store %arg12[%swap3A_1613, %swap3A_1614], %swap3A_1617 {strides = array<i32>} : memref<200x64xf32, #tpu.memory_space<vmem>>, vector<1x16xf32>,
      %add3A_1618 = arith.constant 48 : i32
      %add3A_1619 = arith.addi %squeeze3A_1569, %add3A_1618 : i32
      %get3A_1620 = arith.constant 190 : i32
      %get3A_1621 = arith.index_cast %get3A_1620 : i32 to index
      %get3A_1622 = arith.index_cast %add3A_1619 : i32 to index
      %get3A_1623 = tpu.vector_load %arg10[%get3A_1621, %get3A_1622] {strides = array<i32>} : memref<200x128xf32, #tpu.memory_space<vmem>>, vector<1x16xf32>,
      %get3A_1624 = vector.shape_cast %get3A_1623 : vector<1x16xf32> to vector<16xf32>
      %mul3A_1625 = arith.constant 8.000000e+00 : f32
      %mul3A_1626 = vector.broadcast %mul3A_1625 : f32 to vector<16xf32>
      %mul3A_1627 = arith.mulf %get3A_1624, %mul3A_1626 : vector<16xf32>
      %swap3A_1628 = arith.constant 190 : i32
      %swap3A_1629 = arith.index_cast %swap3A_1628 : i32 to index
      %swap3A_1630 = arith.constant 48 : index
      %swap3A_1631 = tpu.vector_load %arg12[%swap3A_1629, %swap3A_1630] {strides = array<i32>} : memref<200x64xf32, #tpu.memory_space<vmem>>, vector<1x16xf32>,
      %swap3A_1632 = vector.shape_cast %swap3A_1631 : vector<1x16xf32> to vector<16xf32>
      %swap3A_1633 = vector.shape_cast %mul3A_1627 : vector<16xf32> to vector<1x16xf32>
      tpu.vector_store %arg12[%swap3A_1629, %swap3A_1630], %swap3A_1633 {strides = array<i32>} : memref<200x64xf32, #tpu.memory_space<vmem>>, vector<1x16xf32>,
      %slice3A_1634 = vector.extract_strided_slice %get3A_1171 {offsets = [7], sizes = [1], strides = [1]} : vector<16xi32> to vector<1xi32>
      %squeeze3A_1635 = vector.extract %slice3A_1634[0] : i32 from vector<1xi32>
      %add3A_1636 = arith.constant 0 : i32
      %add3A_1637 = arith.addi %squeeze3A_1635, %add3A_1636 : i32
      %get3A_1638 = arith.constant 191 : i32
      %get3A_1639 = arith.index_cast %get3A_1638 : i32 to index
      %get3A_1640 = arith.index_cast %add3A_1637 : i32 to index
      %get3A_1641 = tpu.vector_load %arg10[%get3A_1639, %get3A_1640] {strides = array<i32>} : memref<200x128xf32, #tpu.memory_space<vmem>>, vector<1x16xf32>,
      %get3A_1642 = vector.shape_cast %get3A_1641 : vector<1x16xf32> to vector<16xf32>
      %mul3A_1643 = arith.constant 8.000000e+00 : f32
      %mul3A_1644 = vector.broadcast %mul3A_1643 : f32 to vector<16xf32>
      %mul3A_1645 = arith.mulf %get3A_1642, %mul3A_1644 : vector<16xf32>
      %swap3A_1646 = arith.constant 191 : i32
      %swap3A_1647 = arith.index_cast %swap3A_1646 : i32 to index
      %swap3A_1648 = arith.constant 0 : index
      %swap3A_1649 = tpu.vector_load %arg12[%swap3A_1647, %swap3A_1648] {strides = array<i32>} : memref<200x64xf32, #tpu.memory_space<vmem>>, vector<1x16xf32>,
      %swap3A_1650 = vector.shape_cast %swap3A_1649 : vector<1x16xf32> to vector<16xf32>
      %swap3A_1651 = vector.shape_cast %mul3A_1645 : vector<16xf32> to vector<1x16xf32>
      tpu.vector_store %arg12[%swap3A_1647, %swap3A_1648], %swap3A_1651 {strides = array<i32>} : memref<200x64xf32, #tpu.memory_space<vmem>>, vector<1x16xf32>,
      %add3A_1652 = arith.constant 16 : i32
      %add3A_1653 = arith.addi %squeeze3A_1635, %add3A_1652 : i32
      %get3A_1654 = arith.constant 191 : i32
      %get3A_1655 = arith.index_cast %get3A_1654 : i32 to index
      %get3A_1656 = arith.index_cast %add3A_1653 : i32 to index
      %get3A_1657 = tpu.vector_load %arg10[%get3A_1655, %get3A_1656] {strides = array<i32>} : memref<200x128xf32, #tpu.memory_space<vmem>>, vector<1x16xf32>,
      %get3A_1658 = vector.shape_cast %get3A_1657 : vector<1x16xf32> to vector<16xf32>
      %mul3A_1659 = arith.constant 8.000000e+00 : f32
      %mul3A_1660 = vector.broadcast %mul3A_1659 : f32 to vector<16xf32>
      %mul3A_1661 = arith.mulf %get3A_1658, %mul3A_1660 : vector<16xf32>
      %swap3A_1662 = arith.constant 191 : i32
      %swap3A_1663 = arith.index_cast %swap3A_1662 : i32 to index
      %swap3A_1664 = arith.constant 16 : index
      %swap3A_1665 = tpu.vector_load %arg12[%swap3A_1663, %swap3A_1664] {strides = array<i32>} : memref<200x64xf32, #tpu.memory_space<vmem>>, vector<1x16xf32>,
      %swap3A_1666 = vector.shape_cast %swap3A_1665 : vector<1x16xf32> to vector<16xf32>
      %swap3A_1667 = vector.shape_cast %mul3A_1661 : vector<16xf32> to vector<1x16xf32>
      tpu.vector_store %arg12[%swap3A_1663, %swap3A_1664], %swap3A_1667 {strides = array<i32>} : memref<200x64xf32, #tpu.memory_space<vmem>>, vector<1x16xf32>,
      %add3A_1668 = arith.constant 32 : i32
      %add3A_1669 = arith.addi %squeeze3A_1635, %add3A_1668 : i32
      %get3A_1670 = arith.constant 191 : i32
      %get3A_1671 = arith.index_cast %get3A_1670 : i32 to index
      %get3A_1672 = arith.index_cast %add3A_1669 : i32 to index
      %get3A_1673 = tpu.vector_load %arg10[%get3A_1671, %get3A_1672] {strides = array<i32>} : memref<200x128xf32, #tpu.memory_space<vmem>>, vector<1x16xf32>,
      %get3A_1674 = vector.shape_cast %get3A_1673 : vector<1x16xf32> to vector<16xf32>
      %mul3A_1675 = arith.constant 8.000000e+00 : f32
      %mul3A_1676 = vector.broadcast %mul3A_1675 : f32 to vector<16xf32>
      %mul3A_1677 = arith.mulf %get3A_1674, %mul3A_1676 : vector<16xf32>
      %swap3A_1678 = arith.constant 191 : i32
      %swap3A_1679 = arith.index_cast %swap3A_1678 : i32 to index
      %swap3A_1680 = arith.constant 32 : index
      %swap3A_1681 = tpu.vector_load %arg12[%swap3A_1679, %swap3A_1680] {strides = array<i32>} : memref<200x64xf32, #tpu.memory_space<vmem>>, vector<1x16xf32>,
      %swap3A_1682 = vector.shape_cast %swap3A_1681 : vector<1x16xf32> to vector<16xf32>
      %swap3A_1683 = vector.shape_cast %mul3A_1677 : vector<16xf32> to vector<1x16xf32>
      tpu.vector_store %arg12[%swap3A_1679, %swap3A_1680], %swap3A_1683 {strides = array<i32>} : memref<200x64xf32, #tpu.memory_space<vmem>>, vector<1x16xf32>,
      %add3A_1684 = arith.constant 48 : i32
      %add3A_1685 = arith.addi %squeeze3A_1635, %add3A_1684 : i32
      %get3A_1686 = arith.constant 191 : i32
      %get3A_1687 = arith.index_cast %get3A_1686 : i32 to index
      %get3A_1688 = arith.index_cast %add3A_1685 : i32 to index
      %get3A_1689 = tpu.vector_load %arg10[%get3A_1687, %get3A_1688] {strides = array<i32>} : memref<200x128xf32, #tpu.memory_space<vmem>>, vector<1x16xf32>,
      %get3A_1690 = vector.shape_cast %get3A_1689 : vector<1x16xf32> to vector<16xf32>
      %mul3A_1691 = arith.constant 8.000000e+00 : f32
      %mul3A_1692 = vector.broadcast %mul3A_1691 : f32 to vector<16xf32>
      %mul3A_1693 = arith.mulf %get3A_1690, %mul3A_1692 : vector<16xf32>
      %swap3A_1694 = arith.constant 191 : i32
      %swap3A_1695 = arith.index_cast %swap3A_1694 : i32 to index
      %swap3A_1696 = arith.constant 48 : index
      %swap3A_1697 = tpu.vector_load %arg12[%swap3A_1695, %swap3A_1696] {strides = array<i32>} : memref<200x64xf32, #tpu.memory_space<vmem>>, vector<1x16xf32>,
      %swap3A_1698 = vector.shape_cast %swap3A_1697 : vector<1x16xf32> to vector<16xf32>
      %swap3A_1699 = vector.shape_cast %mul3A_1693 : vector<16xf32> to vector<1x16xf32>
      tpu.vector_store %arg12[%swap3A_1695, %swap3A_1696], %swap3A_1699 {strides = array<i32>} : memref<200x64xf32, #tpu.memory_space<vmem>>, vector<1x16xf32>,
      %slice3A_1700 = vector.extract_strided_slice %get3A_1171 {offsets = [8], sizes = [1], strides = [1]} : vector<16xi32> to vector<1xi32>
      %squeeze3A_1701 = vector.extract %slice3A_1700[0] : i32 from vector<1xi32>
      %add3A_1702 = arith.constant 0 : i32
      %add3A_1703 = arith.addi %squeeze3A_1701, %add3A_1702 : i32
      %get3A_1704 = arith.constant 192 : i32
      %get3A_1705 = arith.index_cast %get3A_1704 : i32 to index
      %get3A_1706 = arith.index_cast %add3A_1703 : i32 to index
      %get3A_1707 = tpu.vector_load %arg10[%get3A_1705, %get3A_1706] {strides = array<i32>} : memref<200x128xf32, #tpu.memory_space<vmem>>, vector<1x16xf32>,
      %get3A_1708 = vector.shape_cast %get3A_1707 : vector<1x16xf32> to vector<16xf32>
      %mul3A_1709 = arith.constant 8.000000e+00 : f32
      %mul3A_1710 = vector.broadcast %mul3A_1709 : f32 to vector<16xf32>
      %mul3A_1711 = arith.mulf %get3A_1708, %mul3A_1710 : vector<16xf32>
      %swap3A_1712 = arith.constant 192 : i32
      %swap3A_1713 = arith.index_cast %swap3A_1712 : i32 to index
      %swap3A_1714 = arith.constant 0 : index
      %swap3A_1715 = tpu.vector_load %arg12[%swap3A_1713, %swap3A_1714] {strides = array<i32>} : memref<200x64xf32, #tpu.memory_space<vmem>>, vector<1x16xf32>,
      %swap3A_1716 = vector.shape_cast %swap3A_1715 : vector<1x16xf32> to vector<16xf32>
      %swap3A_1717 = vector.shape_cast %mul3A_1711 : vector<16xf32> to vector<1x16xf32>
      tpu.vector_store %arg12[%swap3A_1713, %swap3A_1714], %swap3A_1717 {strides = array<i32>} : memref<200x64xf32, #tpu.memory_space<vmem>>, vector<1x16xf32>,
      %add3A_1718 = arith.constant 16 : i32
      %add3A_1719 = arith.addi %squeeze3A_1701, %add3A_1718 : i32
      %get3A_1720 = arith.constant 192 : i32
      %get3A_1721 = arith.index_cast %get3A_1720 : i32 to index
      %get3A_1722 = arith.index_cast %add3A_1719 : i32 to index
      %get3A_1723 = tpu.vector_load %arg10[%get3A_1721, %get3A_1722] {strides = array<i32>} : memref<200x128xf32, #tpu.memory_space<vmem>>, vector<1x16xf32>,
      %get3A_1724 = vector.shape_cast %get3A_1723 : vector<1x16xf32> to vector<16xf32>
      %mul3A_1725 = arith.constant 8.000000e+00 : f32
      %mul3A_1726 = vector.broadcast %mul3A_1725 : f32 to vector<16xf32>
      %mul3A_1727 = arith.mulf %get3A_1724, %mul3A_1726 : vector<16xf32>
      %swap3A_1728 = arith.constant 192 : i32
      %swap3A_1729 = arith.index_cast %swap3A_1728 : i32 to index
      %swap3A_1730 = arith.constant 16 : index
      %swap3A_1731 = tpu.vector_load %arg12[%swap3A_1729, %swap3A_1730] {strides = array<i32>} : memref<200x64xf32, #tpu.memory_space<vmem>>, vector<1x16xf32>,
      %swap3A_1732 = vector.shape_cast %swap3A_1731 : vector<1x16xf32> to vector<16xf32>
      %swap3A_1733 = vector.shape_cast %mul3A_1727 : vector<16xf32> to vector<1x16xf32>
      tpu.vector_store %arg12[%swap3A_1729, %swap3A_1730], %swap3A_1733 {strides = array<i32>} : memref<200x64xf32, #tpu.memory_space<vmem>>, vector<1x16xf32>,
      %add3A_1734 = arith.constant 32 : i32
      %add3A_1735 = arith.addi %squeeze3A_1701, %add3A_1734 : i32
      %get3A_1736 = arith.constant 192 : i32
      %get3A_1737 = arith.index_cast %get3A_1736 : i32 to index
      %get3A_1738 = arith.index_cast %add3A_1735 : i32 to index
      %get3A_1739 = tpu.vector_load %arg10[%get3A_1737, %get3A_1738] {strides = array<i32>} : memref<200x128xf32, #tpu.memory_space<vmem>>, vector<1x16xf32>,
      %get3A_1740 = vector.shape_cast %get3A_1739 : vector<1x16xf32> to vector<16xf32>
      %mul3A_1741 = arith.constant 8.000000e+00 : f32
      %mul3A_1742 = vector.broadcast %mul3A_1741 : f32 to vector<16xf32>
      %mul3A_1743 = arith.mulf %get3A_1740, %mul3A_1742 : vector<16xf32>
      %swap3A_1744 = arith.constant 192 : i32
      %swap3A_1745 = arith.index_cast %swap3A_1744 : i32 to index
      %swap3A_1746 = arith.constant 32 : index
      %swap3A_1747 = tpu.vector_load %arg12[%swap3A_1745, %swap3A_1746] {strides = array<i32>} : memref<200x64xf32, #tpu.memory_space<vmem>>, vector<1x16xf32>,
      %swap3A_1748 = vector.shape_cast %swap3A_1747 : vector<1x16xf32> to vector<16xf32>
      %swap3A_1749 = vector.shape_cast %mul3A_1743 : vector<16xf32> to vector<1x16xf32>
      tpu.vector_store %arg12[%swap3A_1745, %swap3A_1746], %swap3A_1749 {strides = array<i32>} : memref<200x64xf32, #tpu.memory_space<vmem>>, vector<1x16xf32>,
      %add3A_1750 = arith.constant 48 : i32
      %add3A_1751 = arith.addi %squeeze3A_1701, %add3A_1750 : i32
      %get3A_1752 = arith.constant 192 : i32
      %get3A_1753 = arith.index_cast %get3A_1752 : i32 to index
      %get3A_1754 = arith.index_cast %add3A_1751 : i32 to index
      %get3A_1755 = tpu.vector_load %arg10[%get3A_1753, %get3A_1754] {strides = array<i32>} : memref<200x128xf32, #tpu.memory_space<vmem>>, vector<1x16xf32>,
      %get3A_1756 = vector.shape_cast %get3A_1755 : vector<1x16xf32> to vector<16xf32>
      %mul3A_1757 = arith.constant 8.000000e+00 : f32
      %mul3A_1758 = vector.broadcast %mul3A_1757 : f32 to vector<16xf32>
      %mul3A_1759 = arith.mulf %get3A_1756, %mul3A_1758 : vector<16xf32>
      %swap3A_1760 = arith.constant 192 : i32
      %swap3A_1761 = arith.index_cast %swap3A_1760 : i32 to index
      %swap3A_1762 = arith.constant 48 : index
      %swap3A_1763 = tpu.vector_load %arg12[%swap3A_1761, %swap3A_1762] {strides = array<i32>} : memref<200x64xf32, #tpu.memory_space<vmem>>, vector<1x16xf32>,
      %swap3A_1764 = vector.shape_cast %swap3A_1763 : vector<1x16xf32> to vector<16xf32>
      %swap3A_1765 = vector.shape_cast %mul3A_1759 : vector<16xf32> to vector<1x16xf32>
      tpu.vector_store %arg12[%swap3A_1761, %swap3A_1762], %swap3A_1765 {strides = array<i32>} : memref<200x64xf32, #tpu.memory_space<vmem>>, vector<1x16xf32>,
      %slice3A_1766 = vector.extract_strided_slice %get3A_1171 {offsets = [9], sizes = [1], strides = [1]} : vector<16xi32> to vector<1xi32>
      %squeeze3A_1767 = vector.extract %slice3A_1766[0] : i32 from vector<1xi32>
      %add3A_1768 = arith.constant 0 : i32
      %add3A_1769 = arith.addi %squeeze3A_1767, %add3A_1768 : i32
      %get3A_1770 = arith.constant 193 : i32
      %get3A_1771 = arith.index_cast %get3A_1770 : i32 to index
      %get3A_1772 = arith.index_cast %add3A_1769 : i32 to index
      %get3A_1773 = tpu.vector_load %arg10[%get3A_1771, %get3A_1772] {strides = array<i32>} : memref<200x128xf32, #tpu.memory_space<vmem>>, vector<1x16xf32>,
      %get3A_1774 = vector.shape_cast %get3A_1773 : vector<1x16xf32> to vector<16xf32>
      %mul3A_1775 = arith.constant 8.000000e+00 : f32
      %mul3A_1776 = vector.broadcast %mul3A_1775 : f32 to vector<16xf32>
      %mul3A_1777 = arith.mulf %get3A_1774, %mul3A_1776 : vector<16xf32>
      %swap3A_1778 = arith.constant 193 : i32
      %swap3A_1779 = arith.index_cast %swap3A_1778 : i32 to index
      %swap3A_1780 = arith.constant 0 : index
      %swap3A_1781 = tpu.vector_load %arg12[%swap3A_1779, %swap3A_1780] {strides = array<i32>} : memref<200x64xf32, #tpu.memory_space<vmem>>, vector<1x16xf32>,
      %swap3A_1782 = vector.shape_cast %swap3A_1781 : vector<1x16xf32> to vector<16xf32>
      %swap3A_1783 = vector.shape_cast %mul3A_1777 : vector<16xf32> to vector<1x16xf32>
      tpu.vector_store %arg12[%swap3A_1779, %swap3A_1780], %swap3A_1783 {strides = array<i32>} : memref<200x64xf32, #tpu.memory_space<vmem>>, vector<1x16xf32>,
      %add3A_1784 = arith.constant 16 : i32
      %add3A_1785 = arith.addi %squeeze3A_1767, %add3A_1784 : i32
      %get3A_1786 = arith.constant 193 : i32
      %get3A_1787 = arith.index_cast %get3A_1786 : i32 to index
      %get3A_1788 = arith.index_cast %add3A_1785 : i32 to index
      %get3A_1789 = tpu.vector_load %arg10[%get3A_1787, %get3A_1788] {strides = array<i32>} : memref<200x128xf32, #tpu.memory_space<vmem>>, vector<1x16xf32>,
      %get3A_1790 = vector.shape_cast %get3A_1789 : vector<1x16xf32> to vector<16xf32>
      %mul3A_1791 = arith.constant 8.000000e+00 : f32
      %mul3A_1792 = vector.broadcast %mul3A_1791 : f32 to vector<16xf32>
      %mul3A_1793 = arith.mulf %get3A_1790, %mul3A_1792 : vector<16xf32>
      %swap3A_1794 = arith.constant 193 : i32
      %swap3A_1795 = arith.index_cast %swap3A_1794 : i32 to index
      %swap3A_1796 = arith.constant 16 : index
      %swap3A_1797 = tpu.vector_load %arg12[%swap3A_1795, %swap3A_1796] {strides = array<i32>} : memref<200x64xf32, #tpu.memory_space<vmem>>, vector<1x16xf32>,
      %swap3A_1798 = vector.shape_cast %swap3A_1797 : vector<1x16xf32> to vector<16xf32>
      %swap3A_1799 = vector.shape_cast %mul3A_1793 : vector<16xf32> to vector<1x16xf32>
      tpu.vector_store %arg12[%swap3A_1795, %swap3A_1796], %swap3A_1799 {strides = array<i32>} : memref<200x64xf32, #tpu.memory_space<vmem>>, vector<1x16xf32>,
      %add3A_1800 = arith.constant 32 : i32
      %add3A_1801 = arith.addi %squeeze3A_1767, %add3A_1800 : i32
      %get3A_1802 = arith.constant 193 : i32
      %get3A_1803 = arith.index_cast %get3A_1802 : i32 to index
      %get3A_1804 = arith.index_cast %add3A_1801 : i32 to index
      %get3A_1805 = tpu.vector_load %arg10[%get3A_1803, %get3A_1804] {strides = array<i32>} : memref<200x128xf32, #tpu.memory_space<vmem>>, vector<1x16xf32>,
      %get3A_1806 = vector.shape_cast %get3A_1805 : vector<1x16xf32> to vector<16xf32>
      %mul3A_1807 = arith.constant 8.000000e+00 : f32
      %mul3A_1808 = vector.broadcast %mul3A_1807 : f32 to vector<16xf32>
      %mul3A_1809 = arith.mulf %get3A_1806, %mul3A_1808 : vector<16xf32>
      %swap3A_1810 = arith.constant 193 : i32
      %swap3A_1811 = arith.index_cast %swap3A_1810 : i32 to index
      %swap3A_1812 = arith.constant 32 : index
      %swap3A_1813 = tpu.vector_load %arg12[%swap3A_1811, %swap3A_1812] {strides = array<i32>} : memref<200x64xf32, #tpu.memory_space<vmem>>, vector<1x16xf32>,
      %swap3A_1814 = vector.shape_cast %swap3A_1813 : vector<1x16xf32> to vector<16xf32>
      %swap3A_1815 = vector.shape_cast %mul3A_1809 : vector<16xf32> to vector<1x16xf32>
      tpu.vector_store %arg12[%swap3A_1811, %swap3A_1812], %swap3A_1815 {strides = array<i32>} : memref<200x64xf32, #tpu.memory_space<vmem>>, vector<1x16xf32>,
      %add3A_1816 = arith.constant 48 : i32
      %add3A_1817 = arith.addi %squeeze3A_1767, %add3A_1816 : i32
      %get3A_1818 = arith.constant 193 : i32
      %get3A_1819 = arith.index_cast %get3A_1818 : i32 to index
      %get3A_1820 = arith.index_cast %add3A_1817 : i32 to index
      %get3A_1821 = tpu.vector_load %arg10[%get3A_1819, %get3A_1820] {strides = array<i32>} : memref<200x128xf32, #tpu.memory_space<vmem>>, vector<1x16xf32>,
      %get3A_1822 = vector.shape_cast %get3A_1821 : vector<1x16xf32> to vector<16xf32>
      %mul3A_1823 = arith.constant 8.000000e+00 : f32
      %mul3A_1824 = vector.broadcast %mul3A_1823 : f32 to vector<16xf32>
      %mul3A_1825 = arith.mulf %get3A_1822, %mul3A_1824 : vector<16xf32>
      %swap3A_1826 = arith.constant 193 : i32
      %swap3A_1827 = arith.index_cast %swap3A_1826 : i32 to index
      %swap3A_1828 = arith.constant 48 : index
      %swap3A_1829 = tpu.vector_load %arg12[%swap3A_1827, %swap3A_1828] {strides = array<i32>} : memref<200x64xf32, #tpu.memory_space<vmem>>, vector<1x16xf32>,
      %swap3A_1830 = vector.shape_cast %swap3A_1829 : vector<1x16xf32> to vector<16xf32>
      %swap3A_1831 = vector.shape_cast %mul3A_1825 : vector<16xf32> to vector<1x16xf32>
      tpu.vector_store %arg12[%swap3A_1827, %swap3A_1828], %swap3A_1831 {strides = array<i32>} : memref<200x64xf32, #tpu.memory_space<vmem>>, vector<1x16xf32>,
      %slice3A_1832 = vector.extract_strided_slice %get3A_1171 {offsets = [10], sizes = [1], strides = [1]} : vector<16xi32> to vector<1xi32>
      %squeeze3A_1833 = vector.extract %slice3A_1832[0] : i32 from vector<1xi32>
      %add3A_1834 = arith.constant 0 : i32
      %add3A_1835 = arith.addi %squeeze3A_1833, %add3A_1834 : i32
      %get3A_1836 = arith.constant 194 : i32
      %get3A_1837 = arith.index_cast %get3A_1836 : i32 to index
      %get3A_1838 = arith.index_cast %add3A_1835 : i32 to index
      %get3A_1839 = tpu.vector_load %arg10[%get3A_1837, %get3A_1838] {strides = array<i32>} : memref<200x128xf32, #tpu.memory_space<vmem>>, vector<1x16xf32>,
      %get3A_1840 = vector.shape_cast %get3A_1839 : vector<1x16xf32> to vector<16xf32>
      %mul3A_1841 = arith.constant 8.000000e+00 : f32
      %mul3A_1842 = vector.broadcast %mul3A_1841 : f32 to vector<16xf32>
      %mul3A_1843 = arith.mulf %get3A_1840, %mul3A_1842 : vector<16xf32>
      %swap3A_1844 = arith.constant 194 : i32
      %swap3A_1845 = arith.index_cast %swap3A_1844 : i32 to index
      %swap3A_1846 = arith.constant 0 : index
      %swap3A_1847 = tpu.vector_load %arg12[%swap3A_1845, %swap3A_1846] {strides = array<i32>} : memref<200x64xf32, #tpu.memory_space<vmem>>, vector<1x16xf32>,
      %swap3A_1848 = vector.shape_cast %swap3A_1847 : vector<1x16xf32> to vector<16xf32>
      %swap3A_1849 = vector.shape_cast %mul3A_1843 : vector<16xf32> to vector<1x16xf32>
      tpu.vector_store %arg12[%swap3A_1845, %swap3A_1846], %swap3A_1849 {strides = array<i32>} : memref<200x64xf32, #tpu.memory_space<vmem>>, vector<1x16xf32>,
      %add3A_1850 = arith.constant 16 : i32
      %add3A_1851 = arith.addi %squeeze3A_1833, %add3A_1850 : i32
      %get3A_1852 = arith.constant 194 : i32
      %get3A_1853 = arith.index_cast %get3A_1852 : i32 to index
      %get3A_1854 = arith.index_cast %add3A_1851 : i32 to index
      %get3A_1855 = tpu.vector_load %arg10[%get3A_1853, %get3A_1854] {strides = array<i32>} : memref<200x128xf32, #tpu.memory_space<vmem>>, vector<1x16xf32>,
      %get3A_1856 = vector.shape_cast %get3A_1855 : vector<1x16xf32> to vector<16xf32>
      %mul3A_1857 = arith.constant 8.000000e+00 : f32
      %mul3A_1858 = vector.broadcast %mul3A_1857 : f32 to vector<16xf32>
      %mul3A_1859 = arith.mulf %get3A_1856, %mul3A_1858 : vector<16xf32>
      %swap3A_1860 = arith.constant 194 : i32
      %swap3A_1861 = arith.index_cast %swap3A_1860 : i32 to index
      %swap3A_1862 = arith.constant 16 : index
      %swap3A_1863 = tpu.vector_load %arg12[%swap3A_1861, %swap3A_1862] {strides = array<i32>} : memref<200x64xf32, #tpu.memory_space<vmem>>, vector<1x16xf32>,
      %swap3A_1864 = vector.shape_cast %swap3A_1863 : vector<1x16xf32> to vector<16xf32>
      %swap3A_1865 = vector.shape_cast %mul3A_1859 : vector<16xf32> to vector<1x16xf32>
      tpu.vector_store %arg12[%swap3A_1861, %swap3A_1862], %swap3A_1865 {strides = array<i32>} : memref<200x64xf32, #tpu.memory_space<vmem>>, vector<1x16xf32>,
      %add3A_1866 = arith.constant 32 : i32
      %add3A_1867 = arith.addi %squeeze3A_1833, %add3A_1866 : i32
      %get3A_1868 = arith.constant 194 : i32
      %get3A_1869 = arith.index_cast %get3A_1868 : i32 to index
      %get3A_1870 = arith.index_cast %add3A_1867 : i32 to index
      %get3A_1871 = tpu.vector_load %arg10[%get3A_1869, %get3A_1870] {strides = array<i32>} : memref<200x128xf32, #tpu.memory_space<vmem>>, vector<1x16xf32>,
      %get3A_1872 = vector.shape_cast %get3A_1871 : vector<1x16xf32> to vector<16xf32>
      %mul3A_1873 = arith.constant 8.000000e+00 : f32
      %mul3A_1874 = vector.broadcast %mul3A_1873 : f32 to vector<16xf32>
      %mul3A_1875 = arith.mulf %get3A_1872, %mul3A_1874 : vector<16xf32>
      %swap3A_1876 = arith.constant 194 : i32
      %swap3A_1877 = arith.index_cast %swap3A_1876 : i32 to index
      %swap3A_1878 = arith.constant 32 : index
      %swap3A_1879 = tpu.vector_load %arg12[%swap3A_1877, %swap3A_1878] {strides = array<i32>} : memref<200x64xf32, #tpu.memory_space<vmem>>, vector<1x16xf32>,
      %swap3A_1880 = vector.shape_cast %swap3A_1879 : vector<1x16xf32> to vector<16xf32>
      %swap3A_1881 = vector.shape_cast %mul3A_1875 : vector<16xf32> to vector<1x16xf32>
      tpu.vector_store %arg12[%swap3A_1877, %swap3A_1878], %swap3A_1881 {strides = array<i32>} : memref<200x64xf32, #tpu.memory_space<vmem>>, vector<1x16xf32>,
      %add3A_1882 = arith.constant 48 : i32
      %add3A_1883 = arith.addi %squeeze3A_1833, %add3A_1882 : i32
      %get3A_1884 = arith.constant 194 : i32
      %get3A_1885 = arith.index_cast %get3A_1884 : i32 to index
      %get3A_1886 = arith.index_cast %add3A_1883 : i32 to index
      %get3A_1887 = tpu.vector_load %arg10[%get3A_1885, %get3A_1886] {strides = array<i32>} : memref<200x128xf32, #tpu.memory_space<vmem>>, vector<1x16xf32>,
      %get3A_1888 = vector.shape_cast %get3A_1887 : vector<1x16xf32> to vector<16xf32>
      %mul3A_1889 = arith.constant 8.000000e+00 : f32
      %mul3A_1890 = vector.broadcast %mul3A_1889 : f32 to vector<16xf32>
      %mul3A_1891 = arith.mulf %get3A_1888, %mul3A_1890 : vector<16xf32>
      %swap3A_1892 = arith.constant 194 : i32
      %swap3A_1893 = arith.index_cast %swap3A_1892 : i32 to index
      %swap3A_1894 = arith.constant 48 : index
      %swap3A_1895 = tpu.vector_load %arg12[%swap3A_1893, %swap3A_1894] {strides = array<i32>} : memref<200x64xf32, #tpu.memory_space<vmem>>, vector<1x16xf32>,
      %swap3A_1896 = vector.shape_cast %swap3A_1895 : vector<1x16xf32> to vector<16xf32>
      %swap3A_1897 = vector.shape_cast %mul3A_1891 : vector<16xf32> to vector<1x16xf32>
      tpu.vector_store %arg12[%swap3A_1893, %swap3A_1894], %swap3A_1897 {strides = array<i32>} : memref<200x64xf32, #tpu.memory_space<vmem>>, vector<1x16xf32>,
      %slice3A_1898 = vector.extract_strided_slice %get3A_1171 {offsets = [11], sizes = [1], strides = [1]} : vector<16xi32> to vector<1xi32>
      %squeeze3A_1899 = vector.extract %slice3A_1898[0] : i32 from vector<1xi32>
      %add3A_1900 = arith.constant 0 : i32
      %add3A_1901 = arith.addi %squeeze3A_1899, %add3A_1900 : i32
      %get3A_1902 = arith.constant 195 : i32
      %get3A_1903 = arith.index_cast %get3A_1902 : i32 to index
      %get3A_1904 = arith.index_cast %add3A_1901 : i32 to index
      %get3A_1905 = tpu.vector_load %arg10[%get3A_1903, %get3A_1904] {strides = array<i32>} : memref<200x128xf32, #tpu.memory_space<vmem>>, vector<1x16xf32>,
      %get3A_1906 = vector.shape_cast %get3A_1905 : vector<1x16xf32> to vector<16xf32>
      %mul3A_1907 = arith.constant 8.000000e+00 : f32
      %mul3A_1908 = vector.broadcast %mul3A_1907 : f32 to vector<16xf32>
      %mul3A_1909 = arith.mulf %get3A_1906, %mul3A_1908 : vector<16xf32>
      %swap3A_1910 = arith.constant 195 : i32
      %swap3A_1911 = arith.index_cast %swap3A_1910 : i32 to index
      %swap3A_1912 = arith.constant 0 : index
      %swap3A_1913 = tpu.vector_load %arg12[%swap3A_1911, %swap3A_1912] {strides = array<i32>} : memref<200x64xf32, #tpu.memory_space<vmem>>, vector<1x16xf32>,
      %swap3A_1914 = vector.shape_cast %swap3A_1913 : vector<1x16xf32> to vector<16xf32>
      %swap3A_1915 = vector.shape_cast %mul3A_1909 : vector<16xf32> to vector<1x16xf32>
      tpu.vector_store %arg12[%swap3A_1911, %swap3A_1912], %swap3A_1915 {strides = array<i32>} : memref<200x64xf32, #tpu.memory_space<vmem>>, vector<1x16xf32>,
      %add3A_1916 = arith.constant 16 : i32
      %add3A_1917 = arith.addi %squeeze3A_1899, %add3A_1916 : i32
      %get3A_1918 = arith.constant 195 : i32
      %get3A_1919 = arith.index_cast %get3A_1918 : i32 to index
      %get3A_1920 = arith.index_cast %add3A_1917 : i32 to index
      %get3A_1921 = tpu.vector_load %arg10[%get3A_1919, %get3A_1920] {strides = array<i32>} : memref<200x128xf32, #tpu.memory_space<vmem>>, vector<1x16xf32>,
      %get3A_1922 = vector.shape_cast %get3A_1921 : vector<1x16xf32> to vector<16xf32>
      %mul3A_1923 = arith.constant 8.000000e+00 : f32
      %mul3A_1924 = vector.broadcast %mul3A_1923 : f32 to vector<16xf32>
      %mul3A_1925 = arith.mulf %get3A_1922, %mul3A_1924 : vector<16xf32>
      %swap3A_1926 = arith.constant 195 : i32
      %swap3A_1927 = arith.index_cast %swap3A_1926 : i32 to index
      %swap3A_1928 = arith.constant 16 : index
      %swap3A_1929 = tpu.vector_load %arg12[%swap3A_1927, %swap3A_1928] {strides = array<i32>} : memref<200x64xf32, #tpu.memory_space<vmem>>, vector<1x16xf32>,
      %swap3A_1930 = vector.shape_cast %swap3A_1929 : vector<1x16xf32> to vector<16xf32>
      %swap3A_1931 = vector.shape_cast %mul3A_1925 : vector<16xf32> to vector<1x16xf32>
      tpu.vector_store %arg12[%swap3A_1927, %swap3A_1928], %swap3A_1931 {strides = array<i32>} : memref<200x64xf32, #tpu.memory_space<vmem>>, vector<1x16xf32>,
      %add3A_1932 = arith.constant 32 : i32
      %add3A_1933 = arith.addi %squeeze3A_1899, %add3A_1932 : i32
      %get3A_1934 = arith.constant 195 : i32
      %get3A_1935 = arith.index_cast %get3A_1934 : i32 to index
      %get3A_1936 = arith.index_cast %add3A_1933 : i32 to index
      %get3A_1937 = tpu.vector_load %arg10[%get3A_1935, %get3A_1936] {strides = array<i32>} : memref<200x128xf32, #tpu.memory_space<vmem>>, vector<1x16xf32>,
      %get3A_1938 = vector.shape_cast %get3A_1937 : vector<1x16xf32> to vector<16xf32>
      %mul3A_1939 = arith.constant 8.000000e+00 : f32
      %mul3A_1940 = vector.broadcast %mul3A_1939 : f32 to vector<16xf32>
      %mul3A_1941 = arith.mulf %get3A_1938, %mul3A_1940 : vector<16xf32>
      %swap3A_1942 = arith.constant 195 : i32
      %swap3A_1943 = arith.index_cast %swap3A_1942 : i32 to index
      %swap3A_1944 = arith.constant 32 : index
      %swap3A_1945 = tpu.vector_load %arg12[%swap3A_1943, %swap3A_1944] {strides = array<i32>} : memref<200x64xf32, #tpu.memory_space<vmem>>, vector<1x16xf32>,
      %swap3A_1946 = vector.shape_cast %swap3A_1945 : vector<1x16xf32> to vector<16xf32>
      %swap3A_1947 = vector.shape_cast %mul3A_1941 : vector<16xf32> to vector<1x16xf32>
      tpu.vector_store %arg12[%swap3A_1943, %swap3A_1944], %swap3A_1947 {strides = array<i32>} : memref<200x64xf32, #tpu.memory_space<vmem>>, vector<1x16xf32>,
      %add3A_1948 = arith.constant 48 : i32
      %add3A_1949 = arith.addi %squeeze3A_1899, %add3A_1948 : i32
      %get3A_1950 = arith.constant 195 : i32
      %get3A_1951 = arith.index_cast %get3A_1950 : i32 to index
      %get3A_1952 = arith.index_cast %add3A_1949 : i32 to index
      %get3A_1953 = tpu.vector_load %arg10[%get3A_1951, %get3A_1952] {strides = array<i32>} : memref<200x128xf32, #tpu.memory_space<vmem>>, vector<1x16xf32>,
      %get3A_1954 = vector.shape_cast %get3A_1953 : vector<1x16xf32> to vector<16xf32>
      %mul3A_1955 = arith.constant 8.000000e+00 : f32
      %mul3A_1956 = vector.broadcast %mul3A_1955 : f32 to vector<16xf32>
      %mul3A_1957 = arith.mulf %get3A_1954, %mul3A_1956 : vector<16xf32>
      %swap3A_1958 = arith.constant 195 : i32
      %swap3A_1959 = arith.index_cast %swap3A_1958 : i32 to index
      %swap3A_1960 = arith.constant 48 : index
      %swap3A_1961 = tpu.vector_load %arg12[%swap3A_1959, %swap3A_1960] {strides = array<i32>} : memref<200x64xf32, #tpu.memory_space<vmem>>, vector<1x16xf32>,
      %swap3A_1962 = vector.shape_cast %swap3A_1961 : vector<1x16xf32> to vector<16xf32>
      %swap3A_1963 = vector.shape_cast %mul3A_1957 : vector<16xf32> to vector<1x16xf32>
      tpu.vector_store %arg12[%swap3A_1959, %swap3A_1960], %swap3A_1963 {strides = array<i32>} : memref<200x64xf32, #tpu.memory_space<vmem>>, vector<1x16xf32>,
      %slice3A_1964 = vector.extract_strided_slice %get3A_1171 {offsets = [12], sizes = [1], strides = [1]} : vector<16xi32> to vector<1xi32>
      %squeeze3A_1965 = vector.extract %slice3A_1964[0] : i32 from vector<1xi32>
      %add3A_1966 = arith.constant 0 : i32
      %add3A_1967 = arith.addi %squeeze3A_1965, %add3A_1966 : i32
      %get3A_1968 = arith.constant 196 : i32
      %get3A_1969 = arith.index_cast %get3A_1968 : i32 to index
      %get3A_1970 = arith.index_cast %add3A_1967 : i32 to index
      %get3A_1971 = tpu.vector_load %arg10[%get3A_1969, %get3A_1970] {strides = array<i32>} : memref<200x128xf32, #tpu.memory_space<vmem>>, vector<1x16xf32>,
      %get3A_1972 = vector.shape_cast %get3A_1971 : vector<1x16xf32> to vector<16xf32>
      %mul3A_1973 = arith.constant 8.000000e+00 : f32
      %mul3A_1974 = vector.broadcast %mul3A_1973 : f32 to vector<16xf32>
      %mul3A_1975 = arith.mulf %get3A_1972, %mul3A_1974 : vector<16xf32>
      %swap3A_1976 = arith.constant 196 : i32
      %swap3A_1977 = arith.index_cast %swap3A_1976 : i32 to index
      %swap3A_1978 = arith.constant 0 : index
      %swap3A_1979 = tpu.vector_load %arg12[%swap3A_1977, %swap3A_1978] {strides = array<i32>} : memref<200x64xf32, #tpu.memory_space<vmem>>, vector<1x16xf32>,
      %swap3A_1980 = vector.shape_cast %swap3A_1979 : vector<1x16xf32> to vector<16xf32>
      %swap3A_1981 = vector.shape_cast %mul3A_1975 : vector<16xf32> to vector<1x16xf32>
      tpu.vector_store %arg12[%swap3A_1977, %swap3A_1978], %swap3A_1981 {strides = array<i32>} : memref<200x64xf32, #tpu.memory_space<vmem>>, vector<1x16xf32>,
      %add3A_1982 = arith.constant 16 : i32
      %add3A_1983 = arith.addi %squeeze3A_1965, %add3A_1982 : i32
      %get3A_1984 = arith.constant 196 : i32
      %get3A_1985 = arith.index_cast %get3A_1984 : i32 to index
      %get3A_1986 = arith.index_cast %add3A_1983 : i32 to index
      %get3A_1987 = tpu.vector_load %arg10[%get3A_1985, %get3A_1986] {strides = array<i32>} : memref<200x128xf32, #tpu.memory_space<vmem>>, vector<1x16xf32>,
      %get3A_1988 = vector.shape_cast %get3A_1987 : vector<1x16xf32> to vector<16xf32>
      %mul3A_1989 = arith.constant 8.000000e+00 : f32
      %mul3A_1990 = vector.broadcast %mul3A_1989 : f32 to vector<16xf32>
      %mul3A_1991 = arith.mulf %get3A_1988, %mul3A_1990 : vector<16xf32>
      %swap3A_1992 = arith.constant 196 : i32
      %swap3A_1993 = arith.index_cast %swap3A_1992 : i32 to index
      %swap3A_1994 = arith.constant 16 : index
      %swap3A_1995 = tpu.vector_load %arg12[%swap3A_1993, %swap3A_1994] {strides = array<i32>} : memref<200x64xf32, #tpu.memory_space<vmem>>, vector<1x16xf32>,
      %swap3A_1996 = vector.shape_cast %swap3A_1995 : vector<1x16xf32> to vector<16xf32>
      %swap3A_1997 = vector.shape_cast %mul3A_1991 : vector<16xf32> to vector<1x16xf32>
      tpu.vector_store %arg12[%swap3A_1993, %swap3A_1994], %swap3A_1997 {strides = array<i32>} : memref<200x64xf32, #tpu.memory_space<vmem>>, vector<1x16xf32>,
      %add3A_1998 = arith.constant 32 : i32
      %add3A_1999 = arith.addi %squeeze3A_1965, %add3A_1998 : i32
      %get3A_2000 = arith.constant 196 : i32
      %get3A_2001 = arith.index_cast %get3A_2000 : i32 to index
      %get3A_2002 = arith.index_cast %add3A_1999 : i32 to index
      %get3A_2003 = tpu.vector_load %arg10[%get3A_2001, %get3A_2002] {strides = array<i32>} : memref<200x128xf32, #tpu.memory_space<vmem>>, vector<1x16xf32>,
      %get3A_2004 = vector.shape_cast %get3A_2003 : vector<1x16xf32> to vector<16xf32>
      %mul3A_2005 = arith.constant 8.000000e+00 : f32
      %mul3A_2006 = vector.broadcast %mul3A_2005 : f32 to vector<16xf32>
      %mul3A_2007 = arith.mulf %get3A_2004, %mul3A_2006 : vector<16xf32>
      %swap3A_2008 = arith.constant 196 : i32
      %swap3A_2009 = arith.index_cast %swap3A_2008 : i32 to index
      %swap3A_2010 = arith.constant 32 : index
      %swap3A_2011 = tpu.vector_load %arg12[%swap3A_2009, %swap3A_2010] {strides = array<i32>} : memref<200x64xf32, #tpu.memory_space<vmem>>, vector<1x16xf32>,
      %swap3A_2012 = vector.shape_cast %swap3A_2011 : vector<1x16xf32> to vector<16xf32>
      %swap3A_2013 = vector.shape_cast %mul3A_2007 : vector<16xf32> to vector<1x16xf32>
      tpu.vector_store %arg12[%swap3A_2009, %swap3A_2010], %swap3A_2013 {strides = array<i32>} : memref<200x64xf32, #tpu.memory_space<vmem>>, vector<1x16xf32>,
      %add3A_2014 = arith.constant 48 : i32
      %add3A_2015 = arith.addi %squeeze3A_1965, %add3A_2014 : i32
      %get3A_2016 = arith.constant 196 : i32
      %get3A_2017 = arith.index_cast %get3A_2016 : i32 to index
      %get3A_2018 = arith.index_cast %add3A_2015 : i32 to index
      %get3A_2019 = tpu.vector_load %arg10[%get3A_2017, %get3A_2018] {strides = array<i32>} : memref<200x128xf32, #tpu.memory_space<vmem>>, vector<1x16xf32>,
      %get3A_2020 = vector.shape_cast %get3A_2019 : vector<1x16xf32> to vector<16xf32>
      %mul3A_2021 = arith.constant 8.000000e+00 : f32
      %mul3A_2022 = vector.broadcast %mul3A_2021 : f32 to vector<16xf32>
      %mul3A_2023 = arith.mulf %get3A_2020, %mul3A_2022 : vector<16xf32>
      %swap3A_2024 = arith.constant 196 : i32
      %swap3A_2025 = arith.index_cast %swap3A_2024 : i32 to index
      %swap3A_2026 = arith.constant 48 : index
      %swap3A_2027 = tpu.vector_load %arg12[%swap3A_2025, %swap3A_2026] {strides = array<i32>} : memref<200x64xf32, #tpu.memory_space<vmem>>, vector<1x16xf32>,
      %swap3A_2028 = vector.shape_cast %swap3A_2027 : vector<1x16xf32> to vector<16xf32>
      %swap3A_2029 = vector.shape_cast %mul3A_2023 : vector<16xf32> to vector<1x16xf32>
      tpu.vector_store %arg12[%swap3A_2025, %swap3A_2026], %swap3A_2029 {strides = array<i32>} : memref<200x64xf32, #tpu.memory_space<vmem>>, vector<1x16xf32>,
      %slice3A_2030 = vector.extract_strided_slice %get3A_1171 {offsets = [13], sizes = [1], strides = [1]} : vector<16xi32> to vector<1xi32>
      %squeeze3A_2031 = vector.extract %slice3A_2030[0] : i32 from vector<1xi32>
      %add3A_2032 = arith.constant 0 : i32
      %add3A_2033 = arith.addi %squeeze3A_2031, %add3A_2032 : i32
      %get3A_2034 = arith.constant 197 : i32
      %get3A_2035 = arith.index_cast %get3A_2034 : i32 to index
      %get3A_2036 = arith.index_cast %add3A_2033 : i32 to index
      %get3A_2037 = tpu.vector_load %arg10[%get3A_2035, %get3A_2036] {strides = array<i32>} : memref<200x128xf32, #tpu.memory_space<vmem>>, vector<1x16xf32>,
      %get3A_2038 = vector.shape_cast %get3A_2037 : vector<1x16xf32> to vector<16xf32>
      %mul3A_2039 = arith.constant 8.000000e+00 : f32
      %mul3A_2040 = vector.broadcast %mul3A_2039 : f32 to vector<16xf32>
      %mul3A_2041 = arith.mulf %get3A_2038, %mul3A_2040 : vector<16xf32>
      %swap3A_2042 = arith.constant 197 : i32
      %swap3A_2043 = arith.index_cast %swap3A_2042 : i32 to index
      %swap3A_2044 = arith.constant 0 : index
      %swap3A_2045 = tpu.vector_load %arg12[%swap3A_2043, %swap3A_2044] {strides = array<i32>} : memref<200x64xf32, #tpu.memory_space<vmem>>, vector<1x16xf32>,
      %swap3A_2046 = vector.shape_cast %swap3A_2045 : vector<1x16xf32> to vector<16xf32>
      %swap3A_2047 = vector.shape_cast %mul3A_2041 : vector<16xf32> to vector<1x16xf32>
      tpu.vector_store %arg12[%swap3A_2043, %swap3A_2044], %swap3A_2047 {strides = array<i32>} : memref<200x64xf32, #tpu.memory_space<vmem>>, vector<1x16xf32>,
      %add3A_2048 = arith.constant 16 : i32
      %add3A_2049 = arith.addi %squeeze3A_2031, %add3A_2048 : i32
      %get3A_2050 = arith.constant 197 : i32
      %get3A_2051 = arith.index_cast %get3A_2050 : i32 to index
      %get3A_2052 = arith.index_cast %add3A_2049 : i32 to index
      %get3A_2053 = tpu.vector_load %arg10[%get3A_2051, %get3A_2052] {strides = array<i32>} : memref<200x128xf32, #tpu.memory_space<vmem>>, vector<1x16xf32>,
      %get3A_2054 = vector.shape_cast %get3A_2053 : vector<1x16xf32> to vector<16xf32>
      %mul3A_2055 = arith.constant 8.000000e+00 : f32
      %mul3A_2056 = vector.broadcast %mul3A_2055 : f32 to vector<16xf32>
      %mul3A_2057 = arith.mulf %get3A_2054, %mul3A_2056 : vector<16xf32>
      %swap3A_2058 = arith.constant 197 : i32
      %swap3A_2059 = arith.index_cast %swap3A_2058 : i32 to index
      %swap3A_2060 = arith.constant 16 : index
      %swap3A_2061 = tpu.vector_load %arg12[%swap3A_2059, %swap3A_2060] {strides = array<i32>} : memref<200x64xf32, #tpu.memory_space<vmem>>, vector<1x16xf32>,
      %swap3A_2062 = vector.shape_cast %swap3A_2061 : vector<1x16xf32> to vector<16xf32>
      %swap3A_2063 = vector.shape_cast %mul3A_2057 : vector<16xf32> to vector<1x16xf32>
      tpu.vector_store %arg12[%swap3A_2059, %swap3A_2060], %swap3A_2063 {strides = array<i32>} : memref<200x64xf32, #tpu.memory_space<vmem>>, vector<1x16xf32>,
      %add3A_2064 = arith.constant 32 : i32
      %add3A_2065 = arith.addi %squeeze3A_2031, %add3A_2064 : i32
      %get3A_2066 = arith.constant 197 : i32
      %get3A_2067 = arith.index_cast %get3A_2066 : i32 to index
      %get3A_2068 = arith.index_cast %add3A_2065 : i32 to index
      %get3A_2069 = tpu.vector_load %arg10[%get3A_2067, %get3A_2068] {strides = array<i32>} : memref<200x128xf32, #tpu.memory_space<vmem>>, vector<1x16xf32>,
      %get3A_2070 = vector.shape_cast %get3A_2069 : vector<1x16xf32> to vector<16xf32>
      %mul3A_2071 = arith.constant 8.000000e+00 : f32
      %mul3A_2072 = vector.broadcast %mul3A_2071 : f32 to vector<16xf32>
      %mul3A_2073 = arith.mulf %get3A_2070, %mul3A_2072 : vector<16xf32>
      %swap3A_2074 = arith.constant 197 : i32
      %swap3A_2075 = arith.index_cast %swap3A_2074 : i32 to index
      %swap3A_2076 = arith.constant 32 : index
      %swap3A_2077 = tpu.vector_load %arg12[%swap3A_2075, %swap3A_2076] {strides = array<i32>} : memref<200x64xf32, #tpu.memory_space<vmem>>, vector<1x16xf32>,
      %swap3A_2078 = vector.shape_cast %swap3A_2077 : vector<1x16xf32> to vector<16xf32>
      %swap3A_2079 = vector.shape_cast %mul3A_2073 : vector<16xf32> to vector<1x16xf32>
      tpu.vector_store %arg12[%swap3A_2075, %swap3A_2076], %swap3A_2079 {strides = array<i32>} : memref<200x64xf32, #tpu.memory_space<vmem>>, vector<1x16xf32>,
      %add3A_2080 = arith.constant 48 : i32
      %add3A_2081 = arith.addi %squeeze3A_2031, %add3A_2080 : i32
      %get3A_2082 = arith.constant 197 : i32
      %get3A_2083 = arith.index_cast %get3A_2082 : i32 to index
      %get3A_2084 = arith.index_cast %add3A_2081 : i32 to index
      %get3A_2085 = tpu.vector_load %arg10[%get3A_2083, %get3A_2084] {strides = array<i32>} : memref<200x128xf32, #tpu.memory_space<vmem>>, vector<1x16xf32>,
      %get3A_2086 = vector.shape_cast %get3A_2085 : vector<1x16xf32> to vector<16xf32>
      %mul3A_2087 = arith.constant 8.000000e+00 : f32
      %mul3A_2088 = vector.broadcast %mul3A_2087 : f32 to vector<16xf32>
      %mul3A_2089 = arith.mulf %get3A_2086, %mul3A_2088 : vector<16xf32>
      %swap3A_2090 = arith.constant 197 : i32
      %swap3A_2091 = arith.index_cast %swap3A_2090 : i32 to index
      %swap3A_2092 = arith.constant 48 : index
      %swap3A_2093 = tpu.vector_load %arg12[%swap3A_2091, %swap3A_2092] {strides = array<i32>} : memref<200x64xf32, #tpu.memory_space<vmem>>, vector<1x16xf32>,
      %swap3A_2094 = vector.shape_cast %swap3A_2093 : vector<1x16xf32> to vector<16xf32>
      %swap3A_2095 = vector.shape_cast %mul3A_2089 : vector<16xf32> to vector<1x16xf32>
      tpu.vector_store %arg12[%swap3A_2091, %swap3A_2092], %swap3A_2095 {strides = array<i32>} : memref<200x64xf32, #tpu.memory_space<vmem>>, vector<1x16xf32>,
      %slice3A_2096 = vector.extract_strided_slice %get3A_1171 {offsets = [14], sizes = [1], strides = [1]} : vector<16xi32> to vector<1xi32>
      %squeeze3A_2097 = vector.extract %slice3A_2096[0] : i32 from vector<1xi32>
      %add3A_2098 = arith.constant 0 : i32
      %add3A_2099 = arith.addi %squeeze3A_2097, %add3A_2098 : i32
      %get3A_2100 = arith.constant 198 : i32
      %get3A_2101 = arith.index_cast %get3A_2100 : i32 to index
      %get3A_2102 = arith.index_cast %add3A_2099 : i32 to index
      %get3A_2103 = tpu.vector_load %arg10[%get3A_2101, %get3A_2102] {strides = array<i32>} : memref<200x128xf32, #tpu.memory_space<vmem>>, vector<1x16xf32>,
      %get3A_2104 = vector.shape_cast %get3A_2103 : vector<1x16xf32> to vector<16xf32>
      %mul3A_2105 = arith.constant 8.000000e+00 : f32
      %mul3A_2106 = vector.broadcast %mul3A_2105 : f32 to vector<16xf32>
      %mul3A_2107 = arith.mulf %get3A_2104, %mul3A_2106 : vector<16xf32>
      %swap3A_2108 = arith.constant 198 : i32
      %swap3A_2109 = arith.index_cast %swap3A_2108 : i32 to index
      %swap3A_2110 = arith.constant 0 : index
      %swap3A_2111 = tpu.vector_load %arg12[%swap3A_2109, %swap3A_2110] {strides = array<i32>} : memref<200x64xf32, #tpu.memory_space<vmem>>, vector<1x16xf32>,
      %swap3A_2112 = vector.shape_cast %swap3A_2111 : vector<1x16xf32> to vector<16xf32>
      %swap3A_2113 = vector.shape_cast %mul3A_2107 : vector<16xf32> to vector<1x16xf32>
      tpu.vector_store %arg12[%swap3A_2109, %swap3A_2110], %swap3A_2113 {strides = array<i32>} : memref<200x64xf32, #tpu.memory_space<vmem>>, vector<1x16xf32>,
      %add3A_2114 = arith.constant 16 : i32
      %add3A_2115 = arith.addi %squeeze3A_2097, %add3A_2114 : i32
      %get3A_2116 = arith.constant 198 : i32
      %get3A_2117 = arith.index_cast %get3A_2116 : i32 to index
      %get3A_2118 = arith.index_cast %add3A_2115 : i32 to index
      %get3A_2119 = tpu.vector_load %arg10[%get3A_2117, %get3A_2118] {strides = array<i32>} : memref<200x128xf32, #tpu.memory_space<vmem>>, vector<1x16xf32>,
      %get3A_2120 = vector.shape_cast %get3A_2119 : vector<1x16xf32> to vector<16xf32>
      %mul3A_2121 = arith.constant 8.000000e+00 : f32
      %mul3A_2122 = vector.broadcast %mul3A_2121 : f32 to vector<16xf32>
      %mul3A_2123 = arith.mulf %get3A_2120, %mul3A_2122 : vector<16xf32>
      %swap3A_2124 = arith.constant 198 : i32
      %swap3A_2125 = arith.index_cast %swap3A_2124 : i32 to index
      %swap3A_2126 = arith.constant 16 : index
      %swap3A_2127 = tpu.vector_load %arg12[%swap3A_2125, %swap3A_2126] {strides = array<i32>} : memref<200x64xf32, #tpu.memory_space<vmem>>, vector<1x16xf32>,
      %swap3A_2128 = vector.shape_cast %swap3A_2127 : vector<1x16xf32> to vector<16xf32>
      %swap3A_2129 = vector.shape_cast %mul3A_2123 : vector<16xf32> to vector<1x16xf32>
      tpu.vector_store %arg12[%swap3A_2125, %swap3A_2126], %swap3A_2129 {strides = array<i32>} : memref<200x64xf32, #tpu.memory_space<vmem>>, vector<1x16xf32>,
      %add3A_2130 = arith.constant 32 : i32
      %add3A_2131 = arith.addi %squeeze3A_2097, %add3A_2130 : i32
      %get3A_2132 = arith.constant 198 : i32
      %get3A_2133 = arith.index_cast %get3A_2132 : i32 to index
      %get3A_2134 = arith.index_cast %add3A_2131 : i32 to index
      %get3A_2135 = tpu.vector_load %arg10[%get3A_2133, %get3A_2134] {strides = array<i32>} : memref<200x128xf32, #tpu.memory_space<vmem>>, vector<1x16xf32>,
      %get3A_2136 = vector.shape_cast %get3A_2135 : vector<1x16xf32> to vector<16xf32>
      %mul3A_2137 = arith.constant 8.000000e+00 : f32
      %mul3A_2138 = vector.broadcast %mul3A_2137 : f32 to vector<16xf32>
      %mul3A_2139 = arith.mulf %get3A_2136, %mul3A_2138 : vector<16xf32>
      %swap3A_2140 = arith.constant 198 : i32
      %swap3A_2141 = arith.index_cast %swap3A_2140 : i32 to index
      %swap3A_2142 = arith.constant 32 : index
      %swap3A_2143 = tpu.vector_load %arg12[%swap3A_2141, %swap3A_2142] {strides = array<i32>} : memref<200x64xf32, #tpu.memory_space<vmem>>, vector<1x16xf32>,
      %swap3A_2144 = vector.shape_cast %swap3A_2143 : vector<1x16xf32> to vector<16xf32>
      %swap3A_2145 = vector.shape_cast %mul3A_2139 : vector<16xf32> to vector<1x16xf32>
      tpu.vector_store %arg12[%swap3A_2141, %swap3A_2142], %swap3A_2145 {strides = array<i32>} : memref<200x64xf32, #tpu.memory_space<vmem>>, vector<1x16xf32>,
      %add3A_2146 = arith.constant 48 : i32
      %add3A_2147 = arith.addi %squeeze3A_2097, %add3A_2146 : i32
      %get3A_2148 = arith.constant 198 : i32
      %get3A_2149 = arith.index_cast %get3A_2148 : i32 to index
      %get3A_2150 = arith.index_cast %add3A_2147 : i32 to index
      %get3A_2151 = tpu.vector_load %arg10[%get3A_2149, %get3A_2150] {strides = array<i32>} : memref<200x128xf32, #tpu.memory_space<vmem>>, vector<1x16xf32>,
      %get3A_2152 = vector.shape_cast %get3A_2151 : vector<1x16xf32> to vector<16xf32>
      %mul3A_2153 = arith.constant 8.000000e+00 : f32
      %mul3A_2154 = vector.broadcast %mul3A_2153 : f32 to vector<16xf32>
      %mul3A_2155 = arith.mulf %get3A_2152, %mul3A_2154 : vector<16xf32>
      %swap3A_2156 = arith.constant 198 : i32
      %swap3A_2157 = arith.index_cast %swap3A_2156 : i32 to index
      %swap3A_2158 = arith.constant 48 : index
      %swap3A_2159 = tpu.vector_load %arg12[%swap3A_2157, %swap3A_2158] {strides = array<i32>} : memref<200x64xf32, #tpu.memory_space<vmem>>, vector<1x16xf32>,
      %swap3A_2160 = vector.shape_cast %swap3A_2159 : vector<1x16xf32> to vector<16xf32>
      %swap3A_2161 = vector.shape_cast %mul3A_2155 : vector<16xf32> to vector<1x16xf32>
      tpu.vector_store %arg12[%swap3A_2157, %swap3A_2158], %swap3A_2161 {strides = array<i32>} : memref<200x64xf32, #tpu.memory_space<vmem>>, vector<1x16xf32>,
      %slice3A_2162 = vector.extract_strided_slice %get3A_1171 {offsets = [15], sizes = [1], strides = [1]} : vector<16xi32> to vector<1xi32>
      %squeeze3A_2163 = vector.extract %slice3A_2162[0] : i32 from vector<1xi32>
      %add3A_2164 = arith.constant 0 : i32
      %add3A_2165 = arith.addi %squeeze3A_2163, %add3A_2164 : i32
      %get3A_2166 = arith.constant 199 : i32
      %get3A_2167 = arith.index_cast %get3A_2166 : i32 to index
      %get3A_2168 = arith.index_cast %add3A_2165 : i32 to index
      %get3A_2169 = tpu.vector_load %arg10[%get3A_2167, %get3A_2168] {strides = array<i32>} : memref<200x128xf32, #tpu.memory_space<vmem>>, vector<1x16xf32>,
      %get3A_2170 = vector.shape_cast %get3A_2169 : vector<1x16xf32> to vector<16xf32>
      %mul3A_2171 = arith.constant 8.000000e+00 : f32
      %mul3A_2172 = vector.broadcast %mul3A_2171 : f32 to vector<16xf32>
      %mul3A_2173 = arith.mulf %get3A_2170, %mul3A_2172 : vector<16xf32>
      %swap3A_2174 = arith.constant 199 : i32
      %swap3A_2175 = arith.index_cast %swap3A_2174 : i32 to index
      %swap3A_2176 = arith.constant 0 : index
      %swap3A_2177 = tpu.vector_load %arg12[%swap3A_2175, %swap3A_2176] {strides = array<i32>} : memref<200x64xf32, #tpu.memory_space<vmem>>, vector<1x16xf32>,
      %swap3A_2178 = vector.shape_cast %swap3A_2177 : vector<1x16xf32> to vector<16xf32>
      %swap3A_2179 = vector.shape_cast %mul3A_2173 : vector<16xf32> to vector<1x16xf32>
      tpu.vector_store %arg12[%swap3A_2175, %swap3A_2176], %swap3A_2179 {strides = array<i32>} : memref<200x64xf32, #tpu.memory_space<vmem>>, vector<1x16xf32>,
      %add3A_2180 = arith.constant 16 : i32
      %add3A_2181 = arith.addi %squeeze3A_2163, %add3A_2180 : i32
      %get3A_2182 = arith.constant 199 : i32
      %get3A_2183 = arith.index_cast %get3A_2182 : i32 to index
      %get3A_2184 = arith.index_cast %add3A_2181 : i32 to index
      %get3A_2185 = tpu.vector_load %arg10[%get3A_2183, %get3A_2184] {strides = array<i32>} : memref<200x128xf32, #tpu.memory_space<vmem>>, vector<1x16xf32>,
      %get3A_2186 = vector.shape_cast %get3A_2185 : vector<1x16xf32> to vector<16xf32>
      %mul3A_2187 = arith.constant 8.000000e+00 : f32
      %mul3A_2188 = vector.broadcast %mul3A_2187 : f32 to vector<16xf32>
      %mul3A_2189 = arith.mulf %get3A_2186, %mul3A_2188 : vector<16xf32>
      %swap3A_2190 = arith.constant 199 : i32
      %swap3A_2191 = arith.index_cast %swap3A_2190 : i32 to index
      %swap3A_2192 = arith.constant 16 : index
      %swap3A_2193 = tpu.vector_load %arg12[%swap3A_2191, %swap3A_2192] {strides = array<i32>} : memref<200x64xf32, #tpu.memory_space<vmem>>, vector<1x16xf32>,
      %swap3A_2194 = vector.shape_cast %swap3A_2193 : vector<1x16xf32> to vector<16xf32>
      %swap3A_2195 = vector.shape_cast %mul3A_2189 : vector<16xf32> to vector<1x16xf32>
      tpu.vector_store %arg12[%swap3A_2191, %swap3A_2192], %swap3A_2195 {strides = array<i32>} : memref<200x64xf32, #tpu.memory_space<vmem>>, vector<1x16xf32>,
      %add3A_2196 = arith.constant 32 : i32
      %add3A_2197 = arith.addi %squeeze3A_2163, %add3A_2196 : i32
      %get3A_2198 = arith.constant 199 : i32
      %get3A_2199 = arith.index_cast %get3A_2198 : i32 to index
      %get3A_2200 = arith.index_cast %add3A_2197 : i32 to index
      %get3A_2201 = tpu.vector_load %arg10[%get3A_2199, %get3A_2200] {strides = array<i32>} : memref<200x128xf32, #tpu.memory_space<vmem>>, vector<1x16xf32>,
      %get3A_2202 = vector.shape_cast %get3A_2201 : vector<1x16xf32> to vector<16xf32>
      %mul3A_2203 = arith.constant 8.000000e+00 : f32
      %mul3A_2204 = vector.broadcast %mul3A_2203 : f32 to vector<16xf32>
      %mul3A_2205 = arith.mulf %get3A_2202, %mul3A_2204 : vector<16xf32>
      %swap3A_2206 = arith.constant 199 : i32
      %swap3A_2207 = arith.index_cast %swap3A_2206 : i32 to index
      %swap3A_2208 = arith.constant 32 : index
      %swap3A_2209 = tpu.vector_load %arg12[%swap3A_2207, %swap3A_2208] {strides = array<i32>} : memref<200x64xf32, #tpu.memory_space<vmem>>, vector<1x16xf32>,
      %swap3A_2210 = vector.shape_cast %swap3A_2209 : vector<1x16xf32> to vector<16xf32>
      %swap3A_2211 = vector.shape_cast %mul3A_2205 : vector<16xf32> to vector<1x16xf32>
      tpu.vector_store %arg12[%swap3A_2207, %swap3A_2208], %swap3A_2211 {strides = array<i32>} : memref<200x64xf32, #tpu.memory_space<vmem>>, vector<1x16xf32>,
      %add3A_2212 = arith.constant 48 : i32
      %add3A_2213 = arith.addi %squeeze3A_2163, %add3A_2212 : i32
      %get3A_2214 = arith.constant 199 : i32
      %get3A_2215 = arith.index_cast %get3A_2214 : i32 to index
      %get3A_2216 = arith.index_cast %add3A_2213 : i32 to index
      %get3A_2217 = tpu.vector_load %arg10[%get3A_2215, %get3A_2216] {strides = array<i32>} : memref<200x128xf32, #tpu.memory_space<vmem>>, vector<1x16xf32>,
      %get3A_2218 = vector.shape_cast %get3A_2217 : vector<1x16xf32> to vector<16xf32>
      %mul3A_2219 = arith.constant 8.000000e+00 : f32
      %mul3A_2220 = vector.broadcast %mul3A_2219 : f32 to vector<16xf32>
      %mul3A_2221 = arith.mulf %get3A_2218, %mul3A_2220 : vector<16xf32>
      %swap3A_2222 = arith.constant 199 : i32
      %swap3A_2223 = arith.index_cast %swap3A_2222 : i32 to index
      %swap3A_2224 = arith.constant 48 : index
      %swap3A_2225 = tpu.vector_load %arg12[%swap3A_2223, %swap3A_2224] {strides = array<i32>} : memref<200x64xf32, #tpu.memory_space<vmem>>, vector<1x16xf32>,
      %swap3A_2226 = vector.shape_cast %swap3A_2225 : vector<1x16xf32> to vector<16xf32>
      %swap3A_2227 = vector.shape_cast %mul3A_2221 : vector<16xf32> to vector<1x16xf32>
      tpu.vector_store %arg12[%swap3A_2223, %swap3A_2224], %swap3A_2227 {strides = array<i32>} : memref<200x64xf32, #tpu.memory_space<vmem>>, vector<1x16xf32>,
      %add3A_2228 = arith.addi %mul3A_2, %add3A_1134 : i32
      %mul3A_2229 = arith.constant 200 : i32
      %mul3A_2230 = arith.muli %add3A_2228, %mul3A_2229 : i32
      %multiple_of3A_2231 = tpu.assume_multiple %mul3A_2230, 8 : i32
      %dma_start3A_2232 = arith.constant 0 : i32
      %dma_start3A_2233 = tpu.memref_slice %arg5[%multiple_of3A_2231, %dma_start3A_2232] : memref<819200x64xf32, #tpu.memory_space<hbm>> -> memref<200x64xf32, #tpu.memory_space<hbm>>
      %dma_start3A_2234 = arith.constant 0 : i32
      %dma_start3A_2235 = tpu.memref_slice %arg5[%multiple_of3A_2231, %dma_start3A_2234] : memref<819200x64xf32, #tpu.memory_space<hbm>> -> memref<200x64xf32, #tpu.memory_space<hbm>>
      tpu.enqueue_dma source(%arg12 : memref<200x64xf32, #tpu.memory_space<vmem>>) target(%dma_start3A_2235 : memref<200x64xf32, #tpu.memory_space<hbm>>) target_semaphore(%arg16 : memref<!tpu.dma_semaphore, #tpu.memory_space<semaphore_mem>>)
    }
    %scan3A_29 = arith.constant 64 : i32
    %dma_wait3A = arith.constant 0 : i32
    %dma_wait3A_30 = arith.constant 0 : i32
    %dma_wait3A_31 = tpu.memref_slice %arg5[%dma_wait3A, %dma_wait3A_30] : memref<819200x64xf32, #tpu.memory_space<hbm>> -> memref<200x64xf32, #tpu.memory_space<hbm>>
    %dma_wait3A_32 = arith.constant 0 : i32
    %dma_wait3A_33 = arith.constant 0 : i32
    %dma_wait3A_34 = tpu.memref_slice %arg5[%dma_wait3A_32, %dma_wait3A_33] : memref<819200x64xf32, #tpu.memory_space<hbm>> -> memref<200x64xf32, #tpu.memory_space<hbm>>
    tpu.wait_dma2 semaphore(%arg16 : memref<!tpu.dma_semaphore, #tpu.memory_space<semaphore_mem>>) src(%arg12 : memref<200x64xf32, #tpu.memory_space<vmem>>) dst(%dma_wait3A_34 : memref<200x64xf32, #tpu.memory_space<hbm>>)
    return
  }
}

</mosaic_0001>

<sc_bundles>
// kernel: kernel.3.cloned.1.call-start
scs
__scs_entry_jumppad:
0x0: {  	(pc) =	sbr.rel $0x88, $3  }
0x1: {  	(tag) =	ssettag $0x0;
	lr =	simm.s32 $0x1  }
0x2: {  	[smem:$0x3F9F] =	sst lr;
	_ =	strace $0xD0000000  }
0x3: {  	_ = 	snop  }
0x4: {  	_ = 	snop  }
0x5: {  	_ = 	snop  }
0x6: {  	_ = 	snop  }
0x7: {  	_ = 	snop  }
__scs_overlays_trampoline_lowered:
0x8: {  	[smem:$0x3FAE] =	sst s0  }
0x9: {  	[smem:$0x3FAF] =	sst s1  }
0xa: {  	[smem:$0x3FB0] =	sst s2  }
0xb: {  	[smem:$0x3FB1] =	sst s3  }
0xc: {  	[smem:$0x3FB2] =	sst s4  }
0xd: {  	[smem:$0x3FB3] =	sst s5  }
0xe: {  	[smem:$0x3FB4] =	sst s6  }
0xf: {  	[smem:$0x3FB5] =	sst s7  }
0x10: {  	[smem:$0x3FB6] =	sst s8  }
0x11: {  	[smem:$0x3FB7] =	sst s9;
	s0 =	simm.s32 @!p0 $0x0  }
0x12: {  	s1 =	sld [smem:$0x3F9D];
	s0 =	simm.s32 @p0 $0x1  }
0x13: {  	[smem:$0x3FB8] =	sst s0;
	s0 =	simm.s32 @!p1 $0x0  }
0x14: {  	s2 =	sld [smem:$0x3F9C];
	s0 =	simm.s32 @p1 $0x1  }
0x15: {  	[smem:$0x3FB9] =	sst s0;
	s0 =	simm.s32 @!p2 $0x0  }
0x16: {  	s3 =	sld [smem:$0x3FDB];
	s0 =	simm.s32 @p2 $0x1  }
0x17: {  	s4 =	simm.s32 $0x1BF5;
	[smem:$0x3FBB] =	sst s0  }
0x18: {  	s0 =	sld [smem:$0x3F9E];
	_ =	swait.ge [sflag:s4], $0x0  }
0x19: {  	s7 =	sld [smem:$0x3F9F]  }
0x1a: {  	s8 =	sadd.s32 $0xFFFFE003, lr  }
0x1b: {  	s9 =	sadd.s32 $0xFFFFFEF7, lr;
	s5 =	simm.s32 $0xFFFFFFFF;
	p2 =	slt.u32 s8, $0xFFFFF086  }
0x1c: {  	p1 =	slt.u32 s9, $0xF7A;
	s5 =	simm.s32 @!p2 $0x0  }
0x1d: {  	s5 =	simm.s32 @p1 $0x1;
	p0 =	seq.s32 s7, s2  }
0x1e: {  	s7 =	smul.u32 @!p0 $0xF7A, s2;
	p2 =	seq.s32 @!p0 s5, $0x0  }
0x1f: {  	s9 =	smul.u32 $0xF7A, s1;
	s8 =	simm.s32 @!p0 $0x1BF5;
	p2 =	por !p2, p0  }
0x20: {  	[sflag:s8] =	ssyncset.s32 @!p0 $0xFFFFF086;
	s6 =	sadd.s32 @!p0 s3, s7;
	s7 =	simm.s32 @!p0 $0x108  }
0x21: {  	s3 =	sadd.s32 s3, s9;
	s6 =	sadd.s32 @!p0 $0x88, s6;
	s7 =	simm.s32 @p2 $0x1082  }
0x22: {  	[simem:s7], [sflag:s8] =	dma.local @!p0 [hbm:s6], $0xF7A  }
0x23: {  	s9 =	sor.u32 $0xD0000000, s2;
	s6 =	simm.s32 $0x108;
	_ =	swait.ge @!p0 [sflag:s8], $0x0  }
0x24: {  	s3 =	sadd.s32 $0x88, s3;
	s6 =	simm.s32 @!p1 $0x1082;
	[sflag:s4] =	ssyncset.s32 $0xFFFFF086  }
0x25: {  	[simem:s6], [sflag:s4] =	dma.local [hbm:s3], $0xF7A  }
0x26: {  	[smem:$0x3F9F] =	sst s1;
	(tag) =	ssettag s2;
	_ =	strace s9  }
0x27: {  	s1 =	sld [smem:$0x3FAF]  }
0x28: {  	s2 =	sld [smem:$0x3FB0]  }
0x29: {  	s4 =	sld [smem:$0x3FB2]  }
0x2a: {  	p0 =	seq.s32 s5, $0x0;
	s5 =	sld [smem:$0x3FB3]  }
0x2b: {  	s6 =	sld [smem:$0x3FB4]  }
0x2c: {  	s7 =	sld [smem:$0x3FB5]  }
0x2d: {  	s3 =	simm.s32 $0x108;
	s8 =	sld [smem:$0x3FB6]  }
0x2e: {  	s3 =	simm.s32 @!p0 $0x1082;
	s9 =	sld [smem:$0x3FB7]  }
0x2f: {  	lr =	sadd.s32 s0, s3;
	s0 =	sld [smem:$0x3FAE]  }
0x30: {  	s3 =	sld [smem:$0x3FB1]  }
0x31: {  	[smem:$0x3FBA] =	sst s10  }
0x32: {  	s10 =	sld [smem:$0x3FB8];
	_ =	sdelay $0x3  }
0x33: {  	p0 =	seq.s32 s10, $0x1;
	s10 =	sld [smem:$0x3FBA];
	_ =	sdelay $0x3  }
0x34: {  	[smem:$0x3FBA] =	sst s10  }
0x35: {  	s10 =	sld [smem:$0x3FB9];
	_ =	sdelay $0x3  }
0x36: {  	p1 =	seq.s32 s10, $0x1;
	s10 =	sld [smem:$0x3FBA];
	_ =	sdelay $0x3  }
0x37: {  	[smem:$0x3FBA] =	sst s10  }
0x38: {  	s10 =	sld [smem:$0x3FBB]  }
0x39: {  	_ = 	snop;
	(pc) =	sbr.ind lr, $3  }
0x3a: {  	_ = 	snop  }
0x3b: {  	_ = 	snop  }
0x3c: {  	p2 =	seq.s32 s10, $0x1;
	s10 =	sld [smem:$0x3FBA]  }
0x3d: {  	_ =	shalt  }
0x3e: {  	_ =	shalt  }
0x3f: {  	_ =	shalt  }
0x40: {  	_ =	shalt  }
0x41: {  	_ =	shalt  }
0x42: {  	_ =	shalt  }
0x43: {  	_ =	shalt  }
0x44: {  	_ =	shalt  }
0x45: {  	_ =	shalt  }
0x46: {  	_ =	shalt  }
0x47: {  	_ =	shalt  }
0x48: {  	_ =	shalt  }
0x49: {  	_ =	shalt  }
0x4a: {  	_ =	shalt  }
0x4b: {  	_ =	shalt  }
0x4c: {  	_ =	shalt  }
0x4d: {  	_ =	shalt  }
0x4e: {  	_ =	shalt  }
0x4f: {  	_ =	shalt  }
0x50: {  	_ =	shalt  }
0x51: {  	_ =	shalt  }
0x52: {  	_ =	shalt  }
0x53: {  	_ =	shalt  }
0x54: {  	_ =	shalt  }
0x55: {  	_ =	shalt  }
0x56: {  	_ =	shalt  }
0x57: {  	_ =	shalt  }
0x58: {  	_ =	shalt  }
0x59: {  	_ =	shalt  }
0x5a: {  	_ =	shalt  }
0x5b: {  	_ =	shalt  }
0x5c: {  	_ =	shalt  }
0x5d: {  	_ =	shalt  }
0x5e: {  	_ =	shalt  }
0x5f: {  	_ =	shalt  }
0x60: {  	_ =	shalt  }
0x61: {  	_ =	shalt  }
0x62: {  	_ =	shalt  }
0x63: {  	_ =	shalt  }
0x64: {  	_ =	shalt  }
0x65: {  	_ =	shalt  }
0x66: {  	_ =	shalt  }
0x67: {  	_ =	shalt  }
0x68: {  	_ =	shalt  }
0x69: {  	_ =	shalt  }
0x6a: {  	_ =	shalt  }
0x6b: {  	_ =	shalt  }
0x6c: {  	_ =	shalt  }
0x6d: {  	_ =	shalt  }
0x6e: {  	_ =	shalt  }
0x6f: {  	_ =	shalt  }
0x70: {  	_ =	shalt  }
0x71: {  	_ =	shalt  }
0x72: {  	_ =	shalt  }
0x73: {  	_ =	shalt  }
0x74: {  	_ =	shalt  }
0x75: {  	_ =	shalt  }
0x76: {  	_ =	shalt  }
0x77: {  	_ =	shalt  }
0x78: {  	_ =	shalt  }
0x79: {  	_ =	shalt  }
0x7a: {  	_ =	shalt  }
0x7b: {  	_ =	shalt  }
0x7c: {  	_ =	shalt  }
0x7d: {  	_ =	shalt  }
0x7e: {  	_ =	shalt  }
0x7f: {  	_ =	shalt  }
0x80: {  	_ =	shalt  }
0x81: {  	_ =	shalt  }
0x82: {  	_ =	shalt  }
0x83: {  	_ =	shalt  }
0x84: {  	_ =	shalt  }
0x85: {  	_ =	shalt  }
0x86: {  	_ =	shalt  }
0x87: {  	_ =	shalt  }
.Lfunc_end0:
.L_simem_size_0:
called_computation.1_lowered:
.L_overlay_start_0:
0x88: {  	s2 =	sld [smem:$0x3FD9]  }
0x89: {  	s3 =	sld [smem:$0x3FFE];
	_ =	sdelay $0x1  }
0x8a: {  	s1 =	srdreg.scid  }
0x8b: {  	s0 =	sand.u32 $0x1, s1  }
0x8c: {  	s17 =	sshll.u32 s0, $0xA;
	s2 =	sadd.s32 s3, s2  }
0x8d: {  	s2 =	sadd.s32 s2, s17  }
0x8e: {  	[smem:$0x3FC6] =	sst s2  }
0x8f: {  	_ = 	snop  }
0x90: {  	s2 =	sld [smem:$0x3FD0];
	(tm) =	ssettm $0x1  }
0x91: {  	s18 =	sld [smem:$0x3FFB];
	_ =	sdelay $0x3  }
0x92: {  	_ =	strace s18  }
0x93: {  	s3 =	sld [smem:$0x3FFC];
	_ =	sdelay $0x3  }
0x94: {  	_ =	strace s3  }
0x95: {  	s3 =	sld [smem:$0x3FFD];
	_ =	sdelay $0x3  }
0x96: {  	_ =	strace s3  }
0x97: {  	_ =	strace $0x8FFFFFFF  }
0x98: {  	s19 =	sld [smem:$0x3FDB];
	_ =	sdelay $0x1  }
0x99: {  	s4 =	simm.s32 $_scs_section_size  }
0x9a: {  	s5 =	simm.s32 $_size__tile_overlayer_lowered;
	s6 =	simm.s32 $_tile_overlayer_lowered  }
0x9b: {  	s22 =	simm.s32 $0x1BFF;
	s21 =	sshll.u32 s6, $0x1;
	s3 =	sadd.s32 s4, s19  }
0x9c: {  	s7 =	simm.s32 $0x0;
	s20 =	sshll.u32 s5, $0x1;
	s5 =	sadd.s32 s21, s3  }
0x9d: {  	[timem:s7], [sflag:s22] =	dma.local [hbm:s5], s20  }
0x9e: {  	_ =	swait.ge [sflag:s22], s20  }
0x9f: {  	s4 =	ssub.s32 $0x0, s20;
	[sflag:s22] =	ssyncset.done $0x0  }
0xa0: {  	[sflag:s22] =	ssyncadd.s32 s4;
	_ =	sdelay $0x1  }
0xa1: {  	s23 =	simm.s32 $0x1B8B  }
0xa2: {  	_ =	swait.ge [sflag:s23], $0x1  }
0xa3: {  	[sflag:s23] =	ssyncset.done $0x0  }
0xa4: {  	s25 =	simm.s32 $0x1B8E;
	s24 =	sld [smem:$0x3FFE];
	[sflag:s23] =	ssyncadd.s32 $0xFFFFFFFF  }
0xa5: {  	s26 =	simm.s32 $execute0_lowered;
	[smem:$0x3FD2] =	sst s25  }
0xa6: {  	s5 =	sshll.u32 s26, $0x1;
	_ =	strace $0x80000046;
	[dreg:$0x1] =	wrdreg $0xFFFFFFFF  }
0xa7: {  	s28 =	simm.s32 $_size_execute0_lowered;
	s3 =	sadd.s32 s3, s5;
	[dreg:$0x0] =	wrdreg $0x0  }
0xa8: {  	s5 =	sshll.u32 s28, $0x1;
	[dreg:$0x2] =	wrdreg s3  }
0xa9: {  	[dreg:$0x3] =	wrdreg s5  }
0xaa: {  	[dreg:$0x4] =	wrdreg $0xC0  }
0xab: {  	_ =	task [dreg:s7], $0x5FFFF  }
0xac: {  	[dreg:$0x1] =	wrdreg $0xFFFFFFFF  }
0xad: {  	[dreg:$0x0] =	wrdreg $0x60  }
0xae: {  	[dreg:$0x2] =	wrdreg s2  }
0xaf: {  	[dreg:$0x3] =	wrdreg s24  }
0xb0: {  	[dreg:$0x4] =	wrdreg $0x9  }
0xb1: {  	_ =	task.clear_ibuf [dreg:s7], $0x5FFFF;
	_ =	strace $0x90000046  }
0xb2: {  	s29 =	simm.s32 $0x9;
	_ =	strace $0x80000048  }
0xb3: {  	_ =	swait.ge [sflag:s29], $0x1  }
0xb4: {  	[sflag:s29] =	ssyncadd.s32 $0xFFFFFFFF  }
0xb5: {  	_ =	strace $0x90000048  }
0xb6: {  	_ =	sfence  }
0xb7: {  	s30 =	sld [smem:$0x0];
	_ =	sdelay $0x2  }
0xb8: {  	s31 =	sshll.u32 s1, $0xD;
	s1 =	sshrl.u32 s1, $0x2  }
0xb9: {  	s3 =	sand.u32 $0x4000, s31;
	s1 =	sadd.s32 s1, s30  }
0xba: {  	s0 =	sor.u32 s3, s0;
	s1 =	sshll.u32 s1, $0x11  }
0xbb: {  	s0 =	sor.u32 s1, s0  }
0xbc: {  	s0 =	sadd.s32 $0x8F2B, s0  }
0xbd: {  	[sflag:s0] =	ssyncadd.remote.s32 $0x1  }
0xbe: {  	_ =	sfence.sel $0xFFFF  }
0xbf: {  	[dreg:$0x0] =	wrdreg $0xFFFFFFFF;
	(pc) =	sbr.abs _section_cstart, $3  }
0xc0: {  	[dreg:$0x1] =	wrdreg $0xFFFFFFFF  }
0xc1: {  	_ =	task.clear_ibuf [dreg:s7], $0x2FFFF;
	_ =	strace $0x9FFFFFFF  }
0xc2: {  	(tm) =	ssettm $0x7FFFFFFF  }
0xc3: {  	_ =	shalt  }
tec
execute0_lowered:
.L_overlay_start_1:
0x0: {  	(tag) =	ssettag $0x1  }
0x1: {  	s7 =	rddreg [dreg:$0x0]  }
0x2: {  	s5 =	rddreg [dreg:$0x1];
	s2 =	simm.s32 $0x0;
	s3 =	srdreg.scid  }
0x3: {  	s0 =	stileid.u32;
	s11 =	simm.s32 $0x6400;
	s12 =	simm.s32 $0x80  }
0x4: {  	s13 =	simm.s32 $0x6600;
	s14 =	simm.s32 $0x48;
	s15 =	simm.s32 $0xA600  }
0x5: {  	s16 =	simm.s32 $0xCA00;
	s17 =	simm.s32 $0x10A00;
	s18 =	simm.s32 $0x6500  }
0x6: {  	s19 =	simm.s32 $0x1;
	s20 =	simm.s32 $0x12E00;
	s21 =	simm.s32 $0x2  }
0x7: {  	s22 =	simm.s32 $0x19200;
	s23 =	simm.s32 $0x4;
	s24 =	simm.s32 $0x0  }
0x8: {  	[smem:$0x7FF] =	sst s2;
	s4 =	sand.u32 $0x1, s3;
	s6 =	sshll.u32 s0, $0x1  }
0x9: {  	s3 =	sadd.s32 $0xA00, s5;
	_ =	strace $0x80000047;
	s6 =	sor.u32 s4, s6  }
0xa: {  	s8 =	ssub.s32 $0x2, s4;
	s4 =	sadd.s32 $0xF5BE00, s5;
	s10 =	smul.u32 $0xC80, s6  }
0xb: {  	s5 =	sadd.s32 $0x19A00, s5;
	s9 =	sshrl.u32 s8, $0x1;
	s6 =	sshll.u32 s6, $0x7  }
0xc: {  	s9 =	ssub.s32 s8, s9;
	s31 =	sadd.s32 s7, s10;
	s8 =	sadd.s32 s3, s10  }
0xd: {  	s9 =	smax.u32 s9, $0x1;
	s10 =	simm.s32 $0x5;
	[dreg:$0x3] =	wrdreg s31  }
.LBB2_1:
0xe: {  	s0 =	rddreg [dreg:$0x3]  }
0xf: {  	[tilespmem:s2], [sflag:$0x5] =	stream.linear.gather [hbm4b:s0+s2], $0x6400, $0x38;
	[tilespmem:$0x1F600] =	vst v63  }
0x10: {  	_ =	swait.ge [sflag:s10], $0x6400  }
0x11: {  	[sflag:s10] =	ssyncset.done $0x0  }
0x12: {  	[sflag:s10] =	ssyncadd.s32 $0xFFFF9C00  }
0x13: {  	[tilespmem:s11], [sflag:$0x5] =	stream.linear.gather [hbm4b:s8+s2], $0xC8, $0x38;
	[tilespmem:$0x1F600] =	vst v63  }
0x14: {  	_ =	swait.ge [sflag:s10], $0xC8  }
0x15: {  	[sflag:s10] =	ssyncset.done $0x0  }
0x16: {  	[sflag:s10] =	ssyncadd.s32 $0xFFFFFF38  }
0x17: {  	[tilespmem:s13], [sflag:$0x1] =	stream.indirect.gather [hbm4b:s4+s12], $0x80, s2, s12, $0xb8;
	[tilespmem:$0x1F600] =	vst v63  }
0x18: {  	s25 =	simm.s32 $0x0  }
0x19: {  	[tilespmem:s15], [sflag:$0x1] =	stream.indirect.gather [hbm4b:s4+s14], $0x80, s12, s14, $0xb8;
	[tilespmem:$0x1F600] =	vst v63  }
.LBB2_2:
0x1a: {  	s28 =	sshll.u32 s25, $0x1;
	p0 =	seq.s32 s25, $0x0  }
0x1b: {  	s26 =	simm.s32 @!p0 $0x3;
	s29 =	sor.u32 $0x1, s28  }
0x1c: {  	_ =	swait.ge @!p0 [sflag:s26], $0x6400;
	s30 =	smul.u32 $0x320, s29  }
0x1d: {  	[sflag:s26] =	ssyncset.done @!p0 $0x0  }
0x1e: {  	[sflag:s26] =	ssyncadd.s32 @!p0 $0xFFFF9C00;
	s30 =	sshra.s32 s30, $0x2;
	s26 =	sor.u32 s6, s29  }
0x1f: {  	[tilespmem:s16], [sflag:$0x2] =	stream.indirect.gather [hbm4b:s4+s12], $0x80, s30, s12, $0xb8;
	[tilespmem:$0x1F600] =	vst v63  }
0x20: {  	s29 =	sadd.s32 $0x80, s30;
	s30 =	smul.u32 $0x19, s26  }
0x21: {  	[tilespmem:s17], [sflag:$0x2] =	stream.indirect.gather [hbm4b:s4+s14], $0x80, s29, s14, $0xb8;
	[tilespmem:$0x1F600] =	vst v63  }
0x22: {  	s30 =	sadd.s32 s3, s30;
	s29 =	simm.s32 $0x0  }
0x23: {  	[tilespmem:s18], [sflag:$0x5] =	stream.linear.gather [hbm4b:s30+s29], $0xC8, $0x38;
	[tilespmem:$0x1F600] =	vst v63  }
0x24: {  	_ =	swait.ge [sflag:s10], $0xC8  }
0x25: {  	[sflag:s10] =	ssyncset.done $0x0  }
0x26: {  	[sflag:s10] =	ssyncadd.s32 $0xFFFFFF38  }
0x27: {  	_ =	swait.ge [sflag:s19], $0x4000  }
0x28: {  	[sflag:s19] =	ssyncset.done $0x0  }
0x29: {  	[sflag:s19] =	ssyncadd.s32 $0xFFFFC000  }
0x2a: {  	_ =	swait.ge [sflag:s19], $0x2400  }
0x2b: {  	[sflag:s19] =	ssyncset.done $0x0  }
0x2c: {  	s30 =	simm.s32 $0x6400;
	[sflag:s19] =	ssyncadd.s32 $0xFFFFDC00  }
.LBB2_3:
0x2d: {  	v0 =	vld [tilespmem:s30+$0x0];
	_ =	sdelay $0x4  }
0x2e: {  	(v2sf) =	vpush v0, $0x0;
	_ =	sdelay $0xe  }
0x2f: {  	s0 =	spop (v2sf)  }
0x30: {  	s31 =	sand.u32 $0x7F, s0;
	s1 =	sshll.u32 s0, $0x2  }
0x31: {  	s1 =	sand.u32 $0xFFFFFE00, s1;
	s31 =	sshll.u32 s31, $0x2  }
0x32: {  	s1 =	sor.u32 s31, s1  }
0x33: {  	s31 =	sshra.s32 s29, $0x2;
	s1 =	sshra.s32 s1, $0x2  }
0x34: {  	s1 =	sadd.s32 s31, s1  }
0x35: {  	v1 =	vld [tilespmem:s1+$0x6600];
	_ =	sdelay $0x1  }
0x36: {  	s1 =	sadd.s32 $0x10, s0  }
0x37: {  	s7 =	sand.u32 $0x7F, s1;
	s1 =	sshll.u32 s1, $0x2  }
0x38: {  	s1 =	sand.u32 $0xFFFFFE00, s1;
	s7 =	sshll.u32 s7, $0x2  }
0x39: {  	s1 =	sor.u32 s7, s1;
	v1 =	vmul.f32 $8.000000000e+00, v1  }
0x3a: {  	s1 =	sshra.s32 s1, $0x2  }
0x3b: {  	s1 =	sadd.s32 s31, s1;
	[tilespmem:s31+$0x12E00] =	vst v1  }
0x3c: {  	v1 =	vld [tilespmem:s1+$0x6600];
	_ =	sdelay $0x1  }
0x3d: {  	s1 =	sadd.s32 $0x20, s0  }
0x3e: {  	(v2sf) =	vpush v0, $0x1;
	s7 =	sand.u32 $0x7F, s1;
	s1 =	sshll.u32 s1, $0x2  }
0x3f: {  	s1 =	sand.u32 $0xFFFFFE00, s1;
	s7 =	sshll.u32 s7, $0x2  }
0x40: {  	s1 =	sor.u32 s7, s1;
	v1 =	vmul.f32 $8.000000000e+00, v1  }
0x41: {  	s1 =	sshra.s32 s1, $0x2  }
0x42: {  	s1 =	sadd.s32 s31, s1;
	[tilespmem:s31+$0x12E10] =	vst v1  }
0x43: {  	v1 =	vld [tilespmem:s1+$0x6600];
	_ =	sdelay $0x1  }
0x44: {  	s0 =	sadd.s32 $0x30, s0  }
0x45: {  	s7 =	sand.u32 $0x7F, s0;
	s0 =	sshll.u32 s0, $0x2  }
0x46: {  	s0 =	sand.u32 $0xFFFFFE00, s0;
	s1 =	sshll.u32 s7, $0x2  }
0x47: {  	s0 =	sor.u32 s1, s0;
	v1 =	vmul.f32 $8.000000000e+00, v1  }
0x48: {  	s0 =	sshra.s32 s0, $0x2  }
0x49: {  	s0 =	sadd.s32 s31, s0;
	[tilespmem:s31+$0x12E20] =	vst v1  }
0x4a: {  	v1 =	vld [tilespmem:s0+$0x6600];
	_ =	sdelay $0x1  }
0x4b: {  	s0 =	spop (v2sf)  }
0x4c: {  	s1 =	sand.u32 $0x7F, s0;
	s7 =	sshll.u32 s0, $0x2  }
0x4d: {  	s7 =	sand.u32 $0xFFFFFE00, s7;
	s1 =	sshll.u32 s1, $0x2  }
0x4e: {  	s1 =	sor.u32 s1, s7;
	v1 =	vmul.f32 $8.000000000e+00, v1  }
0x4f: {  	s1 =	sshra.s32 s1, $0x2  }
0x50: {  	s1 =	sadd.s32 s31, s1;
	[tilespmem:s31+$0x12E30] =	vst v1  }
0x51: {  	v1 =	vld [tilespmem:s1+$0x6680];
	_ =	sdelay $0x1  }
0x52: {  	s1 =	sadd.s32 $0x10, s0  }
0x53: {  	s7 =	sand.u32 $0x7F, s1;
	s1 =	sshll.u32 s1, $0x2  }
0x54: {  	s1 =	sand.u32 $0xFFFFFE00, s1;
	s7 =	sshll.u32 s7, $0x2  }
0x55: {  	s1 =	sor.u32 s7, s1;
	v1 =	vmul.f32 $8.000000000e+00, v1  }
0x56: {  	s1 =	sshra.s32 s1, $0x2  }
0x57: {  	s1 =	sadd.s32 s31, s1;
	[tilespmem:s31+$0x12E80] =	vst v1  }
0x58: {  	v1 =	vld [tilespmem:s1+$0x6680];
	_ =	sdelay $0x1  }
0x59: {  	s1 =	sadd.s32 $0x20, s0  }
0x5a: {  	(v2sf) =	vpush v0, $0x2;
	s7 =	sand.u32 $0x7F, s1;
	s1 =	sshll.u32 s1, $0x2  }
0x5b: {  	s1 =	sand.u32 $0xFFFFFE00, s1;
	s7 =	sshll.u32 s7, $0x2  }
0x5c: {  	s1 =	sor.u32 s7, s1;
	v1 =	vmul.f32 $8.000000000e+00, v1  }
0x5d: {  	s1 =	sshra.s32 s1, $0x2  }
0x5e: {  	s1 =	sadd.s32 s31, s1;
	[tilespmem:s31+$0x12E90] =	vst v1  }
0x5f: {  	v1 =	vld [tilespmem:s1+$0x6680];
	_ =	sdelay $0x1  }
0x60: {  	s0 =	sadd.s32 $0x30, s0  }
0x61: {  	s7 =	sand.u32 $0x7F, s0;
	s0 =	sshll.u32 s0, $0x2  }
0x62: {  	s0 =	sand.u32 $0xFFFFFE00, s0;
	s1 =	sshll.u32 s7, $0x2  }
0x63: {  	s0 =	sor.u32 s1, s0;
	v1 =	vmul.f32 $8.000000000e+00, v1  }
0x64: {  	s0 =	sshra.s32 s0, $0x2  }
0x65: {  	s0 =	sadd.s32 s31, s0;
	[tilespmem:s31+$0x12EA0] =	vst v1  }
0x66: {  	v1 =	vld [tilespmem:s0+$0x6680];
	_ =	sdelay $0x1  }
0x67: {  	s0 =	spop (v2sf)  }
0x68: {  	s1 =	sand.u32 $0x7F, s0;
	s7 =	sshll.u32 s0, $0x2  }
0x69: {  	s7 =	sand.u32 $0xFFFFFE00, s7;
	s1 =	sshll.u32 s1, $0x2  }
0x6a: {  	s1 =	sor.u32 s1, s7;
	v1 =	vmul.f32 $8.000000000e+00, v1  }
0x6b: {  	s1 =	sshra.s32 s1, $0x2  }
0x6c: {  	s1 =	sadd.s32 s31, s1;
	[tilespmem:s31+$0x12EB0] =	vst v1  }
0x6d: {  	v1 =	vld [tilespmem:s1+$0x6700];
	_ =	sdelay $0x1  }
0x6e: {  	s1 =	sadd.s32 $0x10, s0  }
0x6f: {  	s7 =	sand.u32 $0x7F, s1;
	s1 =	sshll.u32 s1, $0x2  }
0x70: {  	s1 =	sand.u32 $0xFFFFFE00, s1;
	s7 =	sshll.u32 s7, $0x2  }
0x71: {  	s1 =	sor.u32 s7, s1;
	v1 =	vmul.f32 $8.000000000e+00, v1  }
0x72: {  	s1 =	sshra.s32 s1, $0x2  }
0x73: {  	s1 =	sadd.s32 s31, s1;
	[tilespmem:s31+$0x12F00] =	vst v1  }
0x74: {  	v1 =	vld [tilespmem:s1+$0x6700];
	_ =	sdelay $0x1  }
0x75: {  	s1 =	sadd.s32 $0x20, s0  }
0x76: {  	(v2sf) =	vpush v0, $0x3;
	s7 =	sand.u32 $0x7F, s1;
	s1 =	sshll.u32 s1, $0x2  }
0x77: {  	s1 =	sand.u32 $0xFFFFFE00, s1;
	s7 =	sshll.u32 s7, $0x2  }
0x78: {  	s1 =	sor.u32 s7, s1;
	v1 =	vmul.f32 $8.000000000e+00, v1  }
0x79: {  	s1 =	sshra.s32 s1, $0x2  }
0x7a: {  	s1 =	sadd.s32 s31, s1;
	[tilespmem:s31+$0x12F10] =	vst v1  }
0x7b: {  	v1 =	vld [tilespmem:s1+$0x6700];
	_ =	sdelay $0x1  }
0x7c: {  	s0 =	sadd.s32 $0x30, s0  }
0x7d: {  	s7 =	sand.u32 $0x7F, s0;
	s0 =	sshll.u32 s0, $0x2  }
0x7e: {  	s0 =	sand.u32 $0xFFFFFE00, s0;
	s1 =	sshll.u32 s7, $0x2  }
0x7f: {  	s0 =	sor.u32 s1, s0;
	v1 =	vmul.f32 $8.000000000e+00, v1  }
0x80: {  	s0 =	sshra.s32 s0, $0x2  }
0x81: {  	s0 =	sadd.s32 s31, s0;
	[tilespmem:s31+$0x12F20] =	vst v1  }
0x82: {  	v1 =	vld [tilespmem:s0+$0x6700];
	_ =	sdelay $0x1  }
0x83: {  	s0 =	spop (v2sf)  }
0x84: {  	s1 =	sand.u32 $0x7F, s0;
	s7 =	sshll.u32 s0, $0x2  }
0x85: {  	s7 =	sand.u32 $0xFFFFFE00, s7;
	s1 =	sshll.u32 s1, $0x2  }
0x86: {  	s1 =	sor.u32 s1, s7;
	v1 =	vmul.f32 $8.000000000e+00, v1  }
0x87: {  	s1 =	sshra.s32 s1, $0x2  }
0x88: {  	s1 =	sadd.s32 s31, s1;
	[tilespmem:s31+$0x12F30] =	vst v1  }
0x89: {  	v1 =	vld [tilespmem:s1+$0x6780];
	_ =	sdelay $0x1  }
0x8a: {  	s1 =	sadd.s32 $0x10, s0  }
0x8b: {  	s7 =	sand.u32 $0x7F, s1;
	s1 =	sshll.u32 s1, $0x2  }
0x8c: {  	s1 =	sand.u32 $0xFFFFFE00, s1;
	s7 =	sshll.u32 s7, $0x2  }
0x8d: {  	s1 =	sor.u32 s7, s1;
	v1 =	vmul.f32 $8.000000000e+00, v1  }
0x8e: {  	s1 =	sshra.s32 s1, $0x2  }
0x8f: {  	s1 =	sadd.s32 s31, s1;
	[tilespmem:s31+$0x12F80] =	vst v1  }
0x90: {  	v1 =	vld [tilespmem:s1+$0x6780];
	_ =	sdelay $0x1  }
0x91: {  	s1 =	sadd.s32 $0x20, s0  }
0x92: {  	(v2sf) =	vpush v0, $0x4;
	s7 =	sand.u32 $0x7F, s1;
	s1 =	sshll.u32 s1, $0x2  }
0x93: {  	s1 =	sand.u32 $0xFFFFFE00, s1;
	s7 =	sshll.u32 s7, $0x2  }
0x94: {  	s1 =	sor.u32 s7, s1;
	v1 =	vmul.f32 $8.000000000e+00, v1  }
0x95: {  	s1 =	sshra.s32 s1, $0x2  }
0x96: {  	s1 =	sadd.s32 s31, s1;
	[tilespmem:s31+$0x12F90] =	vst v1  }
0x97: {  	v1 =	vld [tilespmem:s1+$0x6780];
	_ =	sdelay $0x1  }
0x98: {  	s0 =	sadd.s32 $0x30, s0  }
0x99: {  	s7 =	sand.u32 $0x7F, s0;
	s0 =	sshll.u32 s0, $0x2  }
0x9a: {  	s0 =	sand.u32 $0xFFFFFE00, s0;
	s1 =	sshll.u32 s7, $0x2  }
0x9b: {  	s0 =	sor.u32 s1, s0;
	v1 =	vmul.f32 $8.000000000e+00, v1  }
0x9c: {  	s0 =	sshra.s32 s0, $0x2  }
0x9d: {  	s0 =	sadd.s32 s31, s0;
	[tilespmem:s31+$0x12FA0] =	vst v1  }
0x9e: {  	v1 =	vld [tilespmem:s0+$0x6780];
	_ =	sdelay $0x1  }
0x9f: {  	s0 =	spop (v2sf)  }
0xa0: {  	s1 =	sand.u32 $0x7F, s0;
	s7 =	sshll.u32 s0, $0x2  }
0xa1: {  	s7 =	sand.u32 $0xFFFFFE00, s7;
	s1 =	sshll.u32 s1, $0x2  }
0xa2: {  	s1 =	sor.u32 s1, s7;
	v1 =	vmul.f32 $8.000000000e+00, v1  }
0xa3: {  	s1 =	sshra.s32 s1, $0x2  }
0xa4: {  	s1 =	sadd.s32 s31, s1;
	[tilespmem:s31+$0x12FB0] =	vst v1  }
0xa5: {  	v1 =	vld [tilespmem:s1+$0x6800];
	_ =	sdelay $0x1  }
0xa6: {  	s1 =	sadd.s32 $0x10, s0  }
0xa7: {  	s7 =	sand.u32 $0x7F, s1;
	s1 =	sshll.u32 s1, $0x2  }
0xa8: {  	s1 =	sand.u32 $0xFFFFFE00, s1;
	s7 =	sshll.u32 s7, $0x2  }
0xa9: {  	s1 =	sor.u32 s7, s1;
	v1 =	vmul.f32 $8.000000000e+00, v1  }
0xaa: {  	s1 =	sshra.s32 s1, $0x2  }
0xab: {  	s1 =	sadd.s32 s31, s1;
	[tilespmem:s31+$0x13000] =	vst v1  }
0xac: {  	v1 =	vld [tilespmem:s1+$0x6800];
	_ =	sdelay $0x1  }
0xad: {  	s1 =	sadd.s32 $0x20, s0  }
0xae: {  	(v2sf) =	vpush v0, $0x5;
	s7 =	sand.u32 $0x7F, s1;
	s1 =	sshll.u32 s1, $0x2  }
0xaf: {  	s1 =	sand.u32 $0xFFFFFE00, s1;
	s7 =	sshll.u32 s7, $0x2  }
0xb0: {  	s1 =	sor.u32 s7, s1;
	v1 =	vmul.f32 $8.000000000e+00, v1  }
0xb1: {  	s1 =	sshra.s32 s1, $0x2  }
0xb2: {  	s1 =	sadd.s32 s31, s1;
	[tilespmem:s31+$0x13010] =	vst v1  }
0xb3: {  	v1 =	vld [tilespmem:s1+$0x6800];
	_ =	sdelay $0x1  }
0xb4: {  	s0 =	sadd.s32 $0x30, s0  }
0xb5: {  	s7 =	sand.u32 $0x7F, s0;
	s0 =	sshll.u32 s0, $0x2  }
0xb6: {  	s0 =	sand.u32 $0xFFFFFE00, s0;
	s1 =	sshll.u32 s7, $0x2  }
0xb7: {  	s0 =	sor.u32 s1, s0;
	v1 =	vmul.f32 $8.000000000e+00, v1  }
0xb8: {  	s0 =	sshra.s32 s0, $0x2  }
0xb9: {  	s0 =	sadd.s32 s31, s0;
	[tilespmem:s31+$0x13020] =	vst v1  }
0xba: {  	v1 =	vld [tilespmem:s0+$0x6800];
	_ =	sdelay $0x1  }
0xbb: {  	s0 =	spop (v2sf)  }
0xbc: {  	s1 =	sand.u32 $0x7F, s0;
	s7 =	sshll.u32 s0, $0x2  }
0xbd: {  	s7 =	sand.u32 $0xFFFFFE00, s7;
	s1 =	sshll.u32 s1, $0x2  }
0xbe: {  	s1 =	sor.u32 s1, s7;
	v1 =	vmul.f32 $8.000000000e+00, v1  }
0xbf: {  	s1 =	sshra.s32 s1, $0x2  }
0xc0: {  	s1 =	sadd.s32 s31, s1;
	[tilespmem:s31+$0x13030] =	vst v1  }
0xc1: {  	v1 =	vld [tilespmem:s1+$0x6880];
	_ =	sdelay $0x1  }
0xc2: {  	s1 =	sadd.s32 $0x10, s0  }
0xc3: {  	s7 =	sand.u32 $0x7F, s1;
	s1 =	sshll.u32 s1, $0x2  }
0xc4: {  	s1 =	sand.u32 $0xFFFFFE00, s1;
	s7 =	sshll.u32 s7, $0x2  }
0xc5: {  	s1 =	sor.u32 s7, s1;
	v1 =	vmul.f32 $8.000000000e+00, v1  }
0xc6: {  	s1 =	sshra.s32 s1, $0x2  }
0xc7: {  	s1 =	sadd.s32 s31, s1;
	[tilespmem:s31+$0x13080] =	vst v1  }
0xc8: {  	v1 =	vld [tilespmem:s1+$0x6880];
	_ =	sdelay $0x1  }
0xc9: {  	s1 =	sadd.s32 $0x20, s0  }
0xca: {  	(v2sf) =	vpush v0, $0x6;
	s7 =	sand.u32 $0x7F, s1;
	s1 =	sshll.u32 s1, $0x2  }
0xcb: {  	s1 =	sand.u32 $0xFFFFFE00, s1;
	s7 =	sshll.u32 s7, $0x2  }
0xcc: {  	s1 =	sor.u32 s7, s1;
	v1 =	vmul.f32 $8.000000000e+00, v1  }
0xcd: {  	s1 =	sshra.s32 s1, $0x2  }
0xce: {  	s1 =	sadd.s32 s31, s1;
	[tilespmem:s31+$0x13090] =	vst v1  }
0xcf: {  	v1 =	vld [tilespmem:s1+$0x6880];
	_ =	sdelay $0x1  }
0xd0: {  	s0 =	sadd.s32 $0x30, s0  }
0xd1: {  	s7 =	sand.u32 $0x7F, s0;
	s0 =	sshll.u32 s0, $0x2  }
0xd2: {  	s0 =	sand.u32 $0xFFFFFE00, s0;
	s1 =	sshll.u32 s7, $0x2  }
0xd3: {  	s0 =	sor.u32 s1, s0;
	v1 =	vmul.f32 $8.000000000e+00, v1  }
0xd4: {  	s0 =	sshra.s32 s0, $0x2  }
0xd5: {  	s0 =	sadd.s32 s31, s0;
	[tilespmem:s31+$0x130A0] =	vst v1  }
0xd6: {  	v1 =	vld [tilespmem:s0+$0x6880];
	_ =	sdelay $0x1  }
0xd7: {  	s0 =	spop (v2sf)  }
0xd8: {  	s1 =	sand.u32 $0x7F, s0;
	s7 =	sshll.u32 s0, $0x2  }
0xd9: {  	s7 =	sand.u32 $0xFFFFFE00, s7;
	s1 =	sshll.u32 s1, $0x2  }
0xda: {  	s1 =	sor.u32 s1, s7;
	v1 =	vmul.f32 $8.000000000e+00, v1  }
0xdb: {  	s1 =	sshra.s32 s1, $0x2  }
0xdc: {  	s1 =	sadd.s32 s31, s1;
	[tilespmem:s31+$0x130B0] =	vst v1  }
0xdd: {  	v1 =	vld [tilespmem:s1+$0x6900];
	_ =	sdelay $0x1  }
0xde: {  	s1 =	sadd.s32 $0x10, s0  }
0xdf: {  	s7 =	sand.u32 $0x7F, s1;
	s1 =	sshll.u32 s1, $0x2  }
0xe0: {  	s1 =	sand.u32 $0xFFFFFE00, s1;
	s7 =	sshll.u32 s7, $0x2  }
0xe1: {  	s1 =	sor.u32 s7, s1;
	v1 =	vmul.f32 $8.000000000e+00, v1  }
0xe2: {  	s1 =	sshra.s32 s1, $0x2  }
0xe3: {  	s1 =	sadd.s32 s31, s1;
	[tilespmem:s31+$0x13100] =	vst v1  }
0xe4: {  	v1 =	vld [tilespmem:s1+$0x6900];
	_ =	sdelay $0x1  }
0xe5: {  	s1 =	sadd.s32 $0x20, s0  }
0xe6: {  	(v2sf) =	vpush v0, $0x7;
	s7 =	sand.u32 $0x7F, s1;
	s1 =	sshll.u32 s1, $0x2  }
0xe7: {  	s1 =	sand.u32 $0xFFFFFE00, s1;
	s7 =	sshll.u32 s7, $0x2  }
0xe8: {  	s1 =	sor.u32 s7, s1;
	v1 =	vmul.f32 $8.000000000e+00, v1  }
0xe9: {  	s1 =	sshra.s32 s1, $0x2  }
0xea: {  	s1 =	sadd.s32 s31, s1;
	[tilespmem:s31+$0x13110] =	vst v1  }
0xeb: {  	v1 =	vld [tilespmem:s1+$0x6900];
	_ =	sdelay $0x1  }
0xec: {  	s0 =	sadd.s32 $0x30, s0  }
0xed: {  	s7 =	sand.u32 $0x7F, s0;
	s0 =	sshll.u32 s0, $0x2  }
0xee: {  	s0 =	sand.u32 $0xFFFFFE00, s0;
	s1 =	sshll.u32 s7, $0x2  }
0xef: {  	s0 =	sor.u32 s1, s0;
	v1 =	vmul.f32 $8.000000000e+00, v1  }
0xf0: {  	s0 =	sshra.s32 s0, $0x2  }
0xf1: {  	s0 =	sadd.s32 s31, s0;
	[tilespmem:s31+$0x13120] =	vst v1  }
0xf2: {  	v1 =	vld [tilespmem:s0+$0x6900];
	_ =	sdelay $0x1  }
0xf3: {  	s0 =	spop (v2sf)  }
0xf4: {  	s1 =	sand.u32 $0x7F, s0;
	s7 =	sshll.u32 s0, $0x2  }
0xf5: {  	s7 =	sand.u32 $0xFFFFFE00, s7;
	s1 =	sshll.u32 s1, $0x2  }
0xf6: {  	s1 =	sor.u32 s1, s7;
	v1 =	vmul.f32 $8.000000000e+00, v1  }
0xf7: {  	s1 =	sshra.s32 s1, $0x2  }
0xf8: {  	s1 =	sadd.s32 s31, s1;
	[tilespmem:s31+$0x13130] =	vst v1  }
0xf9: {  	v1 =	vld [tilespmem:s1+$0x6980];
	_ =	sdelay $0x1  }
0xfa: {  	s1 =	sadd.s32 $0x10, s0  }
0xfb: {  	s7 =	sand.u32 $0x7F, s1;
	s1 =	sshll.u32 s1, $0x2  }
0xfc: {  	s1 =	sand.u32 $0xFFFFFE00, s1;
	s7 =	sshll.u32 s7, $0x2  }
0xfd: {  	s1 =	sor.u32 s7, s1;
	v1 =	vmul.f32 $8.000000000e+00, v1  }
0xfe: {  	s1 =	sshra.s32 s1, $0x2  }
0xff: {  	s1 =	sadd.s32 s31, s1;
	[tilespmem:s31+$0x13180] =	vst v1  }
0x100: {  	v1 =	vld [tilespmem:s1+$0x6980];
	_ =	sdelay $0x1  }
0x101: {  	s1 =	sadd.s32 $0x20, s0  }
0x102: {  	(v2sf) =	vpush v0, $0x8;
	s7 =	sand.u32 $0x7F, s1;
	s1 =	sshll.u32 s1, $0x2  }
0x103: {  	s1 =	sand.u32 $0xFFFFFE00, s1;
	s7 =	sshll.u32 s7, $0x2  }
0x104: {  	s1 =	sor.u32 s7, s1;
	v1 =	vmul.f32 $8.000000000e+00, v1  }
0x105: {  	s1 =	sshra.s32 s1, $0x2  }
0x106: {  	s1 =	sadd.s32 s31, s1;
	[tilespmem:s31+$0x13190] =	vst v1  }
0x107: {  	v1 =	vld [tilespmem:s1+$0x6980];
	_ =	sdelay $0x1  }
0x108: {  	s0 =	sadd.s32 $0x30, s0  }
0x109: {  	s7 =	sand.u32 $0x7F, s0;
	s0 =	sshll.u32 s0, $0x2  }
0x10a: {  	s0 =	sand.u32 $0xFFFFFE00, s0;
	s1 =	sshll.u32 s7, $0x2  }
0x10b: {  	s0 =	sor.u32 s1, s0;
	v1 =	vmul.f32 $8.000000000e+00, v1  }
0x10c: {  	s0 =	sshra.s32 s0, $0x2  }
0x10d: {  	s0 =	sadd.s32 s31, s0;
	[tilespmem:s31+$0x131A0] =	vst v1  }
0x10e: {  	v1 =	vld [tilespmem:s0+$0x6980];
	_ =	sdelay $0x1  }
0x10f: {  	s0 =	spop (v2sf)  }
0x110: {  	s1 =	sand.u32 $0x7F, s0;
	s7 =	sshll.u32 s0, $0x2  }
0x111: {  	s7 =	sand.u32 $0xFFFFFE00, s7;
	s1 =	sshll.u32 s1, $0x2  }
0x112: {  	s1 =	sor.u32 s1, s7;
	v1 =	vmul.f32 $8.000000000e+00, v1  }
0x113: {  	s1 =	sshra.s32 s1, $0x2  }
0x114: {  	s1 =	sadd.s32 s31, s1;
	[tilespmem:s31+$0x131B0] =	vst v1  }
0x115: {  	v1 =	vld [tilespmem:s1+$0x6A00];
	_ =	sdelay $0x1  }
0x116: {  	s1 =	sadd.s32 $0x10, s0  }
0x117: {  	s7 =	sand.u32 $0x7F, s1;
	s1 =	sshll.u32 s1, $0x2  }
0x118: {  	s1 =	sand.u32 $0xFFFFFE00, s1;
	s7 =	sshll.u32 s7, $0x2  }
0x119: {  	s1 =	sor.u32 s7, s1;
	v1 =	vmul.f32 $8.000000000e+00, v1  }
0x11a: {  	s1 =	sshra.s32 s1, $0x2  }
0x11b: {  	s1 =	sadd.s32 s31, s1;
	[tilespmem:s31+$0x13200] =	vst v1  }
0x11c: {  	v1 =	vld [tilespmem:s1+$0x6A00];
	_ =	sdelay $0x1  }
0x11d: {  	s1 =	sadd.s32 $0x20, s0  }
0x11e: {  	(v2sf) =	vpush v0, $0x9;
	s7 =	sand.u32 $0x7F, s1;
	s1 =	sshll.u32 s1, $0x2  }
0x11f: {  	s1 =	sand.u32 $0xFFFFFE00, s1;
	s7 =	sshll.u32 s7, $0x2  }
0x120: {  	s1 =	sor.u32 s7, s1;
	v1 =	vmul.f32 $8.000000000e+00, v1  }
0x121: {  	s1 =	sshra.s32 s1, $0x2  }
0x122: {  	s1 =	sadd.s32 s31, s1;
	[tilespmem:s31+$0x13210] =	vst v1  }
0x123: {  	v1 =	vld [tilespmem:s1+$0x6A00];
	_ =	sdelay $0x1  }
0x124: {  	s0 =	sadd.s32 $0x30, s0  }
0x125: {  	s7 =	sand.u32 $0x7F, s0;
	s0 =	sshll.u32 s0, $0x2  }
0x126: {  	s0 =	sand.u32 $0xFFFFFE00, s0;
	s1 =	sshll.u32 s7, $0x2  }
0x127: {  	s0 =	sor.u32 s1, s0;
	v1 =	vmul.f32 $8.000000000e+00, v1  }
0x128: {  	s0 =	sshra.s32 s0, $0x2  }
0x129: {  	s0 =	sadd.s32 s31, s0;
	[tilespmem:s31+$0x13220] =	vst v1  }
0x12a: {  	v1 =	vld [tilespmem:s0+$0x6A00];
	_ =	sdelay $0x1  }
0x12b: {  	s0 =	spop (v2sf)  }
0x12c: {  	s1 =	sand.u32 $0x7F, s0;
	s7 =	sshll.u32 s0, $0x2  }
0x12d: {  	s7 =	sand.u32 $0xFFFFFE00, s7;
	s1 =	sshll.u32 s1, $0x2  }
0x12e: {  	s1 =	sor.u32 s1, s7;
	v1 =	vmul.f32 $8.000000000e+00, v1  }
0x12f: {  	s1 =	sshra.s32 s1, $0x2  }
0x130: {  	s1 =	sadd.s32 s31, s1;
	[tilespmem:s31+$0x13230] =	vst v1  }
0x131: {  	v1 =	vld [tilespmem:s1+$0x6A80];
	_ =	sdelay $0x1  }
0x132: {  	s1 =	sadd.s32 $0x10, s0  }
0x133: {  	s7 =	sand.u32 $0x7F, s1;
	s1 =	sshll.u32 s1, $0x2  }
0x134: {  	s1 =	sand.u32 $0xFFFFFE00, s1;
	s7 =	sshll.u32 s7, $0x2  }
0x135: {  	s1 =	sor.u32 s7, s1;
	v1 =	vmul.f32 $8.000000000e+00, v1  }
0x136: {  	s1 =	sshra.s32 s1, $0x2  }
0x137: {  	s1 =	sadd.s32 s31, s1;
	[tilespmem:s31+$0x13280] =	vst v1  }
0x138: {  	v1 =	vld [tilespmem:s1+$0x6A80];
	_ =	sdelay $0x1  }
0x139: {  	s1 =	sadd.s32 $0x20, s0  }
0x13a: {  	(v2sf) =	vpush v0, $0xA;
	s7 =	sand.u32 $0x7F, s1;
	s1 =	sshll.u32 s1, $0x2  }
0x13b: {  	s1 =	sand.u32 $0xFFFFFE00, s1;
	s7 =	sshll.u32 s7, $0x2  }
0x13c: {  	s1 =	sor.u32 s7, s1;
	v1 =	vmul.f32 $8.000000000e+00, v1  }
0x13d: {  	s1 =	sshra.s32 s1, $0x2  }
0x13e: {  	s1 =	sadd.s32 s31, s1;
	[tilespmem:s31+$0x13290] =	vst v1  }
0x13f: {  	v1 =	vld [tilespmem:s1+$0x6A80];
	_ =	sdelay $0x1  }
0x140: {  	s0 =	sadd.s32 $0x30, s0  }
0x141: {  	s7 =	sand.u32 $0x7F, s0;
	s0 =	sshll.u32 s0, $0x2  }
0x142: {  	s0 =	sand.u32 $0xFFFFFE00, s0;
	s1 =	sshll.u32 s7, $0x2  }
0x143: {  	s0 =	sor.u32 s1, s0;
	v1 =	vmul.f32 $8.000000000e+00, v1  }
0x144: {  	s0 =	sshra.s32 s0, $0x2  }
0x145: {  	s0 =	sadd.s32 s31, s0;
	[tilespmem:s31+$0x132A0] =	vst v1  }
0x146: {  	v1 =	vld [tilespmem:s0+$0x6A80];
	_ =	sdelay $0x1  }
0x147: {  	s0 =	spop (v2sf)  }
0x148: {  	s1 =	sand.u32 $0x7F, s0;
	s7 =	sshll.u32 s0, $0x2  }
0x149: {  	s7 =	sand.u32 $0xFFFFFE00, s7;
	s1 =	sshll.u32 s1, $0x2  }
0x14a: {  	s1 =	sor.u32 s1, s7;
	v1 =	vmul.f32 $8.000000000e+00, v1  }
0x14b: {  	s1 =	sshra.s32 s1, $0x2  }
0x14c: {  	s1 =	sadd.s32 s31, s1;
	[tilespmem:s31+$0x132B0] =	vst v1  }
0x14d: {  	v1 =	vld [tilespmem:s1+$0x6B00];
	_ =	sdelay $0x1  }
0x14e: {  	s1 =	sadd.s32 $0x10, s0  }
0x14f: {  	s7 =	sand.u32 $0x7F, s1;
	s1 =	sshll.u32 s1, $0x2  }
0x150: {  	s1 =	sand.u32 $0xFFFFFE00, s1;
	s7 =	sshll.u32 s7, $0x2  }
0x151: {  	s1 =	sor.u32 s7, s1;
	v1 =	vmul.f32 $8.000000000e+00, v1  }
0x152: {  	s1 =	sshra.s32 s1, $0x2  }
0x153: {  	s1 =	sadd.s32 s31, s1;
	[tilespmem:s31+$0x13300] =	vst v1  }
0x154: {  	v1 =	vld [tilespmem:s1+$0x6B00];
	_ =	sdelay $0x1  }
0x155: {  	s1 =	sadd.s32 $0x20, s0  }
0x156: {  	(v2sf) =	vpush v0, $0xB;
	s7 =	sand.u32 $0x7F, s1;
	s1 =	sshll.u32 s1, $0x2  }
0x157: {  	s1 =	sand.u32 $0xFFFFFE00, s1;
	s7 =	sshll.u32 s7, $0x2  }
0x158: {  	s1 =	sor.u32 s7, s1;
	v1 =	vmul.f32 $8.000000000e+00, v1  }
0x159: {  	s1 =	sshra.s32 s1, $0x2  }
0x15a: {  	s1 =	sadd.s32 s31, s1;
	[tilespmem:s31+$0x13310] =	vst v1  }
0x15b: {  	v1 =	vld [tilespmem:s1+$0x6B00];
	_ =	sdelay $0x1  }
0x15c: {  	s0 =	sadd.s32 $0x30, s0  }
0x15d: {  	s7 =	sand.u32 $0x7F, s0;
	s0 =	sshll.u32 s0, $0x2  }
0x15e: {  	s0 =	sand.u32 $0xFFFFFE00, s0;
	s1 =	sshll.u32 s7, $0x2  }
0x15f: {  	s0 =	sor.u32 s1, s0;
	v1 =	vmul.f32 $8.000000000e+00, v1  }
0x160: {  	s0 =	sshra.s32 s0, $0x2  }
0x161: {  	s0 =	sadd.s32 s31, s0;
	[tilespmem:s31+$0x13320] =	vst v1  }
0x162: {  	v1 =	vld [tilespmem:s0+$0x6B00];
	_ =	sdelay $0x1  }
0x163: {  	s0 =	spop (v2sf)  }
0x164: {  	s1 =	sand.u32 $0x7F, s0;
	s7 =	sshll.u32 s0, $0x2  }
0x165: {  	s7 =	sand.u32 $0xFFFFFE00, s7;
	s1 =	sshll.u32 s1, $0x2  }
0x166: {  	s1 =	sor.u32 s1, s7;
	v1 =	vmul.f32 $8.000000000e+00, v1  }
0x167: {  	s1 =	sshra.s32 s1, $0x2  }
0x168: {  	s1 =	sadd.s32 s31, s1;
	[tilespmem:s31+$0x13330] =	vst v1  }
0x169: {  	v1 =	vld [tilespmem:s1+$0x6B80];
	_ =	sdelay $0x1  }
0x16a: {  	s1 =	sadd.s32 $0x10, s0  }
0x16b: {  	s7 =	sand.u32 $0x7F, s1;
	s1 =	sshll.u32 s1, $0x2  }
0x16c: {  	s1 =	sand.u32 $0xFFFFFE00, s1;
	s7 =	sshll.u32 s7, $0x2  }
0x16d: {  	s1 =	sor.u32 s7, s1;
	v1 =	vmul.f32 $8.000000000e+00, v1  }
0x16e: {  	s1 =	sshra.s32 s1, $0x2  }
0x16f: {  	s1 =	sadd.s32 s31, s1;
	[tilespmem:s31+$0x13380] =	vst v1  }
0x170: {  	v1 =	vld [tilespmem:s1+$0x6B80];
	_ =	sdelay $0x1  }
0x171: {  	s1 =	sadd.s32 $0x20, s0  }
0x172: {  	(v2sf) =	vpush v0, $0xC;
	s7 =	sand.u32 $0x7F, s1;
	s1 =	sshll.u32 s1, $0x2  }
0x173: {  	s1 =	sand.u32 $0xFFFFFE00, s1;
	s7 =	sshll.u32 s7, $0x2  }
0x174: {  	s1 =	sor.u32 s7, s1;
	v1 =	vmul.f32 $8.000000000e+00, v1  }
0x175: {  	s1 =	sshra.s32 s1, $0x2  }
0x176: {  	s1 =	sadd.s32 s31, s1;
	[tilespmem:s31+$0x13390] =	vst v1  }
0x177: {  	v1 =	vld [tilespmem:s1+$0x6B80];
	_ =	sdelay $0x1  }
0x178: {  	s0 =	sadd.s32 $0x30, s0  }
0x179: {  	s7 =	sand.u32 $0x7F, s0;
	s0 =	sshll.u32 s0, $0x2  }
0x17a: {  	s0 =	sand.u32 $0xFFFFFE00, s0;
	s1 =	sshll.u32 s7, $0x2  }
0x17b: {  	s0 =	sor.u32 s1, s0;
	v1 =	vmul.f32 $8.000000000e+00, v1  }
0x17c: {  	s0 =	sshra.s32 s0, $0x2  }
0x17d: {  	s0 =	sadd.s32 s31, s0;
	[tilespmem:s31+$0x133A0] =	vst v1  }
0x17e: {  	v1 =	vld [tilespmem:s0+$0x6B80];
	_ =	sdelay $0x1  }
0x17f: {  	s0 =	spop (v2sf)  }
0x180: {  	s1 =	sand.u32 $0x7F, s0;
	s7 =	sshll.u32 s0, $0x2  }
0x181: {  	s7 =	sand.u32 $0xFFFFFE00, s7;
	s1 =	sshll.u32 s1, $0x2  }
0x182: {  	s1 =	sor.u32 s1, s7;
	v1 =	vmul.f32 $8.000000000e+00, v1  }
0x183: {  	s1 =	sshra.s32 s1, $0x2  }
0x184: {  	s1 =	sadd.s32 s31, s1;
	[tilespmem:s31+$0x133B0] =	vst v1  }
0x185: {  	v1 =	vld [tilespmem:s1+$0x6C00];
	_ =	sdelay $0x1  }
0x186: {  	s1 =	sadd.s32 $0x10, s0  }
0x187: {  	s7 =	sand.u32 $0x7F, s1;
	s1 =	sshll.u32 s1, $0x2  }
0x188: {  	s1 =	sand.u32 $0xFFFFFE00, s1;
	s7 =	sshll.u32 s7, $0x2  }
0x189: {  	s1 =	sor.u32 s7, s1;
	v1 =	vmul.f32 $8.000000000e+00, v1  }
0x18a: {  	s1 =	sshra.s32 s1, $0x2  }
0x18b: {  	s1 =	sadd.s32 s31, s1;
	[tilespmem:s31+$0x13400] =	vst v1  }
0x18c: {  	v1 =	vld [tilespmem:s1+$0x6C00];
	_ =	sdelay $0x1  }
0x18d: {  	s1 =	sadd.s32 $0x20, s0  }
0x18e: {  	(v2sf) =	vpush v0, $0xD;
	s7 =	sand.u32 $0x7F, s1;
	s1 =	sshll.u32 s1, $0x2  }
0x18f: {  	s1 =	sand.u32 $0xFFFFFE00, s1;
	s7 =	sshll.u32 s7, $0x2  }
0x190: {  	s1 =	sor.u32 s7, s1;
	v1 =	vmul.f32 $8.000000000e+00, v1  }
0x191: {  	s1 =	sshra.s32 s1, $0x2  }
0x192: {  	s1 =	sadd.s32 s31, s1;
	[tilespmem:s31+$0x13410] =	vst v1  }
0x193: {  	v1 =	vld [tilespmem:s1+$0x6C00];
	_ =	sdelay $0x1  }
0x194: {  	s0 =	sadd.s32 $0x30, s0  }
0x195: {  	s7 =	sand.u32 $0x7F, s0;
	s0 =	sshll.u32 s0, $0x2  }
0x196: {  	s0 =	sand.u32 $0xFFFFFE00, s0;
	s1 =	sshll.u32 s7, $0x2  }
0x197: {  	s0 =	sor.u32 s1, s0;
	v1 =	vmul.f32 $8.000000000e+00, v1  }
0x198: {  	s0 =	sshra.s32 s0, $0x2  }
0x199: {  	s0 =	sadd.s32 s31, s0;
	[tilespmem:s31+$0x13420] =	vst v1  }
0x19a: {  	v1 =	vld [tilespmem:s0+$0x6C00];
	_ =	sdelay $0x1  }
0x19b: {  	s0 =	spop (v2sf)  }
0x19c: {  	s1 =	sand.u32 $0x7F, s0;
	s7 =	sshll.u32 s0, $0x2  }
0x19d: {  	s7 =	sand.u32 $0xFFFFFE00, s7;
	s1 =	sshll.u32 s1, $0x2  }
0x19e: {  	s1 =	sor.u32 s1, s7;
	v1 =	vmul.f32 $8.000000000e+00, v1  }
0x19f: {  	s1 =	sshra.s32 s1, $0x2  }
0x1a0: {  	s1 =	sadd.s32 s31, s1;
	[tilespmem:s31+$0x13430] =	vst v1  }
0x1a1: {  	v1 =	vld [tilespmem:s1+$0x6C80];
	_ =	sdelay $0x1  }
0x1a2: {  	s1 =	sadd.s32 $0x10, s0  }
0x1a3: {  	s7 =	sand.u32 $0x7F, s1;
	s1 =	sshll.u32 s1, $0x2  }
0x1a4: {  	s1 =	sand.u32 $0xFFFFFE00, s1;
	s7 =	sshll.u32 s7, $0x2  }
0x1a5: {  	s1 =	sor.u32 s7, s1;
	v1 =	vmul.f32 $8.000000000e+00, v1  }
0x1a6: {  	s1 =	sshra.s32 s1, $0x2  }
0x1a7: {  	s1 =	sadd.s32 s31, s1;
	[tilespmem:s31+$0x13480] =	vst v1  }
0x1a8: {  	v1 =	vld [tilespmem:s1+$0x6C80];
	_ =	sdelay $0x1  }
0x1a9: {  	s1 =	sadd.s32 $0x20, s0  }
0x1aa: {  	(v2sf) =	vpush v0, $0xE;
	s7 =	sand.u32 $0x7F, s1;
	s1 =	sshll.u32 s1, $0x2  }
0x1ab: {  	s1 =	sand.u32 $0xFFFFFE00, s1;
	s7 =	sshll.u32 s7, $0x2  }
0x1ac: {  	s1 =	sor.u32 s7, s1;
	v1 =	vmul.f32 $8.000000000e+00, v1  }
0x1ad: {  	s1 =	sshra.s32 s1, $0x2  }
0x1ae: {  	s1 =	sadd.s32 s31, s1;
	[tilespmem:s31+$0x13490] =	vst v1  }
0x1af: {  	v1 =	vld [tilespmem:s1+$0x6C80];
	_ =	sdelay $0x1  }
0x1b0: {  	s0 =	sadd.s32 $0x30, s0  }
0x1b1: {  	s7 =	sand.u32 $0x7F, s0;
	s0 =	sshll.u32 s0, $0x2  }
0x1b2: {  	s0 =	sand.u32 $0xFFFFFE00, s0;
	s1 =	sshll.u32 s7, $0x2  }
0x1b3: {  	s0 =	sor.u32 s1, s0;
	v1 =	vmul.f32 $8.000000000e+00, v1  }
0x1b4: {  	s0 =	sshra.s32 s0, $0x2  }
0x1b5: {  	s0 =	sadd.s32 s31, s0;
	[tilespmem:s31+$0x134A0] =	vst v1  }
0x1b6: {  	v1 =	vld [tilespmem:s0+$0x6C80];
	_ =	sdelay $0x1  }
0x1b7: {  	s0 =	spop (v2sf)  }
0x1b8: {  	s1 =	sand.u32 $0x7F, s0;
	s7 =	sshll.u32 s0, $0x2  }
0x1b9: {  	s7 =	sand.u32 $0xFFFFFE00, s7;
	s1 =	sshll.u32 s1, $0x2  }
0x1ba: {  	s1 =	sor.u32 s1, s7;
	v1 =	vmul.f32 $8.000000000e+00, v1  }
0x1bb: {  	s1 =	sshra.s32 s1, $0x2  }
0x1bc: {  	s1 =	sadd.s32 s31, s1;
	[tilespmem:s31+$0x134B0] =	vst v1  }
0x1bd: {  	v1 =	vld [tilespmem:s1+$0x6D00];
	_ =	sdelay $0x1  }
0x1be: {  	s1 =	sadd.s32 $0x10, s0  }
0x1bf: {  	s7 =	sand.u32 $0x7F, s1;
	s1 =	sshll.u32 s1, $0x2  }
0x1c0: {  	s1 =	sand.u32 $0xFFFFFE00, s1;
	s7 =	sshll.u32 s7, $0x2  }
0x1c1: {  	s1 =	sor.u32 s7, s1;
	v1 =	vmul.f32 $8.000000000e+00, v1  }
0x1c2: {  	s1 =	sshra.s32 s1, $0x2  }
0x1c3: {  	s1 =	sadd.s32 s31, s1;
	[tilespmem:s31+$0x13500] =	vst v1  }
0x1c4: {  	v1 =	vld [tilespmem:s1+$0x6D00];
	_ =	sdelay $0x1  }
0x1c5: {  	s1 =	sadd.s32 $0x20, s0  }
0x1c6: {  	(v2sf) =	vpush v0, $0xF;
	s7 =	sand.u32 $0x7F, s1;
	s1 =	sshll.u32 s1, $0x2  }
0x1c7: {  	s1 =	sand.u32 $0xFFFFFE00, s1;
	s7 =	sshll.u32 s7, $0x2  }
0x1c8: {  	s1 =	sor.u32 s7, s1;
	v63 =	vmul.f32 $8.000000000e+00, v1  }
0x1c9: {  	s1 =	sshra.s32 s1, $0x2  }
0x1ca: {  	s1 =	sadd.s32 s31, s1;
	[tilespmem:s31+$0x13510] =	vst v63  }
0x1cb: {  	v0 =	vld [tilespmem:s1+$0x6D00];
	_ =	sdelay $0x1  }
0x1cc: {  	s0 =	sadd.s32 $0x30, s0  }
0x1cd: {  	s7 =	sand.u32 $0x7F, s0;
	s0 =	sshll.u32 s0, $0x2  }
0x1ce: {  	s0 =	sand.u32 $0xFFFFFE00, s0;
	s1 =	sshll.u32 s7, $0x2  }
0x1cf: {  	s0 =	sor.u32 s1, s0;
	v0 =	vmul.f32 $8.000000000e+00, v0  }
0x1d0: {  	s0 =	sshra.s32 s0, $0x2  }
0x1d1: {  	s0 =	sadd.s32 s31, s0;
	[tilespmem:s31+$0x13520] =	vst v0  }
0x1d2: {  	v0 =	vld [tilespmem:s0+$0x6D00];
	_ =	sdelay $0x1  }
0x1d3: {  	s0 =	spop (v2sf)  }
0x1d4: {  	s1 =	sand.u32 $0x7F, s0;
	s7 =	sshll.u32 s0, $0x2  }
0x1d5: {  	s7 =	sand.u32 $0xFFFFFE00, s7;
	s1 =	sshll.u32 s1, $0x2  }
0x1d6: {  	s1 =	sor.u32 s1, s7;
	v0 =	vmul.f32 $8.000000000e+00, v0  }
0x1d7: {  	s1 =	sshra.s32 s1, $0x2  }
0x1d8: {  	s1 =	sadd.s32 s31, s1;
	[tilespmem:s31+$0x13530] =	vst v0  }
0x1d9: {  	v0 =	vld [tilespmem:s1+$0x6D80];
	_ =	sdelay $0x1  }
0x1da: {  	s1 =	sadd.s32 $0x10, s0  }
0x1db: {  	s7 =	sand.u32 $0x7F, s1;
	s1 =	sshll.u32 s1, $0x2  }
0x1dc: {  	s1 =	sand.u32 $0xFFFFFE00, s1;
	s7 =	sshll.u32 s7, $0x2  }
0x1dd: {  	s1 =	sor.u32 s7, s1;
	v0 =	vmul.f32 $8.000000000e+00, v0  }
0x1de: {  	s1 =	sshra.s32 s1, $0x2  }
0x1df: {  	s1 =	sadd.s32 s31, s1;
	[tilespmem:s31+$0x13580] =	vst v0  }
0x1e0: {  	v0 =	vld [tilespmem:s1+$0x6D80];
	_ =	sdelay $0x1  }
0x1e1: {  	s1 =	sadd.s32 $0x20, s0  }
0x1e2: {  	s7 =	sand.u32 $0x7F, s1;
	s1 =	sshll.u32 s1, $0x2  }
0x1e3: {  	s1 =	sand.u32 $0xFFFFFE00, s1;
	s7 =	sshll.u32 s7, $0x2  }
0x1e4: {  	s1 =	sor.u32 s7, s1;
	v0 =	vmul.f32 $8.000000000e+00, v0  }
0x1e5: {  	s1 =	sshra.s32 s1, $0x2  }
0x1e6: {  	s1 =	sadd.s32 s31, s1;
	[tilespmem:s31+$0x13590] =	vst v0  }
0x1e7: {  	v0 =	vld [tilespmem:s1+$0x6D80];
	_ =	sdelay $0x1  }
0x1e8: {  	s0 =	sadd.s32 $0x30, s0  }
0x1e9: {  	s7 =	sand.u32 $0x7F, s0;
	s0 =	sshll.u32 s0, $0x2  }
0x1ea: {  	s0 =	sand.u32 $0xFFFFFE00, s0;
	s1 =	sshll.u32 s7, $0x2  }
0x1eb: {  	s0 =	sor.u32 s1, s0;
	v0 =	vmul.f32 $8.000000000e+00, v0  }
0x1ec: {  	s0 =	sshra.s32 s0, $0x2  }
0x1ed: {  	s0 =	sadd.s32 s31, s0;
	[tilespmem:s31+$0x135A0] =	vst v0  }
0x1ee: {  	v0 =	vld [tilespmem:s0+$0x6D80];
	_ =	sdelay $0x1  }
0x1ef: {  	p1 =	sne.s32 s29, $0x16000  }
.Ltmp0:
0x1f0: {  	_ = 	snop;
	(pc) =	sbr.rel @p1 .LBB2_3-.Ltmp0, $3  }
0x1f1: {  	_ = 	snop  }
0x1f2: {  	v0 =	vmul.f32 $8.000000000e+00, v0;
	_ =	sdelay $0x1  }
0x1f3: {  	s30 =	sadd.s32 $0x10, s30;
	s29 =	sadd.s32 $0x2000, s29;
	[tilespmem:s31+$0x135B0] =	vst v0  }
0x1f4: {  	v0 =	vld [tilespmem:$0x64B8];
	_ =	sdelay $0x4  }
0x1f5: {  	(v2sf) =	vpush v0, $0x0;
	_ =	sdelay $0xe  }
0x1f6: {  	s0 =	spop (v2sf)  }
0x1f7: {  	v1 =	vld [tilespmem:s0+$0xC200];
	_ =	sdelay $0x4  }
0x1f8: {  	v1 =	vmul.f32 $8.000000000e+00, v1;
	_ =	sdelay $0x1  }
0x1f9: {  	[tilespmem:$0x18A00] =	vst v1  }
0x1fa: {  	v1 =	vld [tilespmem:s0+$0xC210];
	_ =	sdelay $0x4  }
0x1fb: {  	v1 =	vmul.f32 $8.000000000e+00, v1;
	_ =	sdelay $0x1  }
0x1fc: {  	[tilespmem:$0x18A10] =	vst v1  }
0x1fd: {  	(v2sf) =	vpush v0, $0x1;
	v1 =	vld [tilespmem:s0+$0xC220];
	_ =	sdelay $0x4  }
0x1fe: {  	v1 =	vmul.f32 $8.000000000e+00, v1;
	_ =	sdelay $0x1  }
0x1ff: {  	[tilespmem:$0x18A20] =	vst v1  }
0x200: {  	v1 =	vld [tilespmem:s0+$0xC230];
	_ =	sdelay $0x4  }
0x201: {  	v1 =	vmul.f32 $8.000000000e+00, v1;
	_ =	sdelay $0x1  }
0x202: {  	s1 =	spop (v2sf);
	[tilespmem:$0x18A30] =	vst v1  }
0x203: {  	v1 =	vld [tilespmem:s1+$0xC280];
	_ =	sdelay $0x4  }
0x204: {  	v1 =	vmul.f32 $8.000000000e+00, v1;
	_ =	sdelay $0x1  }
0x205: {  	[tilespmem:$0x18A80] =	vst v1  }
0x206: {  	v1 =	vld [tilespmem:s1+$0xC290];
	_ =	sdelay $0x4  }
0x207: {  	v1 =	vmul.f32 $8.000000000e+00, v1;
	_ =	sdelay $0x1  }
0x208: {  	[tilespmem:$0x18A90] =	vst v1  }
0x209: {  	(v2sf) =	vpush v0, $0x2;
	v1 =	vld [tilespmem:s1+$0xC2A0];
	_ =	sdelay $0x4  }
0x20a: {  	v1 =	vmul.f32 $8.000000000e+00, v1;
	_ =	sdelay $0x1  }
0x20b: {  	[tilespmem:$0x18AA0] =	vst v1  }
0x20c: {  	v1 =	vld [tilespmem:s1+$0xC2B0];
	_ =	sdelay $0x4  }
0x20d: {  	v1 =	vmul.f32 $8.000000000e+00, v1;
	_ =	sdelay $0x1  }
0x20e: {  	s7 =	spop (v2sf);
	[tilespmem:$0x18AB0] =	vst v1  }
0x20f: {  	v1 =	vld [tilespmem:s7+$0xC300];
	_ =	sdelay $0x4  }
0x210: {  	v1 =	vmul.f32 $8.000000000e+00, v1;
	_ =	sdelay $0x1  }
0x211: {  	[tilespmem:$0x18B00] =	vst v1  }
0x212: {  	v1 =	vld [tilespmem:s7+$0xC310];
	_ =	sdelay $0x4  }
0x213: {  	v1 =	vmul.f32 $8.000000000e+00, v1;
	_ =	sdelay $0x1  }
0x214: {  	[tilespmem:$0x18B10] =	vst v1  }
0x215: {  	(v2sf) =	vpush v0, $0x3;
	v1 =	vld [tilespmem:s7+$0xC320];
	_ =	sdelay $0x4  }
0x216: {  	v1 =	vmul.f32 $8.000000000e+00, v1;
	_ =	sdelay $0x1  }
0x217: {  	[tilespmem:$0x18B20] =	vst v1  }
0x218: {  	v1 =	vld [tilespmem:s7+$0xC330];
	_ =	sdelay $0x4  }
0x219: {  	v1 =	vmul.f32 $8.000000000e+00, v1;
	_ =	sdelay $0x1  }
0x21a: {  	s30 =	spop (v2sf);
	[tilespmem:$0x18B30] =	vst v1  }
0x21b: {  	v1 =	vld [tilespmem:s30+$0xC380];
	_ =	sdelay $0x4  }
0x21c: {  	v1 =	vmul.f32 $8.000000000e+00, v1;
	_ =	sdelay $0x1  }
0x21d: {  	[tilespmem:$0x18B80] =	vst v1  }
0x21e: {  	v1 =	vld [tilespmem:s30+$0xC390];
	_ =	sdelay $0x4  }
0x21f: {  	v1 =	vmul.f32 $8.000000000e+00, v1;
	_ =	sdelay $0x1  }
0x220: {  	[tilespmem:$0x18B90] =	vst v1  }
0x221: {  	(v2sf) =	vpush v0, $0x4;
	v1 =	vld [tilespmem:s30+$0xC3A0];
	_ =	sdelay $0x4  }
0x222: {  	v1 =	vmul.f32 $8.000000000e+00, v1;
	_ =	sdelay $0x1  }
0x223: {  	[tilespmem:$0x18BA0] =	vst v1  }
0x224: {  	v1 =	vld [tilespmem:s30+$0xC3B0];
	_ =	sdelay $0x4  }
0x225: {  	v1 =	vmul.f32 $8.000000000e+00, v1;
	_ =	sdelay $0x1  }
0x226: {  	s31 =	spop (v2sf);
	[tilespmem:$0x18BB0] =	vst v1  }
0x227: {  	v1 =	vld [tilespmem:s31+$0xC400];
	_ =	sdelay $0x4  }
0x228: {  	v1 =	vmul.f32 $8.000000000e+00, v1;
	_ =	sdelay $0x1  }
0x229: {  	[tilespmem:$0x18C00] =	vst v1  }
0x22a: {  	v1 =	vld [tilespmem:s31+$0xC410];
	_ =	sdelay $0x4  }
0x22b: {  	v1 =	vmul.f32 $8.000000000e+00, v1;
	_ =	sdelay $0x1  }
0x22c: {  	[tilespmem:$0x18C10] =	vst v1  }
0x22d: {  	(v2sf) =	vpush v0, $0x5;
	v1 =	vld [tilespmem:s31+$0xC420];
	_ =	sdelay $0x4  }
0x22e: {  	v1 =	vmul.f32 $8.000000000e+00, v1;
	_ =	sdelay $0x1  }
0x22f: {  	[tilespmem:$0x18C20] =	vst v1  }
0x230: {  	v1 =	vld [tilespmem:s31+$0xC430];
	_ =	sdelay $0x4  }
0x231: {  	v1 =	vmul.f32 $8.000000000e+00, v1;
	_ =	sdelay $0x1  }
0x232: {  	s1 =	spop (v2sf);
	[tilespmem:$0x18C30] =	vst v1  }
0x233: {  	v1 =	vld [tilespmem:s1+$0xC480];
	_ =	sdelay $0x4  }
0x234: {  	v1 =	vmul.f32 $8.000000000e+00, v1;
	_ =	sdelay $0x1  }
0x235: {  	[tilespmem:$0x18C80] =	vst v1  }
0x236: {  	v1 =	vld [tilespmem:s1+$0xC490];
	_ =	sdelay $0x4  }
0x237: {  	v1 =	vmul.f32 $8.000000000e+00, v1;
	_ =	sdelay $0x1  }
0x238: {  	[tilespmem:$0x18C90] =	vst v1  }
0x239: {  	(v2sf) =	vpush v0, $0x6;
	v1 =	vld [tilespmem:s1+$0xC4A0];
	_ =	sdelay $0x4  }
0x23a: {  	v1 =	vmul.f32 $8.000000000e+00, v1;
	_ =	sdelay $0x1  }
0x23b: {  	[tilespmem:$0x18CA0] =	vst v1  }
0x23c: {  	v1 =	vld [tilespmem:s1+$0xC4B0];
	_ =	sdelay $0x4  }
0x23d: {  	v1 =	vmul.f32 $8.000000000e+00, v1;
	_ =	sdelay $0x1  }
0x23e: {  	s7 =	spop (v2sf);
	[tilespmem:$0x18CB0] =	vst v1  }
0x23f: {  	v1 =	vld [tilespmem:s7+$0xC500];
	_ =	sdelay $0x4  }
0x240: {  	v1 =	vmul.f32 $8.000000000e+00, v1;
	_ =	sdelay $0x1  }
0x241: {  	[tilespmem:$0x18D00] =	vst v1  }
0x242: {  	v1 =	vld [tilespmem:s7+$0xC510];
	_ =	sdelay $0x4  }
0x243: {  	v1 =	vmul.f32 $8.000000000e+00, v1;
	_ =	sdelay $0x1  }
0x244: {  	[tilespmem:$0x18D10] =	vst v1  }
0x245: {  	(v2sf) =	vpush v0, $0x7;
	v1 =	vld [tilespmem:s7+$0xC520];
	_ =	sdelay $0x4  }
0x246: {  	v1 =	vmul.f32 $8.000000000e+00, v1;
	_ =	sdelay $0x1  }
0x247: {  	[tilespmem:$0x18D20] =	vst v1  }
0x248: {  	v1 =	vld [tilespmem:s7+$0xC530];
	_ =	sdelay $0x4  }
0x249: {  	v1 =	vmul.f32 $8.000000000e+00, v1;
	_ =	sdelay $0x1  }
0x24a: {  	s30 =	spop (v2sf);
	[tilespmem:$0x18D30] =	vst v1  }
0x24b: {  	v1 =	vld [tilespmem:s30+$0xC580];
	_ =	sdelay $0x4  }
0x24c: {  	v1 =	vmul.f32 $8.000000000e+00, v1;
	_ =	sdelay $0x1  }
0x24d: {  	[tilespmem:$0x18D80] =	vst v1  }
0x24e: {  	v1 =	vld [tilespmem:s30+$0xC590];
	_ =	sdelay $0x4  }
0x24f: {  	v1 =	vmul.f32 $8.000000000e+00, v1;
	_ =	sdelay $0x1  }
0x250: {  	[tilespmem:$0x18D90] =	vst v1  }
0x251: {  	(v2sf) =	vpush v0, $0x8;
	v1 =	vld [tilespmem:s30+$0xC5A0];
	_ =	sdelay $0x4  }
0x252: {  	v1 =	vmul.f32 $8.000000000e+00, v1;
	_ =	sdelay $0x1  }
0x253: {  	[tilespmem:$0x18DA0] =	vst v1  }
0x254: {  	v1 =	vld [tilespmem:s30+$0xC5B0];
	_ =	sdelay $0x4  }
0x255: {  	v1 =	vmul.f32 $8.000000000e+00, v1;
	_ =	sdelay $0x1  }
0x256: {  	s31 =	spop (v2sf);
	[tilespmem:$0x18DB0] =	vst v1  }
0x257: {  	v1 =	vld [tilespmem:s31+$0xC600];
	_ =	sdelay $0x4  }
0x258: {  	v1 =	vmul.f32 $8.000000000e+00, v1;
	_ =	sdelay $0x1  }
0x259: {  	[tilespmem:$0x18E00] =	vst v1  }
0x25a: {  	v1 =	vld [tilespmem:s31+$0xC610];
	_ =	sdelay $0x4  }
0x25b: {  	v1 =	vmul.f32 $8.000000000e+00, v1;
	_ =	sdelay $0x1  }
0x25c: {  	[tilespmem:$0x18E10] =	vst v1  }
0x25d: {  	(v2sf) =	vpush v0, $0x9;
	v1 =	vld [tilespmem:s31+$0xC620];
	_ =	sdelay $0x4  }
0x25e: {  	v1 =	vmul.f32 $8.000000000e+00, v1;
	_ =	sdelay $0x1  }
0x25f: {  	[tilespmem:$0x18E20] =	vst v1  }
0x260: {  	v1 =	vld [tilespmem:s31+$0xC630];
	_ =	sdelay $0x4  }
0x261: {  	v1 =	vmul.f32 $8.000000000e+00, v1;
	_ =	sdelay $0x1  }
0x262: {  	s1 =	spop (v2sf);
	[tilespmem:$0x18E30] =	vst v1  }
0x263: {  	v1 =	vld [tilespmem:s1+$0xC680];
	_ =	sdelay $0x4  }
0x264: {  	v1 =	vmul.f32 $8.000000000e+00, v1;
	_ =	sdelay $0x1  }
0x265: {  	[tilespmem:$0x18E80] =	vst v1  }
0x266: {  	v1 =	vld [tilespmem:s1+$0xC690];
	_ =	sdelay $0x4  }
0x267: {  	v1 =	vmul.f32 $8.000000000e+00, v1;
	_ =	sdelay $0x1  }
0x268: {  	[tilespmem:$0x18E90] =	vst v1  }
0x269: {  	(v2sf) =	vpush v0, $0xA;
	v1 =	vld [tilespmem:s1+$0xC6A0];
	_ =	sdelay $0x4  }
0x26a: {  	v1 =	vmul.f32 $8.000000000e+00, v1;
	_ =	sdelay $0x1  }
0x26b: {  	[tilespmem:$0x18EA0] =	vst v1  }
0x26c: {  	v1 =	vld [tilespmem:s1+$0xC6B0];
	_ =	sdelay $0x4  }
0x26d: {  	v1 =	vmul.f32 $8.000000000e+00, v1;
	_ =	sdelay $0x1  }
0x26e: {  	s7 =	spop (v2sf);
	[tilespmem:$0x18EB0] =	vst v1  }
0x26f: {  	v1 =	vld [tilespmem:s7+$0xC700];
	_ =	sdelay $0x4  }
0x270: {  	v1 =	vmul.f32 $8.000000000e+00, v1;
	_ =	sdelay $0x1  }
0x271: {  	[tilespmem:$0x18F00] =	vst v1  }
0x272: {  	v1 =	vld [tilespmem:s7+$0xC710];
	_ =	sdelay $0x4  }
0x273: {  	v1 =	vmul.f32 $8.000000000e+00, v1;
	_ =	sdelay $0x1  }
0x274: {  	[tilespmem:$0x18F10] =	vst v1  }
0x275: {  	(v2sf) =	vpush v0, $0xB;
	v1 =	vld [tilespmem:s7+$0xC720];
	_ =	sdelay $0x4  }
0x276: {  	v1 =	vmul.f32 $8.000000000e+00, v1;
	_ =	sdelay $0x1  }
0x277: {  	[tilespmem:$0x18F20] =	vst v1  }
0x278: {  	v1 =	vld [tilespmem:s7+$0xC730];
	_ =	sdelay $0x4  }
0x279: {  	v1 =	vmul.f32 $8.000000000e+00, v1;
	_ =	sdelay $0x1  }
0x27a: {  	s30 =	spop (v2sf);
	[tilespmem:$0x18F30] =	vst v1  }
0x27b: {  	v1 =	vld [tilespmem:s30+$0xC780];
	_ =	sdelay $0x4  }
0x27c: {  	v1 =	vmul.f32 $8.000000000e+00, v1;
	_ =	sdelay $0x1  }
0x27d: {  	[tilespmem:$0x18F80] =	vst v1  }
0x27e: {  	v1 =	vld [tilespmem:s30+$0xC790];
	_ =	sdelay $0x4  }
0x27f: {  	v1 =	vmul.f32 $8.000000000e+00, v1;
	_ =	sdelay $0x1  }
0x280: {  	[tilespmem:$0x18F90] =	vst v1  }
0x281: {  	(v2sf) =	vpush v0, $0xC;
	v1 =	vld [tilespmem:s30+$0xC7A0];
	_ =	sdelay $0x4  }
0x282: {  	v1 =	vmul.f32 $8.000000000e+00, v1;
	_ =	sdelay $0x1  }
0x283: {  	[tilespmem:$0x18FA0] =	vst v1  }
0x284: {  	v1 =	vld [tilespmem:s30+$0xC7B0];
	_ =	sdelay $0x4  }
0x285: {  	v1 =	vmul.f32 $8.000000000e+00, v1;
	_ =	sdelay $0x1  }
0x286: {  	s31 =	spop (v2sf);
	[tilespmem:$0x18FB0] =	vst v1  }
0x287: {  	v1 =	vld [tilespmem:s31+$0xC800];
	_ =	sdelay $0x4  }
0x288: {  	v1 =	vmul.f32 $8.000000000e+00, v1;
	_ =	sdelay $0x1  }
0x289: {  	[tilespmem:$0x19000] =	vst v1  }
0x28a: {  	v1 =	vld [tilespmem:s31+$0xC810];
	_ =	sdelay $0x4  }
0x28b: {  	v1 =	vmul.f32 $8.000000000e+00, v1;
	_ =	sdelay $0x1  }
0x28c: {  	[tilespmem:$0x19010] =	vst v1  }
0x28d: {  	(v2sf) =	vpush v0, $0xD;
	v1 =	vld [tilespmem:s31+$0xC820];
	_ =	sdelay $0x4  }
0x28e: {  	v1 =	vmul.f32 $8.000000000e+00, v1;
	_ =	sdelay $0x1  }
0x28f: {  	[tilespmem:$0x19020] =	vst v1  }
0x290: {  	v1 =	vld [tilespmem:s31+$0xC830];
	_ =	sdelay $0x4  }
0x291: {  	v1 =	vmul.f32 $8.000000000e+00, v1;
	_ =	sdelay $0x1  }
0x292: {  	s1 =	spop (v2sf);
	[tilespmem:$0x19030] =	vst v1  }
0x293: {  	v1 =	vld [tilespmem:s1+$0xC880];
	_ =	sdelay $0x4  }
0x294: {  	v1 =	vmul.f32 $8.000000000e+00, v1;
	_ =	sdelay $0x1  }
0x295: {  	[tilespmem:$0x19080] =	vst v1  }
0x296: {  	v1 =	vld [tilespmem:s1+$0xC890];
	_ =	sdelay $0x4  }
0x297: {  	v1 =	vmul.f32 $8.000000000e+00, v1;
	_ =	sdelay $0x1  }
0x298: {  	[tilespmem:$0x19090] =	vst v1  }
0x299: {  	(v2sf) =	vpush v0, $0xE;
	v1 =	vld [tilespmem:s1+$0xC8A0];
	_ =	sdelay $0x4  }
0x29a: {  	v1 =	vmul.f32 $8.000000000e+00, v1;
	_ =	sdelay $0x1  }
0x29b: {  	[tilespmem:$0x190A0] =	vst v1  }
0x29c: {  	v1 =	vld [tilespmem:s1+$0xC8B0];
	_ =	sdelay $0x4  }
0x29d: {  	v1 =	vmul.f32 $8.000000000e+00, v1;
	_ =	sdelay $0x1  }
0x29e: {  	s7 =	spop (v2sf);
	[tilespmem:$0x190B0] =	vst v1  }
0x29f: {  	v1 =	vld [tilespmem:s7+$0xC900];
	_ =	sdelay $0x4  }
0x2a0: {  	v1 =	vmul.f32 $8.000000000e+00, v1;
	_ =	sdelay $0x1  }
0x2a1: {  	[tilespmem:$0x19100] =	vst v1  }
0x2a2: {  	v1 =	vld [tilespmem:s7+$0xC910];
	_ =	sdelay $0x4  }
0x2a3: {  	v1 =	vmul.f32 $8.000000000e+00, v1;
	_ =	sdelay $0x1  }
0x2a4: {  	[tilespmem:$0x19110] =	vst v1  }
0x2a5: {  	(v2sf) =	vpush v0, $0xF;
	v1 =	vld [tilespmem:s7+$0xC920];
	_ =	sdelay $0x4  }
0x2a6: {  	v63 =	vmul.f32 $8.000000000e+00, v1;
	_ =	sdelay $0x1  }
0x2a7: {  	[tilespmem:$0x19120] =	vst v63  }
0x2a8: {  	v0 =	vld [tilespmem:s7+$0xC930];
	_ =	sdelay $0x4  }
0x2a9: {  	v0 =	vmul.f32 $8.000000000e+00, v0;
	_ =	sdelay $0x1  }
0x2aa: {  	s30 =	spop (v2sf);
	[tilespmem:$0x19130] =	vst v0  }
0x2ab: {  	v0 =	vld [tilespmem:s30+$0xC980];
	_ =	sdelay $0x4  }
0x2ac: {  	v0 =	vmul.f32 $8.000000000e+00, v0;
	_ =	sdelay $0x1  }
0x2ad: {  	[tilespmem:$0x19180] =	vst v0  }
0x2ae: {  	v0 =	vld [tilespmem:s30+$0xC990];
	_ =	sdelay $0x4  }
0x2af: {  	v0 =	vmul.f32 $8.000000000e+00, v0;
	_ =	sdelay $0x1  }
0x2b0: {  	[tilespmem:$0x19190] =	vst v0  }
0x2b1: {  	v0 =	vld [tilespmem:s30+$0xC9A0];
	_ =	sdelay $0x4  }
0x2b2: {  	v0 =	vmul.f32 $8.000000000e+00, v0;
	_ =	sdelay $0x1  }
0x2b3: {  	[tilespmem:$0x191A0] =	vst v0  }
0x2b4: {  	v0 =	vld [tilespmem:s30+$0xC9B0];
	_ =	sdelay $0x3  }
0x2b5: {  	s31 =	sadd.s32 s6, s28  }
0x2b6: {  	s0 =	smul.u32 $0xC80, s31;
	v0 =	vmul.f32 $8.000000000e+00, v0;
	_ =	sdelay $0x1  }
0x2b7: {  	s0 =	sadd.s32 s5, s0;
	[tilespmem:$0x191B0] =	vst v0  }
0x2b8: {  	[hbm4b:s0+s2] =	stream.linear.scatter [tilespmem:s20], [sflag:$0x3], $0x6400, $0x38;
	[tilespmem:$0x1F600] =	vst v63  }
0x2b9: {  	s0 =	simm.s32 @!p0 $0x4  }
0x2ba: {  	p1 =	seq.s32 @!p0 s25, $0x3F;
	_ =	swait.ge @!p0 [sflag:s0], $0x6400  }
0x2bb: {  	p1 =	por p0, !p1;
	[sflag:s0] =	ssyncset.done @!p0 $0x0  }
0x2bc: {  	[sflag:s0] =	ssyncadd.s32 @!p0 $0xFFFF9C00;
	s0 =	sadd.s32 @p1 $0x2, s28  }
0x2bd: {  	s1 =	smul.u32 @p1 $0x320, s0;
	_ =	sdelay $0x1  }
0x2be: {  	s0 =	sadd.s32 @p1 s6, s0;
	s1 =	sshra.s32 @p1 s1, $0x2  }
0x2bf: {  	[tilespmem:s13], [sflag:$0x1] =	stream.indirect.gather @p1 [hbm4b:s4+s12], $0x80, s1, s12, $0xb8;
	[tilespmem:$0x1F600] =	vst v63  }
0x2c0: {  	s0 =	smul.u32 @p1 $0x19, s0;
	s1 =	sadd.s32 @p1 $0x80, s1  }
0x2c1: {  	[tilespmem:s15], [sflag:$0x1] =	stream.indirect.gather @p1 [hbm4b:s4+s14], $0x80, s1, s14, $0xb8;
	[tilespmem:$0x1F600] =	vst v63  }
0x2c2: {  	s0 =	sadd.s32 @p1 s3, s0  }
0x2c3: {  	[tilespmem:s11], [sflag:$0x5] =	stream.linear.gather @p1 [hbm4b:s0+s2], $0xC8, $0x38;
	[tilespmem:$0x1F600] =	vst v63  }
0x2c4: {  	_ =	swait.ge @p1 [sflag:s10], $0xC8  }
0x2c5: {  	[sflag:s10] =	ssyncset.done @p1 $0x0  }
0x2c6: {  	[sflag:s10] =	ssyncadd.s32 @p1 $0xFFFFFF38  }
0x2c7: {  	_ =	swait.ge [sflag:s21], $0x4000  }
0x2c8: {  	[sflag:s21] =	ssyncset.done $0x0  }
0x2c9: {  	[sflag:s21] =	ssyncadd.s32 $0xFFFFC000  }
0x2ca: {  	_ =	swait.ge [sflag:s21], $0x2400  }
0x2cb: {  	[sflag:s21] =	ssyncset.done $0x0  }
0x2cc: {  	s29 =	simm.s32 $0x6500;
	s28 =	simm.s32 $0x0;
	[sflag:s21] =	ssyncadd.s32 $0xFFFFDC00  }
.LBB2_5:
0x2cd: {  	v0 =	vld [tilespmem:s29+$0x0];
	_ =	sdelay $0x4  }
0x2ce: {  	(v2sf) =	vpush v0, $0x0;
	_ =	sdelay $0xe  }
0x2cf: {  	s0 =	spop (v2sf)  }
0x2d0: {  	s1 =	sand.u32 $0x7F, s0;
	s7 =	sshll.u32 s0, $0x2  }
0x2d1: {  	s7 =	sand.u32 $0xFFFFFE00, s7;
	s1 =	sshll.u32 s1, $0x2  }
0x2d2: {  	s1 =	sor.u32 s1, s7  }
0x2d3: {  	s30 =	sshra.s32 s28, $0x2;
	s1 =	sshra.s32 s1, $0x2  }
0x2d4: {  	s1 =	sadd.s32 s30, s1  }
0x2d5: {  	v1 =	vld [tilespmem:s1+$0xCA00];
	_ =	sdelay $0x1  }
0x2d6: {  	s7 =	sadd.s32 $0x10, s0  }
0x2d7: {  	s31 =	sand.u32 $0x7F, s7;
	s1 =	sshll.u32 s7, $0x2  }
0x2d8: {  	s7 =	sshll.u32 s31, $0x2;
	s1 =	sand.u32 $0xFFFFFE00, s1  }
0x2d9: {  	s1 =	sor.u32 s7, s1;
	v1 =	vmul.f32 $8.000000000e+00, v1  }
0x2da: {  	s1 =	sshra.s32 s1, $0x2  }
0x2db: {  	s1 =	sadd.s32 s30, s1;
	[tilespmem:s30+$0x19200] =	vst v1  }
0x2dc: {  	v1 =	vld [tilespmem:s1+$0xCA00];
	_ =	sdelay $0x1  }
0x2dd: {  	s7 =	sadd.s32 $0x20, s0  }
0x2de: {  	(v2sf) =	vpush v0, $0x1;
	s31 =	sand.u32 $0x7F, s7;
	s1 =	sshll.u32 s7, $0x2  }
0x2df: {  	s7 =	sshll.u32 s31, $0x2;
	s1 =	sand.u32 $0xFFFFFE00, s1  }
0x2e0: {  	s1 =	sor.u32 s7, s1;
	v1 =	vmul.f32 $8.000000000e+00, v1  }
0x2e1: {  	s1 =	sshra.s32 s1, $0x2  }
0x2e2: {  	s1 =	sadd.s32 s30, s1;
	[tilespmem:s30+$0x19210] =	vst v1  }
0x2e3: {  	v1 =	vld [tilespmem:s1+$0xCA00];
	_ =	sdelay $0x1  }
0x2e4: {  	s0 =	sadd.s32 $0x30, s0  }
0x2e5: {  	s7 =	sand.u32 $0x7F, s0;
	s0 =	sshll.u32 s0, $0x2  }
0x2e6: {  	s0 =	sand.u32 $0xFFFFFE00, s0;
	s1 =	sshll.u32 s7, $0x2  }
0x2e7: {  	s0 =	sor.u32 s1, s0;
	v1 =	vmul.f32 $8.000000000e+00, v1  }
0x2e8: {  	s0 =	sshra.s32 s0, $0x2  }
0x2e9: {  	s0 =	sadd.s32 s30, s0;
	[tilespmem:s30+$0x19220] =	vst v1  }
0x2ea: {  	v1 =	vld [tilespmem:s0+$0xCA00];
	_ =	sdelay $0x1  }
0x2eb: {  	s0 =	spop (v2sf)  }
0x2ec: {  	s1 =	sand.u32 $0x7F, s0;
	s31 =	sshll.u32 s0, $0x2  }
0x2ed: {  	s7 =	sand.u32 $0xFFFFFE00, s31;
	s1 =	sshll.u32 s1, $0x2  }
0x2ee: {  	s1 =	sor.u32 s1, s7;
	v1 =	vmul.f32 $8.000000000e+00, v1  }
0x2ef: {  	s1 =	sshra.s32 s1, $0x2  }
0x2f0: {  	s1 =	sadd.s32 s30, s1;
	[tilespmem:s30+$0x19230] =	vst v1  }
0x2f1: {  	v1 =	vld [tilespmem:s1+$0xCA80];
	_ =	sdelay $0x1  }
0x2f2: {  	s7 =	sadd.s32 $0x10, s0  }
0x2f3: {  	s31 =	sand.u32 $0x7F, s7;
	s1 =	sshll.u32 s7, $0x2  }
0x2f4: {  	s7 =	sshll.u32 s31, $0x2;
	s1 =	sand.u32 $0xFFFFFE00, s1  }
0x2f5: {  	s1 =	sor.u32 s7, s1;
	v1 =	vmul.f32 $8.000000000e+00, v1  }
0x2f6: {  	s1 =	sshra.s32 s1, $0x2  }
0x2f7: {  	s1 =	sadd.s32 s30, s1;
	[tilespmem:s30+$0x19280] =	vst v1  }
0x2f8: {  	v1 =	vld [tilespmem:s1+$0xCA80];
	_ =	sdelay $0x1  }
0x2f9: {  	s7 =	sadd.s32 $0x20, s0  }
0x2fa: {  	(v2sf) =	vpush v0, $0x2;
	s31 =	sand.u32 $0x7F, s7;
	s1 =	sshll.u32 s7, $0x2  }
0x2fb: {  	s7 =	sshll.u32 s31, $0x2;
	s1 =	sand.u32 $0xFFFFFE00, s1  }
0x2fc: {  	s1 =	sor.u32 s7, s1;
	v1 =	vmul.f32 $8.000000000e+00, v1  }
0x2fd: {  	s1 =	sshra.s32 s1, $0x2  }
0x2fe: {  	s1 =	sadd.s32 s30, s1;
	[tilespmem:s30+$0x19290] =	vst v1  }
0x2ff: {  	v1 =	vld [tilespmem:s1+$0xCA80];
	_ =	sdelay $0x1  }
0x300: {  	s0 =	sadd.s32 $0x30, s0  }
0x301: {  	s7 =	sand.u32 $0x7F, s0;
	s0 =	sshll.u32 s0, $0x2  }
0x302: {  	s0 =	sand.u32 $0xFFFFFE00, s0;
	s1 =	sshll.u32 s7, $0x2  }
0x303: {  	s0 =	sor.u32 s1, s0;
	v1 =	vmul.f32 $8.000000000e+00, v1  }
0x304: {  	s0 =	sshra.s32 s0, $0x2  }
0x305: {  	s0 =	sadd.s32 s30, s0;
	[tilespmem:s30+$0x192A0] =	vst v1  }
0x306: {  	v1 =	vld [tilespmem:s0+$0xCA80];
	_ =	sdelay $0x1  }
0x307: {  	s0 =	spop (v2sf)  }
0x308: {  	s1 =	sand.u32 $0x7F, s0;
	s31 =	sshll.u32 s0, $0x2  }
0x309: {  	s7 =	sand.u32 $0xFFFFFE00, s31;
	s1 =	sshll.u32 s1, $0x2  }
0x30a: {  	s1 =	sor.u32 s1, s7;
	v1 =	vmul.f32 $8.000000000e+00, v1  }
0x30b: {  	s1 =	sshra.s32 s1, $0x2  }
0x30c: {  	s1 =	sadd.s32 s30, s1;
	[tilespmem:s30+$0x192B0] =	vst v1  }
0x30d: {  	v1 =	vld [tilespmem:s1+$0xCB00];
	_ =	sdelay $0x1  }
0x30e: {  	s7 =	sadd.s32 $0x10, s0  }
0x30f: {  	s31 =	sand.u32 $0x7F, s7;
	s1 =	sshll.u32 s7, $0x2  }
0x310: {  	s7 =	sshll.u32 s31, $0x2;
	s1 =	sand.u32 $0xFFFFFE00, s1  }
0x311: {  	s1 =	sor.u32 s7, s1;
	v1 =	vmul.f32 $8.000000000e+00, v1  }
0x312: {  	s1 =	sshra.s32 s1, $0x2  }
0x313: {  	s1 =	sadd.s32 s30, s1;
	[tilespmem:s30+$0x19300] =	vst v1  }
0x314: {  	v1 =	vld [tilespmem:s1+$0xCB00];
	_ =	sdelay $0x1  }
0x315: {  	s7 =	sadd.s32 $0x20, s0  }
0x316: {  	(v2sf) =	vpush v0, $0x3;
	s31 =	sand.u32 $0x7F, s7;
	s1 =	sshll.u32 s7, $0x2  }
0x317: {  	s7 =	sshll.u32 s31, $0x2;
	s1 =	sand.u32 $0xFFFFFE00, s1  }
0x318: {  	s1 =	sor.u32 s7, s1;
	v1 =	vmul.f32 $8.000000000e+00, v1  }
0x319: {  	s1 =	sshra.s32 s1, $0x2  }
0x31a: {  	s1 =	sadd.s32 s30, s1;
	[tilespmem:s30+$0x19310] =	vst v1  }
0x31b: {  	v1 =	vld [tilespmem:s1+$0xCB00];
	_ =	sdelay $0x1  }
0x31c: {  	s0 =	sadd.s32 $0x30, s0  }
0x31d: {  	s7 =	sand.u32 $0x7F, s0;
	s0 =	sshll.u32 s0, $0x2  }
0x31e: {  	s0 =	sand.u32 $0xFFFFFE00, s0;
	s1 =	sshll.u32 s7, $0x2  }
0x31f: {  	s0 =	sor.u32 s1, s0;
	v1 =	vmul.f32 $8.000000000e+00, v1  }
0x320: {  	s0 =	sshra.s32 s0, $0x2  }
0x321: {  	s0 =	sadd.s32 s30, s0;
	[tilespmem:s30+$0x19320] =	vst v1  }
0x322: {  	v1 =	vld [tilespmem:s0+$0xCB00];
	_ =	sdelay $0x1  }
0x323: {  	s0 =	spop (v2sf)  }
0x324: {  	s1 =	sand.u32 $0x7F, s0;
	s31 =	sshll.u32 s0, $0x2  }
0x325: {  	s7 =	sand.u32 $0xFFFFFE00, s31;
	s1 =	sshll.u32 s1, $0x2  }
0x326: {  	s1 =	sor.u32 s1, s7;
	v1 =	vmul.f32 $8.000000000e+00, v1  }
0x327: {  	s1 =	sshra.s32 s1, $0x2  }
0x328: {  	s1 =	sadd.s32 s30, s1;
	[tilespmem:s30+$0x19330] =	vst v1  }
0x329: {  	v1 =	vld [tilespmem:s1+$0xCB80];
	_ =	sdelay $0x1  }
0x32a: {  	s7 =	sadd.s32 $0x10, s0  }
0x32b: {  	s31 =	sand.u32 $0x7F, s7;
	s1 =	sshll.u32 s7, $0x2  }
0x32c: {  	s7 =	sshll.u32 s31, $0x2;
	s1 =	sand.u32 $0xFFFFFE00, s1  }
0x32d: {  	s1 =	sor.u32 s7, s1;
	v1 =	vmul.f32 $8.000000000e+00, v1  }
0x32e: {  	s1 =	sshra.s32 s1, $0x2  }
0x32f: {  	s1 =	sadd.s32 s30, s1;
	[tilespmem:s30+$0x19380] =	vst v1  }
0x330: {  	v1 =	vld [tilespmem:s1+$0xCB80];
	_ =	sdelay $0x1  }
0x331: {  	s7 =	sadd.s32 $0x20, s0  }
0x332: {  	(v2sf) =	vpush v0, $0x4;
	s31 =	sand.u32 $0x7F, s7;
	s1 =	sshll.u32 s7, $0x2  }
0x333: {  	s7 =	sshll.u32 s31, $0x2;
	s1 =	sand.u32 $0xFFFFFE00, s1  }
0x334: {  	s1 =	sor.u32 s7, s1;
	v1 =	vmul.f32 $8.000000000e+00, v1  }
0x335: {  	s1 =	sshra.s32 s1, $0x2  }
0x336: {  	s1 =	sadd.s32 s30, s1;
	[tilespmem:s30+$0x19390] =	vst v1  }
0x337: {  	v1 =	vld [tilespmem:s1+$0xCB80];
	_ =	sdelay $0x1  }
0x338: {  	s0 =	sadd.s32 $0x30, s0  }
0x339: {  	s7 =	sand.u32 $0x7F, s0;
	s0 =	sshll.u32 s0, $0x2  }
0x33a: {  	s0 =	sand.u32 $0xFFFFFE00, s0;
	s1 =	sshll.u32 s7, $0x2  }
0x33b: {  	s0 =	sor.u32 s1, s0;
	v1 =	vmul.f32 $8.000000000e+00, v1  }
0x33c: {  	s0 =	sshra.s32 s0, $0x2  }
0x33d: {  	s0 =	sadd.s32 s30, s0;
	[tilespmem:s30+$0x193A0] =	vst v1  }
0x33e: {  	v1 =	vld [tilespmem:s0+$0xCB80];
	_ =	sdelay $0x1  }
0x33f: {  	s0 =	spop (v2sf)  }
0x340: {  	s1 =	sand.u32 $0x7F, s0;
	s31 =	sshll.u32 s0, $0x2  }
0x341: {  	s7 =	sand.u32 $0xFFFFFE00, s31;
	s1 =	sshll.u32 s1, $0x2  }
0x342: {  	s1 =	sor.u32 s1, s7;
	v1 =	vmul.f32 $8.000000000e+00, v1  }
0x343: {  	s1 =	sshra.s32 s1, $0x2  }
0x344: {  	s1 =	sadd.s32 s30, s1;
	[tilespmem:s30+$0x193B0] =	vst v1  }
0x345: {  	v1 =	vld [tilespmem:s1+$0xCC00];
	_ =	sdelay $0x1  }
0x346: {  	s7 =	sadd.s32 $0x10, s0  }
0x347: {  	s31 =	sand.u32 $0x7F, s7;
	s1 =	sshll.u32 s7, $0x2  }
0x348: {  	s7 =	sshll.u32 s31, $0x2;
	s1 =	sand.u32 $0xFFFFFE00, s1  }
0x349: {  	s1 =	sor.u32 s7, s1;
	v1 =	vmul.f32 $8.000000000e+00, v1  }
0x34a: {  	s1 =	sshra.s32 s1, $0x2  }
0x34b: {  	s1 =	sadd.s32 s30, s1;
	[tilespmem:s30+$0x19400] =	vst v1  }
0x34c: {  	v1 =	vld [tilespmem:s1+$0xCC00];
	_ =	sdelay $0x1  }
0x34d: {  	s7 =	sadd.s32 $0x20, s0  }
0x34e: {  	(v2sf) =	vpush v0, $0x5;
	s31 =	sand.u32 $0x7F, s7;
	s1 =	sshll.u32 s7, $0x2  }
0x34f: {  	s7 =	sshll.u32 s31, $0x2;
	s1 =	sand.u32 $0xFFFFFE00, s1  }
0x350: {  	s1 =	sor.u32 s7, s1;
	v1 =	vmul.f32 $8.000000000e+00, v1  }
0x351: {  	s1 =	sshra.s32 s1, $0x2  }
0x352: {  	s1 =	sadd.s32 s30, s1;
	[tilespmem:s30+$0x19410] =	vst v1  }
0x353: {  	v1 =	vld [tilespmem:s1+$0xCC00];
	_ =	sdelay $0x1  }
0x354: {  	s0 =	sadd.s32 $0x30, s0  }
0x355: {  	s7 =	sand.u32 $0x7F, s0;
	s0 =	sshll.u32 s0, $0x2  }
0x356: {  	s0 =	sand.u32 $0xFFFFFE00, s0;
	s1 =	sshll.u32 s7, $0x2  }
0x357: {  	s0 =	sor.u32 s1, s0;
	v1 =	vmul.f32 $8.000000000e+00, v1  }
0x358: {  	s0 =	sshra.s32 s0, $0x2  }
0x359: {  	s0 =	sadd.s32 s30, s0;
	[tilespmem:s30+$0x19420] =	vst v1  }
0x35a: {  	v1 =	vld [tilespmem:s0+$0xCC00];
	_ =	sdelay $0x1  }
0x35b: {  	s0 =	spop (v2sf)  }
0x35c: {  	s1 =	sand.u32 $0x7F, s0;
	s31 =	sshll.u32 s0, $0x2  }
0x35d: {  	s7 =	sand.u32 $0xFFFFFE00, s31;
	s1 =	sshll.u32 s1, $0x2  }
0x35e: {  	s1 =	sor.u32 s1, s7;
	v1 =	vmul.f32 $8.000000000e+00, v1  }
0x35f: {  	s1 =	sshra.s32 s1, $0x2  }
0x360: {  	s1 =	sadd.s32 s30, s1;
	[tilespmem:s30+$0x19430] =	vst v1  }
0x361: {  	v1 =	vld [tilespmem:s1+$0xCC80];
	_ =	sdelay $0x1  }
0x362: {  	s7 =	sadd.s32 $0x10, s0  }
0x363: {  	s31 =	sand.u32 $0x7F, s7;
	s1 =	sshll.u32 s7, $0x2  }
0x364: {  	s7 =	sshll.u32 s31, $0x2;
	s1 =	sand.u32 $0xFFFFFE00, s1  }
0x365: {  	s1 =	sor.u32 s7, s1;
	v1 =	vmul.f32 $8.000000000e+00, v1  }
0x366: {  	s1 =	sshra.s32 s1, $0x2  }
0x367: {  	s1 =	sadd.s32 s30, s1;
	[tilespmem:s30+$0x19480] =	vst v1  }
0x368: {  	v1 =	vld [tilespmem:s1+$0xCC80];
	_ =	sdelay $0x1  }
0x369: {  	s7 =	sadd.s32 $0x20, s0  }
0x36a: {  	(v2sf) =	vpush v0, $0x6;
	s31 =	sand.u32 $0x7F, s7;
	s1 =	sshll.u32 s7, $0x2  }
0x36b: {  	s7 =	sshll.u32 s31, $0x2;
	s1 =	sand.u32 $0xFFFFFE00, s1  }
0x36c: {  	s1 =	sor.u32 s7, s1;
	v1 =	vmul.f32 $8.000000000e+00, v1  }
0x36d: {  	s1 =	sshra.s32 s1, $0x2  }
0x36e: {  	s1 =	sadd.s32 s30, s1;
	[tilespmem:s30+$0x19490] =	vst v1  }
0x36f: {  	v1 =	vld [tilespmem:s1+$0xCC80];
	_ =	sdelay $0x1  }
0x370: {  	s0 =	sadd.s32 $0x30, s0  }
0x371: {  	s7 =	sand.u32 $0x7F, s0;
	s0 =	sshll.u32 s0, $0x2  }
0x372: {  	s0 =	sand.u32 $0xFFFFFE00, s0;
	s1 =	sshll.u32 s7, $0x2  }
0x373: {  	s0 =	sor.u32 s1, s0;
	v1 =	vmul.f32 $8.000000000e+00, v1  }
0x374: {  	s0 =	sshra.s32 s0, $0x2  }
0x375: {  	s0 =	sadd.s32 s30, s0;
	[tilespmem:s30+$0x194A0] =	vst v1  }
0x376: {  	v1 =	vld [tilespmem:s0+$0xCC80];
	_ =	sdelay $0x1  }
0x377: {  	s0 =	spop (v2sf)  }
0x378: {  	s1 =	sand.u32 $0x7F, s0;
	s31 =	sshll.u32 s0, $0x2  }
0x379: {  	s7 =	sand.u32 $0xFFFFFE00, s31;
	s1 =	sshll.u32 s1, $0x2  }
0x37a: {  	s1 =	sor.u32 s1, s7;
	v1 =	vmul.f32 $8.000000000e+00, v1  }
0x37b: {  	s1 =	sshra.s32 s1, $0x2  }
0x37c: {  	s1 =	sadd.s32 s30, s1;
	[tilespmem:s30+$0x194B0] =	vst v1  }
0x37d: {  	v1 =	vld [tilespmem:s1+$0xCD00];
	_ =	sdelay $0x1  }
0x37e: {  	s7 =	sadd.s32 $0x10, s0  }
0x37f: {  	s31 =	sand.u32 $0x7F, s7;
	s1 =	sshll.u32 s7, $0x2  }
0x380: {  	s7 =	sshll.u32 s31, $0x2;
	s1 =	sand.u32 $0xFFFFFE00, s1  }
0x381: {  	s1 =	sor.u32 s7, s1;
	v1 =	vmul.f32 $8.000000000e+00, v1  }
0x382: {  	s1 =	sshra.s32 s1, $0x2  }
0x383: {  	s1 =	sadd.s32 s30, s1;
	[tilespmem:s30+$0x19500] =	vst v1  }
0x384: {  	v1 =	vld [tilespmem:s1+$0xCD00];
	_ =	sdelay $0x1  }
0x385: {  	s7 =	sadd.s32 $0x20, s0  }
0x386: {  	(v2sf) =	vpush v0, $0x7;
	s31 =	sand.u32 $0x7F, s7;
	s1 =	sshll.u32 s7, $0x2  }
0x387: {  	s7 =	sshll.u32 s31, $0x2;
	s1 =	sand.u32 $0xFFFFFE00, s1  }
0x388: {  	s1 =	sor.u32 s7, s1;
	v1 =	vmul.f32 $8.000000000e+00, v1  }
0x389: {  	s1 =	sshra.s32 s1, $0x2  }
0x38a: {  	s1 =	sadd.s32 s30, s1;
	[tilespmem:s30+$0x19510] =	vst v1  }
0x38b: {  	v1 =	vld [tilespmem:s1+$0xCD00];
	_ =	sdelay $0x1  }
0x38c: {  	s0 =	sadd.s32 $0x30, s0  }
0x38d: {  	s7 =	sand.u32 $0x7F, s0;
	s0 =	sshll.u32 s0, $0x2  }
0x38e: {  	s0 =	sand.u32 $0xFFFFFE00, s0;
	s1 =	sshll.u32 s7, $0x2  }
0x38f: {  	s0 =	sor.u32 s1, s0;
	v1 =	vmul.f32 $8.000000000e+00, v1  }
0x390: {  	s0 =	sshra.s32 s0, $0x2  }
0x391: {  	s0 =	sadd.s32 s30, s0;
	[tilespmem:s30+$0x19520] =	vst v1  }
0x392: {  	v1 =	vld [tilespmem:s0+$0xCD00];
	_ =	sdelay $0x1  }
0x393: {  	s0 =	spop (v2sf)  }
0x394: {  	s1 =	sand.u32 $0x7F, s0;
	s31 =	sshll.u32 s0, $0x2  }
0x395: {  	s7 =	sand.u32 $0xFFFFFE00, s31;
	s1 =	sshll.u32 s1, $0x2  }
0x396: {  	s1 =	sor.u32 s1, s7;
	v1 =	vmul.f32 $8.000000000e+00, v1  }
0x397: {  	s1 =	sshra.s32 s1, $0x2  }
0x398: {  	s1 =	sadd.s32 s30, s1;
	[tilespmem:s30+$0x19530] =	vst v1  }
0x399: {  	v1 =	vld [tilespmem:s1+$0xCD80];
	_ =	sdelay $0x1  }
0x39a: {  	s7 =	sadd.s32 $0x10, s0  }
0x39b: {  	s31 =	sand.u32 $0x7F, s7;
	s1 =	sshll.u32 s7, $0x2  }
0x39c: {  	s7 =	sshll.u32 s31, $0x2;
	s1 =	sand.u32 $0xFFFFFE00, s1  }
0x39d: {  	s1 =	sor.u32 s7, s1;
	v1 =	vmul.f32 $8.000000000e+00, v1  }
0x39e: {  	s1 =	sshra.s32 s1, $0x2  }
0x39f: {  	s1 =	sadd.s32 s30, s1;
	[tilespmem:s30+$0x19580] =	vst v1  }
0x3a0: {  	v1 =	vld [tilespmem:s1+$0xCD80];
	_ =	sdelay $0x1  }
0x3a1: {  	s7 =	sadd.s32 $0x20, s0  }
0x3a2: {  	(v2sf) =	vpush v0, $0x8;
	s31 =	sand.u32 $0x7F, s7;
	s1 =	sshll.u32 s7, $0x2  }
0x3a3: {  	s7 =	sshll.u32 s31, $0x2;
	s1 =	sand.u32 $0xFFFFFE00, s1  }
0x3a4: {  	s1 =	sor.u32 s7, s1;
	v1 =	vmul.f32 $8.000000000e+00, v1  }
0x3a5: {  	s1 =	sshra.s32 s1, $0x2  }
0x3a6: {  	s1 =	sadd.s32 s30, s1;
	[tilespmem:s30+$0x19590] =	vst v1  }
0x3a7: {  	v1 =	vld [tilespmem:s1+$0xCD80];
	_ =	sdelay $0x1  }
0x3a8: {  	s0 =	sadd.s32 $0x30, s0  }
0x3a9: {  	s7 =	sand.u32 $0x7F, s0;
	s0 =	sshll.u32 s0, $0x2  }
0x3aa: {  	s0 =	sand.u32 $0xFFFFFE00, s0;
	s1 =	sshll.u32 s7, $0x2  }
0x3ab: {  	s0 =	sor.u32 s1, s0;
	v1 =	vmul.f32 $8.000000000e+00, v1  }
0x3ac: {  	s0 =	sshra.s32 s0, $0x2  }
0x3ad: {  	s0 =	sadd.s32 s30, s0;
	[tilespmem:s30+$0x195A0] =	vst v1  }
0x3ae: {  	v1 =	vld [tilespmem:s0+$0xCD80];
	_ =	sdelay $0x1  }
0x3af: {  	s0 =	spop (v2sf)  }
0x3b0: {  	s1 =	sand.u32 $0x7F, s0;
	s31 =	sshll.u32 s0, $0x2  }
0x3b1: {  	s7 =	sand.u32 $0xFFFFFE00, s31;
	s1 =	sshll.u32 s1, $0x2  }
0x3b2: {  	s1 =	sor.u32 s1, s7;
	v1 =	vmul.f32 $8.000000000e+00, v1  }
0x3b3: {  	s1 =	sshra.s32 s1, $0x2  }
0x3b4: {  	s1 =	sadd.s32 s30, s1;
	[tilespmem:s30+$0x195B0] =	vst v1  }
0x3b5: {  	v1 =	vld [tilespmem:s1+$0xCE00];
	_ =	sdelay $0x1  }
0x3b6: {  	s7 =	sadd.s32 $0x10, s0  }
0x3b7: {  	s31 =	sand.u32 $0x7F, s7;
	s1 =	sshll.u32 s7, $0x2  }
0x3b8: {  	s7 =	sshll.u32 s31, $0x2;
	s1 =	sand.u32 $0xFFFFFE00, s1  }
0x3b9: {  	s1 =	sor.u32 s7, s1;
	v1 =	vmul.f32 $8.000000000e+00, v1  }
0x3ba: {  	s1 =	sshra.s32 s1, $0x2  }
0x3bb: {  	s1 =	sadd.s32 s30, s1;
	[tilespmem:s30+$0x19600] =	vst v1  }
0x3bc: {  	v1 =	vld [tilespmem:s1+$0xCE00];
	_ =	sdelay $0x1  }
0x3bd: {  	s7 =	sadd.s32 $0x20, s0  }
0x3be: {  	(v2sf) =	vpush v0, $0x9;
	s31 =	sand.u32 $0x7F, s7;
	s1 =	sshll.u32 s7, $0x2  }
0x3bf: {  	s7 =	sshll.u32 s31, $0x2;
	s1 =	sand.u32 $0xFFFFFE00, s1  }
0x3c0: {  	s1 =	sor.u32 s7, s1;
	v1 =	vmul.f32 $8.000000000e+00, v1  }
0x3c1: {  	s1 =	sshra.s32 s1, $0x2  }
0x3c2: {  	s1 =	sadd.s32 s30, s1;
	[tilespmem:s30+$0x19610] =	vst v1  }
0x3c3: {  	v1 =	vld [tilespmem:s1+$0xCE00];
	_ =	sdelay $0x1  }
0x3c4: {  	s0 =	sadd.s32 $0x30, s0  }
0x3c5: {  	s7 =	sand.u32 $0x7F, s0;
	s0 =	sshll.u32 s0, $0x2  }
0x3c6: {  	s0 =	sand.u32 $0xFFFFFE00, s0;
	s1 =	sshll.u32 s7, $0x2  }
0x3c7: {  	s0 =	sor.u32 s1, s0;
	v1 =	vmul.f32 $8.000000000e+00, v1  }
0x3c8: {  	s0 =	sshra.s32 s0, $0x2  }
0x3c9: {  	s0 =	sadd.s32 s30, s0;
	[tilespmem:s30+$0x19620] =	vst v1  }
0x3ca: {  	v1 =	vld [tilespmem:s0+$0xCE00];
	_ =	sdelay $0x1  }
0x3cb: {  	s0 =	spop (v2sf)  }
0x3cc: {  	s1 =	sand.u32 $0x7F, s0;
	s31 =	sshll.u32 s0, $0x2  }
0x3cd: {  	s7 =	sand.u32 $0xFFFFFE00, s31;
	s1 =	sshll.u32 s1, $0x2  }
0x3ce: {  	s1 =	sor.u32 s1, s7;
	v1 =	vmul.f32 $8.000000000e+00, v1  }
0x3cf: {  	s1 =	sshra.s32 s1, $0x2  }
0x3d0: {  	s1 =	sadd.s32 s30, s1;
	[tilespmem:s30+$0x19630] =	vst v1  }
0x3d1: {  	v1 =	vld [tilespmem:s1+$0xCE80];
	_ =	sdelay $0x1  }
0x3d2: {  	s7 =	sadd.s32 $0x10, s0  }
0x3d3: {  	s31 =	sand.u32 $0x7F, s7;
	s1 =	sshll.u32 s7, $0x2  }
0x3d4: {  	s7 =	sshll.u32 s31, $0x2;
	s1 =	sand.u32 $0xFFFFFE00, s1  }
0x3d5: {  	s1 =	sor.u32 s7, s1;
	v1 =	vmul.f32 $8.000000000e+00, v1  }
0x3d6: {  	s1 =	sshra.s32 s1, $0x2  }
0x3d7: {  	s1 =	sadd.s32 s30, s1;
	[tilespmem:s30+$0x19680] =	vst v1  }
0x3d8: {  	v1 =	vld [tilespmem:s1+$0xCE80];
	_ =	sdelay $0x1  }
0x3d9: {  	s7 =	sadd.s32 $0x20, s0  }
0x3da: {  	(v2sf) =	vpush v0, $0xA;
	s31 =	sand.u32 $0x7F, s7;
	s1 =	sshll.u32 s7, $0x2  }
0x3db: {  	s7 =	sshll.u32 s31, $0x2;
	s1 =	sand.u32 $0xFFFFFE00, s1  }
0x3dc: {  	s1 =	sor.u32 s7, s1;
	v1 =	vmul.f32 $8.000000000e+00, v1  }
0x3dd: {  	s1 =	sshra.s32 s1, $0x2  }
0x3de: {  	s1 =	sadd.s32 s30, s1;
	[tilespmem:s30+$0x19690] =	vst v1  }
0x3df: {  	v1 =	vld [tilespmem:s1+$0xCE80];
	_ =	sdelay $0x1  }
0x3e0: {  	s0 =	sadd.s32 $0x30, s0  }
0x3e1: {  	s7 =	sand.u32 $0x7F, s0;
	s0 =	sshll.u32 s0, $0x2  }
0x3e2: {  	s0 =	sand.u32 $0xFFFFFE00, s0;
	s1 =	sshll.u32 s7, $0x2  }
0x3e3: {  	s0 =	sor.u32 s1, s0;
	v1 =	vmul.f32 $8.000000000e+00, v1  }
0x3e4: {  	s0 =	sshra.s32 s0, $0x2  }
0x3e5: {  	s0 =	sadd.s32 s30, s0;
	[tilespmem:s30+$0x196A0] =	vst v1  }
0x3e6: {  	v1 =	vld [tilespmem:s0+$0xCE80];
	_ =	sdelay $0x1  }
0x3e7: {  	s0 =	spop (v2sf)  }
0x3e8: {  	s1 =	sand.u32 $0x7F, s0;
	s31 =	sshll.u32 s0, $0x2  }
0x3e9: {  	s7 =	sand.u32 $0xFFFFFE00, s31;
	s1 =	sshll.u32 s1, $0x2  }
0x3ea: {  	s1 =	sor.u32 s1, s7;
	v1 =	vmul.f32 $8.000000000e+00, v1  }
0x3eb: {  	s1 =	sshra.s32 s1, $0x2  }
0x3ec: {  	s1 =	sadd.s32 s30, s1;
	[tilespmem:s30+$0x196B0] =	vst v1  }
0x3ed: {  	v1 =	vld [tilespmem:s1+$0xCF00];
	_ =	sdelay $0x1  }
0x3ee: {  	s7 =	sadd.s32 $0x10, s0  }
0x3ef: {  	s31 =	sand.u32 $0x7F, s7;
	s1 =	sshll.u32 s7, $0x2  }
0x3f0: {  	s7 =	sshll.u32 s31, $0x2;
	s1 =	sand.u32 $0xFFFFFE00, s1  }
0x3f1: {  	s1 =	sor.u32 s7, s1;
	v1 =	vmul.f32 $8.000000000e+00, v1  }
0x3f2: {  	s1 =	sshra.s32 s1, $0x2  }
0x3f3: {  	s1 =	sadd.s32 s30, s1;
	[tilespmem:s30+$0x19700] =	vst v1  }
0x3f4: {  	v1 =	vld [tilespmem:s1+$0xCF00];
	_ =	sdelay $0x1  }
0x3f5: {  	s7 =	sadd.s32 $0x20, s0  }
0x3f6: {  	(v2sf) =	vpush v0, $0xB;
	s31 =	sand.u32 $0x7F, s7;
	s1 =	sshll.u32 s7, $0x2  }
0x3f7: {  	s7 =	sshll.u32 s31, $0x2;
	s1 =	sand.u32 $0xFFFFFE00, s1  }
0x3f8: {  	s1 =	sor.u32 s7, s1;
	v1 =	vmul.f32 $8.000000000e+00, v1  }
0x3f9: {  	s1 =	sshra.s32 s1, $0x2  }
0x3fa: {  	s1 =	sadd.s32 s30, s1;
	[tilespmem:s30+$0x19710] =	vst v1  }
0x3fb: {  	v1 =	vld [tilespmem:s1+$0xCF00];
	_ =	sdelay $0x1  }
0x3fc: {  	s0 =	sadd.s32 $0x30, s0  }
0x3fd: {  	s7 =	sand.u32 $0x7F, s0;
	s0 =	sshll.u32 s0, $0x2  }
0x3fe: {  	s0 =	sand.u32 $0xFFFFFE00, s0;
	s1 =	sshll.u32 s7, $0x2  }
0x3ff: {  	s0 =	sor.u32 s1, s0;
	v1 =	vmul.f32 $8.000000000e+00, v1  }
0x400: {  	s0 =	sshra.s32 s0, $0x2  }
0x401: {  	s0 =	sadd.s32 s30, s0;
	[tilespmem:s30+$0x19720] =	vst v1  }
0x402: {  	v1 =	vld [tilespmem:s0+$0xCF00];
	_ =	sdelay $0x1  }
0x403: {  	s0 =	spop (v2sf)  }
0x404: {  	s1 =	sand.u32 $0x7F, s0;
	s31 =	sshll.u32 s0, $0x2  }
0x405: {  	s7 =	sand.u32 $0xFFFFFE00, s31;
	s1 =	sshll.u32 s1, $0x2  }
0x406: {  	s1 =	sor.u32 s1, s7;
	v1 =	vmul.f32 $8.000000000e+00, v1  }
0x407: {  	s1 =	sshra.s32 s1, $0x2  }
0x408: {  	s1 =	sadd.s32 s30, s1;
	[tilespmem:s30+$0x19730] =	vst v1  }
0x409: {  	v1 =	vld [tilespmem:s1+$0xCF80];
	_ =	sdelay $0x1  }
0x40a: {  	s7 =	sadd.s32 $0x10, s0  }
0x40b: {  	s31 =	sand.u32 $0x7F, s7;
	s1 =	sshll.u32 s7, $0x2  }
0x40c: {  	s7 =	sshll.u32 s31, $0x2;
	s1 =	sand.u32 $0xFFFFFE00, s1  }
0x40d: {  	s1 =	sor.u32 s7, s1;
	v1 =	vmul.f32 $8.000000000e+00, v1  }
0x40e: {  	s1 =	sshra.s32 s1, $0x2  }
0x40f: {  	s1 =	sadd.s32 s30, s1;
	[tilespmem:s30+$0x19780] =	vst v1  }
0x410: {  	v1 =	vld [tilespmem:s1+$0xCF80];
	_ =	sdelay $0x1  }
0x411: {  	s7 =	sadd.s32 $0x20, s0  }
0x412: {  	(v2sf) =	vpush v0, $0xC;
	s31 =	sand.u32 $0x7F, s7;
	s1 =	sshll.u32 s7, $0x2  }
0x413: {  	s7 =	sshll.u32 s31, $0x2;
	s1 =	sand.u32 $0xFFFFFE00, s1  }
0x414: {  	s1 =	sor.u32 s7, s1;
	v1 =	vmul.f32 $8.000000000e+00, v1  }
0x415: {  	s1 =	sshra.s32 s1, $0x2  }
0x416: {  	s1 =	sadd.s32 s30, s1;
	[tilespmem:s30+$0x19790] =	vst v1  }
0x417: {  	v1 =	vld [tilespmem:s1+$0xCF80];
	_ =	sdelay $0x1  }
0x418: {  	s0 =	sadd.s32 $0x30, s0  }
0x419: {  	s7 =	sand.u32 $0x7F, s0;
	s0 =	sshll.u32 s0, $0x2  }
0x41a: {  	s0 =	sand.u32 $0xFFFFFE00, s0;
	s1 =	sshll.u32 s7, $0x2  }
0x41b: {  	s0 =	sor.u32 s1, s0;
	v1 =	vmul.f32 $8.000000000e+00, v1  }
0x41c: {  	s0 =	sshra.s32 s0, $0x2  }
0x41d: {  	s0 =	sadd.s32 s30, s0;
	[tilespmem:s30+$0x197A0] =	vst v1  }
0x41e: {  	v1 =	vld [tilespmem:s0+$0xCF80];
	_ =	sdelay $0x1  }
0x41f: {  	s0 =	spop (v2sf)  }
0x420: {  	s1 =	sand.u32 $0x7F, s0;
	s31 =	sshll.u32 s0, $0x2  }
0x421: {  	s7 =	sand.u32 $0xFFFFFE00, s31;
	s1 =	sshll.u32 s1, $0x2  }
0x422: {  	s1 =	sor.u32 s1, s7;
	v1 =	vmul.f32 $8.000000000e+00, v1  }
0x423: {  	s1 =	sshra.s32 s1, $0x2  }
0x424: {  	s1 =	sadd.s32 s30, s1;
	[tilespmem:s30+$0x197B0] =	vst v1  }
0x425: {  	v1 =	vld [tilespmem:s1+$0xD000];
	_ =	sdelay $0x1  }
0x426: {  	s7 =	sadd.s32 $0x10, s0  }
0x427: {  	s31 =	sand.u32 $0x7F, s7;
	s1 =	sshll.u32 s7, $0x2  }
0x428: {  	s7 =	sshll.u32 s31, $0x2;
	s1 =	sand.u32 $0xFFFFFE00, s1  }
0x429: {  	s1 =	sor.u32 s7, s1;
	v1 =	vmul.f32 $8.000000000e+00, v1  }
0x42a: {  	s1 =	sshra.s32 s1, $0x2  }
0x42b: {  	s1 =	sadd.s32 s30, s1;
	[tilespmem:s30+$0x19800] =	vst v1  }
0x42c: {  	v1 =	vld [tilespmem:s1+$0xD000];
	_ =	sdelay $0x1  }
0x42d: {  	s7 =	sadd.s32 $0x20, s0  }
0x42e: {  	(v2sf) =	vpush v0, $0xD;
	s31 =	sand.u32 $0x7F, s7;
	s1 =	sshll.u32 s7, $0x2  }
0x42f: {  	s7 =	sshll.u32 s31, $0x2;
	s1 =	sand.u32 $0xFFFFFE00, s1  }
0x430: {  	s1 =	sor.u32 s7, s1;
	v1 =	vmul.f32 $8.000000000e+00, v1  }
0x431: {  	s1 =	sshra.s32 s1, $0x2  }
0x432: {  	s1 =	sadd.s32 s30, s1;
	[tilespmem:s30+$0x19810] =	vst v1  }
0x433: {  	v1 =	vld [tilespmem:s1+$0xD000];
	_ =	sdelay $0x1  }
0x434: {  	s0 =	sadd.s32 $0x30, s0  }
0x435: {  	s7 =	sand.u32 $0x7F, s0;
	s0 =	sshll.u32 s0, $0x2  }
0x436: {  	s0 =	sand.u32 $0xFFFFFE00, s0;
	s1 =	sshll.u32 s7, $0x2  }
0x437: {  	s0 =	sor.u32 s1, s0;
	v1 =	vmul.f32 $8.000000000e+00, v1  }
0x438: {  	s0 =	sshra.s32 s0, $0x2  }
0x439: {  	s0 =	sadd.s32 s30, s0;
	[tilespmem:s30+$0x19820] =	vst v1  }
0x43a: {  	v1 =	vld [tilespmem:s0+$0xD000];
	_ =	sdelay $0x1  }
0x43b: {  	s0 =	spop (v2sf)  }
0x43c: {  	s1 =	sand.u32 $0x7F, s0;
	s31 =	sshll.u32 s0, $0x2  }
0x43d: {  	s7 =	sand.u32 $0xFFFFFE00, s31;
	s1 =	sshll.u32 s1, $0x2  }
0x43e: {  	s1 =	sor.u32 s1, s7;
	v1 =	vmul.f32 $8.000000000e+00, v1  }
0x43f: {  	s1 =	sshra.s32 s1, $0x2  }
0x440: {  	s1 =	sadd.s32 s30, s1;
	[tilespmem:s30+$0x19830] =	vst v1  }
0x441: {  	v1 =	vld [tilespmem:s1+$0xD080];
	_ =	sdelay $0x1  }
0x442: {  	s7 =	sadd.s32 $0x10, s0  }
0x443: {  	s31 =	sand.u32 $0x7F, s7;
	s1 =	sshll.u32 s7, $0x2  }
0x444: {  	s7 =	sshll.u32 s31, $0x2;
	s1 =	sand.u32 $0xFFFFFE00, s1  }
0x445: {  	s1 =	sor.u32 s7, s1;
	v1 =	vmul.f32 $8.000000000e+00, v1  }
0x446: {  	s1 =	sshra.s32 s1, $0x2  }
0x447: {  	s1 =	sadd.s32 s30, s1;
	[tilespmem:s30+$0x19880] =	vst v1  }
0x448: {  	v1 =	vld [tilespmem:s1+$0xD080];
	_ =	sdelay $0x1  }
0x449: {  	s7 =	sadd.s32 $0x20, s0  }
0x44a: {  	(v2sf) =	vpush v0, $0xE;
	s31 =	sand.u32 $0x7F, s7;
	s1 =	sshll.u32 s7, $0x2  }
0x44b: {  	s7 =	sshll.u32 s31, $0x2;
	s1 =	sand.u32 $0xFFFFFE00, s1  }
0x44c: {  	s1 =	sor.u32 s7, s1;
	v1 =	vmul.f32 $8.000000000e+00, v1  }
0x44d: {  	s1 =	sshra.s32 s1, $0x2  }
0x44e: {  	s1 =	sadd.s32 s30, s1;
	[tilespmem:s30+$0x19890] =	vst v1  }
0x44f: {  	v1 =	vld [tilespmem:s1+$0xD080];
	_ =	sdelay $0x1  }
0x450: {  	s0 =	sadd.s32 $0x30, s0  }
0x451: {  	s7 =	sand.u32 $0x7F, s0;
	s0 =	sshll.u32 s0, $0x2  }
0x452: {  	s0 =	sand.u32 $0xFFFFFE00, s0;
	s1 =	sshll.u32 s7, $0x2  }
0x453: {  	s0 =	sor.u32 s1, s0;
	v1 =	vmul.f32 $8.000000000e+00, v1  }
0x454: {  	s0 =	sshra.s32 s0, $0x2  }
0x455: {  	s0 =	sadd.s32 s30, s0;
	[tilespmem:s30+$0x198A0] =	vst v1  }
0x456: {  	v1 =	vld [tilespmem:s0+$0xD080];
	_ =	sdelay $0x1  }
0x457: {  	s0 =	spop (v2sf)  }
0x458: {  	s1 =	sand.u32 $0x7F, s0;
	s31 =	sshll.u32 s0, $0x2  }
0x459: {  	s7 =	sand.u32 $0xFFFFFE00, s31;
	s1 =	sshll.u32 s1, $0x2  }
0x45a: {  	s1 =	sor.u32 s1, s7;
	v1 =	vmul.f32 $8.000000000e+00, v1  }
0x45b: {  	s1 =	sshra.s32 s1, $0x2  }
0x45c: {  	s1 =	sadd.s32 s30, s1;
	[tilespmem:s30+$0x198B0] =	vst v1  }
0x45d: {  	v1 =	vld [tilespmem:s1+$0xD100];
	_ =	sdelay $0x1  }
0x45e: {  	s7 =	sadd.s32 $0x10, s0  }
0x45f: {  	s31 =	sand.u32 $0x7F, s7;
	s1 =	sshll.u32 s7, $0x2  }
0x460: {  	s7 =	sshll.u32 s31, $0x2;
	s1 =	sand.u32 $0xFFFFFE00, s1  }
0x461: {  	s1 =	sor.u32 s7, s1;
	v1 =	vmul.f32 $8.000000000e+00, v1  }
0x462: {  	s1 =	sshra.s32 s1, $0x2  }
0x463: {  	s1 =	sadd.s32 s30, s1;
	[tilespmem:s30+$0x19900] =	vst v1  }
0x464: {  	v1 =	vld [tilespmem:s1+$0xD100];
	_ =	sdelay $0x1  }
0x465: {  	s7 =	sadd.s32 $0x20, s0  }
0x466: {  	(v2sf) =	vpush v0, $0xF;
	s31 =	sand.u32 $0x7F, s7;
	s1 =	sshll.u32 s7, $0x2  }
0x467: {  	s7 =	sshll.u32 s31, $0x2;
	s1 =	sand.u32 $0xFFFFFE00, s1  }
0x468: {  	s1 =	sor.u32 s7, s1;
	v63 =	vmul.f32 $8.000000000e+00, v1  }
0x469: {  	s1 =	sshra.s32 s1, $0x2  }
0x46a: {  	s1 =	sadd.s32 s30, s1;
	[tilespmem:s30+$0x19910] =	vst v63  }
0x46b: {  	v0 =	vld [tilespmem:s1+$0xD100];
	_ =	sdelay $0x1  }
0x46c: {  	s0 =	sadd.s32 $0x30, s0  }
0x46d: {  	s7 =	sand.u32 $0x7F, s0;
	s0 =	sshll.u32 s0, $0x2  }
0x46e: {  	s0 =	sand.u32 $0xFFFFFE00, s0;
	s1 =	sshll.u32 s7, $0x2  }
0x46f: {  	s0 =	sor.u32 s1, s0;
	v0 =	vmul.f32 $8.000000000e+00, v0  }
0x470: {  	s0 =	sshra.s32 s0, $0x2  }
0x471: {  	s0 =	sadd.s32 s30, s0;
	[tilespmem:s30+$0x19920] =	vst v0  }
0x472: {  	v0 =	vld [tilespmem:s0+$0xD100];
	_ =	sdelay $0x1  }
0x473: {  	s0 =	spop (v2sf)  }
0x474: {  	s1 =	sand.u32 $0x7F, s0;
	s31 =	sshll.u32 s0, $0x2  }
0x475: {  	s7 =	sand.u32 $0xFFFFFE00, s31;
	s1 =	sshll.u32 s1, $0x2  }
0x476: {  	s1 =	sor.u32 s1, s7;
	v0 =	vmul.f32 $8.000000000e+00, v0  }
0x477: {  	s1 =	sshra.s32 s1, $0x2  }
0x478: {  	s1 =	sadd.s32 s30, s1;
	[tilespmem:s30+$0x19930] =	vst v0  }
0x479: {  	v0 =	vld [tilespmem:s1+$0xD180];
	_ =	sdelay $0x1  }
0x47a: {  	s7 =	sadd.s32 $0x10, s0  }
0x47b: {  	s31 =	sand.u32 $0x7F, s7;
	s1 =	sshll.u32 s7, $0x2  }
0x47c: {  	s7 =	sshll.u32 s31, $0x2;
	s1 =	sand.u32 $0xFFFFFE00, s1  }
0x47d: {  	s1 =	sor.u32 s7, s1;
	v0 =	vmul.f32 $8.000000000e+00, v0  }
0x47e: {  	s1 =	sshra.s32 s1, $0x2  }
0x47f: {  	s1 =	sadd.s32 s30, s1;
	[tilespmem:s30+$0x19980] =	vst v0  }
0x480: {  	v0 =	vld [tilespmem:s1+$0xD180];
	_ =	sdelay $0x1  }
0x481: {  	s7 =	sadd.s32 $0x20, s0  }
0x482: {  	s31 =	sand.u32 $0x7F, s7;
	s1 =	sshll.u32 s7, $0x2  }
0x483: {  	s7 =	sshll.u32 s31, $0x2;
	s1 =	sand.u32 $0xFFFFFE00, s1  }
0x484: {  	s1 =	sor.u32 s7, s1;
	v0 =	vmul.f32 $8.000000000e+00, v0  }
0x485: {  	s1 =	sshra.s32 s1, $0x2  }
0x486: {  	s1 =	sadd.s32 s30, s1;
	[tilespmem:s30+$0x19990] =	vst v0  }
0x487: {  	v0 =	vld [tilespmem:s1+$0xD180];
	_ =	sdelay $0x1  }
0x488: {  	s0 =	sadd.s32 $0x30, s0  }
0x489: {  	s31 =	sand.u32 $0x7F, s0;
	s0 =	sshll.u32 s0, $0x2  }
0x48a: {  	s0 =	sand.u32 $0xFFFFFE00, s0;
	s1 =	sshll.u32 s31, $0x2  }
0x48b: {  	s0 =	sor.u32 s1, s0;
	v0 =	vmul.f32 $8.000000000e+00, v0  }
0x48c: {  	s0 =	sshra.s32 s0, $0x2  }
0x48d: {  	s0 =	sadd.s32 s30, s0;
	[tilespmem:s30+$0x199A0] =	vst v0  }
0x48e: {  	v0 =	vld [tilespmem:s0+$0xD180];
	_ =	sdelay $0x1  }
0x48f: {  	p0 =	sne.s32 s28, $0x16000  }
.Ltmp1:
0x490: {  	_ = 	snop;
	(pc) =	sbr.rel @p0 .LBB2_5-.Ltmp1, $3  }
0x491: {  	_ = 	snop  }
0x492: {  	v0 =	vmul.f32 $8.000000000e+00, v0;
	_ =	sdelay $0x1  }
0x493: {  	s29 =	sadd.s32 $0x10, s29;
	s28 =	sadd.s32 $0x2000, s28;
	[tilespmem:s30+$0x199B0] =	vst v0  }
0x494: {  	v0 =	vld [tilespmem:$0x65B8];
	_ =	sdelay $0x4  }
0x495: {  	(v2sf) =	vpush v0, $0x0;
	_ =	sdelay $0xe  }
0x496: {  	s0 =	spop (v2sf)  }
0x497: {  	v1 =	vld [tilespmem:s0+$0x12600];
	_ =	sdelay $0x4  }
0x498: {  	v1 =	vmul.f32 $8.000000000e+00, v1;
	_ =	sdelay $0x1  }
0x499: {  	[tilespmem:$0x1EE00] =	vst v1  }
0x49a: {  	v1 =	vld [tilespmem:s0+$0x12610];
	_ =	sdelay $0x4  }
0x49b: {  	v1 =	vmul.f32 $8.000000000e+00, v1;
	_ =	sdelay $0x1  }
0x49c: {  	[tilespmem:$0x1EE10] =	vst v1  }
0x49d: {  	(v2sf) =	vpush v0, $0x1;
	v1 =	vld [tilespmem:s0+$0x12620];
	_ =	sdelay $0x4  }
0x49e: {  	v1 =	vmul.f32 $8.000000000e+00, v1;
	_ =	sdelay $0x1  }
0x49f: {  	[tilespmem:$0x1EE20] =	vst v1  }
0x4a0: {  	v1 =	vld [tilespmem:s0+$0x12630];
	_ =	sdelay $0x4  }
0x4a1: {  	v1 =	vmul.f32 $8.000000000e+00, v1;
	_ =	sdelay $0x1  }
0x4a2: {  	s28 =	spop (v2sf);
	[tilespmem:$0x1EE30] =	vst v1  }
0x4a3: {  	v1 =	vld [tilespmem:s28+$0x12680];
	_ =	sdelay $0x4  }
0x4a4: {  	v1 =	vmul.f32 $8.000000000e+00, v1;
	_ =	sdelay $0x1  }
0x4a5: {  	[tilespmem:$0x1EE80] =	vst v1  }
0x4a6: {  	v1 =	vld [tilespmem:s28+$0x12690];
	_ =	sdelay $0x4  }
0x4a7: {  	v1 =	vmul.f32 $8.000000000e+00, v1;
	_ =	sdelay $0x1  }
0x4a8: {  	[tilespmem:$0x1EE90] =	vst v1  }
0x4a9: {  	(v2sf) =	vpush v0, $0x2;
	v1 =	vld [tilespmem:s28+$0x126A0];
	_ =	sdelay $0x4  }
0x4aa: {  	v1 =	vmul.f32 $8.000000000e+00, v1;
	_ =	sdelay $0x1  }
0x4ab: {  	[tilespmem:$0x1EEA0] =	vst v1  }
0x4ac: {  	v1 =	vld [tilespmem:s28+$0x126B0];
	_ =	sdelay $0x4  }
0x4ad: {  	v1 =	vmul.f32 $8.000000000e+00, v1;
	_ =	sdelay $0x1  }
0x4ae: {  	s29 =	spop (v2sf);
	[tilespmem:$0x1EEB0] =	vst v1  }
0x4af: {  	v1 =	vld [tilespmem:s29+$0x12700];
	_ =	sdelay $0x4  }
0x4b0: {  	v1 =	vmul.f32 $8.000000000e+00, v1;
	_ =	sdelay $0x1  }
0x4b1: {  	[tilespmem:$0x1EF00] =	vst v1  }
0x4b2: {  	v1 =	vld [tilespmem:s29+$0x12710];
	_ =	sdelay $0x4  }
0x4b3: {  	v1 =	vmul.f32 $8.000000000e+00, v1;
	_ =	sdelay $0x1  }
0x4b4: {  	[tilespmem:$0x1EF10] =	vst v1  }
0x4b5: {  	(v2sf) =	vpush v0, $0x3;
	v1 =	vld [tilespmem:s29+$0x12720];
	_ =	sdelay $0x4  }
0x4b6: {  	v1 =	vmul.f32 $8.000000000e+00, v1;
	_ =	sdelay $0x1  }
0x4b7: {  	[tilespmem:$0x1EF20] =	vst v1  }
0x4b8: {  	v1 =	vld [tilespmem:s29+$0x12730];
	_ =	sdelay $0x4  }
0x4b9: {  	v1 =	vmul.f32 $8.000000000e+00, v1;
	_ =	sdelay $0x1  }
0x4ba: {  	s30 =	spop (v2sf);
	[tilespmem:$0x1EF30] =	vst v1  }
0x4bb: {  	v1 =	vld [tilespmem:s30+$0x12780];
	_ =	sdelay $0x4  }
0x4bc: {  	v1 =	vmul.f32 $8.000000000e+00, v1;
	_ =	sdelay $0x1  }
0x4bd: {  	[tilespmem:$0x1EF80] =	vst v1  }
0x4be: {  	v1 =	vld [tilespmem:s30+$0x12790];
	_ =	sdelay $0x4  }
0x4bf: {  	v1 =	vmul.f32 $8.000000000e+00, v1;
	_ =	sdelay $0x1  }
0x4c0: {  	[tilespmem:$0x1EF90] =	vst v1  }
0x4c1: {  	(v2sf) =	vpush v0, $0x4;
	v1 =	vld [tilespmem:s30+$0x127A0];
	_ =	sdelay $0x4  }
0x4c2: {  	v1 =	vmul.f32 $8.000000000e+00, v1;
	_ =	sdelay $0x1  }
0x4c3: {  	[tilespmem:$0x1EFA0] =	vst v1  }
0x4c4: {  	v1 =	vld [tilespmem:s30+$0x127B0];
	_ =	sdelay $0x4  }
0x4c5: {  	v1 =	vmul.f32 $8.000000000e+00, v1;
	_ =	sdelay $0x1  }
0x4c6: {  	s31 =	spop (v2sf);
	[tilespmem:$0x1EFB0] =	vst v1  }
0x4c7: {  	v1 =	vld [tilespmem:s31+$0x12800];
	_ =	sdelay $0x4  }
0x4c8: {  	v1 =	vmul.f32 $8.000000000e+00, v1;
	_ =	sdelay $0x1  }
0x4c9: {  	[tilespmem:$0x1F000] =	vst v1  }
0x4ca: {  	v1 =	vld [tilespmem:s31+$0x12810];
	_ =	sdelay $0x4  }
0x4cb: {  	v1 =	vmul.f32 $8.000000000e+00, v1;
	_ =	sdelay $0x1  }
0x4cc: {  	[tilespmem:$0x1F010] =	vst v1  }
0x4cd: {  	(v2sf) =	vpush v0, $0x5;
	v1 =	vld [tilespmem:s31+$0x12820];
	_ =	sdelay $0x4  }
0x4ce: {  	v1 =	vmul.f32 $8.000000000e+00, v1;
	_ =	sdelay $0x1  }
0x4cf: {  	[tilespmem:$0x1F020] =	vst v1  }
0x4d0: {  	v1 =	vld [tilespmem:s31+$0x12830];
	_ =	sdelay $0x4  }
0x4d1: {  	v1 =	vmul.f32 $8.000000000e+00, v1;
	_ =	sdelay $0x1  }
0x4d2: {  	s1 =	spop (v2sf);
	[tilespmem:$0x1F030] =	vst v1  }
0x4d3: {  	v1 =	vld [tilespmem:s1+$0x12880];
	_ =	sdelay $0x4  }
0x4d4: {  	v1 =	vmul.f32 $8.000000000e+00, v1;
	_ =	sdelay $0x1  }
0x4d5: {  	[tilespmem:$0x1F080] =	vst v1  }
0x4d6: {  	v1 =	vld [tilespmem:s1+$0x12890];
	_ =	sdelay $0x4  }
0x4d7: {  	v1 =	vmul.f32 $8.000000000e+00, v1;
	_ =	sdelay $0x1  }
0x4d8: {  	[tilespmem:$0x1F090] =	vst v1  }
0x4d9: {  	(v2sf) =	vpush v0, $0x6;
	v1 =	vld [tilespmem:s1+$0x128A0];
	_ =	sdelay $0x4  }
0x4da: {  	v1 =	vmul.f32 $8.000000000e+00, v1;
	_ =	sdelay $0x1  }
0x4db: {  	[tilespmem:$0x1F0A0] =	vst v1  }
0x4dc: {  	v1 =	vld [tilespmem:s1+$0x128B0];
	_ =	sdelay $0x4  }
0x4dd: {  	v1 =	vmul.f32 $8.000000000e+00, v1;
	_ =	sdelay $0x1  }
0x4de: {  	s7 =	spop (v2sf);
	[tilespmem:$0x1F0B0] =	vst v1  }
0x4df: {  	v1 =	vld [tilespmem:s7+$0x12900];
	_ =	sdelay $0x4  }
0x4e0: {  	v1 =	vmul.f32 $8.000000000e+00, v1;
	_ =	sdelay $0x1  }
0x4e1: {  	[tilespmem:$0x1F100] =	vst v1  }
0x4e2: {  	v1 =	vld [tilespmem:s7+$0x12910];
	_ =	sdelay $0x4  }
0x4e3: {  	v1 =	vmul.f32 $8.000000000e+00, v1;
	_ =	sdelay $0x1  }
0x4e4: {  	[tilespmem:$0x1F110] =	vst v1  }
0x4e5: {  	(v2sf) =	vpush v0, $0x7;
	v1 =	vld [tilespmem:s7+$0x12920];
	_ =	sdelay $0x4  }
0x4e6: {  	v1 =	vmul.f32 $8.000000000e+00, v1;
	_ =	sdelay $0x1  }
0x4e7: {  	[tilespmem:$0x1F120] =	vst v1  }
0x4e8: {  	v1 =	vld [tilespmem:s7+$0x12930];
	_ =	sdelay $0x4  }
0x4e9: {  	v1 =	vmul.f32 $8.000000000e+00, v1;
	_ =	sdelay $0x1  }
0x4ea: {  	s28 =	spop (v2sf);
	[tilespmem:$0x1F130] =	vst v1  }
0x4eb: {  	v1 =	vld [tilespmem:s28+$0x12980];
	_ =	sdelay $0x4  }
0x4ec: {  	v1 =	vmul.f32 $8.000000000e+00, v1;
	_ =	sdelay $0x1  }
0x4ed: {  	[tilespmem:$0x1F180] =	vst v1  }
0x4ee: {  	v1 =	vld [tilespmem:s28+$0x12990];
	_ =	sdelay $0x4  }
0x4ef: {  	v1 =	vmul.f32 $8.000000000e+00, v1;
	_ =	sdelay $0x1  }
0x4f0: {  	[tilespmem:$0x1F190] =	vst v1  }
0x4f1: {  	(v2sf) =	vpush v0, $0x8;
	v1 =	vld [tilespmem:s28+$0x129A0];
	_ =	sdelay $0x4  }
0x4f2: {  	v1 =	vmul.f32 $8.000000000e+00, v1;
	_ =	sdelay $0x1  }
0x4f3: {  	[tilespmem:$0x1F1A0] =	vst v1  }
0x4f4: {  	v1 =	vld [tilespmem:s28+$0x129B0];
	_ =	sdelay $0x4  }
0x4f5: {  	v1 =	vmul.f32 $8.000000000e+00, v1;
	_ =	sdelay $0x1  }
0x4f6: {  	s29 =	spop (v2sf);
	[tilespmem:$0x1F1B0] =	vst v1  }
0x4f7: {  	v1 =	vld [tilespmem:s29+$0x12A00];
	_ =	sdelay $0x4  }
0x4f8: {  	v1 =	vmul.f32 $8.000000000e+00, v1;
	_ =	sdelay $0x1  }
0x4f9: {  	[tilespmem:$0x1F200] =	vst v1  }
0x4fa: {  	v1 =	vld [tilespmem:s29+$0x12A10];
	_ =	sdelay $0x4  }
0x4fb: {  	v1 =	vmul.f32 $8.000000000e+00, v1;
	_ =	sdelay $0x1  }
0x4fc: {  	[tilespmem:$0x1F210] =	vst v1  }
0x4fd: {  	(v2sf) =	vpush v0, $0x9;
	v1 =	vld [tilespmem:s29+$0x12A20];
	_ =	sdelay $0x4  }
0x4fe: {  	v1 =	vmul.f32 $8.000000000e+00, v1;
	_ =	sdelay $0x1  }
0x4ff: {  	[tilespmem:$0x1F220] =	vst v1  }
0x500: {  	v1 =	vld [tilespmem:s29+$0x12A30];
	_ =	sdelay $0x4  }
0x501: {  	v1 =	vmul.f32 $8.000000000e+00, v1;
	_ =	sdelay $0x1  }
0x502: {  	s30 =	spop (v2sf);
	[tilespmem:$0x1F230] =	vst v1  }
0x503: {  	v1 =	vld [tilespmem:s30+$0x12A80];
	_ =	sdelay $0x4  }
0x504: {  	v1 =	vmul.f32 $8.000000000e+00, v1;
	_ =	sdelay $0x1  }
0x505: {  	[tilespmem:$0x1F280] =	vst v1  }
0x506: {  	v1 =	vld [tilespmem:s30+$0x12A90];
	_ =	sdelay $0x4  }
0x507: {  	v1 =	vmul.f32 $8.000000000e+00, v1;
	_ =	sdelay $0x1  }
0x508: {  	[tilespmem:$0x1F290] =	vst v1  }
0x509: {  	(v2sf) =	vpush v0, $0xA;
	v1 =	vld [tilespmem:s30+$0x12AA0];
	_ =	sdelay $0x4  }
0x50a: {  	v1 =	vmul.f32 $8.000000000e+00, v1;
	_ =	sdelay $0x1  }
0x50b: {  	[tilespmem:$0x1F2A0] =	vst v1  }
0x50c: {  	v1 =	vld [tilespmem:s30+$0x12AB0];
	_ =	sdelay $0x4  }
0x50d: {  	v1 =	vmul.f32 $8.000000000e+00, v1;
	_ =	sdelay $0x1  }
0x50e: {  	s31 =	spop (v2sf);
	[tilespmem:$0x1F2B0] =	vst v1  }
0x50f: {  	v1 =	vld [tilespmem:s31+$0x12B00];
	_ =	sdelay $0x4  }
0x510: {  	v1 =	vmul.f32 $8.000000000e+00, v1;
	_ =	sdelay $0x1  }
0x511: {  	[tilespmem:$0x1F300] =	vst v1  }
0x512: {  	v1 =	vld [tilespmem:s31+$0x12B10];
	_ =	sdelay $0x4  }
0x513: {  	v1 =	vmul.f32 $8.000000000e+00, v1;
	_ =	sdelay $0x1  }
0x514: {  	[tilespmem:$0x1F310] =	vst v1  }
0x515: {  	(v2sf) =	vpush v0, $0xB;
	v1 =	vld [tilespmem:s31+$0x12B20];
	_ =	sdelay $0x4  }
0x516: {  	v1 =	vmul.f32 $8.000000000e+00, v1;
	_ =	sdelay $0x1  }
0x517: {  	[tilespmem:$0x1F320] =	vst v1  }
0x518: {  	v1 =	vld [tilespmem:s31+$0x12B30];
	_ =	sdelay $0x4  }
0x519: {  	v1 =	vmul.f32 $8.000000000e+00, v1;
	_ =	sdelay $0x1  }
0x51a: {  	s1 =	spop (v2sf);
	[tilespmem:$0x1F330] =	vst v1  }
0x51b: {  	v1 =	vld [tilespmem:s1+$0x12B80];
	_ =	sdelay $0x4  }
0x51c: {  	v1 =	vmul.f32 $8.000000000e+00, v1;
	_ =	sdelay $0x1  }
0x51d: {  	[tilespmem:$0x1F380] =	vst v1  }
0x51e: {  	v1 =	vld [tilespmem:s1+$0x12B90];
	_ =	sdelay $0x4  }
0x51f: {  	v1 =	vmul.f32 $8.000000000e+00, v1;
	_ =	sdelay $0x1  }
0x520: {  	[tilespmem:$0x1F390] =	vst v1  }
0x521: {  	(v2sf) =	vpush v0, $0xC;
	v1 =	vld [tilespmem:s1+$0x12BA0];
	_ =	sdelay $0x4  }
0x522: {  	v1 =	vmul.f32 $8.000000000e+00, v1;
	_ =	sdelay $0x1  }
0x523: {  	[tilespmem:$0x1F3A0] =	vst v1  }
0x524: {  	v1 =	vld [tilespmem:s1+$0x12BB0];
	_ =	sdelay $0x4  }
0x525: {  	v1 =	vmul.f32 $8.000000000e+00, v1;
	_ =	sdelay $0x1  }
0x526: {  	s7 =	spop (v2sf);
	[tilespmem:$0x1F3B0] =	vst v1  }
0x527: {  	v1 =	vld [tilespmem:s7+$0x12C00];
	_ =	sdelay $0x4  }
0x528: {  	v1 =	vmul.f32 $8.000000000e+00, v1;
	_ =	sdelay $0x1  }
0x529: {  	[tilespmem:$0x1F400] =	vst v1  }
0x52a: {  	v1 =	vld [tilespmem:s7+$0x12C10];
	_ =	sdelay $0x4  }
0x52b: {  	v1 =	vmul.f32 $8.000000000e+00, v1;
	_ =	sdelay $0x1  }
0x52c: {  	[tilespmem:$0x1F410] =	vst v1  }
0x52d: {  	(v2sf) =	vpush v0, $0xD;
	v1 =	vld [tilespmem:s7+$0x12C20];
	_ =	sdelay $0x4  }
0x52e: {  	v1 =	vmul.f32 $8.000000000e+00, v1;
	_ =	sdelay $0x1  }
0x52f: {  	[tilespmem:$0x1F420] =	vst v1  }
0x530: {  	v1 =	vld [tilespmem:s7+$0x12C30];
	_ =	sdelay $0x4  }
0x531: {  	v1 =	vmul.f32 $8.000000000e+00, v1;
	_ =	sdelay $0x1  }
0x532: {  	s28 =	spop (v2sf);
	[tilespmem:$0x1F430] =	vst v1  }
0x533: {  	v1 =	vld [tilespmem:s28+$0x12C80];
	_ =	sdelay $0x4  }
0x534: {  	v1 =	vmul.f32 $8.000000000e+00, v1;
	_ =	sdelay $0x1  }
0x535: {  	[tilespmem:$0x1F480] =	vst v1  }
0x536: {  	v1 =	vld [tilespmem:s28+$0x12C90];
	_ =	sdelay $0x4  }
0x537: {  	v1 =	vmul.f32 $8.000000000e+00, v1;
	_ =	sdelay $0x1  }
0x538: {  	[tilespmem:$0x1F490] =	vst v1  }
0x539: {  	(v2sf) =	vpush v0, $0xE;
	v1 =	vld [tilespmem:s28+$0x12CA0];
	_ =	sdelay $0x4  }
0x53a: {  	v1 =	vmul.f32 $8.000000000e+00, v1;
	_ =	sdelay $0x1  }
0x53b: {  	[tilespmem:$0x1F4A0] =	vst v1  }
0x53c: {  	v1 =	vld [tilespmem:s28+$0x12CB0];
	_ =	sdelay $0x4  }
0x53d: {  	v1 =	vmul.f32 $8.000000000e+00, v1;
	_ =	sdelay $0x1  }
0x53e: {  	s29 =	spop (v2sf);
	[tilespmem:$0x1F4B0] =	vst v1  }
0x53f: {  	v1 =	vld [tilespmem:s29+$0x12D00];
	_ =	sdelay $0x4  }
0x540: {  	v1 =	vmul.f32 $8.000000000e+00, v1;
	_ =	sdelay $0x1  }
0x541: {  	[tilespmem:$0x1F500] =	vst v1  }
0x542: {  	v1 =	vld [tilespmem:s29+$0x12D10];
	_ =	sdelay $0x4  }
0x543: {  	v1 =	vmul.f32 $8.000000000e+00, v1;
	_ =	sdelay $0x1  }
0x544: {  	[tilespmem:$0x1F510] =	vst v1  }
0x545: {  	(v2sf) =	vpush v0, $0xF;
	v1 =	vld [tilespmem:s29+$0x12D20];
	_ =	sdelay $0x4  }
0x546: {  	v63 =	vmul.f32 $8.000000000e+00, v1;
	_ =	sdelay $0x1  }
0x547: {  	[tilespmem:$0x1F520] =	vst v63  }
0x548: {  	v0 =	vld [tilespmem:s29+$0x12D30];
	_ =	sdelay $0x4  }
0x549: {  	v0 =	vmul.f32 $8.000000000e+00, v0;
	_ =	sdelay $0x1  }
0x54a: {  	s30 =	spop (v2sf);
	[tilespmem:$0x1F530] =	vst v0  }
0x54b: {  	v0 =	vld [tilespmem:s30+$0x12D80];
	_ =	sdelay $0x4  }
0x54c: {  	v0 =	vmul.f32 $8.000000000e+00, v0;
	_ =	sdelay $0x1  }
0x54d: {  	[tilespmem:$0x1F580] =	vst v0  }
0x54e: {  	v0 =	vld [tilespmem:s30+$0x12D90];
	_ =	sdelay $0x4  }
0x54f: {  	v0 =	vmul.f32 $8.000000000e+00, v0;
	_ =	sdelay $0x1  }
0x550: {  	[tilespmem:$0x1F590] =	vst v0  }
0x551: {  	v0 =	vld [tilespmem:s30+$0x12DA0];
	_ =	sdelay $0x4  }
0x552: {  	v0 =	vmul.f32 $8.000000000e+00, v0;
	_ =	sdelay $0x1  }
0x553: {  	[tilespmem:$0x1F5A0] =	vst v0  }
0x554: {  	v0 =	vld [tilespmem:s30+$0x12DB0];
	_ =	sdelay $0x1  }
0x555: {  	s25 =	sadd.s32 $0x1, s25  }
0x556: {  	p0 =	sne.s32 s25, $0x40  }
.Ltmp2:
0x557: {  	_ = 	snop;
	(pc) =	sbr.rel @p0 .LBB2_2-.Ltmp2, $3  }
0x558: {  	s31 =	smul.u32 $0xC80, s26;
	v0 =	vmul.f32 $8.000000000e+00, v0;
	_ =	sdelay $0x1  }
0x559: {  	s0 =	sadd.s32 s5, s31;
	[tilespmem:$0x1F5B0] =	vst v0  }
0x55a: {  	[hbm4b:s0+s2] =	stream.linear.scatter [tilespmem:s22], [sflag:$0x4], $0x6400, $0x38;
	[tilespmem:$0x1F600] =	vst v63  }
0x55b: {  	s24 =	sadd.s32 $0x1, s24  }
0x55c: {  	p0 =	sne.s32 s24, s9  }
.Ltmp3:
0x55d: {  	_ = 	snop;
	(pc) =	sbr.rel @p0 .LBB2_1-.Ltmp3, $4  }
0x55e: {  	_ = 	snop  }
0x55f: {  	_ =	swait.ge [sflag:s23], $0x6400  }
0x560: {  	[sflag:s23] =	ssyncset.done $0x0  }
0x561: {  	[sflag:s23] =	ssyncadd.s32 $0xFFFF9C00  }
0x562: {  	_ =	sfence.sel $0x180000  }
0x563: {  	[bflag:$0x0] =	sbarrier.arrive $0xFFFF  }
0x564: {  	_ =	strace $0x90000047  }
0x565: {  	s0 =	stileid.u32;
	[bflag:$0x2] =	sbarrier.arrive $0xFFFF  }
0x566: {  	p0 =	sne.s32 s0, $0x0;
	s0 =	rddreg [dreg:$0x2]  }
0x567: {  	s0 =	sadd.s32 @!p0 $0x100000, s0  }
0x568: {  	[sflag:s0] =	ssyncadd.tile.s32 @!p0 $0x1;
	_ =	shalt  }
.Lfunc_end2:
_tile_overlayer_lowered:
.L_overlay_start_2:
0x569: {  	(tag) =	ssettag $0x2  }
0x56a: {  	s0 =	rddreg [dreg:$0x0];
	s2 =	stileid.u32  }
0x56b: {  	s1 =	rddreg [dreg:$0x1];
	p0 =	sne.s32 s2, $0x0  }
0x56c: {  	s3 =	rddreg [dreg:$0x2];
	[bflag:$0x3] =	sbarrier.arrive $0xFFFF;
	s2 =	simm.s32 @!p0 $0x1C05  }
0x56d: {  	[timem:s3], [sflag:s2] =	dma.local @!p0 [hbm:s0], s1  }
0x56e: {  	s0 =	simm.s32 @!p0 $0x5  }
0x56f: {  	_ =	swait.ge @!p0 [sflag:s0], s1  }
0x570: {  	s1 =	ssub.s32 @!p0 $0x0, s1;
	[sflag:s0] =	ssyncset.done @!p0 $0x0  }
0x571: {  	[sflag:s0] =	ssyncadd.s32 @!p0 s1  }
0x572: {  	[bflag:$0x3] =	sbarrier.arrive $0xFFFF  }
0x573: {  	_ =	shalt  }

// kernel: sparse-core-data-format-call.cloned.1.call-start
scs
called_computation_lowered:
.L_overlay_start_0:
0x0: {  	s2 =	sld [smem:$0x3FD9]  }
0x1: {  	s3 =	sld [smem:$0x3FFE];
	_ =	sdelay $0x1  }
0x2: {  	s1 =	srdreg.scid  }
0x3: {  	s0 =	sand.u32 $0x1, s1  }
0x4: {  	s18 =	sshll.u32 s0, $0xA;
	s2 =	sadd.s32 s3, s2  }
0x5: {  	s2 =	sadd.s32 s2, s18  }
0x6: {  	[smem:$0x3FC6] =	sst s2  }
0x7: {  	_ = 	snop  }
0x8: {  	s2 =	sld [smem:$0x3FD0];
	(tm) =	ssettm $0x1  }
0x9: {  	s19 =	sld [smem:$0x3FFB];
	_ =	sdelay $0x3  }
0xa: {  	_ =	strace s19  }
0xb: {  	s3 =	sld [smem:$0x3FFC];
	_ =	sdelay $0x3  }
0xc: {  	_ =	strace s3  }
0xd: {  	s3 =	sld [smem:$0x3FFD];
	_ =	sdelay $0x3  }
0xe: {  	_ =	strace s3  }
0xf: {  	_ =	strace $0x8FFFFFFF  }
0x10: {  	s20 =	sld [smem:$0x3FDB];
	_ =	sdelay $0x1  }
0x11: {  	s4 =	simm.s32 $_scs_section_size  }
0x12: {  	s5 =	simm.s32 $_size__tile_overlayer_lowered;
	s6 =	simm.s32 $_tile_overlayer_lowered  }
0x13: {  	s23 =	simm.s32 $0x1BFF;
	s22 =	sshll.u32 s6, $0x1;
	s3 =	sadd.s32 s4, s20  }
0x14: {  	s7 =	simm.s32 $0x0;
	s21 =	sshll.u32 s5, $0x1;
	s5 =	sadd.s32 s22, s3  }
0x15: {  	[timem:s7], [sflag:s23] =	dma.local [hbm:s5], s21  }
0x16: {  	_ =	swait.ge [sflag:s23], s21  }
0x17: {  	s4 =	ssub.s32 $0x0, s21;
	[sflag:s23] =	ssyncset.done $0x0  }
0x18: {  	[sflag:s23] =	ssyncadd.s32 s4;
	_ =	sdelay $0x1  }
0x19: {  	s24 =	simm.s32 $0x1B8B  }
0x1a: {  	_ =	swait.ge [sflag:s24], $0x1  }
0x1b: {  	[sflag:s24] =	ssyncset.done $0x0  }
0x1c: {  	s26 =	simm.s32 $0x1B8E;
	s25 =	sld [smem:$0x3FFE];
	[sflag:s24] =	ssyncadd.s32 $0xFFFFFFFF  }
0x1d: {  	s27 =	simm.s32 $execute0_lowered;
	[smem:$0x3FD2] =	sst s26  }
0x1e: {  	s5 =	sshll.u32 s27, $0x1;
	_ =	strace $0x80000049;
	[dreg:$0x1] =	wrdreg $0xFFFFFFFF  }
0x1f: {  	s28 =	simm.s32 $_size_execute0_lowered;
	s3 =	sadd.s32 s3, s5;
	[dreg:$0x0] =	wrdreg $0x0  }
0x20: {  	s5 =	sshll.u32 s28, $0x1;
	[dreg:$0x2] =	wrdreg s3  }
0x21: {  	[dreg:$0x3] =	wrdreg s5  }
0x22: {  	[dreg:$0x4] =	wrdreg $0xC0  }
0x23: {  	_ =	task [dreg:s7], $0x5FFFF  }
0x24: {  	[dreg:$0x1] =	wrdreg $0xFFFFFFFF  }
0x25: {  	[dreg:$0x0] =	wrdreg $0x60  }
0x26: {  	[dreg:$0x2] =	wrdreg s25  }
0x27: {  	[dreg:$0x3] =	wrdreg s2  }
0x28: {  	[dreg:$0x4] =	wrdreg $0x9  }
0x29: {  	_ =	task.clear_ibuf [dreg:s7], $0x5FFFF;
	_ =	strace $0x90000049  }
0x2a: {  	s29 =	simm.s32 $0x9;
	_ =	strace $0x8000004B  }
0x2b: {  	_ =	swait.ge [sflag:s29], $0x1  }
0x2c: {  	[sflag:s29] =	ssyncadd.s32 $0xFFFFFFFF  }
0x2d: {  	_ =	strace $0x9000004B  }
0x2e: {  	_ =	sfence  }
0x2f: {  	s30 =	sld [smem:$0x0];
	_ =	sdelay $0x2  }
0x30: {  	s31 =	sshll.u32 s1, $0xD;
	s1 =	sshrl.u32 s1, $0x2  }
0x31: {  	s3 =	sand.u32 $0x4000, s31;
	s1 =	sadd.s32 s1, s30  }
0x32: {  	s0 =	sor.u32 s3, s0;
	s1 =	sshll.u32 s1, $0x11  }
0x33: {  	s0 =	sor.u32 s1, s0  }
0x34: {  	s0 =	sadd.s32 $0x8F2B, s0  }
0x35: {  	[sflag:s0] =	ssyncadd.remote.s32 $0x1  }
0x36: {  	_ =	sfence.sel $0xFFFF  }
0x37: {  	[dreg:$0x0] =	wrdreg $0xFFFFFFFF;
	(pc) =	sbr.abs _section_cstart, $3  }
0x38: {  	[dreg:$0x1] =	wrdreg $0xFFFFFFFF  }
0x39: {  	_ =	task.clear_ibuf [dreg:s7], $0x2FFFF;
	_ =	strace $0x9FFFFFFF  }
0x3a: {  	(tm) =	ssettm $0x7FFFFFFF  }
0x3b: {  	_ =	shalt  }
tec
execute0_lowered:
.L_overlay_start_1:
0x0: {  	(tag) =	ssettag $0x1  }
0x1: {  	s0 =	srdreg.scid  }
0x2: {  	s1 =	sshll.u32 s0, $0x4  }
0x3: {  	s0 =	stileid.u32;
	s1 =	sand.u32 $0x10, s1  }
0x4: {  	s1 =	sor.u32 s0, s1  }
0x5: {  	s6 =	rddreg [dreg:$0x0];
	s4 =	simm.s32 $0x1;
	s2 =	sshll.u32 s1, $0x7  }
0x6: {  	s7 =	simm.s32 $0x2;
	s12 =	simm.s32 $0x0;
	s1 =	ssub.s32 $0x1000, s2  }
0x7: {  	s8 =	simm.s32 $0x8000;
	s13 =	simm.s32 $0x0;
	s3 =	sand.u32 $0xF80, s1  }
0x8: {  	s9 =	simm.s32 $0x0;
	s5 =	sshrl.u32 s1, $0xC;
	p0 =	sne.s32 s3, $0x0  }
.Ltmp0:
0x9: {  	s1 =	rddreg [dreg:$0x2];
	s4 =	simm.s32 @!p0 $0x0;
	(pc) =	sbr.rel .LBB1_1-.Ltmp0, $4  }
0xa: {  	s11 =	simm.s32 $0x0;
	s3 =	rddreg [dreg:$0x1];
	s5 =	sadd.s32 s4, s5  }
0xb: {  	_ =	strace $0x8000004A;
	s4 =	simm.s32 $0x1;
	s5 =	smul.u32 $0xC8, s5  }
0xc: {  	s6 =	sadd.s32 $0x19A00, s6;
	s10 =	smov.u32 s2;
	[sflag:s4] =	ssyncpa.u1 $0x0  }
0xd: {  	p0 =	por $0x0, $0x0;
	[sflag:s7] =	ssyncpa.u1 $0x0;
	s7 =	sor.u32 $0x1, s5  }
.LBB1_4:
0xe: {  	s16 =	sshll.u32 s13, $0x3;
	s17 =	sand.u32 $0x78, s13  }
0xf: {  	s30 =	sand.u32 $0x7E00, s13;
	s12 =	sshll.u32 s12, $0xF;
	s16 =	sand.u32 $0xC00, s16  }
0x10: {  	[tilespmem:s15+$0x810 ss:$0x81] =	vst.msk $0xffff, v2;
	s31 =	sand.u32 $0x7, s13;
	s16 =	sor.u32 s17, s16;
	s17 =	sadd.s32 s3, s30  }
0x11: {  	[tilespmem:s15+$0x1020 ss:$0x81] =	vst.msk $0xffff, v0;
	s13 =	sshll.u32 s31, $0x12;
	s12 =	sadd.s32 s12, s17;
	s16 =	sshrl.u32 s16, $0x3  }
0x12: {  	[tilespmem:s15+$0x0 ss:$0x81] =	vst.msk $0xffff, v1;
	s13 =	sor.u32 $0x400, s13;
	s12 =	sadd.s32 s16, s12  }
0x13: {  	[hbm4b:s12+s13] =	stream.strided.scatter [tilespmem:s14], [sflag:$0x2], $0x2000, s8, s13, $0x20;
	[tilespmem:$0x8080] =	vst v63  }
.LBB1_5:
0x14: {  	s14 =	sadd.s32 $0x1, s9  }
0x15: {  	s12 =	sadd.s32 $0x1000, s10;
	s16 =	smov.u32 s10;
	p2 =	sgt.s32 s14, $0xC7  }
0x16: {  	s16 =	smov.u32 @p2 s12  }
0x17: {  	s14 =	simm.s32 @p2 $0x0;
	p2 =	sgt.s32 s16, $0xFFF  }
0x18: {  	s16 =	smov.u32 @p2 s2;
	p2 =	sne.s32 s11, s7  }
.Ltmp1:
0x19: {  	p1 =	slt.u32 s11, $0x2;
	(pc) =	sbr.rel @!p2 .LBB1_6-.Ltmp1, $4  }
0x1a: {  	s15 =	simm.s32 @!p1 $0x2  }
0x1b: {  	s13 =	smov.u32 s10;
	p0 =	por !p0, !p0;
	_ =	swait.ge @!p1 [sflag:s15], $0x2000  }
0x1c: {  	s12 =	smov.u32 s9;
	[sflag:s15] =	ssyncset.done @!p1 $0x0;
	s9 =	smov.u32 s14  }
0x1d: {  	s11 =	sadd.s32 $0x1, s11;
	[sflag:s15] =	ssyncadd.s32 @!p1 $0xFFFFE000;
	s10 =	smov.u32 s16  }
.LBB1_1:
0x1e: {  	p1 =	sge.u32 s11, s5  }
0x1f: {  	s14 =	sand.u32 @!p1 $0x1FFFFFF, s9  }
0x20: {  	s15 =	smulhi.u32 @!p1 $0x147AE15, s14;
	_ =	sdelay $0x1  }
0x21: {  	s15 =	smul.u32 @!p1 $0xC8, s15  }
0x22: {  	s16 =	sxor.u32 @!p1 $0xFFFFFFFF, s11;
	s17 =	smul.u32 @!p1 $0xC80, s10  }
0x23: {  	s31 =	sadd.s32 $0xFFFFFFFF, s11;
	s16 =	sshll.u32 @!p1 s16, $0xD;
	s14 =	ssub.s32 @!p1 s14, s15  }
0x24: {  	s15 =	sand.u32 @!p1 $0x2000, s16;
	s16 =	sadd.s32 @!p1 s6, s17;
	s14 =	sshll.u32 @!p1 s14, $0x4  }
0x25: {  	s17 =	simm.s32 @!p1 $0x6400;
	s14 =	sadd.s32 @!p1 s14, s16;
	s16 =	simm.s32 @!p1 $0x40  }
0x26: {  	[tilespmem:s15], [sflag:$0x1] =	stream.strided.gather @!p1 [hbm4b:s14+s16], $0x2000, s17, s16, $0x38;
	[tilespmem:$0x8080] =	vst v63  }
0x27: {  	p1 =	sge.u32 s31, s5  }
.Ltmp2:
0x28: {  	_ = 	snop;
	(pc) =	sbr.rel @p1 .LBB1_5-.Ltmp2, $1  }
0x29: {  	_ =	sdelay $0x3  }
0x2a: {  	s14 =	simm.s32 $0x1  }
0x2b: {  	_ =	swait.ge [sflag:s4], $0x2000;
	s14 =	simm.s32 @!p0 $0x0  }
0x2c: {  	[sflag:s4] =	ssyncset.done $0x0;
	s15 =	sshll.u32 s14, $0xD  }
0x2d: {  	[sflag:s4] =	ssyncadd.s32 $0xFFFFE000;
	s18 =	sor.u32 $0x20, s15  }
0x2e: {  	s14 =	smul.u32 $0x8100, s14;
	v3 =	vld [tilespmem:s18+$0x10]  }
0x2f: {  	s30 =	sand.u32 $0x1, s11;
	v2 =	vld [tilespmem:s18+$0xFFFFFFF0]  }
0x30: {  	s15 =	smul.u32 $0x8100, s30;
	s14 =	sshrl.u32 s14, $0x2;
	v0 =	vld [tilespmem:s18+$0x0]  }
0x31: {  	v1 =	vld [tilespmem:s18+$0xFFFFFFE0];
	s16 =	sor.u32 $0x4000, s14  }
0x32: {  	s31 =	sshrl.u32 s15, $0x2;
	s15 =	sadd.s32 $0x0, s16  }
0x33: {  	s17 =	simm.s32 $0x4;
	s18 =	sadd.s32 $0x40, s18;
	s14 =	sor.u32 $0x4000, s31;
	[tilespmem:s15+$0x1830 ss:$0x81] =	vst.msk $0xffff, v3  }
.LBB1_3:
0x34: {  	v3 =	vld [tilespmem:s18+$0x10];
	p1 =	sne.s32 s17, $0x1FC;
	[tilespmem:s15+$0x810 ss:$0x81] =	vst.msk $0xffff, v2;
	s19 =	smov.u32 s17;
	s17 =	sadd.s32 $0x4, s17  }
.Ltmp3:
0x35: {  	v2 =	vld [tilespmem:s18+$0xFFFFFFF0];
	[tilespmem:s15+$0x1020 ss:$0x81] =	vst.msk $0xffff, v0;
	(pc) =	sbr.rel @p1 .LBB1_3-.Ltmp3, $4  }
0x36: {  	v0 =	vld [tilespmem:s18+$0x0];
	[tilespmem:s15+$0x0 ss:$0x81] =	vst.msk $0xffff, v1  }
0x37: {  	s15 =	sshra.s32 s19, $0x2;
	v1 =	vld [tilespmem:s18+$0xFFFFFFE0]  }
0x38: {  	s15 =	sadd.s32 s15, s16  }
0x39: {  	s18 =	sadd.s32 $0x40, s18;
	[tilespmem:s15+$0x1830 ss:$0x81] =	vst.msk $0xffff, v3  }
.Ltmp4:
0x3a: {  	_ = 	snop;
	(pc) =	sbr.rel .LBB1_4-.Ltmp4, $1  }
0x3b: {  	_ =	sdelay $0x3  }
.LBB1_6:
0x3c: {  	_ =	sfence.sel $0x180000  }
0x3d: {  	s2 =	simm.s32 $0x1;
	[bflag:$0x0] =	sbarrier.arrive $0xFFFF  }
0x3e: {  	s31 =	simm.s32 $0x2;
	[sflag:s2] =	ssyncpa.u1 $0x1  }
0x3f: {  	[sflag:s31] =	ssyncpa.u1 $0x1  }
0x40: {  	p0 =	sne.s32 s0, $0x0;
	_ =	strace $0x9000004A  }
0x41: {  	s0 =	sadd.s32 @!p0 $0x100000, s1;
	[bflag:$0x2] =	sbarrier.arrive $0xFFFF  }
0x42: {  	[sflag:s0] =	ssyncadd.tile.s32 @!p0 $0x1;
	_ =	shalt  }
.Lfunc_end1:
_tile_overlayer_lowered:
.L_overlay_start_2:
0x43: {  	(tag) =	ssettag $0x2  }
0x44: {  	s0 =	rddreg [dreg:$0x0];
	s2 =	stileid.u32  }
0x45: {  	s1 =	rddreg [dreg:$0x1];
	p0 =	sne.s32 s2, $0x0  }
0x46: {  	s3 =	rddreg [dreg:$0x2];
	[bflag:$0x3] =	sbarrier.arrive $0xFFFF;
	s2 =	simm.s32 @!p0 $0x1C01  }
0x47: {  	[timem:s3], [sflag:s2] =	dma.local @!p0 [hbm:s0], s1  }
0x48: {  	s0 =	simm.s32 @!p0 $0x1  }
0x49: {  	_ =	swait.ge @!p0 [sflag:s0], s1  }
0x4a: {  	s1 =	ssub.s32 @!p0 $0x0, s1;
	[sflag:s0] =	ssyncset.done @!p0 $0x0  }
0x4b: {  	[sflag:s0] =	ssyncadd.s32 @!p0 s1  }
0x4c: {  	[bflag:$0x3] =	sbarrier.arrive $0xFFFF  }
0x4d: {  	_ =	shalt  }

</sc_bundles>
